<compile_context>
chip_gen: v7x
topology: tpu7x:2x2x1
jax: 0.10.2.dev20260603
libtpu: 0.0.44.dev20260713+nightly
codegen_flags: <defaults>
</compile_context>

<pallas_src>
import functools

import jax
import jax.numpy as jnp
from jax import lax
from jax.experimental import pallas as pl
from jax.experimental.pallas import tpu as pltpu
from jax.experimental.pallas import tpu_sc as plsc

_IMAGE_TOKEN_ID = 32000
_IGNORE_IDX = -100
_PATCH = 14
_IMG = 336
_NPW = _IMG // _PATCH
_NP = _NPW * _NPW
_B = 8
_S = 1024
_D = 2048
_L = _S - 1 + _NP
_KP = 3 * _PATCH * _PATCH

_BM = 576


def _mm_body(x_ref, w_ref, b_ref, ts_ref, to_ref, io_ref,
             o_ref, tso_ref, too_ref, ioo_ref):
    o_ref[0] = (
        jnp.dot(x_ref[...], w_ref[...], preferred_element_type=jnp.float32)
        + b_ref[...]
    )

    @pl.when(pl.program_id(0) == 0)
    def _():
        tso_ref[...] = ts_ref[...]
        too_ref[...] = to_ref[...]
        ioo_ref[...] = io_ref[...]


def _vision_encode(images, W_vis, b_vis, tsrc, tout, iout):
    b = images.shape[0]
    x = images.reshape(b, 3, _NPW, _PATCH, _NPW, _PATCH)
    x = jnp.transpose(x, (0, 2, 4, 1, 3, 5)).reshape(b * _NP, _KP)
    w = W_vis.astype(jnp.float32)
    bb = b_vis.astype(jnp.float32).reshape(1, _D)
    m = b * _NP
    full = lambda s: pl.BlockSpec(s, lambda i: tuple(0 for _ in s))
    return pl.pallas_call(
        _mm_body,
        grid=(m // _BM,),
        in_specs=[
            pl.BlockSpec((_BM, _KP), lambda i: (i, 0)),
            pl.BlockSpec((_KP, _D), lambda i: (0, 0)),
            pl.BlockSpec((1, _D), lambda i: (0, 0)),
            full(tsrc.shape),
            full(tout.shape),
            full(iout.shape),
        ],
        out_specs=[
            pl.BlockSpec((1, _BM, _D), lambda i: (i, 0, 0)),
            full(tsrc.shape),
            full(tout.shape),
            full(iout.shape),
        ],
        out_shape=[
            jax.ShapeDtypeStruct((b, _NP, _D), jnp.float32),
            jax.ShapeDtypeStruct(tsrc.shape, jnp.int32),
            jax.ShapeDtypeStruct(tout.shape, jnp.int32),
            jax.ShapeDtypeStruct(iout.shape, jnp.int32),
        ],
    )(x, w, bb, tsrc, tout, iout)


_NW = 32
_CH = 16
_TROWS = _B * (_S - 1)
_TPAD = 8192
_TPW = _TPAD // _NW
_TNC = _TPW // _CH
_IROWS = _B * _NP
_IPW = _IROWS // _NW
_INC = _IPW // _CH
_NB = 3


def _make_splice():
    mesh = plsc.VectorSubcoreMesh(core_axis_name="c", subcore_axis_name="s")

    @functools.partial(
        pl.kernel,
        mesh=mesh,
        compiler_params=pltpu.CompilerParams(use_tc_tiling_on_sc=True),
        out_type=jax.ShapeDtypeStruct((_B * _L, _D), jnp.float32),
        scratch_types=[
            pltpu.VMEM((_TNC, _CH), jnp.int32),
            pltpu.VMEM((_TNC, _CH), jnp.int32),
            pltpu.VMEM((_INC, _CH), jnp.int32),
        ]
        + [pltpu.VMEM((_CH, _D), jnp.float32) for _ in range(_NB)]
        + [pltpu.SemaphoreType.DMA for _ in range(2 * _NB)],
    )
    def splice(tsrc_hbm, tout_hbm, iout_hbm, embed_hbm, imgf_hbm,
               out_hbm, tsrc_v, tout_v, iout_v, *bufs_and_sems):
        bufs = bufs_and_sems[:_NB]
        g_sems = bufs_and_sems[_NB:2 * _NB]
        s_sems = bufs_and_sems[2 * _NB:]
        wid = lax.axis_index("s") * 2 + lax.axis_index("c")
        pltpu.sync_copy(tsrc_hbm.at[wid], tsrc_v)
        pltpu.sync_copy(tout_hbm.at[wid], tout_v)
        pltpu.sync_copy(iout_hbm.at[wid], iout_v)

        njobs = _TNC + _INC

        def start_gather(c):
            b = c % _NB
            if c < _TNC:
                return pltpu.async_copy(embed_hbm.at[tsrc_v.at[c]],
                                        bufs[b], g_sems[b])
            off = wid * _IPW + (c - _TNC) * _CH
            return pltpu.async_copy(imgf_hbm.at[pl.ds(off, _CH)],
                                    bufs[b], g_sems[b])

        def start_scatter(c):
            b = c % _NB
            idx = tout_v.at[c] if c < _TNC else iout_v.at[c - _TNC]
            return pltpu.async_copy(bufs[b], out_hbm.at[idx], s_sems[b])

        gd = {0: start_gather(0)}
        sd = {}
        for c in range(njobs):
            gd.pop(c).wait()
            sd[c] = start_scatter(c)
            if c + 1 < njobs:
                if c + 1 >= _NB:
                    sd.pop(c + 1 - _NB).wait()
                gd[c + 1] = start_gather(c + 1)
        for c in range(njobs - _NB, njobs):
            if c in sd:
                sd.pop(c).wait()

    return splice


def kernel(input_ids, images, position_ids, attention_mask, labels,
           embed_table, W_vis, b_vis):
    ii = input_ids.astype(jnp.int32)
    img_pos = jnp.argmax(ii == _IMAGE_TOKEN_ID, axis=1).astype(jnp.int32)

    k = jnp.arange(_S - 1, dtype=jnp.int32)[None, :]
    before = k < img_pos[:, None]
    tsrc = jnp.where(before, ii[:, :_S - 1], ii[:, 1:]).reshape(-1)
    rowbase = (jnp.arange(_B, dtype=jnp.int32) * _L)[:, None]
    tout = (rowbase + k + jnp.where(before, 0, _NP)).reshape(-1)
    pad = _TPAD - _TROWS
    tsrc = jnp.concatenate([tsrc, jnp.broadcast_to(tsrc[-1:], (pad,))])
    tout = jnp.concatenate([tout, jnp.broadcast_to(tout[-1:], (pad,))])
    tsrc = tsrc.reshape(_NW, _TNC, _CH)
    tout = tout.reshape(_NW, _TNC, _CH)

    p = jnp.arange(_NP, dtype=jnp.int32)[None, :]
    iout = (rowbase + img_pos[:, None] + p).reshape(_NW, _INC, _CH)

    image_features, tsrc, tout, iout = _vision_encode(
        images, W_vis, b_vis, tsrc, tout, iout)
    imgf_flat = image_features.reshape(_B * _NP, _D)

    out = _make_splice()(tsrc, tout, iout, embed_table.astype(jnp.float32),
                         imgf_flat)
    final_embeds = out.reshape(_B, _L, _D)

    j = jnp.arange(_L, dtype=jnp.int32)[None, :]
    i = img_pos[:, None]
    is_img = (j >= i) & (j < i + _NP)
    ids_a = jnp.pad(input_ids, ((0, 0), (0, _L - _S)))
    ids_b = jnp.pad(input_ids, ((0, 0), (_L - _S, 0)))
    lab_a = jnp.pad(labels, ((0, 0), (0, _L - _S)))
    lab_b = jnp.pad(labels, ((0, 0), (_L - _S, 0)))
    final_ids = jnp.where(
        j < i, ids_a,
        jnp.where(is_img, jnp.asarray(_IMAGE_TOKEN_ID, input_ids.dtype), ids_b))
    final_labels = jnp.where(
        j < i, lab_a,
        jnp.where(is_img, jnp.asarray(_IGNORE_IDX, labels.dtype), lab_b))
    final_mask = jnp.ones((_B, _L), dtype=bool)
    final_pos = jnp.tile(jnp.arange(_L, dtype=position_ids.dtype)[None, :], (_B, 1))
    return (final_ids, final_pos, final_mask, final_embeds, final_labels,
            image_features)

# --- scband reference (transcript-rebuilt; emitter-appended) ---
"""Pipeline reference for scband-multimodal-processor-17420387352821 (READ-ONLY COPY).

The authoritative reference and input builder live on the scoring server;
editing this copy changes nothing except your own understanding.
"""

import jax, jax.numpy as jnp
import numpy as np

IMAGE_TOKEN_ID = 32000
IGNORE_IDX = -100
PATCH = 14
IMG = 336
B, S, D, V = 8, 1024, 2048, 32064
N_PATCH = (IMG // PATCH) ** 2  # 576


def setup_inputs(seed: int = 0) -> dict:
    key = jax.random.key(seed)
    k1, k2, k3, k4, k5 = jax.random.split(key, 5)
    input_ids = jax.random.randint(k1, (B, S), 0, 32000)
    # place exactly one image token per sample at varying positions
    pos = (np.arange(B) * 97 + 1) % (S // 2)
    input_ids = input_ids.at[jnp.arange(B), jnp.asarray(pos)].set(IMAGE_TOKEN_ID)
    images = jax.random.normal(k2, (B, 3, IMG, IMG), dtype=jnp.float32)
    labels = jax.random.randint(k3, (B, S), 0, 32000)
    position_ids = jnp.tile(jnp.arange(S)[None, :], (B, 1))
    attention_mask = jnp.ones((B, S), dtype=bool)
    # learned params: token embedding table + linear patch-projector vision encoder
    embed_table = jax.random.normal(k4, (V, D), dtype=jnp.float32) * 0.02
    W_vis = jax.random.normal(k5, (3 * PATCH * PATCH, D), dtype=jnp.float32) * 0.02
    b_vis = jnp.zeros((D,), dtype=jnp.float32)
    return {"input_ids": input_ids, "images": images, "position_ids": position_ids,
            "attention_mask": attention_mask, "labels": labels,
            "embed_table": embed_table, "W_vis": W_vis, "b_vis": b_vis}


def _encode_images(images, W_vis, b_vis):
    b = images.shape[0]
    nh = IMG // PATCH
    x = images.reshape(b, 3, nh, PATCH, nh, PATCH)
    x = jnp.transpose(x, (0, 2, 4, 1, 3, 5)).reshape(b, nh * nh, 3 * PATCH * PATCH)
    return x @ W_vis + b_vis[None, None, :]


def reference(input_ids, images, position_ids, attention_mask, labels, embed_table, W_vis, b_vis):
    image_features = _encode_images(images, W_vis, b_vis)  # [B, N_PATCH, D]
    text_emb = jnp.take(embed_table, input_ids, axis=0)  # [B, S, D] embedding gather
    # exactly one image token per row by construction of setup_inputs, so every
    # spliced row has static length S - 1 + N_PATCH and max_len equals it
    max_len = S - 1 + N_PATCH
    img_pos = jnp.argmax(input_ids == IMAGE_TOKEN_ID, axis=1)  # [B]
    j = jnp.arange(max_len)[None, :]  # [1, L]
    i = img_pos[:, None]  # [B, 1]
    is_img = (j >= i) & (j < i + N_PATCH)  # [B, L]
    text_idx = jnp.clip(jnp.where(j < i, j, j - (N_PATCH - 1)), 0, S - 1)
    patch_idx = jnp.clip(j - i, 0, N_PATCH - 1)
    ids_text = jnp.take_along_axis(input_ids, text_idx, axis=1)
    lab_text = jnp.take_along_axis(labels, text_idx, axis=1)
    emb_text = jnp.take_along_axis(text_emb, text_idx[:, :, None], axis=1)
    emb_img = jnp.take_along_axis(image_features, patch_idx[:, :, None], axis=1)
    final_ids = jnp.where(is_img, jnp.asarray(IMAGE_TOKEN_ID, dtype=input_ids.dtype), ids_text)
    final_labels = jnp.where(is_img, jnp.asarray(IGNORE_IDX, dtype=labels.dtype), lab_text)
    final_embeds = jnp.where(is_img[:, :, None], emb_img, emb_text)
    final_mask = jnp.ones((B, max_len), dtype=bool)
    final_pos = jnp.tile(jnp.arange(max_len, dtype=position_ids.dtype)[None, :], (B, 1))
    # (input_ids, position_ids, attention_mask, inputs_embeds, labels, image_features);
    # past_key_values is None in the torch module and omitted here.
    return (final_ids, final_pos, final_mask, final_embeds, final_labels, image_features)

if __name__ == "__main__":
    import jax
    _d = setup_inputs()
    print(jax.jit(kernel)(*tuple(_d.values())))

</pallas_src>

<mosaic_0001>
#map = affine_map<(d0, d1) -> (0, 0, 0)>
#map1 = affine_map<(d0, d1) -> (0, 0)>
module attributes {stable_mosaic.version = 14 : i64} {
  func.func @splice(%arg0: i32, %arg1: i32, %arg2: memref<32x16x16xi32, #tpu.memory_space<hbm>>, %arg3: memref<32x16x16xi32, #tpu.memory_space<hbm>>, %arg4: memref<32x9x16xi32, #tpu.memory_space<hbm>>, %arg5: memref<32064x2048xf32, #tpu.memory_space<hbm>>, %arg6: memref<4608x2048xf32, #tpu.memory_space<hbm>>, %arg7: memref<12792x2048xf32, #tpu.memory_space<hbm>>, %arg8: memref<16x16xi32, #tpu.memory_space<vmem>>, %arg9: memref<16x16xi32, #tpu.memory_space<vmem>>, %arg10: memref<9x16xi32, #tpu.memory_space<vmem>>, %arg11: memref<16x2048xf32, #tpu.memory_space<vmem>>, %arg12: memref<16x2048xf32, #tpu.memory_space<vmem>>, %arg13: memref<16x2048xf32, #tpu.memory_space<vmem>>, %arg14: memref<!tpu.dma_semaphore, #tpu.memory_space<semaphore_mem>>, %arg15: memref<!tpu.dma_semaphore, #tpu.memory_space<semaphore_mem>>, %arg16: memref<!tpu.dma_semaphore, #tpu.memory_space<semaphore_mem>>, %arg17: memref<!tpu.dma_semaphore, #tpu.memory_space<semaphore_mem>>, %arg18: memref<!tpu.dma_semaphore, #tpu.memory_space<semaphore_mem>>, %arg19: memref<!tpu.dma_semaphore, #tpu.memory_space<semaphore_mem>>) attributes {dimension_semantics = [#tpu.dimension_semantics<core_parallel>, #tpu.dimension_semantics<subcore_parallel>], iteration_bounds = array<i64: 2, 16>, scalar_prefetch = 0 : i64, scratch_operands = 12 : i64, tpu.core_type = #tpu.core_type<sc_vector_subcore>, window_params = [{transform_indices = #map}, {transform_indices = #map}, {transform_indices = #map}, {transform_indices = #map1}, {transform_indices = #map1}, {transform_indices = #map1}]} {
    %mul3A = arith.constant 2 : i32
    %mul3A_0 = arith.muli %arg1, %mul3A : i32
    %add3A = arith.addi %mul3A_0, %arg0 : i32
    "tpu.region"() ({
      %run_scoped3A = tpu.sem_alloc : memref<!tpu.dma_semaphore, #tpu.memory_space<semaphore_mem>>
      %dma_start3A_681 = arith.constant 0 : i32
      %dma_start3A_682 = arith.constant 0 : i32
      %dma_start3A_683 = tpu.memref_slice %arg2[%add3A, %dma_start3A_681, %dma_start3A_682] : memref<32x16x16xi32, #tpu.memory_space<hbm>> -> memref<1x16x16xi32, #tpu.memory_space<hbm>>
      %dma_start3A_684 = tpu.memref_squeeze %dma_start3A_683 : memref<1x16x16xi32, #tpu.memory_space<hbm>> -> memref<16x16xi32, #tpu.memory_space<hbm>>
      %dma_start3A_685 = arith.constant 0 : i32
      %dma_start3A_686 = arith.constant 0 : i32
      %dma_start3A_687 = tpu.memref_slice %arg2[%add3A, %dma_start3A_685, %dma_start3A_686] : memref<32x16x16xi32, #tpu.memory_space<hbm>> -> memref<1x16x16xi32, #tpu.memory_space<hbm>>
      %dma_start3A_688 = tpu.memref_squeeze %dma_start3A_687 : memref<1x16x16xi32, #tpu.memory_space<hbm>> -> memref<16x16xi32, #tpu.memory_space<hbm>>
      tpu.enqueue_dma source(%dma_start3A_688 : memref<16x16xi32, #tpu.memory_space<hbm>>) target(%arg8 : memref<16x16xi32, #tpu.memory_space<vmem>>) target_semaphore(%run_scoped3A : memref<!tpu.dma_semaphore, #tpu.memory_space<semaphore_mem>>)
      %dma_wait3A_689 = arith.constant 0 : i32
      %dma_wait3A_690 = arith.constant 0 : i32
      %dma_wait3A_691 = tpu.memref_slice %arg2[%add3A, %dma_wait3A_689, %dma_wait3A_690] : memref<32x16x16xi32, #tpu.memory_space<hbm>> -> memref<1x16x16xi32, #tpu.memory_space<hbm>>
      %dma_wait3A_692 = tpu.memref_squeeze %dma_wait3A_691 : memref<1x16x16xi32, #tpu.memory_space<hbm>> -> memref<16x16xi32, #tpu.memory_space<hbm>>
      %dma_wait3A_693 = arith.constant 0 : i32
      %dma_wait3A_694 = arith.constant 0 : i32
      %dma_wait3A_695 = tpu.memref_slice %arg2[%add3A, %dma_wait3A_693, %dma_wait3A_694] : memref<32x16x16xi32, #tpu.memory_space<hbm>> -> memref<1x16x16xi32, #tpu.memory_space<hbm>>
      %dma_wait3A_696 = tpu.memref_squeeze %dma_wait3A_695 : memref<1x16x16xi32, #tpu.memory_space<hbm>> -> memref<16x16xi32, #tpu.memory_space<hbm>>
      tpu.wait_dma2 semaphore(%run_scoped3A : memref<!tpu.dma_semaphore, #tpu.memory_space<semaphore_mem>>) src(%dma_wait3A_696 : memref<16x16xi32, #tpu.memory_space<hbm>>) dst(%arg8 : memref<16x16xi32, #tpu.memory_space<vmem>>)
      tpu.yield
    }) : () -> ()
    "tpu.region"() ({
      %run_scoped3A = tpu.sem_alloc : memref<!tpu.dma_semaphore, #tpu.memory_space<semaphore_mem>>
      %dma_start3A_681 = arith.constant 0 : i32
      %dma_start3A_682 = arith.constant 0 : i32
      %dma_start3A_683 = tpu.memref_slice %arg3[%add3A, %dma_start3A_681, %dma_start3A_682] : memref<32x16x16xi32, #tpu.memory_space<hbm>> -> memref<1x16x16xi32, #tpu.memory_space<hbm>>
      %dma_start3A_684 = tpu.memref_squeeze %dma_start3A_683 : memref<1x16x16xi32, #tpu.memory_space<hbm>> -> memref<16x16xi32, #tpu.memory_space<hbm>>
      %dma_start3A_685 = arith.constant 0 : i32
      %dma_start3A_686 = arith.constant 0 : i32
      %dma_start3A_687 = tpu.memref_slice %arg3[%add3A, %dma_start3A_685, %dma_start3A_686] : memref<32x16x16xi32, #tpu.memory_space<hbm>> -> memref<1x16x16xi32, #tpu.memory_space<hbm>>
      %dma_start3A_688 = tpu.memref_squeeze %dma_start3A_687 : memref<1x16x16xi32, #tpu.memory_space<hbm>> -> memref<16x16xi32, #tpu.memory_space<hbm>>
      tpu.enqueue_dma source(%dma_start3A_688 : memref<16x16xi32, #tpu.memory_space<hbm>>) target(%arg9 : memref<16x16xi32, #tpu.memory_space<vmem>>) target_semaphore(%run_scoped3A : memref<!tpu.dma_semaphore, #tpu.memory_space<semaphore_mem>>)
      %dma_wait3A_689 = arith.constant 0 : i32
      %dma_wait3A_690 = arith.constant 0 : i32
      %dma_wait3A_691 = tpu.memref_slice %arg3[%add3A, %dma_wait3A_689, %dma_wait3A_690] : memref<32x16x16xi32, #tpu.memory_space<hbm>> -> memref<1x16x16xi32, #tpu.memory_space<hbm>>
      %dma_wait3A_692 = tpu.memref_squeeze %dma_wait3A_691 : memref<1x16x16xi32, #tpu.memory_space<hbm>> -> memref<16x16xi32, #tpu.memory_space<hbm>>
      %dma_wait3A_693 = arith.constant 0 : i32
      %dma_wait3A_694 = arith.constant 0 : i32
      %dma_wait3A_695 = tpu.memref_slice %arg3[%add3A, %dma_wait3A_693, %dma_wait3A_694] : memref<32x16x16xi32, #tpu.memory_space<hbm>> -> memref<1x16x16xi32, #tpu.memory_space<hbm>>
      %dma_wait3A_696 = tpu.memref_squeeze %dma_wait3A_695 : memref<1x16x16xi32, #tpu.memory_space<hbm>> -> memref<16x16xi32, #tpu.memory_space<hbm>>
      tpu.wait_dma2 semaphore(%run_scoped3A : memref<!tpu.dma_semaphore, #tpu.memory_space<semaphore_mem>>) src(%dma_wait3A_696 : memref<16x16xi32, #tpu.memory_space<hbm>>) dst(%arg9 : memref<16x16xi32, #tpu.memory_space<vmem>>)
      tpu.yield
    }) : () -> ()
    "tpu.region"() ({
      %run_scoped3A = tpu.sem_alloc : memref<!tpu.dma_semaphore, #tpu.memory_space<semaphore_mem>>
      %dma_start3A_681 = arith.constant 0 : i32
      %dma_start3A_682 = arith.constant 0 : i32
      %dma_start3A_683 = tpu.memref_slice %arg4[%add3A, %dma_start3A_681, %dma_start3A_682] : memref<32x9x16xi32, #tpu.memory_space<hbm>> -> memref<1x9x16xi32, #tpu.memory_space<hbm>>
      %dma_start3A_684 = tpu.memref_squeeze %dma_start3A_683 : memref<1x9x16xi32, #tpu.memory_space<hbm>> -> memref<9x16xi32, #tpu.memory_space<hbm>>
      %dma_start3A_685 = arith.constant 0 : i32
      %dma_start3A_686 = arith.constant 0 : i32
      %dma_start3A_687 = tpu.memref_slice %arg4[%add3A, %dma_start3A_685, %dma_start3A_686] : memref<32x9x16xi32, #tpu.memory_space<hbm>> -> memref<1x9x16xi32, #tpu.memory_space<hbm>>
      %dma_start3A_688 = tpu.memref_squeeze %dma_start3A_687 : memref<1x9x16xi32, #tpu.memory_space<hbm>> -> memref<9x16xi32, #tpu.memory_space<hbm>>
      tpu.enqueue_dma source(%dma_start3A_688 : memref<9x16xi32, #tpu.memory_space<hbm>>) target(%arg10 : memref<9x16xi32, #tpu.memory_space<vmem>>) target_semaphore(%run_scoped3A : memref<!tpu.dma_semaphore, #tpu.memory_space<semaphore_mem>>)
      %dma_wait3A_689 = arith.constant 0 : i32
      %dma_wait3A_690 = arith.constant 0 : i32
      %dma_wait3A_691 = tpu.memref_slice %arg4[%add3A, %dma_wait3A_689, %dma_wait3A_690] : memref<32x9x16xi32, #tpu.memory_space<hbm>> -> memref<1x9x16xi32, #tpu.memory_space<hbm>>
      %dma_wait3A_692 = tpu.memref_squeeze %dma_wait3A_691 : memref<1x9x16xi32, #tpu.memory_space<hbm>> -> memref<9x16xi32, #tpu.memory_space<hbm>>
      %dma_wait3A_693 = arith.constant 0 : i32
      %dma_wait3A_694 = arith.constant 0 : i32
      %dma_wait3A_695 = tpu.memref_slice %arg4[%add3A, %dma_wait3A_693, %dma_wait3A_694] : memref<32x9x16xi32, #tpu.memory_space<hbm>> -> memref<1x9x16xi32, #tpu.memory_space<hbm>>
      %dma_wait3A_696 = tpu.memref_squeeze %dma_wait3A_695 : memref<1x9x16xi32, #tpu.memory_space<hbm>> -> memref<9x16xi32, #tpu.memory_space<hbm>>
      tpu.wait_dma2 semaphore(%run_scoped3A : memref<!tpu.dma_semaphore, #tpu.memory_space<semaphore_mem>>) src(%dma_wait3A_696 : memref<9x16xi32, #tpu.memory_space<hbm>>) dst(%arg10 : memref<9x16xi32, #tpu.memory_space<vmem>>)
      tpu.yield
    }) : () -> ()
    %dma_start3A = arith.constant 0 : i32
    %dma_start3A_1 = arith.constant 0 : i32
    %dma_start3A_2 = tpu.memref_slice %arg8[%dma_start3A, %dma_start3A_1] : memref<16x16xi32, #tpu.memory_space<vmem>> -> memref<1x16xi32, #tpu.memory_space<vmem>>
    %dma_start3A_3 = tpu.memref_squeeze %dma_start3A_2 : memref<1x16xi32, #tpu.memory_space<vmem>> -> memref<16xi32, #tpu.memory_space<vmem>>
    %dma_start3A_4 = arith.constant 0 : i32
    %dma_start3A_5 = arith.constant 0 : i32
    %dma_start3A_6 = tpu.memref_slice %arg5[%dma_start3A_4, %dma_start3A_5] : memref<32064x2048xf32, #tpu.memory_space<hbm>> -> memref<32064x2048xf32, #tpu.memory_space<hbm>>
    tpu.enqueue_indirect_dma source(%dma_start3A_6 : memref<32064x2048xf32, #tpu.memory_space<hbm>>) target(%arg11 : memref<16x2048xf32, #tpu.memory_space<vmem>>) offsets(%dma_start3A_3 : memref<16xi32, #tpu.memory_space<vmem>>) semaphore(%arg14 : memref<!tpu.dma_semaphore, #tpu.memory_space<semaphore_mem>>)
    %dma_wait3A = arith.constant 0 : i32
    %dma_wait3A_7 = arith.constant 0 : i32
    %dma_wait3A_8 = tpu.memref_slice %arg8[%dma_wait3A, %dma_wait3A_7] : memref<16x16xi32, #tpu.memory_space<vmem>> -> memref<1x16xi32, #tpu.memory_space<vmem>>
    %dma_wait3A_9 = tpu.memref_squeeze %dma_wait3A_8 : memref<1x16xi32, #tpu.memory_space<vmem>> -> memref<16xi32, #tpu.memory_space<vmem>>
    %dma_wait3A_10 = arith.constant 0 : i32
    %dma_wait3A_11 = arith.constant 0 : i32
    %dma_wait3A_12 = tpu.memref_slice %arg5[%dma_wait3A_10, %dma_wait3A_11] : memref<32064x2048xf32, #tpu.memory_space<hbm>> -> memref<32064x2048xf32, #tpu.memory_space<hbm>>
    tpu.wait_indirect_dma semaphore(%arg14 : memref<!tpu.dma_semaphore, #tpu.memory_space<semaphore_mem>>) src(%dma_wait3A_12 : memref<32064x2048xf32, #tpu.memory_space<hbm>>) dst(%arg11 : memref<16x2048xf32, #tpu.memory_space<vmem>>)
    %dma_start3A_13 = arith.constant 0 : i32
    %dma_start3A_14 = arith.constant 0 : i32
    %dma_start3A_15 = tpu.memref_slice %arg9[%dma_start3A_13, %dma_start3A_14] : memref<16x16xi32, #tpu.memory_space<vmem>> -> memref<1x16xi32, #tpu.memory_space<vmem>>
    %dma_start3A_16 = tpu.memref_squeeze %dma_start3A_15 : memref<1x16xi32, #tpu.memory_space<vmem>> -> memref<16xi32, #tpu.memory_space<vmem>>
    %dma_start3A_17 = arith.constant 0 : i32
    %dma_start3A_18 = arith.constant 0 : i32
    %dma_start3A_19 = tpu.memref_slice %arg7[%dma_start3A_17, %dma_start3A_18] : memref<12792x2048xf32, #tpu.memory_space<hbm>> -> memref<12792x2048xf32, #tpu.memory_space<hbm>>
    tpu.enqueue_indirect_dma source(%arg11 : memref<16x2048xf32, #tpu.memory_space<vmem>>) target(%dma_start3A_19 : memref<12792x2048xf32, #tpu.memory_space<hbm>>) offsets(%dma_start3A_16 : memref<16xi32, #tpu.memory_space<vmem>>) semaphore(%arg17 : memref<!tpu.dma_semaphore, #tpu.memory_space<semaphore_mem>>)
    %dma_start3A_20 = arith.constant 1 : i32
    %dma_start3A_21 = arith.constant 0 : i32
    %dma_start3A_22 = tpu.memref_slice %arg8[%dma_start3A_20, %dma_start3A_21] : memref<16x16xi32, #tpu.memory_space<vmem>> -> memref<1x16xi32, #tpu.memory_space<vmem>>
    %dma_start3A_23 = tpu.memref_squeeze %dma_start3A_22 : memref<1x16xi32, #tpu.memory_space<vmem>> -> memref<16xi32, #tpu.memory_space<vmem>>
    %dma_start3A_24 = arith.constant 0 : i32
    %dma_start3A_25 = arith.constant 0 : i32
    %dma_start3A_26 = tpu.memref_slice %arg5[%dma_start3A_24, %dma_start3A_25] : memref<32064x2048xf32, #tpu.memory_space<hbm>> -> memref<32064x2048xf32, #tpu.memory_space<hbm>>
    tpu.enqueue_indirect_dma source(%dma_start3A_26 : memref<32064x2048xf32, #tpu.memory_space<hbm>>) target(%arg12 : memref<16x2048xf32, #tpu.memory_space<vmem>>) offsets(%dma_start3A_23 : memref<16xi32, #tpu.memory_space<vmem>>) semaphore(%arg15 : memref<!tpu.dma_semaphore, #tpu.memory_space<semaphore_mem>>)
    %dma_wait3A_27 = arith.constant 1 : i32
    %dma_wait3A_28 = arith.constant 0 : i32
    %dma_wait3A_29 = tpu.memref_slice %arg8[%dma_wait3A_27, %dma_wait3A_28] : memref<16x16xi32, #tpu.memory_space<vmem>> -> memref<1x16xi32, #tpu.memory_space<vmem>>
    %dma_wait3A_30 = tpu.memref_squeeze %dma_wait3A_29 : memref<1x16xi32, #tpu.memory_space<vmem>> -> memref<16xi32, #tpu.memory_space<vmem>>
    %dma_wait3A_31 = arith.constant 0 : i32
    %dma_wait3A_32 = arith.constant 0 : i32
    %dma_wait3A_33 = tpu.memref_slice %arg5[%dma_wait3A_31, %dma_wait3A_32] : memref<32064x2048xf32, #tpu.memory_space<hbm>> -> memref<32064x2048xf32, #tpu.memory_space<hbm>>
    tpu.wait_indirect_dma semaphore(%arg15 : memref<!tpu.dma_semaphore, #tpu.memory_space<semaphore_mem>>) src(%dma_wait3A_33 : memref<32064x2048xf32, #tpu.memory_space<hbm>>) dst(%arg12 : memref<16x2048xf32, #tpu.memory_space<vmem>>)
    %dma_start3A_34 = arith.constant 1 : i32
    %dma_start3A_35 = arith.constant 0 : i32
    %dma_start3A_36 = tpu.memref_slice %arg9[%dma_start3A_34, %dma_start3A_35] : memref<16x16xi32, #tpu.memory_space<vmem>> -> memref<1x16xi32, #tpu.memory_space<vmem>>
    %dma_start3A_37 = tpu.memref_squeeze %dma_start3A_36 : memref<1x16xi32, #tpu.memory_space<vmem>> -> memref<16xi32, #tpu.memory_space<vmem>>
    %dma_start3A_38 = arith.constant 0 : i32
    %dma_start3A_39 = arith.constant 0 : i32
    %dma_start3A_40 = tpu.memref_slice %arg7[%dma_start3A_38, %dma_start3A_39] : memref<12792x2048xf32, #tpu.memory_space<hbm>> -> memref<12792x2048xf32, #tpu.memory_space<hbm>>
    tpu.enqueue_indirect_dma source(%arg12 : memref<16x2048xf32, #tpu.memory_space<vmem>>) target(%dma_start3A_40 : memref<12792x2048xf32, #tpu.memory_space<hbm>>) offsets(%dma_start3A_37 : memref<16xi32, #tpu.memory_space<vmem>>) semaphore(%arg18 : memref<!tpu.dma_semaphore, #tpu.memory_space<semaphore_mem>>)
    %dma_start3A_41 = arith.constant 2 : i32
    %dma_start3A_42 = arith.constant 0 : i32
    %dma_start3A_43 = tpu.memref_slice %arg8[%dma_start3A_41, %dma_start3A_42] : memref<16x16xi32, #tpu.memory_space<vmem>> -> memref<1x16xi32, #tpu.memory_space<vmem>>
    %dma_start3A_44 = tpu.memref_squeeze %dma_start3A_43 : memref<1x16xi32, #tpu.memory_space<vmem>> -> memref<16xi32, #tpu.memory_space<vmem>>
    %dma_start3A_45 = arith.constant 0 : i32
    %dma_start3A_46 = arith.constant 0 : i32
    %dma_start3A_47 = tpu.memref_slice %arg5[%dma_start3A_45, %dma_start3A_46] : memref<32064x2048xf32, #tpu.memory_space<hbm>> -> memref<32064x2048xf32, #tpu.memory_space<hbm>>
    tpu.enqueue_indirect_dma source(%dma_start3A_47 : memref<32064x2048xf32, #tpu.memory_space<hbm>>) target(%arg13 : memref<16x2048xf32, #tpu.memory_space<vmem>>) offsets(%dma_start3A_44 : memref<16xi32, #tpu.memory_space<vmem>>) semaphore(%arg16 : memref<!tpu.dma_semaphore, #tpu.memory_space<semaphore_mem>>)
    %dma_wait3A_48 = arith.constant 2 : i32
    %dma_wait3A_49 = arith.constant 0 : i32
    %dma_wait3A_50 = tpu.memref_slice %arg8[%dma_wait3A_48, %dma_wait3A_49] : memref<16x16xi32, #tpu.memory_space<vmem>> -> memref<1x16xi32, #tpu.memory_space<vmem>>
    %dma_wait3A_51 = tpu.memref_squeeze %dma_wait3A_50 : memref<1x16xi32, #tpu.memory_space<vmem>> -> memref<16xi32, #tpu.memory_space<vmem>>
    %dma_wait3A_52 = arith.constant 0 : i32
    %dma_wait3A_53 = arith.constant 0 : i32
    %dma_wait3A_54 = tpu.memref_slice %arg5[%dma_wait3A_52, %dma_wait3A_53] : memref<32064x2048xf32, #tpu.memory_space<hbm>> -> memref<32064x2048xf32, #tpu.memory_space<hbm>>
    tpu.wait_indirect_dma semaphore(%arg16 : memref<!tpu.dma_semaphore, #tpu.memory_space<semaphore_mem>>) src(%dma_wait3A_54 : memref<32064x2048xf32, #tpu.memory_space<hbm>>) dst(%arg13 : memref<16x2048xf32, #tpu.memory_space<vmem>>)
    %dma_start3A_55 = arith.constant 2 : i32
    %dma_start3A_56 = arith.constant 0 : i32
    %dma_start3A_57 = tpu.memref_slice %arg9[%dma_start3A_55, %dma_start3A_56] : memref<16x16xi32, #tpu.memory_space<vmem>> -> memref<1x16xi32, #tpu.memory_space<vmem>>
    %dma_start3A_58 = tpu.memref_squeeze %dma_start3A_57 : memref<1x16xi32, #tpu.memory_space<vmem>> -> memref<16xi32, #tpu.memory_space<vmem>>
    %dma_start3A_59 = arith.constant 0 : i32
    %dma_start3A_60 = arith.constant 0 : i32
    %dma_start3A_61 = tpu.memref_slice %arg7[%dma_start3A_59, %dma_start3A_60] : memref<12792x2048xf32, #tpu.memory_space<hbm>> -> memref<12792x2048xf32, #tpu.memory_space<hbm>>
    tpu.enqueue_indirect_dma source(%arg13 : memref<16x2048xf32, #tpu.memory_space<vmem>>) target(%dma_start3A_61 : memref<12792x2048xf32, #tpu.memory_space<hbm>>) offsets(%dma_start3A_58 : memref<16xi32, #tpu.memory_space<vmem>>) semaphore(%arg19 : memref<!tpu.dma_semaphore, #tpu.memory_space<semaphore_mem>>)
    %dma_wait3A_62 = arith.constant 0 : i32
    %dma_wait3A_63 = arith.constant 0 : i32
    %dma_wait3A_64 = tpu.memref_slice %arg9[%dma_wait3A_62, %dma_wait3A_63] : memref<16x16xi32, #tpu.memory_space<vmem>> -> memref<1x16xi32, #tpu.memory_space<vmem>>
    %dma_wait3A_65 = tpu.memref_squeeze %dma_wait3A_64 : memref<1x16xi32, #tpu.memory_space<vmem>> -> memref<16xi32, #tpu.memory_space<vmem>>
    %dma_wait3A_66 = arith.constant 0 : i32
    %dma_wait3A_67 = arith.constant 0 : i32
    %dma_wait3A_68 = tpu.memref_slice %arg7[%dma_wait3A_66, %dma_wait3A_67] : memref<12792x2048xf32, #tpu.memory_space<hbm>> -> memref<12792x2048xf32, #tpu.memory_space<hbm>>
    tpu.wait_indirect_dma semaphore(%arg17 : memref<!tpu.dma_semaphore, #tpu.memory_space<semaphore_mem>>) src(%arg11 : memref<16x2048xf32, #tpu.memory_space<vmem>>) dst(%dma_wait3A_68 : memref<12792x2048xf32, #tpu.memory_space<hbm>>)
    %dma_start3A_69 = arith.constant 3 : i32
    %dma_start3A_70 = arith.constant 0 : i32
    %dma_start3A_71 = tpu.memref_slice %arg8[%dma_start3A_69, %dma_start3A_70] : memref<16x16xi32, #tpu.memory_space<vmem>> -> memref<1x16xi32, #tpu.memory_space<vmem>>
    %dma_start3A_72 = tpu.memref_squeeze %dma_start3A_71 : memref<1x16xi32, #tpu.memory_space<vmem>> -> memref<16xi32, #tpu.memory_space<vmem>>
    %dma_start3A_73 = arith.constant 0 : i32
    %dma_start3A_74 = arith.constant 0 : i32
    %dma_start3A_75 = tpu.memref_slice %arg5[%dma_start3A_73, %dma_start3A_74] : memref<32064x2048xf32, #tpu.memory_space<hbm>> -> memref<32064x2048xf32, #tpu.memory_space<hbm>>
    tpu.enqueue_indirect_dma source(%dma_start3A_75 : memref<32064x2048xf32, #tpu.memory_space<hbm>>) target(%arg11 : memref<16x2048xf32, #tpu.memory_space<vmem>>) offsets(%dma_start3A_72 : memref<16xi32, #tpu.memory_space<vmem>>) semaphore(%arg14 : memref<!tpu.dma_semaphore, #tpu.memory_space<semaphore_mem>>)
    %dma_wait3A_76 = arith.constant 3 : i32
    %dma_wait3A_77 = arith.constant 0 : i32
    %dma_wait3A_78 = tpu.memref_slice %arg8[%dma_wait3A_76, %dma_wait3A_77] : memref<16x16xi32, #tpu.memory_space<vmem>> -> memref<1x16xi32, #tpu.memory_space<vmem>>
    %dma_wait3A_79 = tpu.memref_squeeze %dma_wait3A_78 : memref<1x16xi32, #tpu.memory_space<vmem>> -> memref<16xi32, #tpu.memory_space<vmem>>
    %dma_wait3A_80 = arith.constant 0 : i32
    %dma_wait3A_81 = arith.constant 0 : i32
    %dma_wait3A_82 = tpu.memref_slice %arg5[%dma_wait3A_80, %dma_wait3A_81] : memref<32064x2048xf32, #tpu.memory_space<hbm>> -> memref<32064x2048xf32, #tpu.memory_space<hbm>>
    tpu.wait_indirect_dma semaphore(%arg14 : memref<!tpu.dma_semaphore, #tpu.memory_space<semaphore_mem>>) src(%dma_wait3A_82 : memref<32064x2048xf32, #tpu.memory_space<hbm>>) dst(%arg11 : memref<16x2048xf32, #tpu.memory_space<vmem>>)
    %dma_start3A_83 = arith.constant 3 : i32
    %dma_start3A_84 = arith.constant 0 : i32
    %dma_start3A_85 = tpu.memref_slice %arg9[%dma_start3A_83, %dma_start3A_84] : memref<16x16xi32, #tpu.memory_space<vmem>> -> memref<1x16xi32, #tpu.memory_space<vmem>>
    %dma_start3A_86 = tpu.memref_squeeze %dma_start3A_85 : memref<1x16xi32, #tpu.memory_space<vmem>> -> memref<16xi32, #tpu.memory_space<vmem>>
    %dma_start3A_87 = arith.constant 0 : i32
    %dma_start3A_88 = arith.constant 0 : i32
    %dma_start3A_89 = tpu.memref_slice %arg7[%dma_start3A_87, %dma_start3A_88] : memref<12792x2048xf32, #tpu.memory_space<hbm>> -> memref<12792x2048xf32, #tpu.memory_space<hbm>>
    tpu.enqueue_indirect_dma source(%arg11 : memref<16x2048xf32, #tpu.memory_space<vmem>>) target(%dma_start3A_89 : memref<12792x2048xf32, #tpu.memory_space<hbm>>) offsets(%dma_start3A_86 : memref<16xi32, #tpu.memory_space<vmem>>) semaphore(%arg17 : memref<!tpu.dma_semaphore, #tpu.memory_space<semaphore_mem>>)
    %dma_wait3A_90 = arith.constant 1 : i32
    %dma_wait3A_91 = arith.constant 0 : i32
    %dma_wait3A_92 = tpu.memref_slice %arg9[%dma_wait3A_90, %dma_wait3A_91] : memref<16x16xi32, #tpu.memory_space<vmem>> -> memref<1x16xi32, #tpu.memory_space<vmem>>
    %dma_wait3A_93 = tpu.memref_squeeze %dma_wait3A_92 : memref<1x16xi32, #tpu.memory_space<vmem>> -> memref<16xi32, #tpu.memory_space<vmem>>
    %dma_wait3A_94 = arith.constant 0 : i32
    %dma_wait3A_95 = arith.constant 0 : i32
    %dma_wait3A_96 = tpu.memref_slice %arg7[%dma_wait3A_94, %dma_wait3A_95] : memref<12792x2048xf32, #tpu.memory_space<hbm>> -> memref<12792x2048xf32, #tpu.memory_space<hbm>>
    tpu.wait_indirect_dma semaphore(%arg18 : memref<!tpu.dma_semaphore, #tpu.memory_space<semaphore_mem>>) src(%arg12 : memref<16x2048xf32, #tpu.memory_space<vmem>>) dst(%dma_wait3A_96 : memref<12792x2048xf32, #tpu.memory_space<hbm>>)
    %dma_start3A_97 = arith.constant 4 : i32
    %dma_start3A_98 = arith.constant 0 : i32
    %dma_start3A_99 = tpu.memref_slice %arg8[%dma_start3A_97, %dma_start3A_98] : memref<16x16xi32, #tpu.memory_space<vmem>> -> memref<1x16xi32, #tpu.memory_space<vmem>>
    %dma_start3A_100 = tpu.memref_squeeze %dma_start3A_99 : memref<1x16xi32, #tpu.memory_space<vmem>> -> memref<16xi32, #tpu.memory_space<vmem>>
    %dma_start3A_101 = arith.constant 0 : i32
    %dma_start3A_102 = arith.constant 0 : i32
    %dma_start3A_103 = tpu.memref_slice %arg5[%dma_start3A_101, %dma_start3A_102] : memref<32064x2048xf32, #tpu.memory_space<hbm>> -> memref<32064x2048xf32, #tpu.memory_space<hbm>>
    tpu.enqueue_indirect_dma source(%dma_start3A_103 : memref<32064x2048xf32, #tpu.memory_space<hbm>>) target(%arg12 : memref<16x2048xf32, #tpu.memory_space<vmem>>) offsets(%dma_start3A_100 : memref<16xi32, #tpu.memory_space<vmem>>) semaphore(%arg15 : memref<!tpu.dma_semaphore, #tpu.memory_space<semaphore_mem>>)
    %dma_wait3A_104 = arith.constant 4 : i32
    %dma_wait3A_105 = arith.constant 0 : i32
    %dma_wait3A_106 = tpu.memref_slice %arg8[%dma_wait3A_104, %dma_wait3A_105] : memref<16x16xi32, #tpu.memory_space<vmem>> -> memref<1x16xi32, #tpu.memory_space<vmem>>
    %dma_wait3A_107 = tpu.memref_squeeze %dma_wait3A_106 : memref<1x16xi32, #tpu.memory_space<vmem>> -> memref<16xi32, #tpu.memory_space<vmem>>
    %dma_wait3A_108 = arith.constant 0 : i32
    %dma_wait3A_109 = arith.constant 0 : i32
    %dma_wait3A_110 = tpu.memref_slice %arg5[%dma_wait3A_108, %dma_wait3A_109] : memref<32064x2048xf32, #tpu.memory_space<hbm>> -> memref<32064x2048xf32, #tpu.memory_space<hbm>>
    tpu.wait_indirect_dma semaphore(%arg15 : memref<!tpu.dma_semaphore, #tpu.memory_space<semaphore_mem>>) src(%dma_wait3A_110 : memref<32064x2048xf32, #tpu.memory_space<hbm>>) dst(%arg12 : memref<16x2048xf32, #tpu.memory_space<vmem>>)
    %dma_start3A_111 = arith.constant 4 : i32
    %dma_start3A_112 = arith.constant 0 : i32
    %dma_start3A_113 = tpu.memref_slice %arg9[%dma_start3A_111, %dma_start3A_112] : memref<16x16xi32, #tpu.memory_space<vmem>> -> memref<1x16xi32, #tpu.memory_space<vmem>>
    %dma_start3A_114 = tpu.memref_squeeze %dma_start3A_113 : memref<1x16xi32, #tpu.memory_space<vmem>> -> memref<16xi32, #tpu.memory_space<vmem>>
    %dma_start3A_115 = arith.constant 0 : i32
    %dma_start3A_116 = arith.constant 0 : i32
    %dma_start3A_117 = tpu.memref_slice %arg7[%dma_start3A_115, %dma_start3A_116] : memref<12792x2048xf32, #tpu.memory_space<hbm>> -> memref<12792x2048xf32, #tpu.memory_space<hbm>>
    tpu.enqueue_indirect_dma source(%arg12 : memref<16x2048xf32, #tpu.memory_space<vmem>>) target(%dma_start3A_117 : memref<12792x2048xf32, #tpu.memory_space<hbm>>) offsets(%dma_start3A_114 : memref<16xi32, #tpu.memory_space<vmem>>) semaphore(%arg18 : memref<!tpu.dma_semaphore, #tpu.memory_space<semaphore_mem>>)
    %dma_wait3A_118 = arith.constant 2 : i32
    %dma_wait3A_119 = arith.constant 0 : i32
    %dma_wait3A_120 = tpu.memref_slice %arg9[%dma_wait3A_118, %dma_wait3A_119] : memref<16x16xi32, #tpu.memory_space<vmem>> -> memref<1x16xi32, #tpu.memory_space<vmem>>
    %dma_wait3A_121 = tpu.memref_squeeze %dma_wait3A_120 : memref<1x16xi32, #tpu.memory_space<vmem>> -> memref<16xi32, #tpu.memory_space<vmem>>
    %dma_wait3A_122 = arith.constant 0 : i32
    %dma_wait3A_123 = arith.constant 0 : i32
    %dma_wait3A_124 = tpu.memref_slice %arg7[%dma_wait3A_122, %dma_wait3A_123] : memref<12792x2048xf32, #tpu.memory_space<hbm>> -> memref<12792x2048xf32, #tpu.memory_space<hbm>>
    tpu.wait_indirect_dma semaphore(%arg19 : memref<!tpu.dma_semaphore, #tpu.memory_space<semaphore_mem>>) src(%arg13 : memref<16x2048xf32, #tpu.memory_space<vmem>>) dst(%dma_wait3A_124 : memref<12792x2048xf32, #tpu.memory_space<hbm>>)
    %dma_start3A_125 = arith.constant 5 : i32
    %dma_start3A_126 = arith.constant 0 : i32
    %dma_start3A_127 = tpu.memref_slice %arg8[%dma_start3A_125, %dma_start3A_126] : memref<16x16xi32, #tpu.memory_space<vmem>> -> memref<1x16xi32, #tpu.memory_space<vmem>>
    %dma_start3A_128 = tpu.memref_squeeze %dma_start3A_127 : memref<1x16xi32, #tpu.memory_space<vmem>> -> memref<16xi32, #tpu.memory_space<vmem>>
    %dma_start3A_129 = arith.constant 0 : i32
    %dma_start3A_130 = arith.constant 0 : i32
    %dma_start3A_131 = tpu.memref_slice %arg5[%dma_start3A_129, %dma_start3A_130] : memref<32064x2048xf32, #tpu.memory_space<hbm>> -> memref<32064x2048xf32, #tpu.memory_space<hbm>>
    tpu.enqueue_indirect_dma source(%dma_start3A_131 : memref<32064x2048xf32, #tpu.memory_space<hbm>>) target(%arg13 : memref<16x2048xf32, #tpu.memory_space<vmem>>) offsets(%dma_start3A_128 : memref<16xi32, #tpu.memory_space<vmem>>) semaphore(%arg16 : memref<!tpu.dma_semaphore, #tpu.memory_space<semaphore_mem>>)
    %dma_wait3A_132 = arith.constant 5 : i32
    %dma_wait3A_133 = arith.constant 0 : i32
    %dma_wait3A_134 = tpu.memref_slice %arg8[%dma_wait3A_132, %dma_wait3A_133] : memref<16x16xi32, #tpu.memory_space<vmem>> -> memref<1x16xi32, #tpu.memory_space<vmem>>
    %dma_wait3A_135 = tpu.memref_squeeze %dma_wait3A_134 : memref<1x16xi32, #tpu.memory_space<vmem>> -> memref<16xi32, #tpu.memory_space<vmem>>
    %dma_wait3A_136 = arith.constant 0 : i32
    %dma_wait3A_137 = arith.constant 0 : i32
    %dma_wait3A_138 = tpu.memref_slice %arg5[%dma_wait3A_136, %dma_wait3A_137] : memref<32064x2048xf32, #tpu.memory_space<hbm>> -> memref<32064x2048xf32, #tpu.memory_space<hbm>>
    tpu.wait_indirect_dma semaphore(%arg16 : memref<!tpu.dma_semaphore, #tpu.memory_space<semaphore_mem>>) src(%dma_wait3A_138 : memref<32064x2048xf32, #tpu.memory_space<hbm>>) dst(%arg13 : memref<16x2048xf32, #tpu.memory_space<vmem>>)
    %dma_start3A_139 = arith.constant 5 : i32
    %dma_start3A_140 = arith.constant 0 : i32
    %dma_start3A_141 = tpu.memref_slice %arg9[%dma_start3A_139, %dma_start3A_140] : memref<16x16xi32, #tpu.memory_space<vmem>> -> memref<1x16xi32, #tpu.memory_space<vmem>>
    %dma_start3A_142 = tpu.memref_squeeze %dma_start3A_141 : memref<1x16xi32, #tpu.memory_space<vmem>> -> memref<16xi32, #tpu.memory_space<vmem>>
    %dma_start3A_143 = arith.constant 0 : i32
    %dma_start3A_144 = arith.constant 0 : i32
    %dma_start3A_145 = tpu.memref_slice %arg7[%dma_start3A_143, %dma_start3A_144] : memref<12792x2048xf32, #tpu.memory_space<hbm>> -> memref<12792x2048xf32, #tpu.memory_space<hbm>>
    tpu.enqueue_indirect_dma source(%arg13 : memref<16x2048xf32, #tpu.memory_space<vmem>>) target(%dma_start3A_145 : memref<12792x2048xf32, #tpu.memory_space<hbm>>) offsets(%dma_start3A_142 : memref<16xi32, #tpu.memory_space<vmem>>) semaphore(%arg19 : memref<!tpu.dma_semaphore, #tpu.memory_space<semaphore_mem>>)
    %dma_wait3A_146 = arith.constant 3 : i32
    %dma_wait3A_147 = arith.constant 0 : i32
    %dma_wait3A_148 = tpu.memref_slice %arg9[%dma_wait3A_146, %dma_wait3A_147] : memref<16x16xi32, #tpu.memory_space<vmem>> -> memref<1x16xi32, #tpu.memory_space<vmem>>
    %dma_wait3A_149 = tpu.memref_squeeze %dma_wait3A_148 : memref<1x16xi32, #tpu.memory_space<vmem>> -> memref<16xi32, #tpu.memory_space<vmem>>
    %dma_wait3A_150 = arith.constant 0 : i32
    %dma_wait3A_151 = arith.constant 0 : i32
    %dma_wait3A_152 = tpu.memref_slice %arg7[%dma_wait3A_150, %dma_wait3A_151] : memref<12792x2048xf32, #tpu.memory_space<hbm>> -> memref<12792x2048xf32, #tpu.memory_space<hbm>>
    tpu.wait_indirect_dma semaphore(%arg17 : memref<!tpu.dma_semaphore, #tpu.memory_space<semaphore_mem>>) src(%arg11 : memref<16x2048xf32, #tpu.memory_space<vmem>>) dst(%dma_wait3A_152 : memref<12792x2048xf32, #tpu.memory_space<hbm>>)
    %dma_start3A_153 = arith.constant 6 : i32
    %dma_start3A_154 = arith.constant 0 : i32
    %dma_start3A_155 = tpu.memref_slice %arg8[%dma_start3A_153, %dma_start3A_154] : memref<16x16xi32, #tpu.memory_space<vmem>> -> memref<1x16xi32, #tpu.memory_space<vmem>>
    %dma_start3A_156 = tpu.memref_squeeze %dma_start3A_155 : memref<1x16xi32, #tpu.memory_space<vmem>> -> memref<16xi32, #tpu.memory_space<vmem>>
    %dma_start3A_157 = arith.constant 0 : i32
    %dma_start3A_158 = arith.constant 0 : i32
    %dma_start3A_159 = tpu.memref_slice %arg5[%dma_start3A_157, %dma_start3A_158] : memref<32064x2048xf32, #tpu.memory_space<hbm>> -> memref<32064x2048xf32, #tpu.memory_space<hbm>>
    tpu.enqueue_indirect_dma source(%dma_start3A_159 : memref<32064x2048xf32, #tpu.memory_space<hbm>>) target(%arg11 : memref<16x2048xf32, #tpu.memory_space<vmem>>) offsets(%dma_start3A_156 : memref<16xi32, #tpu.memory_space<vmem>>) semaphore(%arg14 : memref<!tpu.dma_semaphore, #tpu.memory_space<semaphore_mem>>)
    %dma_wait3A_160 = arith.constant 6 : i32
    %dma_wait3A_161 = arith.constant 0 : i32
    %dma_wait3A_162 = tpu.memref_slice %arg8[%dma_wait3A_160, %dma_wait3A_161] : memref<16x16xi32, #tpu.memory_space<vmem>> -> memref<1x16xi32, #tpu.memory_space<vmem>>
    %dma_wait3A_163 = tpu.memref_squeeze %dma_wait3A_162 : memref<1x16xi32, #tpu.memory_space<vmem>> -> memref<16xi32, #tpu.memory_space<vmem>>
    %dma_wait3A_164 = arith.constant 0 : i32
    %dma_wait3A_165 = arith.constant 0 : i32
    %dma_wait3A_166 = tpu.memref_slice %arg5[%dma_wait3A_164, %dma_wait3A_165] : memref<32064x2048xf32, #tpu.memory_space<hbm>> -> memref<32064x2048xf32, #tpu.memory_space<hbm>>
    tpu.wait_indirect_dma semaphore(%arg14 : memref<!tpu.dma_semaphore, #tpu.memory_space<semaphore_mem>>) src(%dma_wait3A_166 : memref<32064x2048xf32, #tpu.memory_space<hbm>>) dst(%arg11 : memref<16x2048xf32, #tpu.memory_space<vmem>>)
    %dma_start3A_167 = arith.constant 6 : i32
    %dma_start3A_168 = arith.constant 0 : i32
    %dma_start3A_169 = tpu.memref_slice %arg9[%dma_start3A_167, %dma_start3A_168] : memref<16x16xi32, #tpu.memory_space<vmem>> -> memref<1x16xi32, #tpu.memory_space<vmem>>
    %dma_start3A_170 = tpu.memref_squeeze %dma_start3A_169 : memref<1x16xi32, #tpu.memory_space<vmem>> -> memref<16xi32, #tpu.memory_space<vmem>>
    %dma_start3A_171 = arith.constant 0 : i32
    %dma_start3A_172 = arith.constant 0 : i32
    %dma_start3A_173 = tpu.memref_slice %arg7[%dma_start3A_171, %dma_start3A_172] : memref<12792x2048xf32, #tpu.memory_space<hbm>> -> memref<12792x2048xf32, #tpu.memory_space<hbm>>
    tpu.enqueue_indirect_dma source(%arg11 : memref<16x2048xf32, #tpu.memory_space<vmem>>) target(%dma_start3A_173 : memref<12792x2048xf32, #tpu.memory_space<hbm>>) offsets(%dma_start3A_170 : memref<16xi32, #tpu.memory_space<vmem>>) semaphore(%arg17 : memref<!tpu.dma_semaphore, #tpu.memory_space<semaphore_mem>>)
    %dma_wait3A_174 = arith.constant 4 : i32
    %dma_wait3A_175 = arith.constant 0 : i32
    %dma_wait3A_176 = tpu.memref_slice %arg9[%dma_wait3A_174, %dma_wait3A_175] : memref<16x16xi32, #tpu.memory_space<vmem>> -> memref<1x16xi32, #tpu.memory_space<vmem>>
    %dma_wait3A_177 = tpu.memref_squeeze %dma_wait3A_176 : memref<1x16xi32, #tpu.memory_space<vmem>> -> memref<16xi32, #tpu.memory_space<vmem>>
    %dma_wait3A_178 = arith.constant 0 : i32
    %dma_wait3A_179 = arith.constant 0 : i32
    %dma_wait3A_180 = tpu.memref_slice %arg7[%dma_wait3A_178, %dma_wait3A_179] : memref<12792x2048xf32, #tpu.memory_space<hbm>> -> memref<12792x2048xf32, #tpu.memory_space<hbm>>
    tpu.wait_indirect_dma semaphore(%arg18 : memref<!tpu.dma_semaphore, #tpu.memory_space<semaphore_mem>>) src(%arg12 : memref<16x2048xf32, #tpu.memory_space<vmem>>) dst(%dma_wait3A_180 : memref<12792x2048xf32, #tpu.memory_space<hbm>>)
    %dma_start3A_181 = arith.constant 7 : i32
    %dma_start3A_182 = arith.constant 0 : i32
    %dma_start3A_183 = tpu.memref_slice %arg8[%dma_start3A_181, %dma_start3A_182] : memref<16x16xi32, #tpu.memory_space<vmem>> -> memref<1x16xi32, #tpu.memory_space<vmem>>
    %dma_start3A_184 = tpu.memref_squeeze %dma_start3A_183 : memref<1x16xi32, #tpu.memory_space<vmem>> -> memref<16xi32, #tpu.memory_space<vmem>>
    %dma_start3A_185 = arith.constant 0 : i32
    %dma_start3A_186 = arith.constant 0 : i32
    %dma_start3A_187 = tpu.memref_slice %arg5[%dma_start3A_185, %dma_start3A_186] : memref<32064x2048xf32, #tpu.memory_space<hbm>> -> memref<32064x2048xf32, #tpu.memory_space<hbm>>
    tpu.enqueue_indirect_dma source(%dma_start3A_187 : memref<32064x2048xf32, #tpu.memory_space<hbm>>) target(%arg12 : memref<16x2048xf32, #tpu.memory_space<vmem>>) offsets(%dma_start3A_184 : memref<16xi32, #tpu.memory_space<vmem>>) semaphore(%arg15 : memref<!tpu.dma_semaphore, #tpu.memory_space<semaphore_mem>>)
    %dma_wait3A_188 = arith.constant 7 : i32
    %dma_wait3A_189 = arith.constant 0 : i32
    %dma_wait3A_190 = tpu.memref_slice %arg8[%dma_wait3A_188, %dma_wait3A_189] : memref<16x16xi32, #tpu.memory_space<vmem>> -> memref<1x16xi32, #tpu.memory_space<vmem>>
    %dma_wait3A_191 = tpu.memref_squeeze %dma_wait3A_190 : memref<1x16xi32, #tpu.memory_space<vmem>> -> memref<16xi32, #tpu.memory_space<vmem>>
    %dma_wait3A_192 = arith.constant 0 : i32
    %dma_wait3A_193 = arith.constant 0 : i32
    %dma_wait3A_194 = tpu.memref_slice %arg5[%dma_wait3A_192, %dma_wait3A_193] : memref<32064x2048xf32, #tpu.memory_space<hbm>> -> memref<32064x2048xf32, #tpu.memory_space<hbm>>
    tpu.wait_indirect_dma semaphore(%arg15 : memref<!tpu.dma_semaphore, #tpu.memory_space<semaphore_mem>>) src(%dma_wait3A_194 : memref<32064x2048xf32, #tpu.memory_space<hbm>>) dst(%arg12 : memref<16x2048xf32, #tpu.memory_space<vmem>>)
    %dma_start3A_195 = arith.constant 7 : i32
    %dma_start3A_196 = arith.constant 0 : i32
    %dma_start3A_197 = tpu.memref_slice %arg9[%dma_start3A_195, %dma_start3A_196] : memref<16x16xi32, #tpu.memory_space<vmem>> -> memref<1x16xi32, #tpu.memory_space<vmem>>
    %dma_start3A_198 = tpu.memref_squeeze %dma_start3A_197 : memref<1x16xi32, #tpu.memory_space<vmem>> -> memref<16xi32, #tpu.memory_space<vmem>>
    %dma_start3A_199 = arith.constant 0 : i32
    %dma_start3A_200 = arith.constant 0 : i32
    %dma_start3A_201 = tpu.memref_slice %arg7[%dma_start3A_199, %dma_start3A_200] : memref<12792x2048xf32, #tpu.memory_space<hbm>> -> memref<12792x2048xf32, #tpu.memory_space<hbm>>
    tpu.enqueue_indirect_dma source(%arg12 : memref<16x2048xf32, #tpu.memory_space<vmem>>) target(%dma_start3A_201 : memref<12792x2048xf32, #tpu.memory_space<hbm>>) offsets(%dma_start3A_198 : memref<16xi32, #tpu.memory_space<vmem>>) semaphore(%arg18 : memref<!tpu.dma_semaphore, #tpu.memory_space<semaphore_mem>>)
    %dma_wait3A_202 = arith.constant 5 : i32
    %dma_wait3A_203 = arith.constant 0 : i32
    %dma_wait3A_204 = tpu.memref_slice %arg9[%dma_wait3A_202, %dma_wait3A_203] : memref<16x16xi32, #tpu.memory_space<vmem>> -> memref<1x16xi32, #tpu.memory_space<vmem>>
    %dma_wait3A_205 = tpu.memref_squeeze %dma_wait3A_204 : memref<1x16xi32, #tpu.memory_space<vmem>> -> memref<16xi32, #tpu.memory_space<vmem>>
    %dma_wait3A_206 = arith.constant 0 : i32
    %dma_wait3A_207 = arith.constant 0 : i32
    %dma_wait3A_208 = tpu.memref_slice %arg7[%dma_wait3A_206, %dma_wait3A_207] : memref<12792x2048xf32, #tpu.memory_space<hbm>> -> memref<12792x2048xf32, #tpu.memory_space<hbm>>
    tpu.wait_indirect_dma semaphore(%arg19 : memref<!tpu.dma_semaphore, #tpu.memory_space<semaphore_mem>>) src(%arg13 : memref<16x2048xf32, #tpu.memory_space<vmem>>) dst(%dma_wait3A_208 : memref<12792x2048xf32, #tpu.memory_space<hbm>>)
    %dma_start3A_209 = arith.constant 8 : i32
    %dma_start3A_210 = arith.constant 0 : i32
    %dma_start3A_211 = tpu.memref_slice %arg8[%dma_start3A_209, %dma_start3A_210] : memref<16x16xi32, #tpu.memory_space<vmem>> -> memref<1x16xi32, #tpu.memory_space<vmem>>
    %dma_start3A_212 = tpu.memref_squeeze %dma_start3A_211 : memref<1x16xi32, #tpu.memory_space<vmem>> -> memref<16xi32, #tpu.memory_space<vmem>>
    %dma_start3A_213 = arith.constant 0 : i32
    %dma_start3A_214 = arith.constant 0 : i32
    %dma_start3A_215 = tpu.memref_slice %arg5[%dma_start3A_213, %dma_start3A_214] : memref<32064x2048xf32, #tpu.memory_space<hbm>> -> memref<32064x2048xf32, #tpu.memory_space<hbm>>
    tpu.enqueue_indirect_dma source(%dma_start3A_215 : memref<32064x2048xf32, #tpu.memory_space<hbm>>) target(%arg13 : memref<16x2048xf32, #tpu.memory_space<vmem>>) offsets(%dma_start3A_212 : memref<16xi32, #tpu.memory_space<vmem>>) semaphore(%arg16 : memref<!tpu.dma_semaphore, #tpu.memory_space<semaphore_mem>>)
    %dma_wait3A_216 = arith.constant 8 : i32
    %dma_wait3A_217 = arith.constant 0 : i32
    %dma_wait3A_218 = tpu.memref_slice %arg8[%dma_wait3A_216, %dma_wait3A_217] : memref<16x16xi32, #tpu.memory_space<vmem>> -> memref<1x16xi32, #tpu.memory_space<vmem>>
    %dma_wait3A_219 = tpu.memref_squeeze %dma_wait3A_218 : memref<1x16xi32, #tpu.memory_space<vmem>> -> memref<16xi32, #tpu.memory_space<vmem>>
    %dma_wait3A_220 = arith.constant 0 : i32
    %dma_wait3A_221 = arith.constant 0 : i32
    %dma_wait3A_222 = tpu.memref_slice %arg5[%dma_wait3A_220, %dma_wait3A_221] : memref<32064x2048xf32, #tpu.memory_space<hbm>> -> memref<32064x2048xf32, #tpu.memory_space<hbm>>
    tpu.wait_indirect_dma semaphore(%arg16 : memref<!tpu.dma_semaphore, #tpu.memory_space<semaphore_mem>>) src(%dma_wait3A_222 : memref<32064x2048xf32, #tpu.memory_space<hbm>>) dst(%arg13 : memref<16x2048xf32, #tpu.memory_space<vmem>>)
    %dma_start3A_223 = arith.constant 8 : i32
    %dma_start3A_224 = arith.constant 0 : i32
    %dma_start3A_225 = tpu.memref_slice %arg9[%dma_start3A_223, %dma_start3A_224] : memref<16x16xi32, #tpu.memory_space<vmem>> -> memref<1x16xi32, #tpu.memory_space<vmem>>
    %dma_start3A_226 = tpu.memref_squeeze %dma_start3A_225 : memref<1x16xi32, #tpu.memory_space<vmem>> -> memref<16xi32, #tpu.memory_space<vmem>>
    %dma_start3A_227 = arith.constant 0 : i32
    %dma_start3A_228 = arith.constant 0 : i32
    %dma_start3A_229 = tpu.memref_slice %arg7[%dma_start3A_227, %dma_start3A_228] : memref<12792x2048xf32, #tpu.memory_space<hbm>> -> memref<12792x2048xf32, #tpu.memory_space<hbm>>
    tpu.enqueue_indirect_dma source(%arg13 : memref<16x2048xf32, #tpu.memory_space<vmem>>) target(%dma_start3A_229 : memref<12792x2048xf32, #tpu.memory_space<hbm>>) offsets(%dma_start3A_226 : memref<16xi32, #tpu.memory_space<vmem>>) semaphore(%arg19 : memref<!tpu.dma_semaphore, #tpu.memory_space<semaphore_mem>>)
    %dma_wait3A_230 = arith.constant 6 : i32
    %dma_wait3A_231 = arith.constant 0 : i32
    %dma_wait3A_232 = tpu.memref_slice %arg9[%dma_wait3A_230, %dma_wait3A_231] : memref<16x16xi32, #tpu.memory_space<vmem>> -> memref<1x16xi32, #tpu.memory_space<vmem>>
    %dma_wait3A_233 = tpu.memref_squeeze %dma_wait3A_232 : memref<1x16xi32, #tpu.memory_space<vmem>> -> memref<16xi32, #tpu.memory_space<vmem>>
    %dma_wait3A_234 = arith.constant 0 : i32
    %dma_wait3A_235 = arith.constant 0 : i32
    %dma_wait3A_236 = tpu.memref_slice %arg7[%dma_wait3A_234, %dma_wait3A_235] : memref<12792x2048xf32, #tpu.memory_space<hbm>> -> memref<12792x2048xf32, #tpu.memory_space<hbm>>
    tpu.wait_indirect_dma semaphore(%arg17 : memref<!tpu.dma_semaphore, #tpu.memory_space<semaphore_mem>>) src(%arg11 : memref<16x2048xf32, #tpu.memory_space<vmem>>) dst(%dma_wait3A_236 : memref<12792x2048xf32, #tpu.memory_space<hbm>>)
    %dma_start3A_237 = arith.constant 9 : i32
    %dma_start3A_238 = arith.constant 0 : i32
    %dma_start3A_239 = tpu.memref_slice %arg8[%dma_start3A_237, %dma_start3A_238] : memref<16x16xi32, #tpu.memory_space<vmem>> -> memref<1x16xi32, #tpu.memory_space<vmem>>
    %dma_start3A_240 = tpu.memref_squeeze %dma_start3A_239 : memref<1x16xi32, #tpu.memory_space<vmem>> -> memref<16xi32, #tpu.memory_space<vmem>>
    %dma_start3A_241 = arith.constant 0 : i32
    %dma_start3A_242 = arith.constant 0 : i32
    %dma_start3A_243 = tpu.memref_slice %arg5[%dma_start3A_241, %dma_start3A_242] : memref<32064x2048xf32, #tpu.memory_space<hbm>> -> memref<32064x2048xf32, #tpu.memory_space<hbm>>
    tpu.enqueue_indirect_dma source(%dma_start3A_243 : memref<32064x2048xf32, #tpu.memory_space<hbm>>) target(%arg11 : memref<16x2048xf32, #tpu.memory_space<vmem>>) offsets(%dma_start3A_240 : memref<16xi32, #tpu.memory_space<vmem>>) semaphore(%arg14 : memref<!tpu.dma_semaphore, #tpu.memory_space<semaphore_mem>>)
    %dma_wait3A_244 = arith.constant 9 : i32
    %dma_wait3A_245 = arith.constant 0 : i32
    %dma_wait3A_246 = tpu.memref_slice %arg8[%dma_wait3A_244, %dma_wait3A_245] : memref<16x16xi32, #tpu.memory_space<vmem>> -> memref<1x16xi32, #tpu.memory_space<vmem>>
    %dma_wait3A_247 = tpu.memref_squeeze %dma_wait3A_246 : memref<1x16xi32, #tpu.memory_space<vmem>> -> memref<16xi32, #tpu.memory_space<vmem>>
    %dma_wait3A_248 = arith.constant 0 : i32
    %dma_wait3A_249 = arith.constant 0 : i32
    %dma_wait3A_250 = tpu.memref_slice %arg5[%dma_wait3A_248, %dma_wait3A_249] : memref<32064x2048xf32, #tpu.memory_space<hbm>> -> memref<32064x2048xf32, #tpu.memory_space<hbm>>
    tpu.wait_indirect_dma semaphore(%arg14 : memref<!tpu.dma_semaphore, #tpu.memory_space<semaphore_mem>>) src(%dma_wait3A_250 : memref<32064x2048xf32, #tpu.memory_space<hbm>>) dst(%arg11 : memref<16x2048xf32, #tpu.memory_space<vmem>>)
    %dma_start3A_251 = arith.constant 9 : i32
    %dma_start3A_252 = arith.constant 0 : i32
    %dma_start3A_253 = tpu.memref_slice %arg9[%dma_start3A_251, %dma_start3A_252] : memref<16x16xi32, #tpu.memory_space<vmem>> -> memref<1x16xi32, #tpu.memory_space<vmem>>
    %dma_start3A_254 = tpu.memref_squeeze %dma_start3A_253 : memref<1x16xi32, #tpu.memory_space<vmem>> -> memref<16xi32, #tpu.memory_space<vmem>>
    %dma_start3A_255 = arith.constant 0 : i32
    %dma_start3A_256 = arith.constant 0 : i32
    %dma_start3A_257 = tpu.memref_slice %arg7[%dma_start3A_255, %dma_start3A_256] : memref<12792x2048xf32, #tpu.memory_space<hbm>> -> memref<12792x2048xf32, #tpu.memory_space<hbm>>
    tpu.enqueue_indirect_dma source(%arg11 : memref<16x2048xf32, #tpu.memory_space<vmem>>) target(%dma_start3A_257 : memref<12792x2048xf32, #tpu.memory_space<hbm>>) offsets(%dma_start3A_254 : memref<16xi32, #tpu.memory_space<vmem>>) semaphore(%arg17 : memref<!tpu.dma_semaphore, #tpu.memory_space<semaphore_mem>>)
    %dma_wait3A_258 = arith.constant 7 : i32
    %dma_wait3A_259 = arith.constant 0 : i32
    %dma_wait3A_260 = tpu.memref_slice %arg9[%dma_wait3A_258, %dma_wait3A_259] : memref<16x16xi32, #tpu.memory_space<vmem>> -> memref<1x16xi32, #tpu.memory_space<vmem>>
    %dma_wait3A_261 = tpu.memref_squeeze %dma_wait3A_260 : memref<1x16xi32, #tpu.memory_space<vmem>> -> memref<16xi32, #tpu.memory_space<vmem>>
    %dma_wait3A_262 = arith.constant 0 : i32
    %dma_wait3A_263 = arith.constant 0 : i32
    %dma_wait3A_264 = tpu.memref_slice %arg7[%dma_wait3A_262, %dma_wait3A_263] : memref<12792x2048xf32, #tpu.memory_space<hbm>> -> memref<12792x2048xf32, #tpu.memory_space<hbm>>
    tpu.wait_indirect_dma semaphore(%arg18 : memref<!tpu.dma_semaphore, #tpu.memory_space<semaphore_mem>>) src(%arg12 : memref<16x2048xf32, #tpu.memory_space<vmem>>) dst(%dma_wait3A_264 : memref<12792x2048xf32, #tpu.memory_space<hbm>>)
    %dma_start3A_265 = arith.constant 10 : i32
    %dma_start3A_266 = arith.constant 0 : i32
    %dma_start3A_267 = tpu.memref_slice %arg8[%dma_start3A_265, %dma_start3A_266] : memref<16x16xi32, #tpu.memory_space<vmem>> -> memref<1x16xi32, #tpu.memory_space<vmem>>
    %dma_start3A_268 = tpu.memref_squeeze %dma_start3A_267 : memref<1x16xi32, #tpu.memory_space<vmem>> -> memref<16xi32, #tpu.memory_space<vmem>>
    %dma_start3A_269 = arith.constant 0 : i32
    %dma_start3A_270 = arith.constant 0 : i32
    %dma_start3A_271 = tpu.memref_slice %arg5[%dma_start3A_269, %dma_start3A_270] : memref<32064x2048xf32, #tpu.memory_space<hbm>> -> memref<32064x2048xf32, #tpu.memory_space<hbm>>
    tpu.enqueue_indirect_dma source(%dma_start3A_271 : memref<32064x2048xf32, #tpu.memory_space<hbm>>) target(%arg12 : memref<16x2048xf32, #tpu.memory_space<vmem>>) offsets(%dma_start3A_268 : memref<16xi32, #tpu.memory_space<vmem>>) semaphore(%arg15 : memref<!tpu.dma_semaphore, #tpu.memory_space<semaphore_mem>>)
    %dma_wait3A_272 = arith.constant 10 : i32
    %dma_wait3A_273 = arith.constant 0 : i32
    %dma_wait3A_274 = tpu.memref_slice %arg8[%dma_wait3A_272, %dma_wait3A_273] : memref<16x16xi32, #tpu.memory_space<vmem>> -> memref<1x16xi32, #tpu.memory_space<vmem>>
    %dma_wait3A_275 = tpu.memref_squeeze %dma_wait3A_274 : memref<1x16xi32, #tpu.memory_space<vmem>> -> memref<16xi32, #tpu.memory_space<vmem>>
    %dma_wait3A_276 = arith.constant 0 : i32
    %dma_wait3A_277 = arith.constant 0 : i32
    %dma_wait3A_278 = tpu.memref_slice %arg5[%dma_wait3A_276, %dma_wait3A_277] : memref<32064x2048xf32, #tpu.memory_space<hbm>> -> memref<32064x2048xf32, #tpu.memory_space<hbm>>
    tpu.wait_indirect_dma semaphore(%arg15 : memref<!tpu.dma_semaphore, #tpu.memory_space<semaphore_mem>>) src(%dma_wait3A_278 : memref<32064x2048xf32, #tpu.memory_space<hbm>>) dst(%arg12 : memref<16x2048xf32, #tpu.memory_space<vmem>>)
    %dma_start3A_279 = arith.constant 10 : i32
    %dma_start3A_280 = arith.constant 0 : i32
    %dma_start3A_281 = tpu.memref_slice %arg9[%dma_start3A_279, %dma_start3A_280] : memref<16x16xi32, #tpu.memory_space<vmem>> -> memref<1x16xi32, #tpu.memory_space<vmem>>
    %dma_start3A_282 = tpu.memref_squeeze %dma_start3A_281 : memref<1x16xi32, #tpu.memory_space<vmem>> -> memref<16xi32, #tpu.memory_space<vmem>>
    %dma_start3A_283 = arith.constant 0 : i32
    %dma_start3A_284 = arith.constant 0 : i32
    %dma_start3A_285 = tpu.memref_slice %arg7[%dma_start3A_283, %dma_start3A_284] : memref<12792x2048xf32, #tpu.memory_space<hbm>> -> memref<12792x2048xf32, #tpu.memory_space<hbm>>
    tpu.enqueue_indirect_dma source(%arg12 : memref<16x2048xf32, #tpu.memory_space<vmem>>) target(%dma_start3A_285 : memref<12792x2048xf32, #tpu.memory_space<hbm>>) offsets(%dma_start3A_282 : memref<16xi32, #tpu.memory_space<vmem>>) semaphore(%arg18 : memref<!tpu.dma_semaphore, #tpu.memory_space<semaphore_mem>>)
    %dma_wait3A_286 = arith.constant 8 : i32
    %dma_wait3A_287 = arith.constant 0 : i32
    %dma_wait3A_288 = tpu.memref_slice %arg9[%dma_wait3A_286, %dma_wait3A_287] : memref<16x16xi32, #tpu.memory_space<vmem>> -> memref<1x16xi32, #tpu.memory_space<vmem>>
    %dma_wait3A_289 = tpu.memref_squeeze %dma_wait3A_288 : memref<1x16xi32, #tpu.memory_space<vmem>> -> memref<16xi32, #tpu.memory_space<vmem>>
    %dma_wait3A_290 = arith.constant 0 : i32
    %dma_wait3A_291 = arith.constant 0 : i32
    %dma_wait3A_292 = tpu.memref_slice %arg7[%dma_wait3A_290, %dma_wait3A_291] : memref<12792x2048xf32, #tpu.memory_space<hbm>> -> memref<12792x2048xf32, #tpu.memory_space<hbm>>
    tpu.wait_indirect_dma semaphore(%arg19 : memref<!tpu.dma_semaphore, #tpu.memory_space<semaphore_mem>>) src(%arg13 : memref<16x2048xf32, #tpu.memory_space<vmem>>) dst(%dma_wait3A_292 : memref<12792x2048xf32, #tpu.memory_space<hbm>>)
    %dma_start3A_293 = arith.constant 11 : i32
    %dma_start3A_294 = arith.constant 0 : i32
    %dma_start3A_295 = tpu.memref_slice %arg8[%dma_start3A_293, %dma_start3A_294] : memref<16x16xi32, #tpu.memory_space<vmem>> -> memref<1x16xi32, #tpu.memory_space<vmem>>
    %dma_start3A_296 = tpu.memref_squeeze %dma_start3A_295 : memref<1x16xi32, #tpu.memory_space<vmem>> -> memref<16xi32, #tpu.memory_space<vmem>>
    %dma_start3A_297 = arith.constant 0 : i32
    %dma_start3A_298 = arith.constant 0 : i32
    %dma_start3A_299 = tpu.memref_slice %arg5[%dma_start3A_297, %dma_start3A_298] : memref<32064x2048xf32, #tpu.memory_space<hbm>> -> memref<32064x2048xf32, #tpu.memory_space<hbm>>
    tpu.enqueue_indirect_dma source(%dma_start3A_299 : memref<32064x2048xf32, #tpu.memory_space<hbm>>) target(%arg13 : memref<16x2048xf32, #tpu.memory_space<vmem>>) offsets(%dma_start3A_296 : memref<16xi32, #tpu.memory_space<vmem>>) semaphore(%arg16 : memref<!tpu.dma_semaphore, #tpu.memory_space<semaphore_mem>>)
    %dma_wait3A_300 = arith.constant 11 : i32
    %dma_wait3A_301 = arith.constant 0 : i32
    %dma_wait3A_302 = tpu.memref_slice %arg8[%dma_wait3A_300, %dma_wait3A_301] : memref<16x16xi32, #tpu.memory_space<vmem>> -> memref<1x16xi32, #tpu.memory_space<vmem>>
    %dma_wait3A_303 = tpu.memref_squeeze %dma_wait3A_302 : memref<1x16xi32, #tpu.memory_space<vmem>> -> memref<16xi32, #tpu.memory_space<vmem>>
    %dma_wait3A_304 = arith.constant 0 : i32
    %dma_wait3A_305 = arith.constant 0 : i32
    %dma_wait3A_306 = tpu.memref_slice %arg5[%dma_wait3A_304, %dma_wait3A_305] : memref<32064x2048xf32, #tpu.memory_space<hbm>> -> memref<32064x2048xf32, #tpu.memory_space<hbm>>
    tpu.wait_indirect_dma semaphore(%arg16 : memref<!tpu.dma_semaphore, #tpu.memory_space<semaphore_mem>>) src(%dma_wait3A_306 : memref<32064x2048xf32, #tpu.memory_space<hbm>>) dst(%arg13 : memref<16x2048xf32, #tpu.memory_space<vmem>>)
    %dma_start3A_307 = arith.constant 11 : i32
    %dma_start3A_308 = arith.constant 0 : i32
    %dma_start3A_309 = tpu.memref_slice %arg9[%dma_start3A_307, %dma_start3A_308] : memref<16x16xi32, #tpu.memory_space<vmem>> -> memref<1x16xi32, #tpu.memory_space<vmem>>
    %dma_start3A_310 = tpu.memref_squeeze %dma_start3A_309 : memref<1x16xi32, #tpu.memory_space<vmem>> -> memref<16xi32, #tpu.memory_space<vmem>>
    %dma_start3A_311 = arith.constant 0 : i32
    %dma_start3A_312 = arith.constant 0 : i32
    %dma_start3A_313 = tpu.memref_slice %arg7[%dma_start3A_311, %dma_start3A_312] : memref<12792x2048xf32, #tpu.memory_space<hbm>> -> memref<12792x2048xf32, #tpu.memory_space<hbm>>
    tpu.enqueue_indirect_dma source(%arg13 : memref<16x2048xf32, #tpu.memory_space<vmem>>) target(%dma_start3A_313 : memref<12792x2048xf32, #tpu.memory_space<hbm>>) offsets(%dma_start3A_310 : memref<16xi32, #tpu.memory_space<vmem>>) semaphore(%arg19 : memref<!tpu.dma_semaphore, #tpu.memory_space<semaphore_mem>>)
    %dma_wait3A_314 = arith.constant 9 : i32
    %dma_wait3A_315 = arith.constant 0 : i32
    %dma_wait3A_316 = tpu.memref_slice %arg9[%dma_wait3A_314, %dma_wait3A_315] : memref<16x16xi32, #tpu.memory_space<vmem>> -> memref<1x16xi32, #tpu.memory_space<vmem>>
    %dma_wait3A_317 = tpu.memref_squeeze %dma_wait3A_316 : memref<1x16xi32, #tpu.memory_space<vmem>> -> memref<16xi32, #tpu.memory_space<vmem>>
    %dma_wait3A_318 = arith.constant 0 : i32
    %dma_wait3A_319 = arith.constant 0 : i32
    %dma_wait3A_320 = tpu.memref_slice %arg7[%dma_wait3A_318, %dma_wait3A_319] : memref<12792x2048xf32, #tpu.memory_space<hbm>> -> memref<12792x2048xf32, #tpu.memory_space<hbm>>
    tpu.wait_indirect_dma semaphore(%arg17 : memref<!tpu.dma_semaphore, #tpu.memory_space<semaphore_mem>>) src(%arg11 : memref<16x2048xf32, #tpu.memory_space<vmem>>) dst(%dma_wait3A_320 : memref<12792x2048xf32, #tpu.memory_space<hbm>>)
    %dma_start3A_321 = arith.constant 12 : i32
    %dma_start3A_322 = arith.constant 0 : i32
    %dma_start3A_323 = tpu.memref_slice %arg8[%dma_start3A_321, %dma_start3A_322] : memref<16x16xi32, #tpu.memory_space<vmem>> -> memref<1x16xi32, #tpu.memory_space<vmem>>
    %dma_start3A_324 = tpu.memref_squeeze %dma_start3A_323 : memref<1x16xi32, #tpu.memory_space<vmem>> -> memref<16xi32, #tpu.memory_space<vmem>>
    %dma_start3A_325 = arith.constant 0 : i32
    %dma_start3A_326 = arith.constant 0 : i32
    %dma_start3A_327 = tpu.memref_slice %arg5[%dma_start3A_325, %dma_start3A_326] : memref<32064x2048xf32, #tpu.memory_space<hbm>> -> memref<32064x2048xf32, #tpu.memory_space<hbm>>
    tpu.enqueue_indirect_dma source(%dma_start3A_327 : memref<32064x2048xf32, #tpu.memory_space<hbm>>) target(%arg11 : memref<16x2048xf32, #tpu.memory_space<vmem>>) offsets(%dma_start3A_324 : memref<16xi32, #tpu.memory_space<vmem>>) semaphore(%arg14 : memref<!tpu.dma_semaphore, #tpu.memory_space<semaphore_mem>>)
    %dma_wait3A_328 = arith.constant 12 : i32
    %dma_wait3A_329 = arith.constant 0 : i32
    %dma_wait3A_330 = tpu.memref_slice %arg8[%dma_wait3A_328, %dma_wait3A_329] : memref<16x16xi32, #tpu.memory_space<vmem>> -> memref<1x16xi32, #tpu.memory_space<vmem>>
    %dma_wait3A_331 = tpu.memref_squeeze %dma_wait3A_330 : memref<1x16xi32, #tpu.memory_space<vmem>> -> memref<16xi32, #tpu.memory_space<vmem>>
    %dma_wait3A_332 = arith.constant 0 : i32
    %dma_wait3A_333 = arith.constant 0 : i32
    %dma_wait3A_334 = tpu.memref_slice %arg5[%dma_wait3A_332, %dma_wait3A_333] : memref<32064x2048xf32, #tpu.memory_space<hbm>> -> memref<32064x2048xf32, #tpu.memory_space<hbm>>
    tpu.wait_indirect_dma semaphore(%arg14 : memref<!tpu.dma_semaphore, #tpu.memory_space<semaphore_mem>>) src(%dma_wait3A_334 : memref<32064x2048xf32, #tpu.memory_space<hbm>>) dst(%arg11 : memref<16x2048xf32, #tpu.memory_space<vmem>>)
    %dma_start3A_335 = arith.constant 12 : i32
    %dma_start3A_336 = arith.constant 0 : i32
    %dma_start3A_337 = tpu.memref_slice %arg9[%dma_start3A_335, %dma_start3A_336] : memref<16x16xi32, #tpu.memory_space<vmem>> -> memref<1x16xi32, #tpu.memory_space<vmem>>
    %dma_start3A_338 = tpu.memref_squeeze %dma_start3A_337 : memref<1x16xi32, #tpu.memory_space<vmem>> -> memref<16xi32, #tpu.memory_space<vmem>>
    %dma_start3A_339 = arith.constant 0 : i32
    %dma_start3A_340 = arith.constant 0 : i32
    %dma_start3A_341 = tpu.memref_slice %arg7[%dma_start3A_339, %dma_start3A_340] : memref<12792x2048xf32, #tpu.memory_space<hbm>> -> memref<12792x2048xf32, #tpu.memory_space<hbm>>
    tpu.enqueue_indirect_dma source(%arg11 : memref<16x2048xf32, #tpu.memory_space<vmem>>) target(%dma_start3A_341 : memref<12792x2048xf32, #tpu.memory_space<hbm>>) offsets(%dma_start3A_338 : memref<16xi32, #tpu.memory_space<vmem>>) semaphore(%arg17 : memref<!tpu.dma_semaphore, #tpu.memory_space<semaphore_mem>>)
    %dma_wait3A_342 = arith.constant 10 : i32
    %dma_wait3A_343 = arith.constant 0 : i32
    %dma_wait3A_344 = tpu.memref_slice %arg9[%dma_wait3A_342, %dma_wait3A_343] : memref<16x16xi32, #tpu.memory_space<vmem>> -> memref<1x16xi32, #tpu.memory_space<vmem>>
    %dma_wait3A_345 = tpu.memref_squeeze %dma_wait3A_344 : memref<1x16xi32, #tpu.memory_space<vmem>> -> memref<16xi32, #tpu.memory_space<vmem>>
    %dma_wait3A_346 = arith.constant 0 : i32
    %dma_wait3A_347 = arith.constant 0 : i32
    %dma_wait3A_348 = tpu.memref_slice %arg7[%dma_wait3A_346, %dma_wait3A_347] : memref<12792x2048xf32, #tpu.memory_space<hbm>> -> memref<12792x2048xf32, #tpu.memory_space<hbm>>
    tpu.wait_indirect_dma semaphore(%arg18 : memref<!tpu.dma_semaphore, #tpu.memory_space<semaphore_mem>>) src(%arg12 : memref<16x2048xf32, #tpu.memory_space<vmem>>) dst(%dma_wait3A_348 : memref<12792x2048xf32, #tpu.memory_space<hbm>>)
    %dma_start3A_349 = arith.constant 13 : i32
    %dma_start3A_350 = arith.constant 0 : i32
    %dma_start3A_351 = tpu.memref_slice %arg8[%dma_start3A_349, %dma_start3A_350] : memref<16x16xi32, #tpu.memory_space<vmem>> -> memref<1x16xi32, #tpu.memory_space<vmem>>
    %dma_start3A_352 = tpu.memref_squeeze %dma_start3A_351 : memref<1x16xi32, #tpu.memory_space<vmem>> -> memref<16xi32, #tpu.memory_space<vmem>>
    %dma_start3A_353 = arith.constant 0 : i32
    %dma_start3A_354 = arith.constant 0 : i32
    %dma_start3A_355 = tpu.memref_slice %arg5[%dma_start3A_353, %dma_start3A_354] : memref<32064x2048xf32, #tpu.memory_space<hbm>> -> memref<32064x2048xf32, #tpu.memory_space<hbm>>
    tpu.enqueue_indirect_dma source(%dma_start3A_355 : memref<32064x2048xf32, #tpu.memory_space<hbm>>) target(%arg12 : memref<16x2048xf32, #tpu.memory_space<vmem>>) offsets(%dma_start3A_352 : memref<16xi32, #tpu.memory_space<vmem>>) semaphore(%arg15 : memref<!tpu.dma_semaphore, #tpu.memory_space<semaphore_mem>>)
    %dma_wait3A_356 = arith.constant 13 : i32
    %dma_wait3A_357 = arith.constant 0 : i32
    %dma_wait3A_358 = tpu.memref_slice %arg8[%dma_wait3A_356, %dma_wait3A_357] : memref<16x16xi32, #tpu.memory_space<vmem>> -> memref<1x16xi32, #tpu.memory_space<vmem>>
    %dma_wait3A_359 = tpu.memref_squeeze %dma_wait3A_358 : memref<1x16xi32, #tpu.memory_space<vmem>> -> memref<16xi32, #tpu.memory_space<vmem>>
    %dma_wait3A_360 = arith.constant 0 : i32
    %dma_wait3A_361 = arith.constant 0 : i32
    %dma_wait3A_362 = tpu.memref_slice %arg5[%dma_wait3A_360, %dma_wait3A_361] : memref<32064x2048xf32, #tpu.memory_space<hbm>> -> memref<32064x2048xf32, #tpu.memory_space<hbm>>
    tpu.wait_indirect_dma semaphore(%arg15 : memref<!tpu.dma_semaphore, #tpu.memory_space<semaphore_mem>>) src(%dma_wait3A_362 : memref<32064x2048xf32, #tpu.memory_space<hbm>>) dst(%arg12 : memref<16x2048xf32, #tpu.memory_space<vmem>>)
    %dma_start3A_363 = arith.constant 13 : i32
    %dma_start3A_364 = arith.constant 0 : i32
    %dma_start3A_365 = tpu.memref_slice %arg9[%dma_start3A_363, %dma_start3A_364] : memref<16x16xi32, #tpu.memory_space<vmem>> -> memref<1x16xi32, #tpu.memory_space<vmem>>
    %dma_start3A_366 = tpu.memref_squeeze %dma_start3A_365 : memref<1x16xi32, #tpu.memory_space<vmem>> -> memref<16xi32, #tpu.memory_space<vmem>>
    %dma_start3A_367 = arith.constant 0 : i32
    %dma_start3A_368 = arith.constant 0 : i32
    %dma_start3A_369 = tpu.memref_slice %arg7[%dma_start3A_367, %dma_start3A_368] : memref<12792x2048xf32, #tpu.memory_space<hbm>> -> memref<12792x2048xf32, #tpu.memory_space<hbm>>
    tpu.enqueue_indirect_dma source(%arg12 : memref<16x2048xf32, #tpu.memory_space<vmem>>) target(%dma_start3A_369 : memref<12792x2048xf32, #tpu.memory_space<hbm>>) offsets(%dma_start3A_366 : memref<16xi32, #tpu.memory_space<vmem>>) semaphore(%arg18 : memref<!tpu.dma_semaphore, #tpu.memory_space<semaphore_mem>>)
    %dma_wait3A_370 = arith.constant 11 : i32
    %dma_wait3A_371 = arith.constant 0 : i32
    %dma_wait3A_372 = tpu.memref_slice %arg9[%dma_wait3A_370, %dma_wait3A_371] : memref<16x16xi32, #tpu.memory_space<vmem>> -> memref<1x16xi32, #tpu.memory_space<vmem>>
    %dma_wait3A_373 = tpu.memref_squeeze %dma_wait3A_372 : memref<1x16xi32, #tpu.memory_space<vmem>> -> memref<16xi32, #tpu.memory_space<vmem>>
    %dma_wait3A_374 = arith.constant 0 : i32
    %dma_wait3A_375 = arith.constant 0 : i32
    %dma_wait3A_376 = tpu.memref_slice %arg7[%dma_wait3A_374, %dma_wait3A_375] : memref<12792x2048xf32, #tpu.memory_space<hbm>> -> memref<12792x2048xf32, #tpu.memory_space<hbm>>
    tpu.wait_indirect_dma semaphore(%arg19 : memref<!tpu.dma_semaphore, #tpu.memory_space<semaphore_mem>>) src(%arg13 : memref<16x2048xf32, #tpu.memory_space<vmem>>) dst(%dma_wait3A_376 : memref<12792x2048xf32, #tpu.memory_space<hbm>>)
    %dma_start3A_377 = arith.constant 14 : i32
    %dma_start3A_378 = arith.constant 0 : i32
    %dma_start3A_379 = tpu.memref_slice %arg8[%dma_start3A_377, %dma_start3A_378] : memref<16x16xi32, #tpu.memory_space<vmem>> -> memref<1x16xi32, #tpu.memory_space<vmem>>
    %dma_start3A_380 = tpu.memref_squeeze %dma_start3A_379 : memref<1x16xi32, #tpu.memory_space<vmem>> -> memref<16xi32, #tpu.memory_space<vmem>>
    %dma_start3A_381 = arith.constant 0 : i32
    %dma_start3A_382 = arith.constant 0 : i32
    %dma_start3A_383 = tpu.memref_slice %arg5[%dma_start3A_381, %dma_start3A_382] : memref<32064x2048xf32, #tpu.memory_space<hbm>> -> memref<32064x2048xf32, #tpu.memory_space<hbm>>
    tpu.enqueue_indirect_dma source(%dma_start3A_383 : memref<32064x2048xf32, #tpu.memory_space<hbm>>) target(%arg13 : memref<16x2048xf32, #tpu.memory_space<vmem>>) offsets(%dma_start3A_380 : memref<16xi32, #tpu.memory_space<vmem>>) semaphore(%arg16 : memref<!tpu.dma_semaphore, #tpu.memory_space<semaphore_mem>>)
    %dma_wait3A_384 = arith.constant 14 : i32
    %dma_wait3A_385 = arith.constant 0 : i32
    %dma_wait3A_386 = tpu.memref_slice %arg8[%dma_wait3A_384, %dma_wait3A_385] : memref<16x16xi32, #tpu.memory_space<vmem>> -> memref<1x16xi32, #tpu.memory_space<vmem>>
    %dma_wait3A_387 = tpu.memref_squeeze %dma_wait3A_386 : memref<1x16xi32, #tpu.memory_space<vmem>> -> memref<16xi32, #tpu.memory_space<vmem>>
    %dma_wait3A_388 = arith.constant 0 : i32
    %dma_wait3A_389 = arith.constant 0 : i32
    %dma_wait3A_390 = tpu.memref_slice %arg5[%dma_wait3A_388, %dma_wait3A_389] : memref<32064x2048xf32, #tpu.memory_space<hbm>> -> memref<32064x2048xf32, #tpu.memory_space<hbm>>
    tpu.wait_indirect_dma semaphore(%arg16 : memref<!tpu.dma_semaphore, #tpu.memory_space<semaphore_mem>>) src(%dma_wait3A_390 : memref<32064x2048xf32, #tpu.memory_space<hbm>>) dst(%arg13 : memref<16x2048xf32, #tpu.memory_space<vmem>>)
    %dma_start3A_391 = arith.constant 14 : i32
    %dma_start3A_392 = arith.constant 0 : i32
    %dma_start3A_393 = tpu.memref_slice %arg9[%dma_start3A_391, %dma_start3A_392] : memref<16x16xi32, #tpu.memory_space<vmem>> -> memref<1x16xi32, #tpu.memory_space<vmem>>
    %dma_start3A_394 = tpu.memref_squeeze %dma_start3A_393 : memref<1x16xi32, #tpu.memory_space<vmem>> -> memref<16xi32, #tpu.memory_space<vmem>>
    %dma_start3A_395 = arith.constant 0 : i32
    %dma_start3A_396 = arith.constant 0 : i32
    %dma_start3A_397 = tpu.memref_slice %arg7[%dma_start3A_395, %dma_start3A_396] : memref<12792x2048xf32, #tpu.memory_space<hbm>> -> memref<12792x2048xf32, #tpu.memory_space<hbm>>
    tpu.enqueue_indirect_dma source(%arg13 : memref<16x2048xf32, #tpu.memory_space<vmem>>) target(%dma_start3A_397 : memref<12792x2048xf32, #tpu.memory_space<hbm>>) offsets(%dma_start3A_394 : memref<16xi32, #tpu.memory_space<vmem>>) semaphore(%arg19 : memref<!tpu.dma_semaphore, #tpu.memory_space<semaphore_mem>>)
    %dma_wait3A_398 = arith.constant 12 : i32
    %dma_wait3A_399 = arith.constant 0 : i32
    %dma_wait3A_400 = tpu.memref_slice %arg9[%dma_wait3A_398, %dma_wait3A_399] : memref<16x16xi32, #tpu.memory_space<vmem>> -> memref<1x16xi32, #tpu.memory_space<vmem>>
    %dma_wait3A_401 = tpu.memref_squeeze %dma_wait3A_400 : memref<1x16xi32, #tpu.memory_space<vmem>> -> memref<16xi32, #tpu.memory_space<vmem>>
    %dma_wait3A_402 = arith.constant 0 : i32
    %dma_wait3A_403 = arith.constant 0 : i32
    %dma_wait3A_404 = tpu.memref_slice %arg7[%dma_wait3A_402, %dma_wait3A_403] : memref<12792x2048xf32, #tpu.memory_space<hbm>> -> memref<12792x2048xf32, #tpu.memory_space<hbm>>
    tpu.wait_indirect_dma semaphore(%arg17 : memref<!tpu.dma_semaphore, #tpu.memory_space<semaphore_mem>>) src(%arg11 : memref<16x2048xf32, #tpu.memory_space<vmem>>) dst(%dma_wait3A_404 : memref<12792x2048xf32, #tpu.memory_space<hbm>>)
    %dma_start3A_405 = arith.constant 15 : i32
    %dma_start3A_406 = arith.constant 0 : i32
    %dma_start3A_407 = tpu.memref_slice %arg8[%dma_start3A_405, %dma_start3A_406] : memref<16x16xi32, #tpu.memory_space<vmem>> -> memref<1x16xi32, #tpu.memory_space<vmem>>
    %dma_start3A_408 = tpu.memref_squeeze %dma_start3A_407 : memref<1x16xi32, #tpu.memory_space<vmem>> -> memref<16xi32, #tpu.memory_space<vmem>>
    %dma_start3A_409 = arith.constant 0 : i32
    %dma_start3A_410 = arith.constant 0 : i32
    %dma_start3A_411 = tpu.memref_slice %arg5[%dma_start3A_409, %dma_start3A_410] : memref<32064x2048xf32, #tpu.memory_space<hbm>> -> memref<32064x2048xf32, #tpu.memory_space<hbm>>
    tpu.enqueue_indirect_dma source(%dma_start3A_411 : memref<32064x2048xf32, #tpu.memory_space<hbm>>) target(%arg11 : memref<16x2048xf32, #tpu.memory_space<vmem>>) offsets(%dma_start3A_408 : memref<16xi32, #tpu.memory_space<vmem>>) semaphore(%arg14 : memref<!tpu.dma_semaphore, #tpu.memory_space<semaphore_mem>>)
    %dma_wait3A_412 = arith.constant 15 : i32
    %dma_wait3A_413 = arith.constant 0 : i32
    %dma_wait3A_414 = tpu.memref_slice %arg8[%dma_wait3A_412, %dma_wait3A_413] : memref<16x16xi32, #tpu.memory_space<vmem>> -> memref<1x16xi32, #tpu.memory_space<vmem>>
    %dma_wait3A_415 = tpu.memref_squeeze %dma_wait3A_414 : memref<1x16xi32, #tpu.memory_space<vmem>> -> memref<16xi32, #tpu.memory_space<vmem>>
    %dma_wait3A_416 = arith.constant 0 : i32
    %dma_wait3A_417 = arith.constant 0 : i32
    %dma_wait3A_418 = tpu.memref_slice %arg5[%dma_wait3A_416, %dma_wait3A_417] : memref<32064x2048xf32, #tpu.memory_space<hbm>> -> memref<32064x2048xf32, #tpu.memory_space<hbm>>
    tpu.wait_indirect_dma semaphore(%arg14 : memref<!tpu.dma_semaphore, #tpu.memory_space<semaphore_mem>>) src(%dma_wait3A_418 : memref<32064x2048xf32, #tpu.memory_space<hbm>>) dst(%arg11 : memref<16x2048xf32, #tpu.memory_space<vmem>>)
    %dma_start3A_419 = arith.constant 15 : i32
    %dma_start3A_420 = arith.constant 0 : i32
    %dma_start3A_421 = tpu.memref_slice %arg9[%dma_start3A_419, %dma_start3A_420] : memref<16x16xi32, #tpu.memory_space<vmem>> -> memref<1x16xi32, #tpu.memory_space<vmem>>
    %dma_start3A_422 = tpu.memref_squeeze %dma_start3A_421 : memref<1x16xi32, #tpu.memory_space<vmem>> -> memref<16xi32, #tpu.memory_space<vmem>>
    %dma_start3A_423 = arith.constant 0 : i32
    %dma_start3A_424 = arith.constant 0 : i32
    %dma_start3A_425 = tpu.memref_slice %arg7[%dma_start3A_423, %dma_start3A_424] : memref<12792x2048xf32, #tpu.memory_space<hbm>> -> memref<12792x2048xf32, #tpu.memory_space<hbm>>
    tpu.enqueue_indirect_dma source(%arg11 : memref<16x2048xf32, #tpu.memory_space<vmem>>) target(%dma_start3A_425 : memref<12792x2048xf32, #tpu.memory_space<hbm>>) offsets(%dma_start3A_422 : memref<16xi32, #tpu.memory_space<vmem>>) semaphore(%arg17 : memref<!tpu.dma_semaphore, #tpu.memory_space<semaphore_mem>>)
    %dma_wait3A_426 = arith.constant 13 : i32
    %dma_wait3A_427 = arith.constant 0 : i32
    %dma_wait3A_428 = tpu.memref_slice %arg9[%dma_wait3A_426, %dma_wait3A_427] : memref<16x16xi32, #tpu.memory_space<vmem>> -> memref<1x16xi32, #tpu.memory_space<vmem>>
    %dma_wait3A_429 = tpu.memref_squeeze %dma_wait3A_428 : memref<1x16xi32, #tpu.memory_space<vmem>> -> memref<16xi32, #tpu.memory_space<vmem>>
    %dma_wait3A_430 = arith.constant 0 : i32
    %dma_wait3A_431 = arith.constant 0 : i32
    %dma_wait3A_432 = tpu.memref_slice %arg7[%dma_wait3A_430, %dma_wait3A_431] : memref<12792x2048xf32, #tpu.memory_space<hbm>> -> memref<12792x2048xf32, #tpu.memory_space<hbm>>
    tpu.wait_indirect_dma semaphore(%arg18 : memref<!tpu.dma_semaphore, #tpu.memory_space<semaphore_mem>>) src(%arg12 : memref<16x2048xf32, #tpu.memory_space<vmem>>) dst(%dma_wait3A_432 : memref<12792x2048xf32, #tpu.memory_space<hbm>>)
    %mul3A_433 = arith.constant 144 : i32
    %mul3A_434 = arith.muli %add3A, %mul3A_433 : i32
    %add3A_435 = arith.constant 0 : i32
    %add3A_436 = arith.addi %mul3A_434, %add3A_435 : i32
    %dma_start3A_437 = arith.constant 0 : i32
    %dma_start3A_438 = tpu.memref_slice %arg6[%add3A_436, %dma_start3A_437] : memref<4608x2048xf32, #tpu.memory_space<hbm>> -> memref<16x2048xf32, #tpu.memory_space<hbm>>
    %dma_start3A_439 = arith.constant 0 : i32
    %dma_start3A_440 = tpu.memref_slice %arg6[%add3A_436, %dma_start3A_439] : memref<4608x2048xf32, #tpu.memory_space<hbm>> -> memref<16x2048xf32, #tpu.memory_space<hbm>>
    tpu.enqueue_dma source(%dma_start3A_440 : memref<16x2048xf32, #tpu.memory_space<hbm>>) target(%arg12 : memref<16x2048xf32, #tpu.memory_space<vmem>>) target_semaphore(%arg15 : memref<!tpu.dma_semaphore, #tpu.memory_space<semaphore_mem>>)
    %dma_wait3A_441 = arith.constant 0 : i32
    %dma_wait3A_442 = tpu.memref_slice %arg6[%add3A_436, %dma_wait3A_441] : memref<4608x2048xf32, #tpu.memory_space<hbm>> -> memref<16x2048xf32, #tpu.memory_space<hbm>>
    %dma_wait3A_443 = arith.constant 0 : i32
    %dma_wait3A_444 = tpu.memref_slice %arg6[%add3A_436, %dma_wait3A_443] : memref<4608x2048xf32, #tpu.memory_space<hbm>> -> memref<16x2048xf32, #tpu.memory_space<hbm>>
    tpu.wait_dma2 semaphore(%arg15 : memref<!tpu.dma_semaphore, #tpu.memory_space<semaphore_mem>>) src(%dma_wait3A_444 : memref<16x2048xf32, #tpu.memory_space<hbm>>) dst(%arg12 : memref<16x2048xf32, #tpu.memory_space<vmem>>)
    %dma_start3A_445 = arith.constant 0 : i32
    %dma_start3A_446 = arith.constant 0 : i32
    %dma_start3A_447 = tpu.memref_slice %arg10[%dma_start3A_445, %dma_start3A_446] : memref<9x16xi32, #tpu.memory_space<vmem>> -> memref<1x16xi32, #tpu.memory_space<vmem>>
    %dma_start3A_448 = tpu.memref_squeeze %dma_start3A_447 : memref<1x16xi32, #tpu.memory_space<vmem>> -> memref<16xi32, #tpu.memory_space<vmem>>
    %dma_start3A_449 = arith.constant 0 : i32
    %dma_start3A_450 = arith.constant 0 : i32
    %dma_start3A_451 = tpu.memref_slice %arg7[%dma_start3A_449, %dma_start3A_450] : memref<12792x2048xf32, #tpu.memory_space<hbm>> -> memref<12792x2048xf32, #tpu.memory_space<hbm>>
    tpu.enqueue_indirect_dma source(%arg12 : memref<16x2048xf32, #tpu.memory_space<vmem>>) target(%dma_start3A_451 : memref<12792x2048xf32, #tpu.memory_space<hbm>>) offsets(%dma_start3A_448 : memref<16xi32, #tpu.memory_space<vmem>>) semaphore(%arg18 : memref<!tpu.dma_semaphore, #tpu.memory_space<semaphore_mem>>)
    %dma_wait3A_452 = arith.constant 14 : i32
    %dma_wait3A_453 = arith.constant 0 : i32
    %dma_wait3A_454 = tpu.memref_slice %arg9[%dma_wait3A_452, %dma_wait3A_453] : memref<16x16xi32, #tpu.memory_space<vmem>> -> memref<1x16xi32, #tpu.memory_space<vmem>>
    %dma_wait3A_455 = tpu.memref_squeeze %dma_wait3A_454 : memref<1x16xi32, #tpu.memory_space<vmem>> -> memref<16xi32, #tpu.memory_space<vmem>>
    %dma_wait3A_456 = arith.constant 0 : i32
    %dma_wait3A_457 = arith.constant 0 : i32
    %dma_wait3A_458 = tpu.memref_slice %arg7[%dma_wait3A_456, %dma_wait3A_457] : memref<12792x2048xf32, #tpu.memory_space<hbm>> -> memref<12792x2048xf32, #tpu.memory_space<hbm>>
    tpu.wait_indirect_dma semaphore(%arg19 : memref<!tpu.dma_semaphore, #tpu.memory_space<semaphore_mem>>) src(%arg13 : memref<16x2048xf32, #tpu.memory_space<vmem>>) dst(%dma_wait3A_458 : memref<12792x2048xf32, #tpu.memory_space<hbm>>)
    %mul3A_459 = arith.constant 144 : i32
    %mul3A_460 = arith.muli %add3A, %mul3A_459 : i32
    %add3A_461 = arith.constant 16 : i32
    %add3A_462 = arith.addi %mul3A_460, %add3A_461 : i32
    %dma_start3A_463 = arith.constant 0 : i32
    %dma_start3A_464 = tpu.memref_slice %arg6[%add3A_462, %dma_start3A_463] : memref<4608x2048xf32, #tpu.memory_space<hbm>> -> memref<16x2048xf32, #tpu.memory_space<hbm>>
    %dma_start3A_465 = arith.constant 0 : i32
    %dma_start3A_466 = tpu.memref_slice %arg6[%add3A_462, %dma_start3A_465] : memref<4608x2048xf32, #tpu.memory_space<hbm>> -> memref<16x2048xf32, #tpu.memory_space<hbm>>
    tpu.enqueue_dma source(%dma_start3A_466 : memref<16x2048xf32, #tpu.memory_space<hbm>>) target(%arg13 : memref<16x2048xf32, #tpu.memory_space<vmem>>) target_semaphore(%arg16 : memref<!tpu.dma_semaphore, #tpu.memory_space<semaphore_mem>>)
    %dma_wait3A_467 = arith.constant 0 : i32
    %dma_wait3A_468 = tpu.memref_slice %arg6[%add3A_462, %dma_wait3A_467] : memref<4608x2048xf32, #tpu.memory_space<hbm>> -> memref<16x2048xf32, #tpu.memory_space<hbm>>
    %dma_wait3A_469 = arith.constant 0 : i32
    %dma_wait3A_470 = tpu.memref_slice %arg6[%add3A_462, %dma_wait3A_469] : memref<4608x2048xf32, #tpu.memory_space<hbm>> -> memref<16x2048xf32, #tpu.memory_space<hbm>>
    tpu.wait_dma2 semaphore(%arg16 : memref<!tpu.dma_semaphore, #tpu.memory_space<semaphore_mem>>) src(%dma_wait3A_470 : memref<16x2048xf32, #tpu.memory_space<hbm>>) dst(%arg13 : memref<16x2048xf32, #tpu.memory_space<vmem>>)
    %dma_start3A_471 = arith.constant 1 : i32
    %dma_start3A_472 = arith.constant 0 : i32
    %dma_start3A_473 = tpu.memref_slice %arg10[%dma_start3A_471, %dma_start3A_472] : memref<9x16xi32, #tpu.memory_space<vmem>> -> memref<1x16xi32, #tpu.memory_space<vmem>>
    %dma_start3A_474 = tpu.memref_squeeze %dma_start3A_473 : memref<1x16xi32, #tpu.memory_space<vmem>> -> memref<16xi32, #tpu.memory_space<vmem>>
    %dma_start3A_475 = arith.constant 0 : i32
    %dma_start3A_476 = arith.constant 0 : i32
    %dma_start3A_477 = tpu.memref_slice %arg7[%dma_start3A_475, %dma_start3A_476] : memref<12792x2048xf32, #tpu.memory_space<hbm>> -> memref<12792x2048xf32, #tpu.memory_space<hbm>>
    tpu.enqueue_indirect_dma source(%arg13 : memref<16x2048xf32, #tpu.memory_space<vmem>>) target(%dma_start3A_477 : memref<12792x2048xf32, #tpu.memory_space<hbm>>) offsets(%dma_start3A_474 : memref<16xi32, #tpu.memory_space<vmem>>) semaphore(%arg19 : memref<!tpu.dma_semaphore, #tpu.memory_space<semaphore_mem>>)
    %dma_wait3A_478 = arith.constant 15 : i32
    %dma_wait3A_479 = arith.constant 0 : i32
    %dma_wait3A_480 = tpu.memref_slice %arg9[%dma_wait3A_478, %dma_wait3A_479] : memref<16x16xi32, #tpu.memory_space<vmem>> -> memref<1x16xi32, #tpu.memory_space<vmem>>
    %dma_wait3A_481 = tpu.memref_squeeze %dma_wait3A_480 : memref<1x16xi32, #tpu.memory_space<vmem>> -> memref<16xi32, #tpu.memory_space<vmem>>
    %dma_wait3A_482 = arith.constant 0 : i32
    %dma_wait3A_483 = arith.constant 0 : i32
    %dma_wait3A_484 = tpu.memref_slice %arg7[%dma_wait3A_482, %dma_wait3A_483] : memref<12792x2048xf32, #tpu.memory_space<hbm>> -> memref<12792x2048xf32, #tpu.memory_space<hbm>>
    tpu.wait_indirect_dma semaphore(%arg17 : memref<!tpu.dma_semaphore, #tpu.memory_space<semaphore_mem>>) src(%arg11 : memref<16x2048xf32, #tpu.memory_space<vmem>>) dst(%dma_wait3A_484 : memref<12792x2048xf32, #tpu.memory_space<hbm>>)
    %mul3A_485 = arith.constant 144 : i32
    %mul3A_486 = arith.muli %add3A, %mul3A_485 : i32
    %add3A_487 = arith.constant 32 : i32
    %add3A_488 = arith.addi %mul3A_486, %add3A_487 : i32
    %dma_start3A_489 = arith.constant 0 : i32
    %dma_start3A_490 = tpu.memref_slice %arg6[%add3A_488, %dma_start3A_489] : memref<4608x2048xf32, #tpu.memory_space<hbm>> -> memref<16x2048xf32, #tpu.memory_space<hbm>>
    %dma_start3A_491 = arith.constant 0 : i32
    %dma_start3A_492 = tpu.memref_slice %arg6[%add3A_488, %dma_start3A_491] : memref<4608x2048xf32, #tpu.memory_space<hbm>> -> memref<16x2048xf32, #tpu.memory_space<hbm>>
    tpu.enqueue_dma source(%dma_start3A_492 : memref<16x2048xf32, #tpu.memory_space<hbm>>) target(%arg11 : memref<16x2048xf32, #tpu.memory_space<vmem>>) target_semaphore(%arg14 : memref<!tpu.dma_semaphore, #tpu.memory_space<semaphore_mem>>)
    %dma_wait3A_493 = arith.constant 0 : i32
    %dma_wait3A_494 = tpu.memref_slice %arg6[%add3A_488, %dma_wait3A_493] : memref<4608x2048xf32, #tpu.memory_space<hbm>> -> memref<16x2048xf32, #tpu.memory_space<hbm>>
    %dma_wait3A_495 = arith.constant 0 : i32
    %dma_wait3A_496 = tpu.memref_slice %arg6[%add3A_488, %dma_wait3A_495] : memref<4608x2048xf32, #tpu.memory_space<hbm>> -> memref<16x2048xf32, #tpu.memory_space<hbm>>
    tpu.wait_dma2 semaphore(%arg14 : memref<!tpu.dma_semaphore, #tpu.memory_space<semaphore_mem>>) src(%dma_wait3A_496 : memref<16x2048xf32, #tpu.memory_space<hbm>>) dst(%arg11 : memref<16x2048xf32, #tpu.memory_space<vmem>>)
    %dma_start3A_497 = arith.constant 2 : i32
    %dma_start3A_498 = arith.constant 0 : i32
    %dma_start3A_499 = tpu.memref_slice %arg10[%dma_start3A_497, %dma_start3A_498] : memref<9x16xi32, #tpu.memory_space<vmem>> -> memref<1x16xi32, #tpu.memory_space<vmem>>
    %dma_start3A_500 = tpu.memref_squeeze %dma_start3A_499 : memref<1x16xi32, #tpu.memory_space<vmem>> -> memref<16xi32, #tpu.memory_space<vmem>>
    %dma_start3A_501 = arith.constant 0 : i32
    %dma_start3A_502 = arith.constant 0 : i32
    %dma_start3A_503 = tpu.memref_slice %arg7[%dma_start3A_501, %dma_start3A_502] : memref<12792x2048xf32, #tpu.memory_space<hbm>> -> memref<12792x2048xf32, #tpu.memory_space<hbm>>
    tpu.enqueue_indirect_dma source(%arg11 : memref<16x2048xf32, #tpu.memory_space<vmem>>) target(%dma_start3A_503 : memref<12792x2048xf32, #tpu.memory_space<hbm>>) offsets(%dma_start3A_500 : memref<16xi32, #tpu.memory_space<vmem>>) semaphore(%arg17 : memref<!tpu.dma_semaphore, #tpu.memory_space<semaphore_mem>>)
    %dma_wait3A_504 = arith.constant 0 : i32
    %dma_wait3A_505 = arith.constant 0 : i32
    %dma_wait3A_506 = tpu.memref_slice %arg10[%dma_wait3A_504, %dma_wait3A_505] : memref<9x16xi32, #tpu.memory_space<vmem>> -> memref<1x16xi32, #tpu.memory_space<vmem>>
    %dma_wait3A_507 = tpu.memref_squeeze %dma_wait3A_506 : memref<1x16xi32, #tpu.memory_space<vmem>> -> memref<16xi32, #tpu.memory_space<vmem>>
    %dma_wait3A_508 = arith.constant 0 : i32
    %dma_wait3A_509 = arith.constant 0 : i32
    %dma_wait3A_510 = tpu.memref_slice %arg7[%dma_wait3A_508, %dma_wait3A_509] : memref<12792x2048xf32, #tpu.memory_space<hbm>> -> memref<12792x2048xf32, #tpu.memory_space<hbm>>
    tpu.wait_indirect_dma semaphore(%arg18 : memref<!tpu.dma_semaphore, #tpu.memory_space<semaphore_mem>>) src(%arg12 : memref<16x2048xf32, #tpu.memory_space<vmem>>) dst(%dma_wait3A_510 : memref<12792x2048xf32, #tpu.memory_space<hbm>>)
    %mul3A_511 = arith.constant 144 : i32
    %mul3A_512 = arith.muli %add3A, %mul3A_511 : i32
    %add3A_513 = arith.constant 48 : i32
    %add3A_514 = arith.addi %mul3A_512, %add3A_513 : i32
    %dma_start3A_515 = arith.constant 0 : i32
    %dma_start3A_516 = tpu.memref_slice %arg6[%add3A_514, %dma_start3A_515] : memref<4608x2048xf32, #tpu.memory_space<hbm>> -> memref<16x2048xf32, #tpu.memory_space<hbm>>
    %dma_start3A_517 = arith.constant 0 : i32
    %dma_start3A_518 = tpu.memref_slice %arg6[%add3A_514, %dma_start3A_517] : memref<4608x2048xf32, #tpu.memory_space<hbm>> -> memref<16x2048xf32, #tpu.memory_space<hbm>>
    tpu.enqueue_dma source(%dma_start3A_518 : memref<16x2048xf32, #tpu.memory_space<hbm>>) target(%arg12 : memref<16x2048xf32, #tpu.memory_space<vmem>>) target_semaphore(%arg15 : memref<!tpu.dma_semaphore, #tpu.memory_space<semaphore_mem>>)
    %dma_wait3A_519 = arith.constant 0 : i32
    %dma_wait3A_520 = tpu.memref_slice %arg6[%add3A_514, %dma_wait3A_519] : memref<4608x2048xf32, #tpu.memory_space<hbm>> -> memref<16x2048xf32, #tpu.memory_space<hbm>>
    %dma_wait3A_521 = arith.constant 0 : i32
    %dma_wait3A_522 = tpu.memref_slice %arg6[%add3A_514, %dma_wait3A_521] : memref<4608x2048xf32, #tpu.memory_space<hbm>> -> memref<16x2048xf32, #tpu.memory_space<hbm>>
    tpu.wait_dma2 semaphore(%arg15 : memref<!tpu.dma_semaphore, #tpu.memory_space<semaphore_mem>>) src(%dma_wait3A_522 : memref<16x2048xf32, #tpu.memory_space<hbm>>) dst(%arg12 : memref<16x2048xf32, #tpu.memory_space<vmem>>)
    %dma_start3A_523 = arith.constant 3 : i32
    %dma_start3A_524 = arith.constant 0 : i32
    %dma_start3A_525 = tpu.memref_slice %arg10[%dma_start3A_523, %dma_start3A_524] : memref<9x16xi32, #tpu.memory_space<vmem>> -> memref<1x16xi32, #tpu.memory_space<vmem>>
    %dma_start3A_526 = tpu.memref_squeeze %dma_start3A_525 : memref<1x16xi32, #tpu.memory_space<vmem>> -> memref<16xi32, #tpu.memory_space<vmem>>
    %dma_start3A_527 = arith.constant 0 : i32
    %dma_start3A_528 = arith.constant 0 : i32
    %dma_start3A_529 = tpu.memref_slice %arg7[%dma_start3A_527, %dma_start3A_528] : memref<12792x2048xf32, #tpu.memory_space<hbm>> -> memref<12792x2048xf32, #tpu.memory_space<hbm>>
    tpu.enqueue_indirect_dma source(%arg12 : memref<16x2048xf32, #tpu.memory_space<vmem>>) target(%dma_start3A_529 : memref<12792x2048xf32, #tpu.memory_space<hbm>>) offsets(%dma_start3A_526 : memref<16xi32, #tpu.memory_space<vmem>>) semaphore(%arg18 : memref<!tpu.dma_semaphore, #tpu.memory_space<semaphore_mem>>)
    %dma_wait3A_530 = arith.constant 1 : i32
    %dma_wait3A_531 = arith.constant 0 : i32
    %dma_wait3A_532 = tpu.memref_slice %arg10[%dma_wait3A_530, %dma_wait3A_531] : memref<9x16xi32, #tpu.memory_space<vmem>> -> memref<1x16xi32, #tpu.memory_space<vmem>>
    %dma_wait3A_533 = tpu.memref_squeeze %dma_wait3A_532 : memref<1x16xi32, #tpu.memory_space<vmem>> -> memref<16xi32, #tpu.memory_space<vmem>>
    %dma_wait3A_534 = arith.constant 0 : i32
    %dma_wait3A_535 = arith.constant 0 : i32
    %dma_wait3A_536 = tpu.memref_slice %arg7[%dma_wait3A_534, %dma_wait3A_535] : memref<12792x2048xf32, #tpu.memory_space<hbm>> -> memref<12792x2048xf32, #tpu.memory_space<hbm>>
    tpu.wait_indirect_dma semaphore(%arg19 : memref<!tpu.dma_semaphore, #tpu.memory_space<semaphore_mem>>) src(%arg13 : memref<16x2048xf32, #tpu.memory_space<vmem>>) dst(%dma_wait3A_536 : memref<12792x2048xf32, #tpu.memory_space<hbm>>)
    %mul3A_537 = arith.constant 144 : i32
    %mul3A_538 = arith.muli %add3A, %mul3A_537 : i32
    %add3A_539 = arith.constant 64 : i32
    %add3A_540 = arith.addi %mul3A_538, %add3A_539 : i32
    %dma_start3A_541 = arith.constant 0 : i32
    %dma_start3A_542 = tpu.memref_slice %arg6[%add3A_540, %dma_start3A_541] : memref<4608x2048xf32, #tpu.memory_space<hbm>> -> memref<16x2048xf32, #tpu.memory_space<hbm>>
    %dma_start3A_543 = arith.constant 0 : i32
    %dma_start3A_544 = tpu.memref_slice %arg6[%add3A_540, %dma_start3A_543] : memref<4608x2048xf32, #tpu.memory_space<hbm>> -> memref<16x2048xf32, #tpu.memory_space<hbm>>
    tpu.enqueue_dma source(%dma_start3A_544 : memref<16x2048xf32, #tpu.memory_space<hbm>>) target(%arg13 : memref<16x2048xf32, #tpu.memory_space<vmem>>) target_semaphore(%arg16 : memref<!tpu.dma_semaphore, #tpu.memory_space<semaphore_mem>>)
    %dma_wait3A_545 = arith.constant 0 : i32
    %dma_wait3A_546 = tpu.memref_slice %arg6[%add3A_540, %dma_wait3A_545] : memref<4608x2048xf32, #tpu.memory_space<hbm>> -> memref<16x2048xf32, #tpu.memory_space<hbm>>
    %dma_wait3A_547 = arith.constant 0 : i32
    %dma_wait3A_548 = tpu.memref_slice %arg6[%add3A_540, %dma_wait3A_547] : memref<4608x2048xf32, #tpu.memory_space<hbm>> -> memref<16x2048xf32, #tpu.memory_space<hbm>>
    tpu.wait_dma2 semaphore(%arg16 : memref<!tpu.dma_semaphore, #tpu.memory_space<semaphore_mem>>) src(%dma_wait3A_548 : memref<16x2048xf32, #tpu.memory_space<hbm>>) dst(%arg13 : memref<16x2048xf32, #tpu.memory_space<vmem>>)
    %dma_start3A_549 = arith.constant 4 : i32
    %dma_start3A_550 = arith.constant 0 : i32
    %dma_start3A_551 = tpu.memref_slice %arg10[%dma_start3A_549, %dma_start3A_550] : memref<9x16xi32, #tpu.memory_space<vmem>> -> memref<1x16xi32, #tpu.memory_space<vmem>>
    %dma_start3A_552 = tpu.memref_squeeze %dma_start3A_551 : memref<1x16xi32, #tpu.memory_space<vmem>> -> memref<16xi32, #tpu.memory_space<vmem>>
    %dma_start3A_553 = arith.constant 0 : i32
    %dma_start3A_554 = arith.constant 0 : i32
    %dma_start3A_555 = tpu.memref_slice %arg7[%dma_start3A_553, %dma_start3A_554] : memref<12792x2048xf32, #tpu.memory_space<hbm>> -> memref<12792x2048xf32, #tpu.memory_space<hbm>>
    tpu.enqueue_indirect_dma source(%arg13 : memref<16x2048xf32, #tpu.memory_space<vmem>>) target(%dma_start3A_555 : memref<12792x2048xf32, #tpu.memory_space<hbm>>) offsets(%dma_start3A_552 : memref<16xi32, #tpu.memory_space<vmem>>) semaphore(%arg19 : memref<!tpu.dma_semaphore, #tpu.memory_space<semaphore_mem>>)
    %dma_wait3A_556 = arith.constant 2 : i32
    %dma_wait3A_557 = arith.constant 0 : i32
    %dma_wait3A_558 = tpu.memref_slice %arg10[%dma_wait3A_556, %dma_wait3A_557] : memref<9x16xi32, #tpu.memory_space<vmem>> -> memref<1x16xi32, #tpu.memory_space<vmem>>
    %dma_wait3A_559 = tpu.memref_squeeze %dma_wait3A_558 : memref<1x16xi32, #tpu.memory_space<vmem>> -> memref<16xi32, #tpu.memory_space<vmem>>
    %dma_wait3A_560 = arith.constant 0 : i32
    %dma_wait3A_561 = arith.constant 0 : i32
    %dma_wait3A_562 = tpu.memref_slice %arg7[%dma_wait3A_560, %dma_wait3A_561] : memref<12792x2048xf32, #tpu.memory_space<hbm>> -> memref<12792x2048xf32, #tpu.memory_space<hbm>>
    tpu.wait_indirect_dma semaphore(%arg17 : memref<!tpu.dma_semaphore, #tpu.memory_space<semaphore_mem>>) src(%arg11 : memref<16x2048xf32, #tpu.memory_space<vmem>>) dst(%dma_wait3A_562 : memref<12792x2048xf32, #tpu.memory_space<hbm>>)
    %mul3A_563 = arith.constant 144 : i32
    %mul3A_564 = arith.muli %add3A, %mul3A_563 : i32
    %add3A_565 = arith.constant 80 : i32
    %add3A_566 = arith.addi %mul3A_564, %add3A_565 : i32
    %dma_start3A_567 = arith.constant 0 : i32
    %dma_start3A_568 = tpu.memref_slice %arg6[%add3A_566, %dma_start3A_567] : memref<4608x2048xf32, #tpu.memory_space<hbm>> -> memref<16x2048xf32, #tpu.memory_space<hbm>>
    %dma_start3A_569 = arith.constant 0 : i32
    %dma_start3A_570 = tpu.memref_slice %arg6[%add3A_566, %dma_start3A_569] : memref<4608x2048xf32, #tpu.memory_space<hbm>> -> memref<16x2048xf32, #tpu.memory_space<hbm>>
    tpu.enqueue_dma source(%dma_start3A_570 : memref<16x2048xf32, #tpu.memory_space<hbm>>) target(%arg11 : memref<16x2048xf32, #tpu.memory_space<vmem>>) target_semaphore(%arg14 : memref<!tpu.dma_semaphore, #tpu.memory_space<semaphore_mem>>)
    %dma_wait3A_571 = arith.constant 0 : i32
    %dma_wait3A_572 = tpu.memref_slice %arg6[%add3A_566, %dma_wait3A_571] : memref<4608x2048xf32, #tpu.memory_space<hbm>> -> memref<16x2048xf32, #tpu.memory_space<hbm>>
    %dma_wait3A_573 = arith.constant 0 : i32
    %dma_wait3A_574 = tpu.memref_slice %arg6[%add3A_566, %dma_wait3A_573] : memref<4608x2048xf32, #tpu.memory_space<hbm>> -> memref<16x2048xf32, #tpu.memory_space<hbm>>
    tpu.wait_dma2 semaphore(%arg14 : memref<!tpu.dma_semaphore, #tpu.memory_space<semaphore_mem>>) src(%dma_wait3A_574 : memref<16x2048xf32, #tpu.memory_space<hbm>>) dst(%arg11 : memref<16x2048xf32, #tpu.memory_space<vmem>>)
    %dma_start3A_575 = arith.constant 5 : i32
    %dma_start3A_576 = arith.constant 0 : i32
    %dma_start3A_577 = tpu.memref_slice %arg10[%dma_start3A_575, %dma_start3A_576] : memref<9x16xi32, #tpu.memory_space<vmem>> -> memref<1x16xi32, #tpu.memory_space<vmem>>
    %dma_start3A_578 = tpu.memref_squeeze %dma_start3A_577 : memref<1x16xi32, #tpu.memory_space<vmem>> -> memref<16xi32, #tpu.memory_space<vmem>>
    %dma_start3A_579 = arith.constant 0 : i32
    %dma_start3A_580 = arith.constant 0 : i32
    %dma_start3A_581 = tpu.memref_slice %arg7[%dma_start3A_579, %dma_start3A_580] : memref<12792x2048xf32, #tpu.memory_space<hbm>> -> memref<12792x2048xf32, #tpu.memory_space<hbm>>
    tpu.enqueue_indirect_dma source(%arg11 : memref<16x2048xf32, #tpu.memory_space<vmem>>) target(%dma_start3A_581 : memref<12792x2048xf32, #tpu.memory_space<hbm>>) offsets(%dma_start3A_578 : memref<16xi32, #tpu.memory_space<vmem>>) semaphore(%arg17 : memref<!tpu.dma_semaphore, #tpu.memory_space<semaphore_mem>>)
    %dma_wait3A_582 = arith.constant 3 : i32
    %dma_wait3A_583 = arith.constant 0 : i32
    %dma_wait3A_584 = tpu.memref_slice %arg10[%dma_wait3A_582, %dma_wait3A_583] : memref<9x16xi32, #tpu.memory_space<vmem>> -> memref<1x16xi32, #tpu.memory_space<vmem>>
    %dma_wait3A_585 = tpu.memref_squeeze %dma_wait3A_584 : memref<1x16xi32, #tpu.memory_space<vmem>> -> memref<16xi32, #tpu.memory_space<vmem>>
    %dma_wait3A_586 = arith.constant 0 : i32
    %dma_wait3A_587 = arith.constant 0 : i32
    %dma_wait3A_588 = tpu.memref_slice %arg7[%dma_wait3A_586, %dma_wait3A_587] : memref<12792x2048xf32, #tpu.memory_space<hbm>> -> memref<12792x2048xf32, #tpu.memory_space<hbm>>
    tpu.wait_indirect_dma semaphore(%arg18 : memref<!tpu.dma_semaphore, #tpu.memory_space<semaphore_mem>>) src(%arg12 : memref<16x2048xf32, #tpu.memory_space<vmem>>) dst(%dma_wait3A_588 : memref<12792x2048xf32, #tpu.memory_space<hbm>>)
    %mul3A_589 = arith.constant 144 : i32
    %mul3A_590 = arith.muli %add3A, %mul3A_589 : i32
    %add3A_591 = arith.constant 96 : i32
    %add3A_592 = arith.addi %mul3A_590, %add3A_591 : i32
    %dma_start3A_593 = arith.constant 0 : i32
    %dma_start3A_594 = tpu.memref_slice %arg6[%add3A_592, %dma_start3A_593] : memref<4608x2048xf32, #tpu.memory_space<hbm>> -> memref<16x2048xf32, #tpu.memory_space<hbm>>
    %dma_start3A_595 = arith.constant 0 : i32
    %dma_start3A_596 = tpu.memref_slice %arg6[%add3A_592, %dma_start3A_595] : memref<4608x2048xf32, #tpu.memory_space<hbm>> -> memref<16x2048xf32, #tpu.memory_space<hbm>>
    tpu.enqueue_dma source(%dma_start3A_596 : memref<16x2048xf32, #tpu.memory_space<hbm>>) target(%arg12 : memref<16x2048xf32, #tpu.memory_space<vmem>>) target_semaphore(%arg15 : memref<!tpu.dma_semaphore, #tpu.memory_space<semaphore_mem>>)
    %dma_wait3A_597 = arith.constant 0 : i32
    %dma_wait3A_598 = tpu.memref_slice %arg6[%add3A_592, %dma_wait3A_597] : memref<4608x2048xf32, #tpu.memory_space<hbm>> -> memref<16x2048xf32, #tpu.memory_space<hbm>>
    %dma_wait3A_599 = arith.constant 0 : i32
    %dma_wait3A_600 = tpu.memref_slice %arg6[%add3A_592, %dma_wait3A_599] : memref<4608x2048xf32, #tpu.memory_space<hbm>> -> memref<16x2048xf32, #tpu.memory_space<hbm>>
    tpu.wait_dma2 semaphore(%arg15 : memref<!tpu.dma_semaphore, #tpu.memory_space<semaphore_mem>>) src(%dma_wait3A_600 : memref<16x2048xf32, #tpu.memory_space<hbm>>) dst(%arg12 : memref<16x2048xf32, #tpu.memory_space<vmem>>)
    %dma_start3A_601 = arith.constant 6 : i32
    %dma_start3A_602 = arith.constant 0 : i32
    %dma_start3A_603 = tpu.memref_slice %arg10[%dma_start3A_601, %dma_start3A_602] : memref<9x16xi32, #tpu.memory_space<vmem>> -> memref<1x16xi32, #tpu.memory_space<vmem>>
    %dma_start3A_604 = tpu.memref_squeeze %dma_start3A_603 : memref<1x16xi32, #tpu.memory_space<vmem>> -> memref<16xi32, #tpu.memory_space<vmem>>
    %dma_start3A_605 = arith.constant 0 : i32
    %dma_start3A_606 = arith.constant 0 : i32
    %dma_start3A_607 = tpu.memref_slice %arg7[%dma_start3A_605, %dma_start3A_606] : memref<12792x2048xf32, #tpu.memory_space<hbm>> -> memref<12792x2048xf32, #tpu.memory_space<hbm>>
    tpu.enqueue_indirect_dma source(%arg12 : memref<16x2048xf32, #tpu.memory_space<vmem>>) target(%dma_start3A_607 : memref<12792x2048xf32, #tpu.memory_space<hbm>>) offsets(%dma_start3A_604 : memref<16xi32, #tpu.memory_space<vmem>>) semaphore(%arg18 : memref<!tpu.dma_semaphore, #tpu.memory_space<semaphore_mem>>)
    %dma_wait3A_608 = arith.constant 4 : i32
    %dma_wait3A_609 = arith.constant 0 : i32
    %dma_wait3A_610 = tpu.memref_slice %arg10[%dma_wait3A_608, %dma_wait3A_609] : memref<9x16xi32, #tpu.memory_space<vmem>> -> memref<1x16xi32, #tpu.memory_space<vmem>>
    %dma_wait3A_611 = tpu.memref_squeeze %dma_wait3A_610 : memref<1x16xi32, #tpu.memory_space<vmem>> -> memref<16xi32, #tpu.memory_space<vmem>>
    %dma_wait3A_612 = arith.constant 0 : i32
    %dma_wait3A_613 = arith.constant 0 : i32
    %dma_wait3A_614 = tpu.memref_slice %arg7[%dma_wait3A_612, %dma_wait3A_613] : memref<12792x2048xf32, #tpu.memory_space<hbm>> -> memref<12792x2048xf32, #tpu.memory_space<hbm>>
    tpu.wait_indirect_dma semaphore(%arg19 : memref<!tpu.dma_semaphore, #tpu.memory_space<semaphore_mem>>) src(%arg13 : memref<16x2048xf32, #tpu.memory_space<vmem>>) dst(%dma_wait3A_614 : memref<12792x2048xf32, #tpu.memory_space<hbm>>)
    %mul3A_615 = arith.constant 144 : i32
    %mul3A_616 = arith.muli %add3A, %mul3A_615 : i32
    %add3A_617 = arith.constant 112 : i32
    %add3A_618 = arith.addi %mul3A_616, %add3A_617 : i32
    %dma_start3A_619 = arith.constant 0 : i32
    %dma_start3A_620 = tpu.memref_slice %arg6[%add3A_618, %dma_start3A_619] : memref<4608x2048xf32, #tpu.memory_space<hbm>> -> memref<16x2048xf32, #tpu.memory_space<hbm>>
    %dma_start3A_621 = arith.constant 0 : i32
    %dma_start3A_622 = tpu.memref_slice %arg6[%add3A_618, %dma_start3A_621] : memref<4608x2048xf32, #tpu.memory_space<hbm>> -> memref<16x2048xf32, #tpu.memory_space<hbm>>
    tpu.enqueue_dma source(%dma_start3A_622 : memref<16x2048xf32, #tpu.memory_space<hbm>>) target(%arg13 : memref<16x2048xf32, #tpu.memory_space<vmem>>) target_semaphore(%arg16 : memref<!tpu.dma_semaphore, #tpu.memory_space<semaphore_mem>>)
    %dma_wait3A_623 = arith.constant 0 : i32
    %dma_wait3A_624 = tpu.memref_slice %arg6[%add3A_618, %dma_wait3A_623] : memref<4608x2048xf32, #tpu.memory_space<hbm>> -> memref<16x2048xf32, #tpu.memory_space<hbm>>
    %dma_wait3A_625 = arith.constant 0 : i32
    %dma_wait3A_626 = tpu.memref_slice %arg6[%add3A_618, %dma_wait3A_625] : memref<4608x2048xf32, #tpu.memory_space<hbm>> -> memref<16x2048xf32, #tpu.memory_space<hbm>>
    tpu.wait_dma2 semaphore(%arg16 : memref<!tpu.dma_semaphore, #tpu.memory_space<semaphore_mem>>) src(%dma_wait3A_626 : memref<16x2048xf32, #tpu.memory_space<hbm>>) dst(%arg13 : memref<16x2048xf32, #tpu.memory_space<vmem>>)
    %dma_start3A_627 = arith.constant 7 : i32
    %dma_start3A_628 = arith.constant 0 : i32
    %dma_start3A_629 = tpu.memref_slice %arg10[%dma_start3A_627, %dma_start3A_628] : memref<9x16xi32, #tpu.memory_space<vmem>> -> memref<1x16xi32, #tpu.memory_space<vmem>>
    %dma_start3A_630 = tpu.memref_squeeze %dma_start3A_629 : memref<1x16xi32, #tpu.memory_space<vmem>> -> memref<16xi32, #tpu.memory_space<vmem>>
    %dma_start3A_631 = arith.constant 0 : i32
    %dma_start3A_632 = arith.constant 0 : i32
    %dma_start3A_633 = tpu.memref_slice %arg7[%dma_start3A_631, %dma_start3A_632] : memref<12792x2048xf32, #tpu.memory_space<hbm>> -> memref<12792x2048xf32, #tpu.memory_space<hbm>>
    tpu.enqueue_indirect_dma source(%arg13 : memref<16x2048xf32, #tpu.memory_space<vmem>>) target(%dma_start3A_633 : memref<12792x2048xf32, #tpu.memory_space<hbm>>) offsets(%dma_start3A_630 : memref<16xi32, #tpu.memory_space<vmem>>) semaphore(%arg19 : memref<!tpu.dma_semaphore, #tpu.memory_space<semaphore_mem>>)
    %dma_wait3A_634 = arith.constant 5 : i32
    %dma_wait3A_635 = arith.constant 0 : i32
    %dma_wait3A_636 = tpu.memref_slice %arg10[%dma_wait3A_634, %dma_wait3A_635] : memref<9x16xi32, #tpu.memory_space<vmem>> -> memref<1x16xi32, #tpu.memory_space<vmem>>
    %dma_wait3A_637 = tpu.memref_squeeze %dma_wait3A_636 : memref<1x16xi32, #tpu.memory_space<vmem>> -> memref<16xi32, #tpu.memory_space<vmem>>
    %dma_wait3A_638 = arith.constant 0 : i32
    %dma_wait3A_639 = arith.constant 0 : i32
    %dma_wait3A_640 = tpu.memref_slice %arg7[%dma_wait3A_638, %dma_wait3A_639] : memref<12792x2048xf32, #tpu.memory_space<hbm>> -> memref<12792x2048xf32, #tpu.memory_space<hbm>>
    tpu.wait_indirect_dma semaphore(%arg17 : memref<!tpu.dma_semaphore, #tpu.memory_space<semaphore_mem>>) src(%arg11 : memref<16x2048xf32, #tpu.memory_space<vmem>>) dst(%dma_wait3A_640 : memref<12792x2048xf32, #tpu.memory_space<hbm>>)
    %mul3A_641 = arith.constant 144 : i32
    %mul3A_642 = arith.muli %add3A, %mul3A_641 : i32
    %add3A_643 = arith.constant 128 : i32
    %add3A_644 = arith.addi %mul3A_642, %add3A_643 : i32
    %dma_start3A_645 = arith.constant 0 : i32
    %dma_start3A_646 = tpu.memref_slice %arg6[%add3A_644, %dma_start3A_645] : memref<4608x2048xf32, #tpu.memory_space<hbm>> -> memref<16x2048xf32, #tpu.memory_space<hbm>>
    %dma_start3A_647 = arith.constant 0 : i32
    %dma_start3A_648 = tpu.memref_slice %arg6[%add3A_644, %dma_start3A_647] : memref<4608x2048xf32, #tpu.memory_space<hbm>> -> memref<16x2048xf32, #tpu.memory_space<hbm>>
    tpu.enqueue_dma source(%dma_start3A_648 : memref<16x2048xf32, #tpu.memory_space<hbm>>) target(%arg11 : memref<16x2048xf32, #tpu.memory_space<vmem>>) target_semaphore(%arg14 : memref<!tpu.dma_semaphore, #tpu.memory_space<semaphore_mem>>)
    %dma_wait3A_649 = arith.constant 0 : i32
    %dma_wait3A_650 = tpu.memref_slice %arg6[%add3A_644, %dma_wait3A_649] : memref<4608x2048xf32, #tpu.memory_space<hbm>> -> memref<16x2048xf32, #tpu.memory_space<hbm>>
    %dma_wait3A_651 = arith.constant 0 : i32
    %dma_wait3A_652 = tpu.memref_slice %arg6[%add3A_644, %dma_wait3A_651] : memref<4608x2048xf32, #tpu.memory_space<hbm>> -> memref<16x2048xf32, #tpu.memory_space<hbm>>
    tpu.wait_dma2 semaphore(%arg14 : memref<!tpu.dma_semaphore, #tpu.memory_space<semaphore_mem>>) src(%dma_wait3A_652 : memref<16x2048xf32, #tpu.memory_space<hbm>>) dst(%arg11 : memref<16x2048xf32, #tpu.memory_space<vmem>>)
    %dma_start3A_653 = arith.constant 8 : i32
    %dma_start3A_654 = arith.constant 0 : i32
    %dma_start3A_655 = tpu.memref_slice %arg10[%dma_start3A_653, %dma_start3A_654] : memref<9x16xi32, #tpu.memory_space<vmem>> -> memref<1x16xi32, #tpu.memory_space<vmem>>
    %dma_start3A_656 = tpu.memref_squeeze %dma_start3A_655 : memref<1x16xi32, #tpu.memory_space<vmem>> -> memref<16xi32, #tpu.memory_space<vmem>>
    %dma_start3A_657 = arith.constant 0 : i32
    %dma_start3A_658 = arith.constant 0 : i32
    %dma_start3A_659 = tpu.memref_slice %arg7[%dma_start3A_657, %dma_start3A_658] : memref<12792x2048xf32, #tpu.memory_space<hbm>> -> memref<12792x2048xf32, #tpu.memory_space<hbm>>
    tpu.enqueue_indirect_dma source(%arg11 : memref<16x2048xf32, #tpu.memory_space<vmem>>) target(%dma_start3A_659 : memref<12792x2048xf32, #tpu.memory_space<hbm>>) offsets(%dma_start3A_656 : memref<16xi32, #tpu.memory_space<vmem>>) semaphore(%arg17 : memref<!tpu.dma_semaphore, #tpu.memory_space<semaphore_mem>>)
    %dma_wait3A_660 = arith.constant 6 : i32
    %dma_wait3A_661 = arith.constant 0 : i32
    %dma_wait3A_662 = tpu.memref_slice %arg10[%dma_wait3A_660, %dma_wait3A_661] : memref<9x16xi32, #tpu.memory_space<vmem>> -> memref<1x16xi32, #tpu.memory_space<vmem>>
    %dma_wait3A_663 = tpu.memref_squeeze %dma_wait3A_662 : memref<1x16xi32, #tpu.memory_space<vmem>> -> memref<16xi32, #tpu.memory_space<vmem>>
    %dma_wait3A_664 = arith.constant 0 : i32
    %dma_wait3A_665 = arith.constant 0 : i32
    %dma_wait3A_666 = tpu.memref_slice %arg7[%dma_wait3A_664, %dma_wait3A_665] : memref<12792x2048xf32, #tpu.memory_space<hbm>> -> memref<12792x2048xf32, #tpu.memory_space<hbm>>
    tpu.wait_indirect_dma semaphore(%arg18 : memref<!tpu.dma_semaphore, #tpu.memory_space<semaphore_mem>>) src(%arg12 : memref<16x2048xf32, #tpu.memory_space<vmem>>) dst(%dma_wait3A_666 : memref<12792x2048xf32, #tpu.memory_space<hbm>>)
    %dma_wait3A_667 = arith.constant 7 : i32
    %dma_wait3A_668 = arith.constant 0 : i32
    %dma_wait3A_669 = tpu.memref_slice %arg10[%dma_wait3A_667, %dma_wait3A_668] : memref<9x16xi32, #tpu.memory_space<vmem>> -> memref<1x16xi32, #tpu.memory_space<vmem>>
    %dma_wait3A_670 = tpu.memref_squeeze %dma_wait3A_669 : memref<1x16xi32, #tpu.memory_space<vmem>> -> memref<16xi32, #tpu.memory_space<vmem>>
    %dma_wait3A_671 = arith.constant 0 : i32
    %dma_wait3A_672 = arith.constant 0 : i32
    %dma_wait3A_673 = tpu.memref_slice %arg7[%dma_wait3A_671, %dma_wait3A_672] : memref<12792x2048xf32, #tpu.memory_space<hbm>> -> memref<12792x2048xf32, #tpu.memory_space<hbm>>
    tpu.wait_indirect_dma semaphore(%arg19 : memref<!tpu.dma_semaphore, #tpu.memory_space<semaphore_mem>>) src(%arg13 : memref<16x2048xf32, #tpu.memory_space<vmem>>) dst(%dma_wait3A_673 : memref<12792x2048xf32, #tpu.memory_space<hbm>>)
    %dma_wait3A_674 = arith.constant 8 : i32
    %dma_wait3A_675 = arith.constant 0 : i32
    %dma_wait3A_676 = tpu.memref_slice %arg10[%dma_wait3A_674, %dma_wait3A_675] : memref<9x16xi32, #tpu.memory_space<vmem>> -> memref<1x16xi32, #tpu.memory_space<vmem>>
    %dma_wait3A_677 = tpu.memref_squeeze %dma_wait3A_676 : memref<1x16xi32, #tpu.memory_space<vmem>> -> memref<16xi32, #tpu.memory_space<vmem>>
    %dma_wait3A_678 = arith.constant 0 : i32
    %dma_wait3A_679 = arith.constant 0 : i32
    %dma_wait3A_680 = tpu.memref_slice %arg7[%dma_wait3A_678, %dma_wait3A_679] : memref<12792x2048xf32, #tpu.memory_space<hbm>> -> memref<12792x2048xf32, #tpu.memory_space<hbm>>
    tpu.wait_indirect_dma semaphore(%arg17 : memref<!tpu.dma_semaphore, #tpu.memory_space<semaphore_mem>>) src(%arg11 : memref<16x2048xf32, #tpu.memory_space<vmem>>) dst(%dma_wait3A_680 : memref<12792x2048xf32, #tpu.memory_space<hbm>>)
    return
  }
}

module attributes {stable_mosaic.version = 14 : i64} {
  func.func @_mm_body(%arg0: i32, %arg1: memref<576x588xf32, #tpu.memory_space<vmem>>, %arg2: memref<588x2048xf32, #tpu.memory_space<vmem>>, %arg3: memref<1x2048xf32, #tpu.memory_space<vmem>>, %arg4: memref<32x16x16xi32, #tpu.memory_space<vmem>>, %arg5: memref<32x16x16xi32, #tpu.memory_space<vmem>>, %arg6: memref<32x9x16xi32, #tpu.memory_space<vmem>>, %arg7: memref<1x576x2048xf32, #tpu.memory_space<vmem>>, %arg8: memref<32x16x16xi32, #tpu.memory_space<vmem>>, %arg9: memref<32x16x16xi32, #tpu.memory_space<vmem>>, %arg10: memref<32x9x16xi32, #tpu.memory_space<vmem>>) attributes {dimension_semantics = [#tpu.dimension_semantics<arbitrary>], iteration_bounds = array<i64: 8>, scalar_prefetch = 0 : i64, scratch_operands = 0 : i64, tpu.core_type = #tpu.core_type<tc>, window_params = [{transform_indices = @transform_0, window_bounds = array<i64: 576, 588>}, {pipeline_mode = #tpu.pipeline_mode<synchronous>, transform_indices = @transform_1, window_bounds = array<i64: 588, 2048>}, {pipeline_mode = #tpu.pipeline_mode<synchronous>, transform_indices = @transform_2, window_bounds = array<i64: 1, 2048>}, {pipeline_mode = #tpu.pipeline_mode<synchronous>, transform_indices = @transform_3, window_bounds = array<i64: 32, 16, 16>}, {pipeline_mode = #tpu.pipeline_mode<synchronous>, transform_indices = @transform_4, window_bounds = array<i64: 32, 16, 16>}, {pipeline_mode = #tpu.pipeline_mode<synchronous>, transform_indices = @transform_5, window_bounds = array<i64: 32, 9, 16>}, {transform_indices = @transform_6, window_bounds = array<i64: 1, 576, 2048>}, {pipeline_mode = #tpu.pipeline_mode<synchronous>, transform_indices = @transform_7, window_bounds = array<i64: 32, 16, 16>}, {pipeline_mode = #tpu.pipeline_mode<synchronous>, transform_indices = @transform_8, window_bounds = array<i64: 32, 16, 16>}, {pipeline_mode = #tpu.pipeline_mode<synchronous>, transform_indices = @transform_9, window_bounds = array<i64: 32, 9, 16>}]} {
    %get3A = arith.constant 0 : index
    %get3A_0 = arith.constant 0 : index
    %get3A_1 = vector.load %arg1[%get3A, %get3A_0] : memref<576x588xf32, #tpu.memory_space<vmem>>, vector<576x588xf32>
    %get3A_2 = arith.constant 0 : index
    %get3A_3 = arith.constant 0 : index
    %get3A_4 = vector.load %arg2[%get3A_2, %get3A_3] : memref<588x2048xf32, #tpu.memory_space<vmem>>, vector<588x2048xf32>
    %dot_general3A = arith.constant dense<0.000000e+00> : vector<576x2048xf32>
    %dot_general3A_5 = tpu.matmul %get3A_1, %get3A_4, %dot_general3A {dimension_numbers = #tpu.dot_dimension_numbers<[1], [0], [0], [1], [0, 0, 1, 1], [], []>, transpose_lhs_hint = false} : vector<576x588xf32>, vector<588x2048xf32>, vector<576x2048xf32> -> vector<576x2048xf32>
    %get3A_6 = arith.constant 0 : index
    %get3A_7 = arith.constant 0 : index
    %get3A_8 = vector.load %arg3[%get3A_6, %get3A_7] : memref<1x2048xf32, #tpu.memory_space<vmem>>, vector<1x2048xf32>
    %add3A = vector.broadcast %get3A_8 : vector<1x2048xf32> to vector<576x2048xf32>
    %add3A_9 = arith.addf %dot_general3A_5, %add3A : vector<576x2048xf32>
    %swap3A = arith.constant 0 : index
    %swap3A_10 = arith.constant 0 : index
    %swap3A_11 = arith.constant 0 : index
    %swap3A_12 = vector.load %arg7[%swap3A, %swap3A_10, %swap3A_11] : memref<1x576x2048xf32, #tpu.memory_space<vmem>>, vector<1x576x2048xf32>
    %swap3A_13 = vector.shape_cast %swap3A_12 : vector<1x576x2048xf32> to vector<576x2048xf32>
    %swap3A_14 = vector.shape_cast %add3A_9 : vector<576x2048xf32> to vector<1x576x2048xf32>
    tpu.vector_store %arg7[%swap3A, %swap3A_10, %swap3A_11], %swap3A_14 {strides = array<i32>} : memref<1x576x2048xf32, #tpu.memory_space<vmem>>, vector<1x576x2048xf32>,
    %eq3A = arith.constant 0 : i32
    %eq3A_15 = arith.cmpi eq, %arg0, %eq3A : i32
    %convert_element_type3A = arith.extui %eq3A_15 : i1 to i32
    %cond3A = arith.constant 0 : i32
    %cond3A_16 = arith.cmpi ne, %convert_element_type3A, %cond3A : i32
    scf.if %cond3A_16 {
      %get3A_17 = arith.constant 0 : index
      %get3A_18 = arith.constant 0 : index
      %get3A_19 = arith.constant 0 : index
      %get3A_20 = vector.load %arg4[%get3A_17, %get3A_18, %get3A_19] : memref<32x16x16xi32, #tpu.memory_space<vmem>>, vector<32x16x16xi32>
      %swap3A_21 = arith.constant 0 : index
      %swap3A_22 = arith.constant 0 : index
      %swap3A_23 = arith.constant 0 : index
      %swap3A_24 = vector.load %arg8[%swap3A_21, %swap3A_22, %swap3A_23] : memref<32x16x16xi32, #tpu.memory_space<vmem>>, vector<32x16x16xi32>
      tpu.vector_store %arg8[%swap3A_21, %swap3A_22, %swap3A_23], %get3A_20 {strides = array<i32>} : memref<32x16x16xi32, #tpu.memory_space<vmem>>, vector<32x16x16xi32>,
      %get3A_25 = arith.constant 0 : index
      %get3A_26 = arith.constant 0 : index
      %get3A_27 = arith.constant 0 : index
      %get3A_28 = vector.load %arg5[%get3A_25, %get3A_26, %get3A_27] : memref<32x16x16xi32, #tpu.memory_space<vmem>>, vector<32x16x16xi32>
      %swap3A_29 = arith.constant 0 : index
      %swap3A_30 = arith.constant 0 : index
      %swap3A_31 = arith.constant 0 : index
      %swap3A_32 = vector.load %arg9[%swap3A_29, %swap3A_30, %swap3A_31] : memref<32x16x16xi32, #tpu.memory_space<vmem>>, vector<32x16x16xi32>
      tpu.vector_store %arg9[%swap3A_29, %swap3A_30, %swap3A_31], %get3A_28 {strides = array<i32>} : memref<32x16x16xi32, #tpu.memory_space<vmem>>, vector<32x16x16xi32>,
      %get3A_33 = arith.constant 0 : index
      %get3A_34 = arith.constant 0 : index
      %get3A_35 = arith.constant 0 : index
      %get3A_36 = vector.load %arg6[%get3A_33, %get3A_34, %get3A_35] : memref<32x9x16xi32, #tpu.memory_space<vmem>>, vector<32x9x16xi32>
      %swap3A_37 = arith.constant 0 : index
      %swap3A_38 = arith.constant 0 : index
      %swap3A_39 = arith.constant 0 : index
      %swap3A_40 = vector.load %arg10[%swap3A_37, %swap3A_38, %swap3A_39] : memref<32x9x16xi32, #tpu.memory_space<vmem>>, vector<32x9x16xi32>
      tpu.vector_store %arg10[%swap3A_37, %swap3A_38, %swap3A_39], %get3A_36 {strides = array<i32>} : memref<32x9x16xi32, #tpu.memory_space<vmem>>, vector<32x9x16xi32>,
    } else {
    }
    return
  }
  func.func @transform_0(%arg0: i32) -> (i32, i32) {
    %c0_i32 = arith.constant 0 : i32
    %c0_i32_0 = arith.constant 0 : i32
    return %arg0, %c0_i32 : i32, i32
  }
  func.func @transform_1(%arg0: i32) -> (i32, i32) {
    %c0_i32 = arith.constant 0 : i32
    %c0_i32_0 = arith.constant 0 : i32
    %c0_i32_1 = arith.constant 0 : i32
    return %c0_i32, %c0_i32_0 : i32, i32
  }
  func.func @transform_2(%arg0: i32) -> (i32, i32) {
    %c0_i32 = arith.constant 0 : i32
    %c0_i32_0 = arith.constant 0 : i32
    %c0_i32_1 = arith.constant 0 : i32
    return %c0_i32, %c0_i32_0 : i32, i32
  }
  func.func @transform_3(%arg0: i32) -> (i32, i32, i32) {
    %c0_i32 = arith.constant 0 : i32
    %c0_i32_0 = arith.constant 0 : i32
    %c0_i32_1 = arith.constant 0 : i32
    %c0_i32_2 = arith.constant 0 : i32
    return %c0_i32, %c0_i32_0, %c0_i32_1 : i32, i32, i32
  }
  func.func @transform_4(%arg0: i32) -> (i32, i32, i32) {
    %c0_i32 = arith.constant 0 : i32
    %c0_i32_0 = arith.constant 0 : i32
    %c0_i32_1 = arith.constant 0 : i32
    %c0_i32_2 = arith.constant 0 : i32
    return %c0_i32, %c0_i32_0, %c0_i32_1 : i32, i32, i32
  }
  func.func @transform_5(%arg0: i32) -> (i32, i32, i32) {
    %c0_i32 = arith.constant 0 : i32
    %c0_i32_0 = arith.constant 0 : i32
    %c0_i32_1 = arith.constant 0 : i32
    %c0_i32_2 = arith.constant 0 : i32
    return %c0_i32, %c0_i32_0, %c0_i32_1 : i32, i32, i32
  }
  func.func @transform_6(%arg0: i32) -> (i32, i32, i32) {
    %c0_i32 = arith.constant 0 : i32
    %c0_i32_0 = arith.constant 0 : i32
    %c0_i32_1 = arith.constant 0 : i32
    return %arg0, %c0_i32, %c0_i32_0 : i32, i32, i32
  }
  func.func @transform_7(%arg0: i32) -> (i32, i32, i32) {
    %c0_i32 = arith.constant 0 : i32
    %c0_i32_0 = arith.constant 0 : i32
    %c0_i32_1 = arith.constant 0 : i32
    %c0_i32_2 = arith.constant 0 : i32
    return %c0_i32, %c0_i32_0, %c0_i32_1 : i32, i32, i32
  }
  func.func @transform_8(%arg0: i32) -> (i32, i32, i32) {
    %c0_i32 = arith.constant 0 : i32
    %c0_i32_0 = arith.constant 0 : i32
    %c0_i32_1 = arith.constant 0 : i32
    %c0_i32_2 = arith.constant 0 : i32
    return %c0_i32, %c0_i32_0, %c0_i32_1 : i32, i32, i32
  }
  func.func @transform_9(%arg0: i32) -> (i32, i32, i32) {
    %c0_i32 = arith.constant 0 : i32
    %c0_i32_0 = arith.constant 0 : i32
    %c0_i32_1 = arith.constant 0 : i32
    %c0_i32_2 = arith.constant 0 : i32
    return %c0_i32, %c0_i32_0, %c0_i32_1 : i32, i32, i32
  }
}

</mosaic_0001>

<sc_bundles>
// kernel: kernel.4.cloned.1.call-start
scs
__scs_entry_jumppad:
0x0: {  	(pc) =	sbr.rel $0x88, $3  }
0x1: {  	(tag) =	ssettag $0x0;
	lr =	simm.s32 $0x1  }
0x2: {  	[smem:$0x3F9B] =	sst lr;
	_ =	strace $0xD0000000  }
0x3: {  	_ = 	snop  }
0x4: {  	_ = 	snop  }
0x5: {  	_ = 	snop  }
0x6: {  	_ = 	snop  }
0x7: {  	_ = 	snop  }
__scs_overlays_trampoline_lowered:
0x8: {  	[smem:$0x3FAA] =	sst s0  }
0x9: {  	[smem:$0x3FAB] =	sst s1  }
0xa: {  	[smem:$0x3FAC] =	sst s2  }
0xb: {  	[smem:$0x3FAD] =	sst s3  }
0xc: {  	[smem:$0x3FAE] =	sst s4  }
0xd: {  	[smem:$0x3FAF] =	sst s5  }
0xe: {  	[smem:$0x3FB0] =	sst s6  }
0xf: {  	[smem:$0x3FB1] =	sst s7  }
0x10: {  	[smem:$0x3FB2] =	sst s8  }
0x11: {  	[smem:$0x3FB3] =	sst s9;
	s0 =	simm.s32 @!p0 $0x0  }
0x12: {  	s1 =	sld [smem:$0x3F99];
	s0 =	simm.s32 @p0 $0x1  }
0x13: {  	[smem:$0x3FB4] =	sst s0;
	s0 =	simm.s32 @!p1 $0x0  }
0x14: {  	s2 =	sld [smem:$0x3F98];
	s0 =	simm.s32 @p1 $0x1  }
0x15: {  	[smem:$0x3FB5] =	sst s0;
	s0 =	simm.s32 @!p2 $0x0  }
0x16: {  	s3 =	sld [smem:$0x3FDB];
	s0 =	simm.s32 @p2 $0x1  }
0x17: {  	s4 =	simm.s32 $0x1BF5;
	[smem:$0x3FB7] =	sst s0  }
0x18: {  	s0 =	sld [smem:$0x3F9A];
	_ =	swait.ge [sflag:s4], $0x0  }
0x19: {  	s7 =	sld [smem:$0x3F9B]  }
0x1a: {  	s8 =	sadd.s32 $0xFFFFE003, lr  }
0x1b: {  	s9 =	sadd.s32 $0xFFFFFEF7, lr;
	s5 =	simm.s32 $0xFFFFFFFF;
	p2 =	slt.u32 s8, $0xFFFFF086  }
0x1c: {  	p1 =	slt.u32 s9, $0xF7A;
	s5 =	simm.s32 @!p2 $0x0  }
0x1d: {  	s5 =	simm.s32 @p1 $0x1;
	p0 =	seq.s32 s7, s2  }
0x1e: {  	s7 =	smul.u32 @!p0 $0xF7A, s2;
	p2 =	seq.s32 @!p0 s5, $0x0  }
0x1f: {  	s9 =	smul.u32 $0xF7A, s1;
	s8 =	simm.s32 @!p0 $0x1BF5;
	p2 =	por !p2, p0  }
0x20: {  	[sflag:s8] =	ssyncset.s32 @!p0 $0xFFFFF086;
	s6 =	sadd.s32 @!p0 s3, s7;
	s7 =	simm.s32 @!p0 $0x108  }
0x21: {  	s3 =	sadd.s32 s3, s9;
	s6 =	sadd.s32 @!p0 $0x88, s6;
	s7 =	simm.s32 @p2 $0x1082  }
0x22: {  	[simem:s7], [sflag:s8] =	dma.local @!p0 [hbm:s6], $0xF7A  }
0x23: {  	s9 =	sor.u32 $0xD0000000, s2;
	s6 =	simm.s32 $0x108;
	_ =	swait.ge @!p0 [sflag:s8], $0x0  }
0x24: {  	s3 =	sadd.s32 $0x88, s3;
	s6 =	simm.s32 @!p1 $0x1082;
	[sflag:s4] =	ssyncset.s32 $0xFFFFF086  }
0x25: {  	[simem:s6], [sflag:s4] =	dma.local [hbm:s3], $0xF7A  }
0x26: {  	[smem:$0x3F9B] =	sst s1;
	(tag) =	ssettag s2;
	_ =	strace s9  }
0x27: {  	s1 =	sld [smem:$0x3FAB]  }
0x28: {  	s2 =	sld [smem:$0x3FAC]  }
0x29: {  	s4 =	sld [smem:$0x3FAE]  }
0x2a: {  	p0 =	seq.s32 s5, $0x0;
	s5 =	sld [smem:$0x3FAF]  }
0x2b: {  	s6 =	sld [smem:$0x3FB0]  }
0x2c: {  	s7 =	sld [smem:$0x3FB1]  }
0x2d: {  	s3 =	simm.s32 $0x108;
	s8 =	sld [smem:$0x3FB2]  }
0x2e: {  	s3 =	simm.s32 @!p0 $0x1082;
	s9 =	sld [smem:$0x3FB3]  }
0x2f: {  	lr =	sadd.s32 s0, s3;
	s0 =	sld [smem:$0x3FAA]  }
0x30: {  	s3 =	sld [smem:$0x3FAD]  }
0x31: {  	[smem:$0x3FB6] =	sst s10  }
0x32: {  	s10 =	sld [smem:$0x3FB4];
	_ =	sdelay $0x3  }
0x33: {  	p0 =	seq.s32 s10, $0x1;
	s10 =	sld [smem:$0x3FB6];
	_ =	sdelay $0x3  }
0x34: {  	[smem:$0x3FB6] =	sst s10  }
0x35: {  	s10 =	sld [smem:$0x3FB5];
	_ =	sdelay $0x3  }
0x36: {  	p1 =	seq.s32 s10, $0x1;
	s10 =	sld [smem:$0x3FB6];
	_ =	sdelay $0x3  }
0x37: {  	[smem:$0x3FB6] =	sst s10  }
0x38: {  	s10 =	sld [smem:$0x3FB7]  }
0x39: {  	_ = 	snop;
	(pc) =	sbr.ind lr, $3  }
0x3a: {  	_ = 	snop  }
0x3b: {  	_ = 	snop  }
0x3c: {  	p2 =	seq.s32 s10, $0x1;
	s10 =	sld [smem:$0x3FB6]  }
0x3d: {  	_ =	shalt  }
0x3e: {  	_ =	shalt  }
0x3f: {  	_ =	shalt  }
0x40: {  	_ =	shalt  }
0x41: {  	_ =	shalt  }
0x42: {  	_ =	shalt  }
0x43: {  	_ =	shalt  }
0x44: {  	_ =	shalt  }
0x45: {  	_ =	shalt  }
0x46: {  	_ =	shalt  }
0x47: {  	_ =	shalt  }
0x48: {  	_ =	shalt  }
0x49: {  	_ =	shalt  }
0x4a: {  	_ =	shalt  }
0x4b: {  	_ =	shalt  }
0x4c: {  	_ =	shalt  }
0x4d: {  	_ =	shalt  }
0x4e: {  	_ =	shalt  }
0x4f: {  	_ =	shalt  }
0x50: {  	_ =	shalt  }
0x51: {  	_ =	shalt  }
0x52: {  	_ =	shalt  }
0x53: {  	_ =	shalt  }
0x54: {  	_ =	shalt  }
0x55: {  	_ =	shalt  }
0x56: {  	_ =	shalt  }
0x57: {  	_ =	shalt  }
0x58: {  	_ =	shalt  }
0x59: {  	_ =	shalt  }
0x5a: {  	_ =	shalt  }
0x5b: {  	_ =	shalt  }
0x5c: {  	_ =	shalt  }
0x5d: {  	_ =	shalt  }
0x5e: {  	_ =	shalt  }
0x5f: {  	_ =	shalt  }
0x60: {  	_ =	shalt  }
0x61: {  	_ =	shalt  }
0x62: {  	_ =	shalt  }
0x63: {  	_ =	shalt  }
0x64: {  	_ =	shalt  }
0x65: {  	_ =	shalt  }
0x66: {  	_ =	shalt  }
0x67: {  	_ =	shalt  }
0x68: {  	_ =	shalt  }
0x69: {  	_ =	shalt  }
0x6a: {  	_ =	shalt  }
0x6b: {  	_ =	shalt  }
0x6c: {  	_ =	shalt  }
0x6d: {  	_ =	shalt  }
0x6e: {  	_ =	shalt  }
0x6f: {  	_ =	shalt  }
0x70: {  	_ =	shalt  }
0x71: {  	_ =	shalt  }
0x72: {  	_ =	shalt  }
0x73: {  	_ =	shalt  }
0x74: {  	_ =	shalt  }
0x75: {  	_ =	shalt  }
0x76: {  	_ =	shalt  }
0x77: {  	_ =	shalt  }
0x78: {  	_ =	shalt  }
0x79: {  	_ =	shalt  }
0x7a: {  	_ =	shalt  }
0x7b: {  	_ =	shalt  }
0x7c: {  	_ =	shalt  }
0x7d: {  	_ =	shalt  }
0x7e: {  	_ =	shalt  }
0x7f: {  	_ =	shalt  }
0x80: {  	_ =	shalt  }
0x81: {  	_ =	shalt  }
0x82: {  	_ =	shalt  }
0x83: {  	_ =	shalt  }
0x84: {  	_ =	shalt  }
0x85: {  	_ =	shalt  }
0x86: {  	_ =	shalt  }
0x87: {  	_ =	shalt  }
.Lfunc_end0:
.L_simem_size_0:
called_computation.1_lowered:
.L_overlay_start_0:
0x88: {  	s2 =	sld [smem:$0x3FD9]  }
0x89: {  	s3 =	sld [smem:$0x3FFE];
	_ =	sdelay $0x1  }
0x8a: {  	s1 =	srdreg.scid  }
0x8b: {  	s0 =	sand.u32 $0x1, s1  }
0x8c: {  	s14 =	sshll.u32 s0, $0xA;
	s2 =	sadd.s32 s3, s2  }
0x8d: {  	s2 =	sadd.s32 s2, s14  }
0x8e: {  	[smem:$0x3FC2] =	sst s2  }
0x8f: {  	_ = 	snop  }
0x90: {  	s2 =	sld [smem:$0x3FD0];
	_ =	sdelay $0x2  }
0x91: {  	s4 =	simm.s32 $0xA;
	s5 =	simm.s32 $0x10;
	s15 =	sld [smem:$0x3FC6]  }
0x92: {  	[smem:s5], [sflag:s4] =	dma.local [hbm:s2], $0x1  }
0x93: {  	_ =	swait.eq [sflag:s4], $0x1  }
0x94: {  	[sflag:s4] =	ssyncset.done $0x0  }
0x95: {  	s16 =	sld [smem:$0x13];
	[sflag:s4] =	ssyncadd.s32 $0xFFFFFFFF  }
0x96: {  	s17 =	sld [smem:$0x15];
	(tm) =	ssettm $0x1  }
0x97: {  	s18 =	sld [smem:$0x3FFB];
	_ =	sdelay $0x3  }
0x98: {  	_ =	strace s18  }
0x99: {  	s5 =	sld [smem:$0x3FFC];
	_ =	sdelay $0x3  }
0x9a: {  	_ =	strace s5  }
0x9b: {  	s5 =	sld [smem:$0x3FFD];
	_ =	sdelay $0x3  }
0x9c: {  	_ =	strace s5  }
0x9d: {  	_ =	strace $0x8FFFFFFF  }
0x9e: {  	s19 =	sld [smem:$0x3FDB];
	_ =	sdelay $0x1  }
0x9f: {  	s6 =	simm.s32 $_scs_section_size  }
0xa0: {  	s7 =	simm.s32 $_size__tile_overlayer_lowered;
	s8 =	simm.s32 $_tile_overlayer_lowered  }
0xa1: {  	s22 =	simm.s32 $0x1BFF;
	s21 =	sshll.u32 s8, $0x1;
	s5 =	sadd.s32 s6, s19  }
0xa2: {  	s9 =	simm.s32 $0x0;
	s20 =	sshll.u32 s7, $0x1;
	s7 =	sadd.s32 s21, s5  }
0xa3: {  	[timem:s9], [sflag:s22] =	dma.local [hbm:s7], s20  }
0xa4: {  	_ =	swait.ge [sflag:s22], s20  }
0xa5: {  	s6 =	ssub.s32 $0x0, s20;
	[sflag:s22] =	ssyncset.done $0x0  }
0xa6: {  	[sflag:s22] =	ssyncadd.s32 s6;
	_ =	sdelay $0x1  }
0xa7: {  	s23 =	simm.s32 $0x1B8B  }
0xa8: {  	_ =	swait.ge [sflag:s23], $0x1  }
0xa9: {  	[sflag:s23] =	ssyncset.done $0x0  }
0xaa: {  	s25 =	simm.s32 $0x1B8E;
	s24 =	sld [smem:$0x3FFE];
	[sflag:s23] =	ssyncadd.s32 $0xFFFFFFFF  }
0xab: {  	s26 =	simm.s32 $execute0_lowered;
	[smem:$0x3FD2] =	sst s25  }
0xac: {  	s7 =	sshll.u32 s26, $0x1;
	_ =	strace $0x80000046;
	[dreg:$0x1] =	wrdreg $0xFFFFFFFF  }
0xad: {  	s28 =	simm.s32 $_size_execute0_lowered;
	s5 =	sadd.s32 s5, s7;
	[dreg:$0x0] =	wrdreg $0x0  }
0xae: {  	s7 =	sshll.u32 s28, $0x1;
	[dreg:$0x2] =	wrdreg s5  }
0xaf: {  	[dreg:$0x3] =	wrdreg s7  }
0xb0: {  	[dreg:$0x4] =	wrdreg $0xC0  }
0xb1: {  	_ =	task [dreg:s9], $0x5FFFF  }
0xb2: {  	[dreg:$0x1] =	wrdreg $0xFFFFFFFF  }
0xb3: {  	[dreg:$0x0] =	wrdreg $0x60  }
0xb4: {  	[dreg:$0x2] =	wrdreg s24  }
0xb5: {  	[dreg:$0x3] =	wrdreg s15  }
0xb6: {  	[dreg:$0x4] =	wrdreg s17  }
0xb7: {  	[dreg:$0x5] =	wrdreg s16  }
0xb8: {  	[dreg:$0x6] =	wrdreg $0x9  }
0xb9: {  	_ =	task.clear_ibuf [dreg:s9], $0x7FFFF;
	_ =	strace $0x90000046  }
0xba: {  	s29 =	simm.s32 $0x9;
	_ =	strace $0x80000048  }
0xbb: {  	_ =	swait.ge [sflag:s29], $0x1  }
0xbc: {  	[sflag:s29] =	ssyncadd.s32 $0xFFFFFFFF  }
0xbd: {  	_ =	strace $0x90000048  }
0xbe: {  	_ =	sfence  }
0xbf: {  	s30 =	sld [smem:$0x0];
	_ =	sdelay $0x2  }
0xc0: {  	s31 =	sshll.u32 s1, $0xD;
	s1 =	sshrl.u32 s1, $0x2  }
0xc1: {  	s3 =	sand.u32 $0x4000, s31;
	s1 =	sadd.s32 s1, s30  }
0xc2: {  	s0 =	sor.u32 s3, s0;
	s1 =	sshll.u32 s1, $0x11  }
0xc3: {  	s0 =	sor.u32 s1, s0  }
0xc4: {  	s0 =	sadd.s32 $0x8F2B, s0  }
0xc5: {  	[sflag:s0] =	ssyncadd.remote.s32 $0x1  }
0xc6: {  	_ =	sfence.sel $0xFFFF  }
0xc7: {  	[dreg:$0x0] =	wrdreg $0xFFFFFFFF;
	(pc) =	sbr.abs _section_cstart, $3  }
0xc8: {  	[dreg:$0x1] =	wrdreg $0xFFFFFFFF  }
0xc9: {  	_ =	task.clear_ibuf [dreg:s9], $0x2FFFF;
	_ =	strace $0x9FFFFFFF  }
0xca: {  	(tm) =	ssettm $0x7FFFFFFF  }
0xcb: {  	_ =	shalt  }
tec
execute0_lowered:
.L_overlay_start_1:
0x0: {  	(tag) =	ssettag $0x1  }
0x1: {  	s0 =	rddreg [dreg:$0x0]  }
0x2: {  	s1 =	rddreg [dreg:$0x1]  }
0x3: {  	s2 =	srdreg.scid;
	s3 =	stileid.u32  }
0x4: {  	s9 =	rddreg [dreg:$0x2];
	s2 =	sand.u32 $0x1, s2;
	s4 =	sshll.u32 s3, $0x1  }
0x5: {  	s11 =	rddreg [dreg:$0x3];
	s6 =	sor.u32 s2, s4;
	s4 =	simm.s32 $0x0  }
0x6: {  	s14 =	sadd.s32 $0x100, s1;
	[smem:$0x7FF] =	sst s4  }
0x7: {  	s16 =	sadd.s32 $0x200, s1;
	_ =	strace $0x80000047;
	[dreg:$0x14] =	wrdreg s14  }
0x8: {  	s17 =	sadd.s32 $0x300, s1;
	[dreg:$0x15] =	wrdreg s16  }
0x9: {  	s18 =	sadd.s32 $0x400, s1;
	[dreg:$0x16] =	wrdreg s17  }
0xa: {  	s19 =	sadd.s32 $0x500, s1;
	[dreg:$0x17] =	wrdreg s18  }
0xb: {  	s21 =	sadd.s32 $0x600, s1;
	[dreg:$0x18] =	wrdreg s19  }
0xc: {  	s30 =	simm.s32 $0x800;
	s1 =	sadd.s32 $0x700, s1;
	[dreg:$0x19] =	wrdreg s21  }
0xd: {  	s31 =	simm.s32 $0x1000;
	s5 =	sshll.u32 s6, $0x8;
	[dreg:$0x1a] =	wrdreg s1  }
0xe: {  	s2 =	ssub.s32 $0x2, s2;
	s0 =	sadd.s32 s5, s0;
	[dreg:$0x11] =	wrdreg s30  }
0xf: {  	s8 =	smul.u32 $0x48000, s6;
	[dreg:$0x12] =	wrdreg s31;
	s7 =	sadd.s32 $0x1600, s0  }
0x10: {  	s15 =	smul.u32 $0x9000, s6;
	s13 =	sadd.s32 $0x3600, s0;
	[dreg:$0x5] =	wrdreg s7  }
0x11: {  	s0 =	sadd.s32 $0x5600, s0;
	s10 =	sshrl.u32 s8, $0x3;
	[dreg:$0x6] =	wrdreg s13  }
0x12: {  	[dreg:$0x7] =	wrdreg s0;
	s0 =	sadd.s32 s9, s15;
	s17 =	sadd.s32 s9, s10  }
0x13: {  	s12 =	sshrl.u32 s2, $0x1;
	[dreg:$0x8] =	wrdreg s0;
	s20 =	sadd.s32 $0x1000, s17  }
0x14: {  	s2 =	ssub.s32 s2, s12;
	s22 =	sadd.s32 $0x2000, s17;
	[dreg:$0x9] =	wrdreg s20  }
0x15: {  	s21 =	sadd.s32 $0x100, s11;
	s23 =	sadd.s32 $0x3000, s17;
	[dreg:$0xa] =	wrdreg s22  }
0x16: {  	s14 =	sadd.s32 $0x300, s11;
	s24 =	sadd.s32 $0x4000, s17;
	[dreg:$0xb] =	wrdreg s23  }
0x17: {  	s16 =	sadd.s32 $0x500, s11;
	s25 =	sadd.s32 $0x5000, s17;
	[dreg:$0xc] =	wrdreg s24  }
0x18: {  	s18 =	sadd.s32 $0x700, s11;
	s26 =	sadd.s32 $0x6000, s17;
	[dreg:$0xd] =	wrdreg s25  }
0x19: {  	v2 =	vlaneseq.u32;
	s19 =	smax.u32 s2, $0x1;
	s28 =	sadd.s32 $0x7000, s17;
	[dreg:$0xe] =	wrdreg s26  }
0x1a: {  	vm0 =	vmmov $0xffff;
	v1 =	vshrl.u32 v2, $0x3;
	s13 =	sadd.s32 $0x200, s11;
	s29 =	sadd.s32 $0x8000, s17;
	[dreg:$0xf] =	wrdreg s28  }
0x1b: {  	v0 =	vand.u32 $0x7, v2;
	v2 =	vor.u32 $0x8, v2;
	v1 =	vmul.u32 $0x8, v1;
	s15 =	sadd.s32 $0x400, s11;
	s17 =	sadd.s32 $0x600, s11;
	[dreg:$0x10] =	wrdreg s29  }
.LBB2_1:
0x1c: {  	[dreg:$0x13] =	wrdreg s19  }
0x1d: {  	s0 =	rddreg [dreg:$0x5];
	s22 =	simm.s32 $0x7  }
0x1e: {  	[tilespmem:s4], [sflag:$0x7] =	stream.linear.gather [hbm4b:s0+s4], $0x800, $0x38;
	[tilespmem:$0x19800] =	vst v63  }
0x1f: {  	_ =	swait.ge [sflag:s22], $0x800  }
0x20: {  	s3 =	rddreg [dreg:$0x6];
	[sflag:s22] =	ssyncset.done $0x0  }
0x21: {  	s20 =	rddreg [dreg:$0x11];
	[sflag:s22] =	ssyncadd.s32 $0xFFFFF800  }
0x22: {  	[tilespmem:s20], [sflag:$0x7] =	stream.linear.gather [hbm4b:s3+s4], $0x800, $0x38;
	[tilespmem:$0x19800] =	vst v63  }
0x23: {  	_ =	swait.ge [sflag:s22], $0x800  }
0x24: {  	s5 =	rddreg [dreg:$0x7];
	[sflag:s22] =	ssyncset.done $0x0  }
0x25: {  	s6 =	rddreg [dreg:$0x12];
	[sflag:s22] =	ssyncadd.s32 $0xFFFFF800  }
0x26: {  	[tilespmem:s6], [sflag:$0x7] =	stream.linear.gather [hbm4b:s5+s4], $0x480, $0x38;
	[tilespmem:$0x19800] =	vst v63  }
0x27: {  	_ =	swait.ge [sflag:s22], $0x480  }
0x28: {  	[sflag:s22] =	ssyncset.done $0x0  }
0x29: {  	[sflag:s22] =	ssyncadd.s32 $0xFFFFFB80  }
0x2a: {  	v3 =	vld [tilespmem:$0x0];
	_ =	sdelay $0x4  }
0x2b: {  	v4 =	vshll.u32 v3, $0x4  }
0x2c: {  	v3 =	vand.u32 $0x7, v3;
	v4 =	vand.u32 $0xFFFFFF80, v4  }
0x2d: {  	v3 =	vor.u32 v3, v4  }
0x2e: {  	v4 =	vperm.xlane v3, v0;
	_ =	sdelay $0x1  }
0x2f: {  	v4 =	vadd.s32 v1, v4;
	_ =	sdelay $0x3  }
0x30: {  	s7 =	simm.s32 $0x1800;
	s19 =	rddreg [dreg:$0x1]  }
0x31: {  	[tilespmem:s7], [sflag:$0x1] =	stream.indirect_vreg.gather [hbm4b:s19+s4], $0x80, v4, vm0, $0xb8;
	[tilespmem:$0x19800] =	vst v63  }
0x32: {  	s8 =	simm.s32 $0x2000;
	s6 =	rddreg [dreg:$0x14]  }
0x33: {  	[tilespmem:s8], [sflag:$0x1] =	stream.indirect_vreg.gather [hbm4b:s6+s4], $0x80, v4, vm0, $0xb8;
	[tilespmem:$0x19800] =	vst v63  }
0x34: {  	s9 =	simm.s32 $0x2800;
	s7 =	rddreg [dreg:$0x15]  }
0x35: {  	[tilespmem:s9], [sflag:$0x1] =	stream.indirect_vreg.gather [hbm4b:s7+s4], $0x80, v4, vm0, $0xb8;
	[tilespmem:$0x19800] =	vst v63  }
0x36: {  	s10 =	simm.s32 $0x3000;
	s8 =	rddreg [dreg:$0x16]  }
0x37: {  	[tilespmem:s10], [sflag:$0x1] =	stream.indirect_vreg.gather [hbm4b:s8+s4], $0x80, v4, vm0, $0xb8;
	[tilespmem:$0x19800] =	vst v63  }
0x38: {  	s11 =	simm.s32 $0x3800;
	s9 =	rddreg [dreg:$0x17]  }
0x39: {  	[tilespmem:s11], [sflag:$0x1] =	stream.indirect_vreg.gather [hbm4b:s9+s4], $0x80, v4, vm0, $0xb8;
	[tilespmem:$0x19800] =	vst v63  }
0x3a: {  	s12 =	simm.s32 $0x4000;
	v3 =	vperm.xlane v3, v2;
	s10 =	rddreg [dreg:$0x18]  }
0x3b: {  	[tilespmem:s12], [sflag:$0x1] =	stream.indirect_vreg.gather [hbm4b:s10+s4], $0x80, v4, vm0, $0xb8;
	[tilespmem:$0x19800] =	vst v63  }
0x3c: {  	s20 =	simm.s32 $0x4800;
	v3 =	vadd.s32 v1, v3;
	s11 =	rddreg [dreg:$0x19]  }
0x3d: {  	[tilespmem:s20], [sflag:$0x1] =	stream.indirect_vreg.gather [hbm4b:s11+s4], $0x80, v4, vm0, $0xb8;
	[tilespmem:$0x19800] =	vst v63  }
0x3e: {  	s23 =	simm.s32 $0x5000;
	s12 =	rddreg [dreg:$0x1a]  }
0x3f: {  	[tilespmem:s23], [sflag:$0x1] =	stream.indirect_vreg.gather [hbm4b:s12+s4], $0x80, v4, vm0, $0xb8;
	[tilespmem:$0x19800] =	vst v63  }
0x40: {  	s24 =	simm.s32 $0x5800  }
0x41: {  	[tilespmem:s24], [sflag:$0x1] =	stream.indirect_vreg.gather [hbm4b:s19+s4], $0x80, v3, vm0, $0xb8;
	[tilespmem:$0x19800] =	vst v63  }
0x42: {  	s26 =	simm.s32 $0x6000  }
0x43: {  	[tilespmem:s26], [sflag:$0x1] =	stream.indirect_vreg.gather [hbm4b:s6+s4], $0x80, v3, vm0, $0xb8;
	[tilespmem:$0x19800] =	vst v63  }
0x44: {  	s31 =	simm.s32 $0x6800  }
0x45: {  	[tilespmem:s31], [sflag:$0x1] =	stream.indirect_vreg.gather [hbm4b:s7+s4], $0x80, v3, vm0, $0xb8;
	[tilespmem:$0x19800] =	vst v63  }
0x46: {  	s1 =	simm.s32 $0x7000  }
0x47: {  	[tilespmem:s1], [sflag:$0x1] =	stream.indirect_vreg.gather [hbm4b:s8+s4], $0x80, v3, vm0, $0xb8;
	[tilespmem:$0x19800] =	vst v63  }
0x48: {  	s20 =	simm.s32 $0x7800  }
0x49: {  	[tilespmem:s20], [sflag:$0x1] =	stream.indirect_vreg.gather [hbm4b:s9+s4], $0x80, v3, vm0, $0xb8;
	[tilespmem:$0x19800] =	vst v63  }
0x4a: {  	s23 =	simm.s32 $0x8000  }
0x4b: {  	[tilespmem:s23], [sflag:$0x1] =	stream.indirect_vreg.gather [hbm4b:s10+s4], $0x80, v3, vm0, $0xb8;
	[tilespmem:$0x19800] =	vst v63  }
0x4c: {  	s1 =	simm.s32 $0x8800  }
0x4d: {  	[tilespmem:s1], [sflag:$0x1] =	stream.indirect_vreg.gather [hbm4b:s11+s4], $0x80, v3, vm0, $0xb8;
	[tilespmem:$0x19800] =	vst v63  }
0x4e: {  	s20 =	simm.s32 $0x9000;
	s1 =	simm.s32 $0x1  }
0x4f: {  	[tilespmem:s20], [sflag:$0x1] =	stream.indirect_vreg.gather [hbm4b:s12+s4], $0x80, v3, vm0, $0xb8;
	[tilespmem:$0x19800] =	vst v63  }
0x50: {  	_ =	swait.ge [sflag:s1], $0x8000  }
0x51: {  	[sflag:s1] =	ssyncset.done $0x0  }
0x52: {  	[sflag:s1] =	ssyncadd.s32 $0xFFFF8000  }
0x53: {  	v3 =	vld [tilespmem:$0x800];
	_ =	sdelay $0x4  }
0x54: {  	v24 =	vshll.u32 v3, $0x4  }
0x55: {  	v3 =	vand.u32 $0x7, v3;
	v4 =	vand.u32 $0xFFFFFF80, v24  }
0x56: {  	v3 =	vor.u32 v3, v4  }
0x57: {  	v4 =	vperm.xlane v3, v0;
	_ =	sdelay $0x1  }
0x58: {  	v4 =	vadd.s32 v1, v4;
	_ =	sdelay $0x3  }
0x59: {  	s1 =	simm.s32 $0x1800;
	s20 =	rddreg [dreg:$0x3]  }
0x5a: {  	[hbm4b:s20+s4] =	stream.indirect_vreg.scatter [tilespmem:s1], [sflag:$0x4], $0x80, v4, vm0, $0xb8;
	[tilespmem:$0x19800] =	vst v63  }
0x5b: {  	s1 =	simm.s32 $0x2000  }
0x5c: {  	[hbm4b:s21+s4] =	stream.indirect_vreg.scatter [tilespmem:s1], [sflag:$0x4], $0x80, v4, vm0, $0xb8;
	[tilespmem:$0x19800] =	vst v63  }
0x5d: {  	s22 =	simm.s32 $0x2800  }
0x5e: {  	[hbm4b:s13+s4] =	stream.indirect_vreg.scatter [tilespmem:s22], [sflag:$0x4], $0x80, v4, vm0, $0xb8;
	[tilespmem:$0x19800] =	vst v63  }
0x5f: {  	s5 =	simm.s32 $0x3000  }
0x60: {  	[hbm4b:s14+s4] =	stream.indirect_vreg.scatter [tilespmem:s5], [sflag:$0x4], $0x80, v4, vm0, $0xb8;
	[tilespmem:$0x19800] =	vst v63  }
0x61: {  	s29 =	simm.s32 $0x3800  }
0x62: {  	[hbm4b:s15+s4] =	stream.indirect_vreg.scatter [tilespmem:s29], [sflag:$0x4], $0x80, v4, vm0, $0xb8;
	[tilespmem:$0x19800] =	vst v63  }
0x63: {  	s2 =	simm.s32 $0x4000;
	v3 =	vperm.xlane v3, v2  }
0x64: {  	[hbm4b:s16+s4] =	stream.indirect_vreg.scatter [tilespmem:s2], [sflag:$0x4], $0x80, v4, vm0, $0xb8;
	[tilespmem:$0x19800] =	vst v63  }
0x65: {  	s30 =	simm.s32 $0x4800;
	v3 =	vadd.s32 v1, v3  }
0x66: {  	[hbm4b:s17+s4] =	stream.indirect_vreg.scatter [tilespmem:s30], [sflag:$0x4], $0x80, v4, vm0, $0xb8;
	[tilespmem:$0x19800] =	vst v63  }
0x67: {  	s25 =	simm.s32 $0x5000  }
0x68: {  	[hbm4b:s18+s4] =	stream.indirect_vreg.scatter [tilespmem:s25], [sflag:$0x4], $0x80, v4, vm0, $0xb8;
	[tilespmem:$0x19800] =	vst v63  }
0x69: {  	s28 =	simm.s32 $0x5800  }
0x6a: {  	[hbm4b:s20+s4] =	stream.indirect_vreg.scatter [tilespmem:s28], [sflag:$0x4], $0x80, v3, vm0, $0xb8;
	[tilespmem:$0x19800] =	vst v63  }
0x6b: {  	s3 =	simm.s32 $0x6000  }
0x6c: {  	[hbm4b:s21+s4] =	stream.indirect_vreg.scatter [tilespmem:s3], [sflag:$0x4], $0x80, v3, vm0, $0xb8;
	[tilespmem:$0x19800] =	vst v63  }
0x6d: {  	s24 =	simm.s32 $0x6800  }
0x6e: {  	[hbm4b:s13+s4] =	stream.indirect_vreg.scatter [tilespmem:s24], [sflag:$0x4], $0x80, v3, vm0, $0xb8;
	[tilespmem:$0x19800] =	vst v63  }
0x6f: {  	s26 =	simm.s32 $0x7000  }
0x70: {  	[hbm4b:s14+s4] =	stream.indirect_vreg.scatter [tilespmem:s26], [sflag:$0x4], $0x80, v3, vm0, $0xb8;
	[tilespmem:$0x19800] =	vst v63  }
0x71: {  	s31 =	simm.s32 $0x7800  }
0x72: {  	[hbm4b:s15+s4] =	stream.indirect_vreg.scatter [tilespmem:s31], [sflag:$0x4], $0x80, v3, vm0, $0xb8;
	[tilespmem:$0x19800] =	vst v63  }
0x73: {  	s24 =	simm.s32 $0x8000  }
0x74: {  	[hbm4b:s16+s4] =	stream.indirect_vreg.scatter [tilespmem:s24], [sflag:$0x4], $0x80, v3, vm0, $0xb8;
	[tilespmem:$0x19800] =	vst v63  }
0x75: {  	s23 =	simm.s32 $0x8800  }
0x76: {  	[hbm4b:s17+s4] =	stream.indirect_vreg.scatter [tilespmem:s23], [sflag:$0x4], $0x80, v3, vm0, $0xb8;
	[tilespmem:$0x19800] =	vst v63  }
0x77: {  	s0 =	simm.s32 $0x9000  }
0x78: {  	[hbm4b:s18+s4] =	stream.indirect_vreg.scatter [tilespmem:s0], [sflag:$0x4], $0x80, v3, vm0, $0xb8;
	[tilespmem:$0x19800] =	vst v63  }
0x79: {  	v3 =	vld [tilespmem:$0x80];
	_ =	sdelay $0x4  }
0x7a: {  	v25 =	vshll.u32 v3, $0x4  }
0x7b: {  	v3 =	vand.u32 $0x7, v3;
	v4 =	vand.u32 $0xFFFFFF80, v25  }
0x7c: {  	v3 =	vor.u32 v3, v4  }
0x7d: {  	v4 =	vperm.xlane v3, v0;
	_ =	sdelay $0x1  }
0x7e: {  	v4 =	vadd.s32 v1, v4;
	_ =	sdelay $0x3  }
0x7f: {  	s25 =	simm.s32 $0x9800  }
0x80: {  	[tilespmem:s25], [sflag:$0x2] =	stream.indirect_vreg.gather [hbm4b:s19+s4], $0x80, v4, vm0, $0xb8;
	[tilespmem:$0x19800] =	vst v63  }
0x81: {  	s26 =	simm.s32 $0xA000  }
0x82: {  	[tilespmem:s26], [sflag:$0x2] =	stream.indirect_vreg.gather [hbm4b:s6+s4], $0x80, v4, vm0, $0xb8;
	[tilespmem:$0x19800] =	vst v63  }
0x83: {  	s28 =	simm.s32 $0xA800  }
0x84: {  	[tilespmem:s28], [sflag:$0x2] =	stream.indirect_vreg.gather [hbm4b:s7+s4], $0x80, v4, vm0, $0xb8;
	[tilespmem:$0x19800] =	vst v63  }
0x85: {  	s30 =	simm.s32 $0xB000  }
0x86: {  	[tilespmem:s30], [sflag:$0x2] =	stream.indirect_vreg.gather [hbm4b:s8+s4], $0x80, v4, vm0, $0xb8;
	[tilespmem:$0x19800] =	vst v63  }
0x87: {  	s31 =	simm.s32 $0xB800  }
0x88: {  	[tilespmem:s31], [sflag:$0x2] =	stream.indirect_vreg.gather [hbm4b:s9+s4], $0x80, v4, vm0, $0xb8;
	[tilespmem:$0x19800] =	vst v63  }
0x89: {  	s1 =	simm.s32 $0xC000;
	v3 =	vperm.xlane v3, v2  }
0x8a: {  	[tilespmem:s1], [sflag:$0x2] =	stream.indirect_vreg.gather [hbm4b:s10+s4], $0x80, v4, vm0, $0xb8;
	[tilespmem:$0x19800] =	vst v63  }
0x8b: {  	s2 =	simm.s32 $0xC800;
	v3 =	vadd.s32 v1, v3  }
0x8c: {  	[tilespmem:s2], [sflag:$0x2] =	stream.indirect_vreg.gather [hbm4b:s11+s4], $0x80, v4, vm0, $0xb8;
	[tilespmem:$0x19800] =	vst v63  }
0x8d: {  	s3 =	simm.s32 $0xD000  }
0x8e: {  	[tilespmem:s3], [sflag:$0x2] =	stream.indirect_vreg.gather [hbm4b:s12+s4], $0x80, v4, vm0, $0xb8;
	[tilespmem:$0x19800] =	vst v63  }
0x8f: {  	s22 =	simm.s32 $0xD800  }
0x90: {  	[tilespmem:s22], [sflag:$0x2] =	stream.indirect_vreg.gather [hbm4b:s19+s4], $0x80, v3, vm0, $0xb8;
	[tilespmem:$0x19800] =	vst v63  }
0x91: {  	s23 =	simm.s32 $0xE000  }
0x92: {  	[tilespmem:s23], [sflag:$0x2] =	stream.indirect_vreg.gather [hbm4b:s6+s4], $0x80, v3, vm0, $0xb8;
	[tilespmem:$0x19800] =	vst v63  }
0x93: {  	s24 =	simm.s32 $0xE800  }
0x94: {  	[tilespmem:s24], [sflag:$0x2] =	stream.indirect_vreg.gather [hbm4b:s7+s4], $0x80, v3, vm0, $0xb8;
	[tilespmem:$0x19800] =	vst v63  }
0x95: {  	s26 =	simm.s32 $0xF000  }
0x96: {  	[tilespmem:s26], [sflag:$0x2] =	stream.indirect_vreg.gather [hbm4b:s8+s4], $0x80, v3, vm0, $0xb8;
	[tilespmem:$0x19800] =	vst v63  }
0x97: {  	s28 =	simm.s32 $0xF800  }
0x98: {  	[tilespmem:s28], [sflag:$0x2] =	stream.indirect_vreg.gather [hbm4b:s9+s4], $0x80, v3, vm0, $0xb8;
	[tilespmem:$0x19800] =	vst v63  }
0x99: {  	s1 =	simm.s32 $0x10000  }
0x9a: {  	[tilespmem:s1], [sflag:$0x2] =	stream.indirect_vreg.gather [hbm4b:s10+s4], $0x80, v3, vm0, $0xb8;
	[tilespmem:$0x19800] =	vst v63  }
0x9b: {  	s26 =	simm.s32 $0x10800  }
0x9c: {  	[tilespmem:s26], [sflag:$0x2] =	stream.indirect_vreg.gather [hbm4b:s11+s4], $0x80, v3, vm0, $0xb8;
	[tilespmem:$0x19800] =	vst v63  }
0x9d: {  	s0 =	simm.s32 $0x2;
	s1 =	simm.s32 $0x11000  }
0x9e: {  	[tilespmem:s1], [sflag:$0x2] =	stream.indirect_vreg.gather [hbm4b:s12+s4], $0x80, v3, vm0, $0xb8;
	[tilespmem:$0x19800] =	vst v63  }
0x9f: {  	_ =	swait.ge [sflag:s0], $0x8000  }
0xa0: {  	[sflag:s0] =	ssyncset.done $0x0  }
0xa1: {  	[sflag:s0] =	ssyncadd.s32 $0xFFFF8000  }
0xa2: {  	v3 =	vld [tilespmem:$0x880];
	_ =	sdelay $0x4  }
0xa3: {  	v26 =	vshll.u32 v3, $0x4  }
0xa4: {  	v3 =	vand.u32 $0x7, v3;
	v4 =	vand.u32 $0xFFFFFF80, v26  }
0xa5: {  	v3 =	vor.u32 v3, v4  }
0xa6: {  	v4 =	vperm.xlane v3, v0;
	_ =	sdelay $0x1  }
0xa7: {  	v4 =	vadd.s32 v1, v4;
	_ =	sdelay $0x3  }
0xa8: {  	s0 =	simm.s32 $0x9800  }
0xa9: {  	[hbm4b:s20+s4] =	stream.indirect_vreg.scatter [tilespmem:s0], [sflag:$0x5], $0x80, v4, vm0, $0xb8;
	[tilespmem:$0x19800] =	vst v63  }
0xaa: {  	s29 =	simm.s32 $0xA000  }
0xab: {  	[hbm4b:s21+s4] =	stream.indirect_vreg.scatter [tilespmem:s29], [sflag:$0x5], $0x80, v4, vm0, $0xb8;
	[tilespmem:$0x19800] =	vst v63  }
0xac: {  	s29 =	simm.s32 $0xA800  }
0xad: {  	[hbm4b:s13+s4] =	stream.indirect_vreg.scatter [tilespmem:s29], [sflag:$0x5], $0x80, v4, vm0, $0xb8;
	[tilespmem:$0x19800] =	vst v63  }
0xae: {  	s29 =	simm.s32 $0xB000  }
0xaf: {  	[hbm4b:s14+s4] =	stream.indirect_vreg.scatter [tilespmem:s29], [sflag:$0x5], $0x80, v4, vm0, $0xb8;
	[tilespmem:$0x19800] =	vst v63  }
0xb0: {  	s30 =	simm.s32 $0xB800  }
0xb1: {  	[hbm4b:s15+s4] =	stream.indirect_vreg.scatter [tilespmem:s30], [sflag:$0x5], $0x80, v4, vm0, $0xb8;
	[tilespmem:$0x19800] =	vst v63  }
0xb2: {  	s31 =	simm.s32 $0xC000;
	v3 =	vperm.xlane v3, v2  }
0xb3: {  	[hbm4b:s16+s4] =	stream.indirect_vreg.scatter [tilespmem:s31], [sflag:$0x5], $0x80, v4, vm0, $0xb8;
	[tilespmem:$0x19800] =	vst v63  }
0xb4: {  	s5 =	simm.s32 $0xC800;
	v3 =	vadd.s32 v1, v3  }
0xb5: {  	[hbm4b:s17+s4] =	stream.indirect_vreg.scatter [tilespmem:s5], [sflag:$0x5], $0x80, v4, vm0, $0xb8;
	[tilespmem:$0x19800] =	vst v63  }
0xb6: {  	s25 =	simm.s32 $0xD000  }
0xb7: {  	[hbm4b:s18+s4] =	stream.indirect_vreg.scatter [tilespmem:s25], [sflag:$0x5], $0x80, v4, vm0, $0xb8;
	[tilespmem:$0x19800] =	vst v63  }
0xb8: {  	s22 =	simm.s32 $0xD800  }
0xb9: {  	[hbm4b:s20+s4] =	stream.indirect_vreg.scatter [tilespmem:s22], [sflag:$0x5], $0x80, v3, vm0, $0xb8;
	[tilespmem:$0x19800] =	vst v63  }
0xba: {  	s23 =	simm.s32 $0xE000  }
0xbb: {  	[hbm4b:s21+s4] =	stream.indirect_vreg.scatter [tilespmem:s23], [sflag:$0x5], $0x80, v3, vm0, $0xb8;
	[tilespmem:$0x19800] =	vst v63  }
0xbc: {  	s24 =	simm.s32 $0xE800  }
0xbd: {  	[hbm4b:s13+s4] =	stream.indirect_vreg.scatter [tilespmem:s24], [sflag:$0x5], $0x80, v3, vm0, $0xb8;
	[tilespmem:$0x19800] =	vst v63  }
0xbe: {  	s3 =	simm.s32 $0xF000  }
0xbf: {  	[hbm4b:s14+s4] =	stream.indirect_vreg.scatter [tilespmem:s3], [sflag:$0x5], $0x80, v3, vm0, $0xb8;
	[tilespmem:$0x19800] =	vst v63  }
0xc0: {  	s2 =	simm.s32 $0xF800  }
0xc1: {  	[hbm4b:s15+s4] =	stream.indirect_vreg.scatter [tilespmem:s2], [sflag:$0x5], $0x80, v3, vm0, $0xb8;
	[tilespmem:$0x19800] =	vst v63  }
0xc2: {  	s28 =	simm.s32 $0x10000  }
0xc3: {  	[hbm4b:s16+s4] =	stream.indirect_vreg.scatter [tilespmem:s28], [sflag:$0x5], $0x80, v3, vm0, $0xb8;
	[tilespmem:$0x19800] =	vst v63  }
0xc4: {  	s26 =	simm.s32 $0x10800  }
0xc5: {  	[hbm4b:s17+s4] =	stream.indirect_vreg.scatter [tilespmem:s26], [sflag:$0x5], $0x80, v3, vm0, $0xb8;
	[tilespmem:$0x19800] =	vst v63  }
0xc6: {  	s1 =	simm.s32 $0x11000  }
0xc7: {  	[hbm4b:s18+s4] =	stream.indirect_vreg.scatter [tilespmem:s1], [sflag:$0x5], $0x80, v3, vm0, $0xb8;
	[tilespmem:$0x19800] =	vst v63  }
0xc8: {  	v3 =	vld [tilespmem:$0x100];
	_ =	sdelay $0x4  }
0xc9: {  	v27 =	vshll.u32 v3, $0x4  }
0xca: {  	v3 =	vand.u32 $0x7, v3;
	v4 =	vand.u32 $0xFFFFFF80, v27  }
0xcb: {  	v3 =	vor.u32 v3, v4  }
0xcc: {  	v4 =	vperm.xlane v3, v0;
	_ =	sdelay $0x1  }
0xcd: {  	v4 =	vadd.s32 v1, v4;
	_ =	sdelay $0x3  }
0xce: {  	s2 =	simm.s32 $0x11800  }
0xcf: {  	[tilespmem:s2], [sflag:$0x3] =	stream.indirect_vreg.gather [hbm4b:s19+s4], $0x80, v4, vm0, $0xb8;
	[tilespmem:$0x19800] =	vst v63  }
0xd0: {  	s3 =	simm.s32 $0x12000  }
0xd1: {  	[tilespmem:s3], [sflag:$0x3] =	stream.indirect_vreg.gather [hbm4b:s6+s4], $0x80, v4, vm0, $0xb8;
	[tilespmem:$0x19800] =	vst v63  }
0xd2: {  	s5 =	simm.s32 $0x12800  }
0xd3: {  	[tilespmem:s5], [sflag:$0x3] =	stream.indirect_vreg.gather [hbm4b:s7+s4], $0x80, v4, vm0, $0xb8;
	[tilespmem:$0x19800] =	vst v63  }
0xd4: {  	s22 =	simm.s32 $0x13000  }
0xd5: {  	[tilespmem:s22], [sflag:$0x3] =	stream.indirect_vreg.gather [hbm4b:s8+s4], $0x80, v4, vm0, $0xb8;
	[tilespmem:$0x19800] =	vst v63  }
0xd6: {  	s23 =	simm.s32 $0x13800  }
0xd7: {  	[tilespmem:s23], [sflag:$0x3] =	stream.indirect_vreg.gather [hbm4b:s9+s4], $0x80, v4, vm0, $0xb8;
	[tilespmem:$0x19800] =	vst v63  }
0xd8: {  	s25 =	simm.s32 $0x14000;
	v3 =	vperm.xlane v3, v2  }
0xd9: {  	[tilespmem:s25], [sflag:$0x3] =	stream.indirect_vreg.gather [hbm4b:s10+s4], $0x80, v4, vm0, $0xb8;
	[tilespmem:$0x19800] =	vst v63  }
0xda: {  	s26 =	simm.s32 $0x14800;
	v3 =	vadd.s32 v1, v3  }
0xdb: {  	[tilespmem:s26], [sflag:$0x3] =	stream.indirect_vreg.gather [hbm4b:s11+s4], $0x80, v4, vm0, $0xb8;
	[tilespmem:$0x19800] =	vst v63  }
0xdc: {  	s1 =	simm.s32 $0x15000  }
0xdd: {  	[tilespmem:s1], [sflag:$0x3] =	stream.indirect_vreg.gather [hbm4b:s12+s4], $0x80, v4, vm0, $0xb8;
	[tilespmem:$0x19800] =	vst v63  }
0xde: {  	s2 =	simm.s32 $0x15800  }
0xdf: {  	[tilespmem:s2], [sflag:$0x3] =	stream.indirect_vreg.gather [hbm4b:s19+s4], $0x80, v3, vm0, $0xb8;
	[tilespmem:$0x19800] =	vst v63  }
0xe0: {  	s3 =	simm.s32 $0x16000  }
0xe1: {  	[tilespmem:s3], [sflag:$0x3] =	stream.indirect_vreg.gather [hbm4b:s6+s4], $0x80, v3, vm0, $0xb8;
	[tilespmem:$0x19800] =	vst v63  }
0xe2: {  	s5 =	simm.s32 $0x16800  }
0xe3: {  	[tilespmem:s5], [sflag:$0x3] =	stream.indirect_vreg.gather [hbm4b:s7+s4], $0x80, v3, vm0, $0xb8;
	[tilespmem:$0x19800] =	vst v63  }
0xe4: {  	s25 =	simm.s32 $0x17000  }
0xe5: {  	[tilespmem:s25], [sflag:$0x3] =	stream.indirect_vreg.gather [hbm4b:s8+s4], $0x80, v3, vm0, $0xb8;
	[tilespmem:$0x19800] =	vst v63  }
0xe6: {  	s26 =	simm.s32 $0x17800  }
0xe7: {  	[tilespmem:s26], [sflag:$0x3] =	stream.indirect_vreg.gather [hbm4b:s9+s4], $0x80, v3, vm0, $0xb8;
	[tilespmem:$0x19800] =	vst v63  }
0xe8: {  	s1 =	simm.s32 $0x18000  }
0xe9: {  	[tilespmem:s1], [sflag:$0x3] =	stream.indirect_vreg.gather [hbm4b:s10+s4], $0x80, v3, vm0, $0xb8;
	[tilespmem:$0x19800] =	vst v63  }
0xea: {  	s25 =	simm.s32 $0x18800  }
0xeb: {  	[tilespmem:s25], [sflag:$0x3] =	stream.indirect_vreg.gather [hbm4b:s11+s4], $0x80, v3, vm0, $0xb8;
	[tilespmem:$0x19800] =	vst v63  }
0xec: {  	s0 =	simm.s32 $0x3;
	s26 =	simm.s32 $0x19000  }
0xed: {  	[tilespmem:s26], [sflag:$0x3] =	stream.indirect_vreg.gather [hbm4b:s12+s4], $0x80, v3, vm0, $0xb8;
	[tilespmem:$0x19800] =	vst v63  }
0xee: {  	_ =	swait.ge [sflag:s0], $0x8000  }
0xef: {  	[sflag:s0] =	ssyncset.done $0x0  }
0xf0: {  	[sflag:s0] =	ssyncadd.s32 $0xFFFF8000  }
0xf1: {  	v3 =	vld [tilespmem:$0x900];
	_ =	sdelay $0x4  }
0xf2: {  	v28 =	vshll.u32 v3, $0x4  }
0xf3: {  	v3 =	vand.u32 $0x7, v3;
	v4 =	vand.u32 $0xFFFFFF80, v28  }
0xf4: {  	v3 =	vor.u32 v3, v4  }
0xf5: {  	v4 =	vperm.xlane v3, v0;
	_ =	sdelay $0x1  }
0xf6: {  	v4 =	vadd.s32 v1, v4;
	_ =	sdelay $0x3  }
0xf7: {  	s29 =	simm.s32 $0x11800;
	s0 =	rddreg [dreg:$0x3]  }
0xf8: {  	[hbm4b:s0+s4] =	stream.indirect_vreg.scatter [tilespmem:s29], [sflag:$0x6], $0x80, v4, vm0, $0xb8;
	[tilespmem:$0x19800] =	vst v63  }
0xf9: {  	s20 =	simm.s32 $0x12000  }
0xfa: {  	[hbm4b:s21+s4] =	stream.indirect_vreg.scatter [tilespmem:s20], [sflag:$0x6], $0x80, v4, vm0, $0xb8;
	[tilespmem:$0x19800] =	vst v63  }
0xfb: {  	s24 =	simm.s32 $0x12800  }
0xfc: {  	[hbm4b:s13+s4] =	stream.indirect_vreg.scatter [tilespmem:s24], [sflag:$0x6], $0x80, v4, vm0, $0xb8;
	[tilespmem:$0x19800] =	vst v63  }
0xfd: {  	s28 =	simm.s32 $0x13000  }
0xfe: {  	[hbm4b:s14+s4] =	stream.indirect_vreg.scatter [tilespmem:s28], [sflag:$0x6], $0x80, v4, vm0, $0xb8;
	[tilespmem:$0x19800] =	vst v63  }
0xff: {  	s30 =	simm.s32 $0x13800  }
0x100: {  	[hbm4b:s15+s4] =	stream.indirect_vreg.scatter [tilespmem:s30], [sflag:$0x6], $0x80, v4, vm0, $0xb8;
	[tilespmem:$0x19800] =	vst v63  }
0x101: {  	s31 =	simm.s32 $0x14000;
	v3 =	vperm.xlane v3, v2  }
0x102: {  	[hbm4b:s16+s4] =	stream.indirect_vreg.scatter [tilespmem:s31], [sflag:$0x6], $0x80, v4, vm0, $0xb8;
	[tilespmem:$0x19800] =	vst v63  }
0x103: {  	v3 =	vadd.s32 v1, v3;
	s24 =	simm.s32 $0x14800  }
0x104: {  	[hbm4b:s17+s4] =	stream.indirect_vreg.scatter [tilespmem:s24], [sflag:$0x6], $0x80, v4, vm0, $0xb8;
	[tilespmem:$0x19800] =	vst v63  }
0x105: {  	s23 =	simm.s32 $0x15000  }
0x106: {  	[hbm4b:s18+s4] =	stream.indirect_vreg.scatter [tilespmem:s23], [sflag:$0x6], $0x80, v4, vm0, $0xb8;
	[tilespmem:$0x19800] =	vst v63  }
0x107: {  	s22 =	simm.s32 $0x15800  }
0x108: {  	[hbm4b:s0+s4] =	stream.indirect_vreg.scatter [tilespmem:s22], [sflag:$0x6], $0x80, v3, vm0, $0xb8;
	[tilespmem:$0x19800] =	vst v63  }
0x109: {  	s19 =	simm.s32 $0x16000  }
0x10a: {  	[hbm4b:s21+s4] =	stream.indirect_vreg.scatter [tilespmem:s19], [sflag:$0x6], $0x80, v3, vm0, $0xb8;
	[tilespmem:$0x19800] =	vst v63  }
0x10b: {  	s5 =	simm.s32 $0x16800  }
0x10c: {  	[hbm4b:s13+s4] =	stream.indirect_vreg.scatter [tilespmem:s5], [sflag:$0x6], $0x80, v3, vm0, $0xb8;
	[tilespmem:$0x19800] =	vst v63  }
0x10d: {  	s3 =	simm.s32 $0x17000  }
0x10e: {  	[hbm4b:s14+s4] =	stream.indirect_vreg.scatter [tilespmem:s3], [sflag:$0x6], $0x80, v3, vm0, $0xb8;
	[tilespmem:$0x19800] =	vst v63  }
0x10f: {  	s2 =	simm.s32 $0x17800  }
0x110: {  	[hbm4b:s15+s4] =	stream.indirect_vreg.scatter [tilespmem:s2], [sflag:$0x6], $0x80, v3, vm0, $0xb8;
	[tilespmem:$0x19800] =	vst v63  }
0x111: {  	s1 =	simm.s32 $0x18000  }
0x112: {  	[hbm4b:s16+s4] =	stream.indirect_vreg.scatter [tilespmem:s1], [sflag:$0x6], $0x80, v3, vm0, $0xb8;
	[tilespmem:$0x19800] =	vst v63  }
0x113: {  	s25 =	simm.s32 $0x18800  }
0x114: {  	[hbm4b:s17+s4] =	stream.indirect_vreg.scatter [tilespmem:s25], [sflag:$0x6], $0x80, v3, vm0, $0xb8;
	[tilespmem:$0x19800] =	vst v63  }
0x115: {  	s26 =	simm.s32 $0x19000;
	s28 =	simm.s32 $0x4  }
0x116: {  	[hbm4b:s18+s4] =	stream.indirect_vreg.scatter [tilespmem:s26], [sflag:$0x6], $0x80, v3, vm0, $0xb8;
	[tilespmem:$0x19800] =	vst v63  }
0x117: {  	_ =	swait.ge [sflag:s28], $0x8000  }
0x118: {  	[sflag:s28] =	ssyncset.done $0x0  }
0x119: {  	[sflag:s28] =	ssyncadd.s32 $0xFFFF8000  }
0x11a: {  	v3 =	vld [tilespmem:$0x180];
	_ =	sdelay $0x4  }
0x11b: {  	v29 =	vshll.u32 v3, $0x4  }
0x11c: {  	v3 =	vand.u32 $0x7, v3;
	v4 =	vand.u32 $0xFFFFFF80, v29  }
0x11d: {  	v3 =	vor.u32 v3, v4  }
0x11e: {  	v4 =	vperm.xlane v3, v0;
	_ =	sdelay $0x1  }
0x11f: {  	v4 =	vadd.s32 v1, v4;
	_ =	sdelay $0x3  }
0x120: {  	s19 =	simm.s32 $0x1800;
	s29 =	rddreg [dreg:$0x1]  }
0x121: {  	[tilespmem:s19], [sflag:$0x1] =	stream.indirect_vreg.gather [hbm4b:s29+s4], $0x80, v4, vm0, $0xb8;
	[tilespmem:$0x19800] =	vst v63  }
0x122: {  	s0 =	simm.s32 $0x2000  }
0x123: {  	[tilespmem:s0], [sflag:$0x1] =	stream.indirect_vreg.gather [hbm4b:s6+s4], $0x80, v4, vm0, $0xb8;
	[tilespmem:$0x19800] =	vst v63  }
0x124: {  	s30 =	simm.s32 $0x2800  }
0x125: {  	[tilespmem:s30], [sflag:$0x1] =	stream.indirect_vreg.gather [hbm4b:s7+s4], $0x80, v4, vm0, $0xb8;
	[tilespmem:$0x19800] =	vst v63  }
0x126: {  	s2 =	simm.s32 $0x3000  }
0x127: {  	[tilespmem:s2], [sflag:$0x1] =	stream.indirect_vreg.gather [hbm4b:s8+s4], $0x80, v4, vm0, $0xb8;
	[tilespmem:$0x19800] =	vst v63  }
0x128: {  	s5 =	simm.s32 $0x3800  }
0x129: {  	[tilespmem:s5], [sflag:$0x1] =	stream.indirect_vreg.gather [hbm4b:s9+s4], $0x80, v4, vm0, $0xb8;
	[tilespmem:$0x19800] =	vst v63  }
0x12a: {  	s26 =	simm.s32 $0x4000;
	v3 =	vperm.xlane v3, v2  }
0x12b: {  	[tilespmem:s26], [sflag:$0x1] =	stream.indirect_vreg.gather [hbm4b:s10+s4], $0x80, v4, vm0, $0xb8;
	[tilespmem:$0x19800] =	vst v63  }
0x12c: {  	s31 =	simm.s32 $0x4800;
	v3 =	vadd.s32 v1, v3  }
0x12d: {  	[tilespmem:s31], [sflag:$0x1] =	stream.indirect_vreg.gather [hbm4b:s11+s4], $0x80, v4, vm0, $0xb8;
	[tilespmem:$0x19800] =	vst v63  }
0x12e: {  	s20 =	simm.s32 $0x5000  }
0x12f: {  	[tilespmem:s20], [sflag:$0x1] =	stream.indirect_vreg.gather [hbm4b:s12+s4], $0x80, v4, vm0, $0xb8;
	[tilespmem:$0x19800] =	vst v63  }
0x130: {  	s24 =	simm.s32 $0x5800  }
0x131: {  	[tilespmem:s24], [sflag:$0x1] =	stream.indirect_vreg.gather [hbm4b:s29+s4], $0x80, v3, vm0, $0xb8;
	[tilespmem:$0x19800] =	vst v63  }
0x132: {  	s28 =	simm.s32 $0x6000  }
0x133: {  	[tilespmem:s28], [sflag:$0x1] =	stream.indirect_vreg.gather [hbm4b:s6+s4], $0x80, v3, vm0, $0xb8;
	[tilespmem:$0x19800] =	vst v63  }
0x134: {  	s29 =	simm.s32 $0x6800  }
0x135: {  	[tilespmem:s29], [sflag:$0x1] =	stream.indirect_vreg.gather [hbm4b:s7+s4], $0x80, v3, vm0, $0xb8;
	[tilespmem:$0x19800] =	vst v63  }
0x136: {  	s1 =	simm.s32 $0x7000  }
0x137: {  	[tilespmem:s1], [sflag:$0x1] =	stream.indirect_vreg.gather [hbm4b:s8+s4], $0x80, v3, vm0, $0xb8;
	[tilespmem:$0x19800] =	vst v63  }
0x138: {  	s3 =	simm.s32 $0x7800  }
0x139: {  	[tilespmem:s3], [sflag:$0x1] =	stream.indirect_vreg.gather [hbm4b:s9+s4], $0x80, v3, vm0, $0xb8;
	[tilespmem:$0x19800] =	vst v63  }
0x13a: {  	s5 =	simm.s32 $0x8000  }
0x13b: {  	[tilespmem:s5], [sflag:$0x1] =	stream.indirect_vreg.gather [hbm4b:s10+s4], $0x80, v3, vm0, $0xb8;
	[tilespmem:$0x19800] =	vst v63  }
0x13c: {  	s22 =	simm.s32 $0x8800  }
0x13d: {  	[tilespmem:s22], [sflag:$0x1] =	stream.indirect_vreg.gather [hbm4b:s11+s4], $0x80, v3, vm0, $0xb8;
	[tilespmem:$0x19800] =	vst v63  }
0x13e: {  	s23 =	simm.s32 $0x9000;
	s25 =	simm.s32 $0x1  }
0x13f: {  	[tilespmem:s23], [sflag:$0x1] =	stream.indirect_vreg.gather [hbm4b:s12+s4], $0x80, v3, vm0, $0xb8;
	[tilespmem:$0x19800] =	vst v63  }
0x140: {  	_ =	swait.ge [sflag:s25], $0x8000  }
0x141: {  	[sflag:s25] =	ssyncset.done $0x0  }
0x142: {  	[sflag:s25] =	ssyncadd.s32 $0xFFFF8000  }
0x143: {  	v3 =	vld [tilespmem:$0x980];
	_ =	sdelay $0x4  }
0x144: {  	v30 =	vshll.u32 v3, $0x4  }
0x145: {  	v3 =	vand.u32 $0x7, v3;
	v4 =	vand.u32 $0xFFFFFF80, v30  }
0x146: {  	v3 =	vor.u32 v3, v4  }
0x147: {  	v4 =	vperm.xlane v3, v0;
	_ =	sdelay $0x1  }
0x148: {  	v4 =	vadd.s32 v1, v4;
	_ =	sdelay $0x3  }
0x149: {  	s25 =	rddreg [dreg:$0x3]  }
0x14a: {  	[hbm4b:s25+s4] =	stream.indirect_vreg.scatter [tilespmem:s19], [sflag:$0x4], $0x80, v4, vm0, $0xb8;
	[tilespmem:$0x19800] =	vst v63  }
0x14b: {  	_ = 	snop  }
0x14c: {  	[hbm4b:s21+s4] =	stream.indirect_vreg.scatter [tilespmem:s0], [sflag:$0x4], $0x80, v4, vm0, $0xb8;
	[tilespmem:$0x19800] =	vst v63  }
0x14d: {  	_ = 	snop  }
0x14e: {  	[hbm4b:s13+s4] =	stream.indirect_vreg.scatter [tilespmem:s30], [sflag:$0x4], $0x80, v4, vm0, $0xb8;
	[tilespmem:$0x19800] =	vst v63  }
0x14f: {  	_ = 	snop  }
0x150: {  	[hbm4b:s14+s4] =	stream.indirect_vreg.scatter [tilespmem:s2], [sflag:$0x4], $0x80, v4, vm0, $0xb8;
	[tilespmem:$0x19800] =	vst v63  }
0x151: {  	s19 =	simm.s32 $0x3800  }
0x152: {  	[hbm4b:s15+s4] =	stream.indirect_vreg.scatter [tilespmem:s19], [sflag:$0x4], $0x80, v4, vm0, $0xb8;
	[tilespmem:$0x19800] =	vst v63  }
0x153: {  	v3 =	vperm.xlane v3, v2  }
0x154: {  	[hbm4b:s16+s4] =	stream.indirect_vreg.scatter [tilespmem:s26], [sflag:$0x4], $0x80, v4, vm0, $0xb8;
	[tilespmem:$0x19800] =	vst v63  }
0x155: {  	v3 =	vadd.s32 v1, v3  }
0x156: {  	[hbm4b:s17+s4] =	stream.indirect_vreg.scatter [tilespmem:s31], [sflag:$0x4], $0x80, v4, vm0, $0xb8;
	[tilespmem:$0x19800] =	vst v63  }
0x157: {  	_ = 	snop  }
0x158: {  	[hbm4b:s18+s4] =	stream.indirect_vreg.scatter [tilespmem:s20], [sflag:$0x4], $0x80, v4, vm0, $0xb8;
	[tilespmem:$0x19800] =	vst v63  }
0x159: {  	_ = 	snop  }
0x15a: {  	[hbm4b:s25+s4] =	stream.indirect_vreg.scatter [tilespmem:s24], [sflag:$0x4], $0x80, v3, vm0, $0xb8;
	[tilespmem:$0x19800] =	vst v63  }
0x15b: {  	_ = 	snop  }
0x15c: {  	[hbm4b:s21+s4] =	stream.indirect_vreg.scatter [tilespmem:s28], [sflag:$0x4], $0x80, v3, vm0, $0xb8;
	[tilespmem:$0x19800] =	vst v63  }
0x15d: {  	_ = 	snop  }
0x15e: {  	[hbm4b:s13+s4] =	stream.indirect_vreg.scatter [tilespmem:s29], [sflag:$0x4], $0x80, v3, vm0, $0xb8;
	[tilespmem:$0x19800] =	vst v63  }
0x15f: {  	_ = 	snop  }
0x160: {  	[hbm4b:s14+s4] =	stream.indirect_vreg.scatter [tilespmem:s1], [sflag:$0x4], $0x80, v3, vm0, $0xb8;
	[tilespmem:$0x19800] =	vst v63  }
0x161: {  	_ = 	snop  }
0x162: {  	[hbm4b:s15+s4] =	stream.indirect_vreg.scatter [tilespmem:s3], [sflag:$0x4], $0x80, v3, vm0, $0xb8;
	[tilespmem:$0x19800] =	vst v63  }
0x163: {  	_ = 	snop  }
0x164: {  	[hbm4b:s16+s4] =	stream.indirect_vreg.scatter [tilespmem:s5], [sflag:$0x4], $0x80, v3, vm0, $0xb8;
	[tilespmem:$0x19800] =	vst v63  }
0x165: {  	_ = 	snop  }
0x166: {  	[hbm4b:s17+s4] =	stream.indirect_vreg.scatter [tilespmem:s22], [sflag:$0x4], $0x80, v3, vm0, $0xb8;
	[tilespmem:$0x19800] =	vst v63  }
0x167: {  	_ = 	snop  }
0x168: {  	[hbm4b:s18+s4] =	stream.indirect_vreg.scatter [tilespmem:s23], [sflag:$0x4], $0x80, v3, vm0, $0xb8;
	[tilespmem:$0x19800] =	vst v63  }
0x169: {  	s23 =	simm.s32 $0x5  }
0x16a: {  	_ =	swait.ge [sflag:s23], $0x8000  }
0x16b: {  	[sflag:s23] =	ssyncset.done $0x0  }
0x16c: {  	[sflag:s23] =	ssyncadd.s32 $0xFFFF8000  }
0x16d: {  	v3 =	vld [tilespmem:$0x200];
	_ =	sdelay $0x4  }
0x16e: {  	v31 =	vshll.u32 v3, $0x4  }
0x16f: {  	v3 =	vand.u32 $0x7, v3;
	v4 =	vand.u32 $0xFFFFFF80, v31  }
0x170: {  	v3 =	vor.u32 v3, v4  }
0x171: {  	v4 =	vperm.xlane v3, v0;
	_ =	sdelay $0x1  }
0x172: {  	v4 =	vadd.s32 v1, v4;
	_ =	sdelay $0x3  }
0x173: {  	s29 =	simm.s32 $0x9800;
	s24 =	rddreg [dreg:$0x1]  }
0x174: {  	[tilespmem:s29], [sflag:$0x2] =	stream.indirect_vreg.gather [hbm4b:s24+s4], $0x80, v4, vm0, $0xb8;
	[tilespmem:$0x19800] =	vst v63  }
0x175: {  	s0 =	simm.s32 $0xA000  }
0x176: {  	[tilespmem:s0], [sflag:$0x2] =	stream.indirect_vreg.gather [hbm4b:s6+s4], $0x80, v4, vm0, $0xb8;
	[tilespmem:$0x19800] =	vst v63  }
0x177: {  	s1 =	simm.s32 $0xA800  }
0x178: {  	[tilespmem:s1], [sflag:$0x2] =	stream.indirect_vreg.gather [hbm4b:s7+s4], $0x80, v4, vm0, $0xb8;
	[tilespmem:$0x19800] =	vst v63  }
0x179: {  	s2 =	simm.s32 $0xB000  }
0x17a: {  	[tilespmem:s2], [sflag:$0x2] =	stream.indirect_vreg.gather [hbm4b:s8+s4], $0x80, v4, vm0, $0xb8;
	[tilespmem:$0x19800] =	vst v63  }
0x17b: {  	s30 =	simm.s32 $0xB800  }
0x17c: {  	[tilespmem:s30], [sflag:$0x2] =	stream.indirect_vreg.gather [hbm4b:s9+s4], $0x80, v4, vm0, $0xb8;
	[tilespmem:$0x19800] =	vst v63  }
0x17d: {  	s31 =	simm.s32 $0xC000;
	v3 =	vperm.xlane v3, v2  }
0x17e: {  	[tilespmem:s31], [sflag:$0x2] =	stream.indirect_vreg.gather [hbm4b:s10+s4], $0x80, v4, vm0, $0xb8;
	[tilespmem:$0x19800] =	vst v63  }
0x17f: {  	s3 =	simm.s32 $0xC800;
	v3 =	vadd.s32 v1, v3  }
0x180: {  	[tilespmem:s3], [sflag:$0x2] =	stream.indirect_vreg.gather [hbm4b:s11+s4], $0x80, v4, vm0, $0xb8;
	[tilespmem:$0x19800] =	vst v63  }
0x181: {  	s5 =	simm.s32 $0xD000  }
0x182: {  	[tilespmem:s5], [sflag:$0x2] =	stream.indirect_vreg.gather [hbm4b:s12+s4], $0x80, v4, vm0, $0xb8;
	[tilespmem:$0x19800] =	vst v63  }
0x183: {  	s22 =	simm.s32 $0xD800  }
0x184: {  	[tilespmem:s22], [sflag:$0x2] =	stream.indirect_vreg.gather [hbm4b:s24+s4], $0x80, v3, vm0, $0xb8;
	[tilespmem:$0x19800] =	vst v63  }
0x185: {  	s23 =	simm.s32 $0xE000  }
0x186: {  	[tilespmem:s23], [sflag:$0x2] =	stream.indirect_vreg.gather [hbm4b:s6+s4], $0x80, v3, vm0, $0xb8;
	[tilespmem:$0x19800] =	vst v63  }
0x187: {  	s25 =	simm.s32 $0xE800  }
0x188: {  	[tilespmem:s25], [sflag:$0x2] =	stream.indirect_vreg.gather [hbm4b:s7+s4], $0x80, v3, vm0, $0xb8;
	[tilespmem:$0x19800] =	vst v63  }
0x189: {  	s24 =	simm.s32 $0xF000  }
0x18a: {  	[tilespmem:s24], [sflag:$0x2] =	stream.indirect_vreg.gather [hbm4b:s8+s4], $0x80, v3, vm0, $0xb8;
	[tilespmem:$0x19800] =	vst v63  }
0x18b: {  	s28 =	simm.s32 $0xF800  }
0x18c: {  	[tilespmem:s28], [sflag:$0x2] =	stream.indirect_vreg.gather [hbm4b:s9+s4], $0x80, v3, vm0, $0xb8;
	[tilespmem:$0x19800] =	vst v63  }
0x18d: {  	s19 =	simm.s32 $0x10000  }
0x18e: {  	[tilespmem:s19], [sflag:$0x2] =	stream.indirect_vreg.gather [hbm4b:s10+s4], $0x80, v3, vm0, $0xb8;
	[tilespmem:$0x19800] =	vst v63  }
0x18f: {  	s25 =	simm.s32 $0x10800  }
0x190: {  	[tilespmem:s25], [sflag:$0x2] =	stream.indirect_vreg.gather [hbm4b:s11+s4], $0x80, v3, vm0, $0xb8;
	[tilespmem:$0x19800] =	vst v63  }
0x191: {  	s26 =	simm.s32 $0x11000;
	s20 =	simm.s32 $0x2  }
0x192: {  	[tilespmem:s26], [sflag:$0x2] =	stream.indirect_vreg.gather [hbm4b:s12+s4], $0x80, v3, vm0, $0xb8;
	[tilespmem:$0x19800] =	vst v63  }
0x193: {  	_ =	swait.ge [sflag:s20], $0x8000  }
0x194: {  	[sflag:s20] =	ssyncset.done $0x0  }
0x195: {  	[sflag:s20] =	ssyncadd.s32 $0xFFFF8000  }
0x196: {  	v3 =	vld [tilespmem:$0xA00];
	_ =	sdelay $0x4  }
0x197: {  	v32 =	vshll.u32 v3, $0x4  }
0x198: {  	v3 =	vand.u32 $0x7, v3;
	v4 =	vand.u32 $0xFFFFFF80, v32  }
0x199: {  	v3 =	vor.u32 v3, v4  }
0x19a: {  	v4 =	vperm.xlane v3, v0;
	_ =	sdelay $0x1  }
0x19b: {  	v4 =	vadd.s32 v1, v4;
	_ =	sdelay $0x3  }
0x19c: {  	s26 =	rddreg [dreg:$0x3]  }
0x19d: {  	[hbm4b:s26+s4] =	stream.indirect_vreg.scatter [tilespmem:s29], [sflag:$0x5], $0x80, v4, vm0, $0xb8;
	[tilespmem:$0x19800] =	vst v63  }
0x19e: {  	_ = 	snop  }
0x19f: {  	[hbm4b:s21+s4] =	stream.indirect_vreg.scatter [tilespmem:s0], [sflag:$0x5], $0x80, v4, vm0, $0xb8;
	[tilespmem:$0x19800] =	vst v63  }
0x1a0: {  	_ = 	snop  }
0x1a1: {  	[hbm4b:s13+s4] =	stream.indirect_vreg.scatter [tilespmem:s1], [sflag:$0x5], $0x80, v4, vm0, $0xb8;
	[tilespmem:$0x19800] =	vst v63  }
0x1a2: {  	_ = 	snop  }
0x1a3: {  	[hbm4b:s14+s4] =	stream.indirect_vreg.scatter [tilespmem:s2], [sflag:$0x5], $0x80, v4, vm0, $0xb8;
	[tilespmem:$0x19800] =	vst v63  }
0x1a4: {  	_ = 	snop  }
0x1a5: {  	[hbm4b:s15+s4] =	stream.indirect_vreg.scatter [tilespmem:s30], [sflag:$0x5], $0x80, v4, vm0, $0xb8;
	[tilespmem:$0x19800] =	vst v63  }
0x1a6: {  	v3 =	vperm.xlane v3, v2  }
0x1a7: {  	[hbm4b:s16+s4] =	stream.indirect_vreg.scatter [tilespmem:s31], [sflag:$0x5], $0x80, v4, vm0, $0xb8;
	[tilespmem:$0x19800] =	vst v63  }
0x1a8: {  	v3 =	vadd.s32 v1, v3  }
0x1a9: {  	[hbm4b:s17+s4] =	stream.indirect_vreg.scatter [tilespmem:s3], [sflag:$0x5], $0x80, v4, vm0, $0xb8;
	[tilespmem:$0x19800] =	vst v63  }
0x1aa: {  	_ = 	snop  }
0x1ab: {  	[hbm4b:s18+s4] =	stream.indirect_vreg.scatter [tilespmem:s5], [sflag:$0x5], $0x80, v4, vm0, $0xb8;
	[tilespmem:$0x19800] =	vst v63  }
0x1ac: {  	_ = 	snop  }
0x1ad: {  	[hbm4b:s26+s4] =	stream.indirect_vreg.scatter [tilespmem:s22], [sflag:$0x5], $0x80, v3, vm0, $0xb8;
	[tilespmem:$0x19800] =	vst v63  }
0x1ae: {  	_ = 	snop  }
0x1af: {  	[hbm4b:s21+s4] =	stream.indirect_vreg.scatter [tilespmem:s23], [sflag:$0x5], $0x80, v3, vm0, $0xb8;
	[tilespmem:$0x19800] =	vst v63  }
0x1b0: {  	s5 =	simm.s32 $0xE800  }
0x1b1: {  	[hbm4b:s13+s4] =	stream.indirect_vreg.scatter [tilespmem:s5], [sflag:$0x5], $0x80, v3, vm0, $0xb8;
	[tilespmem:$0x19800] =	vst v63  }
0x1b2: {  	_ = 	snop  }
0x1b3: {  	[hbm4b:s14+s4] =	stream.indirect_vreg.scatter [tilespmem:s24], [sflag:$0x5], $0x80, v3, vm0, $0xb8;
	[tilespmem:$0x19800] =	vst v63  }
0x1b4: {  	_ = 	snop  }
0x1b5: {  	[hbm4b:s15+s4] =	stream.indirect_vreg.scatter [tilespmem:s28], [sflag:$0x5], $0x80, v3, vm0, $0xb8;
	[tilespmem:$0x19800] =	vst v63  }
0x1b6: {  	_ = 	snop  }
0x1b7: {  	[hbm4b:s16+s4] =	stream.indirect_vreg.scatter [tilespmem:s19], [sflag:$0x5], $0x80, v3, vm0, $0xb8;
	[tilespmem:$0x19800] =	vst v63  }
0x1b8: {  	_ = 	snop  }
0x1b9: {  	[hbm4b:s17+s4] =	stream.indirect_vreg.scatter [tilespmem:s25], [sflag:$0x5], $0x80, v3, vm0, $0xb8;
	[tilespmem:$0x19800] =	vst v63  }
0x1ba: {  	s20 =	simm.s32 $0x6;
	s19 =	simm.s32 $0x11000  }
0x1bb: {  	[hbm4b:s18+s4] =	stream.indirect_vreg.scatter [tilespmem:s19], [sflag:$0x5], $0x80, v3, vm0, $0xb8;
	[tilespmem:$0x19800] =	vst v63  }
0x1bc: {  	_ =	swait.ge [sflag:s20], $0x8000  }
0x1bd: {  	[sflag:s20] =	ssyncset.done $0x0  }
0x1be: {  	[sflag:s20] =	ssyncadd.s32 $0xFFFF8000  }
0x1bf: {  	v3 =	vld [tilespmem:$0x280];
	_ =	sdelay $0x4  }
0x1c0: {  	v33 =	vshll.u32 v3, $0x4  }
0x1c1: {  	v3 =	vand.u32 $0x7, v3;
	v4 =	vand.u32 $0xFFFFFF80, v33  }
0x1c2: {  	v3 =	vor.u32 v3, v4  }
0x1c3: {  	v4 =	vperm.xlane v3, v0;
	_ =	sdelay $0x1  }
0x1c4: {  	v4 =	vadd.s32 v1, v4;
	_ =	sdelay $0x3  }
0x1c5: {  	s20 =	simm.s32 $0x11800;
	s22 =	rddreg [dreg:$0x1]  }
0x1c6: {  	[tilespmem:s20], [sflag:$0x3] =	stream.indirect_vreg.gather [hbm4b:s22+s4], $0x80, v4, vm0, $0xb8;
	[tilespmem:$0x19800] =	vst v63  }
0x1c7: {  	s0 =	simm.s32 $0x12000  }
0x1c8: {  	[tilespmem:s0], [sflag:$0x3] =	stream.indirect_vreg.gather [hbm4b:s6+s4], $0x80, v4, vm0, $0xb8;
	[tilespmem:$0x19800] =	vst v63  }
0x1c9: {  	s1 =	simm.s32 $0x12800  }
0x1ca: {  	[tilespmem:s1], [sflag:$0x3] =	stream.indirect_vreg.gather [hbm4b:s7+s4], $0x80, v4, vm0, $0xb8;
	[tilespmem:$0x19800] =	vst v63  }
0x1cb: {  	s2 =	simm.s32 $0x13000  }
0x1cc: {  	[tilespmem:s2], [sflag:$0x3] =	stream.indirect_vreg.gather [hbm4b:s8+s4], $0x80, v4, vm0, $0xb8;
	[tilespmem:$0x19800] =	vst v63  }
0x1cd: {  	s29 =	smov.u32 s26;
	s26 =	simm.s32 $0x13800  }
0x1ce: {  	[tilespmem:s26], [sflag:$0x3] =	stream.indirect_vreg.gather [hbm4b:s9+s4], $0x80, v4, vm0, $0xb8;
	[tilespmem:$0x19800] =	vst v63  }
0x1cf: {  	s28 =	simm.s32 $0x14000;
	v3 =	vperm.xlane v3, v2  }
0x1d0: {  	[tilespmem:s28], [sflag:$0x3] =	stream.indirect_vreg.gather [hbm4b:s10+s4], $0x80, v4, vm0, $0xb8;
	[tilespmem:$0x19800] =	vst v63  }
0x1d1: {  	s3 =	simm.s32 $0x14800;
	v3 =	vadd.s32 v1, v3  }
0x1d2: {  	[tilespmem:s3], [sflag:$0x3] =	stream.indirect_vreg.gather [hbm4b:s11+s4], $0x80, v4, vm0, $0xb8;
	[tilespmem:$0x19800] =	vst v63  }
0x1d3: {  	s5 =	simm.s32 $0x15000  }
0x1d4: {  	[tilespmem:s5], [sflag:$0x3] =	stream.indirect_vreg.gather [hbm4b:s12+s4], $0x80, v4, vm0, $0xb8;
	[tilespmem:$0x19800] =	vst v63  }
0x1d5: {  	s23 =	simm.s32 $0x15800  }
0x1d6: {  	[tilespmem:s23], [sflag:$0x3] =	stream.indirect_vreg.gather [hbm4b:s22+s4], $0x80, v3, vm0, $0xb8;
	[tilespmem:$0x19800] =	vst v63  }
0x1d7: {  	s30 =	simm.s32 $0x16000  }
0x1d8: {  	[tilespmem:s30], [sflag:$0x3] =	stream.indirect_vreg.gather [hbm4b:s6+s4], $0x80, v3, vm0, $0xb8;
	[tilespmem:$0x19800] =	vst v63  }
0x1d9: {  	s31 =	simm.s32 $0x16800  }
0x1da: {  	[tilespmem:s31], [sflag:$0x3] =	stream.indirect_vreg.gather [hbm4b:s7+s4], $0x80, v3, vm0, $0xb8;
	[tilespmem:$0x19800] =	vst v63  }
0x1db: {  	s19 =	simm.s32 $0x17000  }
0x1dc: {  	[tilespmem:s19], [sflag:$0x3] =	stream.indirect_vreg.gather [hbm4b:s8+s4], $0x80, v3, vm0, $0xb8;
	[tilespmem:$0x19800] =	vst v63  }
0x1dd: {  	s24 =	simm.s32 $0x17800  }
0x1de: {  	[tilespmem:s24], [sflag:$0x3] =	stream.indirect_vreg.gather [hbm4b:s9+s4], $0x80, v3, vm0, $0xb8;
	[tilespmem:$0x19800] =	vst v63  }
0x1df: {  	s25 =	simm.s32 $0x18000  }
0x1e0: {  	[tilespmem:s25], [sflag:$0x3] =	stream.indirect_vreg.gather [hbm4b:s10+s4], $0x80, v3, vm0, $0xb8;
	[tilespmem:$0x19800] =	vst v63  }
0x1e1: {  	s22 =	simm.s32 $0x18800  }
0x1e2: {  	[tilespmem:s22], [sflag:$0x3] =	stream.indirect_vreg.gather [hbm4b:s11+s4], $0x80, v3, vm0, $0xb8;
	[tilespmem:$0x19800] =	vst v63  }
0x1e3: {  	s24 =	simm.s32 $0x3;
	s25 =	simm.s32 $0x19000  }
0x1e4: {  	[tilespmem:s25], [sflag:$0x3] =	stream.indirect_vreg.gather [hbm4b:s12+s4], $0x80, v3, vm0, $0xb8;
	[tilespmem:$0x19800] =	vst v63  }
0x1e5: {  	_ =	swait.ge [sflag:s24], $0x8000  }
0x1e6: {  	[sflag:s24] =	ssyncset.done $0x0  }
0x1e7: {  	[sflag:s24] =	ssyncadd.s32 $0xFFFF8000  }
0x1e8: {  	v3 =	vld [tilespmem:$0xA80];
	_ =	sdelay $0x4  }
0x1e9: {  	v34 =	vshll.u32 v3, $0x4  }
0x1ea: {  	v3 =	vand.u32 $0x7, v3;
	v4 =	vand.u32 $0xFFFFFF80, v34  }
0x1eb: {  	v3 =	vor.u32 v3, v4  }
0x1ec: {  	v4 =	vperm.xlane v3, v0;
	_ =	sdelay $0x1  }
0x1ed: {  	v4 =	vadd.s32 v1, v4;
	_ =	sdelay $0x4  }
0x1ee: {  	[hbm4b:s29+s4] =	stream.indirect_vreg.scatter [tilespmem:s20], [sflag:$0x6], $0x80, v4, vm0, $0xb8;
	[tilespmem:$0x19800] =	vst v63  }
0x1ef: {  	_ = 	snop  }
0x1f0: {  	[hbm4b:s21+s4] =	stream.indirect_vreg.scatter [tilespmem:s0], [sflag:$0x6], $0x80, v4, vm0, $0xb8;
	[tilespmem:$0x19800] =	vst v63  }
0x1f1: {  	_ = 	snop  }
0x1f2: {  	[hbm4b:s13+s4] =	stream.indirect_vreg.scatter [tilespmem:s1], [sflag:$0x6], $0x80, v4, vm0, $0xb8;
	[tilespmem:$0x19800] =	vst v63  }
0x1f3: {  	_ = 	snop  }
0x1f4: {  	[hbm4b:s14+s4] =	stream.indirect_vreg.scatter [tilespmem:s2], [sflag:$0x6], $0x80, v4, vm0, $0xb8;
	[tilespmem:$0x19800] =	vst v63  }
0x1f5: {  	_ = 	snop  }
0x1f6: {  	[hbm4b:s15+s4] =	stream.indirect_vreg.scatter [tilespmem:s26], [sflag:$0x6], $0x80, v4, vm0, $0xb8;
	[tilespmem:$0x19800] =	vst v63  }
0x1f7: {  	v3 =	vperm.xlane v3, v2  }
0x1f8: {  	[hbm4b:s16+s4] =	stream.indirect_vreg.scatter [tilespmem:s28], [sflag:$0x6], $0x80, v4, vm0, $0xb8;
	[tilespmem:$0x19800] =	vst v63  }
0x1f9: {  	v3 =	vadd.s32 v1, v3  }
0x1fa: {  	[hbm4b:s17+s4] =	stream.indirect_vreg.scatter [tilespmem:s3], [sflag:$0x6], $0x80, v4, vm0, $0xb8;
	[tilespmem:$0x19800] =	vst v63  }
0x1fb: {  	_ = 	snop  }
0x1fc: {  	[hbm4b:s18+s4] =	stream.indirect_vreg.scatter [tilespmem:s5], [sflag:$0x6], $0x80, v4, vm0, $0xb8;
	[tilespmem:$0x19800] =	vst v63  }
0x1fd: {  	_ = 	snop  }
0x1fe: {  	[hbm4b:s29+s4] =	stream.indirect_vreg.scatter [tilespmem:s23], [sflag:$0x6], $0x80, v3, vm0, $0xb8;
	[tilespmem:$0x19800] =	vst v63  }
0x1ff: {  	_ = 	snop  }
0x200: {  	[hbm4b:s21+s4] =	stream.indirect_vreg.scatter [tilespmem:s30], [sflag:$0x6], $0x80, v3, vm0, $0xb8;
	[tilespmem:$0x19800] =	vst v63  }
0x201: {  	_ = 	snop  }
0x202: {  	[hbm4b:s13+s4] =	stream.indirect_vreg.scatter [tilespmem:s31], [sflag:$0x6], $0x80, v3, vm0, $0xb8;
	[tilespmem:$0x19800] =	vst v63  }
0x203: {  	_ = 	snop  }
0x204: {  	[hbm4b:s14+s4] =	stream.indirect_vreg.scatter [tilespmem:s19], [sflag:$0x6], $0x80, v3, vm0, $0xb8;
	[tilespmem:$0x19800] =	vst v63  }
0x205: {  	s23 =	simm.s32 $0x17800  }
0x206: {  	[hbm4b:s15+s4] =	stream.indirect_vreg.scatter [tilespmem:s23], [sflag:$0x6], $0x80, v3, vm0, $0xb8;
	[tilespmem:$0x19800] =	vst v63  }
0x207: {  	s24 =	simm.s32 $0x18000  }
0x208: {  	[hbm4b:s16+s4] =	stream.indirect_vreg.scatter [tilespmem:s24], [sflag:$0x6], $0x80, v3, vm0, $0xb8;
	[tilespmem:$0x19800] =	vst v63  }
0x209: {  	_ = 	snop  }
0x20a: {  	[hbm4b:s17+s4] =	stream.indirect_vreg.scatter [tilespmem:s22], [sflag:$0x6], $0x80, v3, vm0, $0xb8;
	[tilespmem:$0x19800] =	vst v63  }
0x20b: {  	_ = 	snop  }
0x20c: {  	[hbm4b:s18+s4] =	stream.indirect_vreg.scatter [tilespmem:s25], [sflag:$0x6], $0x80, v3, vm0, $0xb8;
	[tilespmem:$0x19800] =	vst v63  }
0x20d: {  	s25 =	simm.s32 $0x4  }
0x20e: {  	_ =	swait.ge [sflag:s25], $0x8000  }
0x20f: {  	[sflag:s25] =	ssyncset.done $0x0  }
0x210: {  	[sflag:s25] =	ssyncadd.s32 $0xFFFF8000  }
0x211: {  	v3 =	vld [tilespmem:$0x300];
	_ =	sdelay $0x4  }
0x212: {  	v35 =	vshll.u32 v3, $0x4  }
0x213: {  	v3 =	vand.u32 $0x7, v3;
	v4 =	vand.u32 $0xFFFFFF80, v35  }
0x214: {  	v3 =	vor.u32 v3, v4  }
0x215: {  	v4 =	vperm.xlane v3, v0;
	_ =	sdelay $0x1  }
0x216: {  	v4 =	vadd.s32 v1, v4;
	_ =	sdelay $0x3  }
0x217: {  	s25 =	simm.s32 $0x1800;
	s26 =	rddreg [dreg:$0x1]  }
0x218: {  	[tilespmem:s25], [sflag:$0x1] =	stream.indirect_vreg.gather [hbm4b:s26+s4], $0x80, v4, vm0, $0xb8;
	[tilespmem:$0x19800] =	vst v63  }
0x219: {  	s24 =	simm.s32 $0x2000  }
0x21a: {  	[tilespmem:s24], [sflag:$0x1] =	stream.indirect_vreg.gather [hbm4b:s6+s4], $0x80, v4, vm0, $0xb8;
	[tilespmem:$0x19800] =	vst v63  }
0x21b: {  	s0 =	simm.s32 $0x2800  }
0x21c: {  	[tilespmem:s0], [sflag:$0x1] =	stream.indirect_vreg.gather [hbm4b:s7+s4], $0x80, v4, vm0, $0xb8;
	[tilespmem:$0x19800] =	vst v63  }
0x21d: {  	s29 =	simm.s32 $0x3000  }
0x21e: {  	[tilespmem:s29], [sflag:$0x1] =	stream.indirect_vreg.gather [hbm4b:s8+s4], $0x80, v4, vm0, $0xb8;
	[tilespmem:$0x19800] =	vst v63  }
0x21f: {  	s23 =	simm.s32 $0x3800  }
0x220: {  	[tilespmem:s23], [sflag:$0x1] =	stream.indirect_vreg.gather [hbm4b:s9+s4], $0x80, v4, vm0, $0xb8;
	[tilespmem:$0x19800] =	vst v63  }
0x221: {  	s28 =	simm.s32 $0x4000;
	v3 =	vperm.xlane v3, v2  }
0x222: {  	[tilespmem:s28], [sflag:$0x1] =	stream.indirect_vreg.gather [hbm4b:s10+s4], $0x80, v4, vm0, $0xb8;
	[tilespmem:$0x19800] =	vst v63  }
0x223: {  	s22 =	simm.s32 $0x4800;
	v3 =	vadd.s32 v1, v3  }
0x224: {  	[tilespmem:s22], [sflag:$0x1] =	stream.indirect_vreg.gather [hbm4b:s11+s4], $0x80, v4, vm0, $0xb8;
	[tilespmem:$0x19800] =	vst v63  }
0x225: {  	s1 =	simm.s32 $0x5000  }
0x226: {  	[tilespmem:s1], [sflag:$0x1] =	stream.indirect_vreg.gather [hbm4b:s12+s4], $0x80, v4, vm0, $0xb8;
	[tilespmem:$0x19800] =	vst v63  }
0x227: {  	s3 =	simm.s32 $0x5800  }
0x228: {  	[tilespmem:s3], [sflag:$0x1] =	stream.indirect_vreg.gather [hbm4b:s26+s4], $0x80, v3, vm0, $0xb8;
	[tilespmem:$0x19800] =	vst v63  }
0x229: {  	s28 =	simm.s32 $0x6000  }
0x22a: {  	[tilespmem:s28], [sflag:$0x1] =	stream.indirect_vreg.gather [hbm4b:s6+s4], $0x80, v3, vm0, $0xb8;
	[tilespmem:$0x19800] =	vst v63  }
0x22b: {  	s5 =	simm.s32 $0x6800  }
0x22c: {  	[tilespmem:s5], [sflag:$0x1] =	stream.indirect_vreg.gather [hbm4b:s7+s4], $0x80, v3, vm0, $0xb8;
	[tilespmem:$0x19800] =	vst v63  }
0x22d: {  	s31 =	simm.s32 $0x7000  }
0x22e: {  	[tilespmem:s31], [sflag:$0x1] =	stream.indirect_vreg.gather [hbm4b:s8+s4], $0x80, v3, vm0, $0xb8;
	[tilespmem:$0x19800] =	vst v63  }
0x22f: {  	s30 =	simm.s32 $0x7800  }
0x230: {  	[tilespmem:s30], [sflag:$0x1] =	stream.indirect_vreg.gather [hbm4b:s9+s4], $0x80, v3, vm0, $0xb8;
	[tilespmem:$0x19800] =	vst v63  }
0x231: {  	s19 =	simm.s32 $0x8000  }
0x232: {  	[tilespmem:s19], [sflag:$0x1] =	stream.indirect_vreg.gather [hbm4b:s10+s4], $0x80, v3, vm0, $0xb8;
	[tilespmem:$0x19800] =	vst v63  }
0x233: {  	s20 =	simm.s32 $0x8800  }
0x234: {  	[tilespmem:s20], [sflag:$0x1] =	stream.indirect_vreg.gather [hbm4b:s11+s4], $0x80, v3, vm0, $0xb8;
	[tilespmem:$0x19800] =	vst v63  }
0x235: {  	s2 =	simm.s32 $0x1;
	s26 =	simm.s32 $0x9000  }
0x236: {  	[tilespmem:s26], [sflag:$0x1] =	stream.indirect_vreg.gather [hbm4b:s12+s4], $0x80, v3, vm0, $0xb8;
	[tilespmem:$0x19800] =	vst v63  }
0x237: {  	_ =	swait.ge [sflag:s2], $0x8000  }
0x238: {  	[sflag:s2] =	ssyncset.done $0x0  }
0x239: {  	[sflag:s2] =	ssyncadd.s32 $0xFFFF8000  }
0x23a: {  	v3 =	vld [tilespmem:$0xB00];
	_ =	sdelay $0x4  }
0x23b: {  	v36 =	vshll.u32 v3, $0x4  }
0x23c: {  	v3 =	vand.u32 $0x7, v3;
	v4 =	vand.u32 $0xFFFFFF80, v36  }
0x23d: {  	v3 =	vor.u32 v3, v4  }
0x23e: {  	v4 =	vperm.xlane v3, v0;
	_ =	sdelay $0x1  }
0x23f: {  	v4 =	vadd.s32 v1, v4;
	_ =	sdelay $0x3  }
0x240: {  	s2 =	rddreg [dreg:$0x3]  }
0x241: {  	[hbm4b:s2+s4] =	stream.indirect_vreg.scatter [tilespmem:s25], [sflag:$0x4], $0x80, v4, vm0, $0xb8;
	[tilespmem:$0x19800] =	vst v63  }
0x242: {  	_ = 	snop  }
0x243: {  	[hbm4b:s21+s4] =	stream.indirect_vreg.scatter [tilespmem:s24], [sflag:$0x4], $0x80, v4, vm0, $0xb8;
	[tilespmem:$0x19800] =	vst v63  }
0x244: {  	_ = 	snop  }
0x245: {  	[hbm4b:s13+s4] =	stream.indirect_vreg.scatter [tilespmem:s0], [sflag:$0x4], $0x80, v4, vm0, $0xb8;
	[tilespmem:$0x19800] =	vst v63  }
0x246: {  	_ = 	snop  }
0x247: {  	[hbm4b:s14+s4] =	stream.indirect_vreg.scatter [tilespmem:s29], [sflag:$0x4], $0x80, v4, vm0, $0xb8;
	[tilespmem:$0x19800] =	vst v63  }
0x248: {  	_ = 	snop  }
0x249: {  	[hbm4b:s15+s4] =	stream.indirect_vreg.scatter [tilespmem:s23], [sflag:$0x4], $0x80, v4, vm0, $0xb8;
	[tilespmem:$0x19800] =	vst v63  }
0x24a: {  	v3 =	vperm.xlane v3, v2;
	s29 =	simm.s32 $0x4000  }
0x24b: {  	[hbm4b:s16+s4] =	stream.indirect_vreg.scatter [tilespmem:s29], [sflag:$0x4], $0x80, v4, vm0, $0xb8;
	[tilespmem:$0x19800] =	vst v63  }
0x24c: {  	v3 =	vadd.s32 v1, v3  }
0x24d: {  	[hbm4b:s17+s4] =	stream.indirect_vreg.scatter [tilespmem:s22], [sflag:$0x4], $0x80, v4, vm0, $0xb8;
	[tilespmem:$0x19800] =	vst v63  }
0x24e: {  	_ = 	snop  }
0x24f: {  	[hbm4b:s18+s4] =	stream.indirect_vreg.scatter [tilespmem:s1], [sflag:$0x4], $0x80, v4, vm0, $0xb8;
	[tilespmem:$0x19800] =	vst v63  }
0x250: {  	_ = 	snop  }
0x251: {  	[hbm4b:s2+s4] =	stream.indirect_vreg.scatter [tilespmem:s3], [sflag:$0x4], $0x80, v3, vm0, $0xb8;
	[tilespmem:$0x19800] =	vst v63  }
0x252: {  	_ = 	snop  }
0x253: {  	[hbm4b:s21+s4] =	stream.indirect_vreg.scatter [tilespmem:s28], [sflag:$0x4], $0x80, v3, vm0, $0xb8;
	[tilespmem:$0x19800] =	vst v63  }
0x254: {  	_ = 	snop  }
0x255: {  	[hbm4b:s13+s4] =	stream.indirect_vreg.scatter [tilespmem:s5], [sflag:$0x4], $0x80, v3, vm0, $0xb8;
	[tilespmem:$0x19800] =	vst v63  }
0x256: {  	_ = 	snop  }
0x257: {  	[hbm4b:s14+s4] =	stream.indirect_vreg.scatter [tilespmem:s31], [sflag:$0x4], $0x80, v3, vm0, $0xb8;
	[tilespmem:$0x19800] =	vst v63  }
0x258: {  	_ = 	snop  }
0x259: {  	[hbm4b:s15+s4] =	stream.indirect_vreg.scatter [tilespmem:s30], [sflag:$0x4], $0x80, v3, vm0, $0xb8;
	[tilespmem:$0x19800] =	vst v63  }
0x25a: {  	_ = 	snop  }
0x25b: {  	[hbm4b:s16+s4] =	stream.indirect_vreg.scatter [tilespmem:s19], [sflag:$0x4], $0x80, v3, vm0, $0xb8;
	[tilespmem:$0x19800] =	vst v63  }
0x25c: {  	_ = 	snop  }
0x25d: {  	[hbm4b:s17+s4] =	stream.indirect_vreg.scatter [tilespmem:s20], [sflag:$0x4], $0x80, v3, vm0, $0xb8;
	[tilespmem:$0x19800] =	vst v63  }
0x25e: {  	s5 =	simm.s32 $0x5  }
0x25f: {  	[hbm4b:s18+s4] =	stream.indirect_vreg.scatter [tilespmem:s26], [sflag:$0x4], $0x80, v3, vm0, $0xb8;
	[tilespmem:$0x19800] =	vst v63  }
0x260: {  	_ =	swait.ge [sflag:s5], $0x8000  }
0x261: {  	[sflag:s5] =	ssyncset.done $0x0  }
0x262: {  	[sflag:s5] =	ssyncadd.s32 $0xFFFF8000  }
0x263: {  	v3 =	vld [tilespmem:$0x380];
	_ =	sdelay $0x4  }
0x264: {  	v37 =	vshll.u32 v3, $0x4  }
0x265: {  	v3 =	vand.u32 $0x7, v3;
	v4 =	vand.u32 $0xFFFFFF80, v37  }
0x266: {  	v3 =	vor.u32 v3, v4  }
0x267: {  	v4 =	vperm.xlane v3, v0;
	_ =	sdelay $0x1  }
0x268: {  	v4 =	vadd.s32 v1, v4;
	_ =	sdelay $0x3  }
0x269: {  	s30 =	simm.s32 $0x9800;
	s19 =	rddreg [dreg:$0x1]  }
0x26a: {  	[tilespmem:s30], [sflag:$0x2] =	stream.indirect_vreg.gather [hbm4b:s19+s4], $0x80, v4, vm0, $0xb8;
	[tilespmem:$0x19800] =	vst v63  }
0x26b: {  	s23 =	simm.s32 $0xA000  }
0x26c: {  	[tilespmem:s23], [sflag:$0x2] =	stream.indirect_vreg.gather [hbm4b:s6+s4], $0x80, v4, vm0, $0xb8;
	[tilespmem:$0x19800] =	vst v63  }
0x26d: {  	s28 =	simm.s32 $0xA800  }
0x26e: {  	[tilespmem:s28], [sflag:$0x2] =	stream.indirect_vreg.gather [hbm4b:s7+s4], $0x80, v4, vm0, $0xb8;
	[tilespmem:$0x19800] =	vst v63  }
0x26f: {  	s24 =	simm.s32 $0xB000  }
0x270: {  	[tilespmem:s24], [sflag:$0x2] =	stream.indirect_vreg.gather [hbm4b:s8+s4], $0x80, v4, vm0, $0xb8;
	[tilespmem:$0x19800] =	vst v63  }
0x271: {  	s26 =	simm.s32 $0xB800  }
0x272: {  	[tilespmem:s26], [sflag:$0x2] =	stream.indirect_vreg.gather [hbm4b:s9+s4], $0x80, v4, vm0, $0xb8;
	[tilespmem:$0x19800] =	vst v63  }
0x273: {  	s29 =	simm.s32 $0xC000;
	v3 =	vperm.xlane v3, v2  }
0x274: {  	[tilespmem:s29], [sflag:$0x2] =	stream.indirect_vreg.gather [hbm4b:s10+s4], $0x80, v4, vm0, $0xb8;
	[tilespmem:$0x19800] =	vst v63  }
0x275: {  	s25 =	simm.s32 $0xC800;
	v3 =	vadd.s32 v1, v3  }
0x276: {  	[tilespmem:s25], [sflag:$0x2] =	stream.indirect_vreg.gather [hbm4b:s11+s4], $0x80, v4, vm0, $0xb8;
	[tilespmem:$0x19800] =	vst v63  }
0x277: {  	s20 =	simm.s32 $0xD000  }
0x278: {  	[tilespmem:s20], [sflag:$0x2] =	stream.indirect_vreg.gather [hbm4b:s12+s4], $0x80, v4, vm0, $0xb8;
	[tilespmem:$0x19800] =	vst v63  }
0x279: {  	s22 =	simm.s32 $0xD800  }
0x27a: {  	[tilespmem:s22], [sflag:$0x2] =	stream.indirect_vreg.gather [hbm4b:s19+s4], $0x80, v3, vm0, $0xb8;
	[tilespmem:$0x19800] =	vst v63  }
0x27b: {  	s26 =	simm.s32 $0xE000  }
0x27c: {  	[tilespmem:s26], [sflag:$0x2] =	stream.indirect_vreg.gather [hbm4b:s6+s4], $0x80, v3, vm0, $0xb8;
	[tilespmem:$0x19800] =	vst v63  }
0x27d: {  	s0 =	simm.s32 $0xE800  }
0x27e: {  	[tilespmem:s0], [sflag:$0x2] =	stream.indirect_vreg.gather [hbm4b:s7+s4], $0x80, v3, vm0, $0xb8;
	[tilespmem:$0x19800] =	vst v63  }
0x27f: {  	s1 =	simm.s32 $0xF000  }
0x280: {  	[tilespmem:s1], [sflag:$0x2] =	stream.indirect_vreg.gather [hbm4b:s8+s4], $0x80, v3, vm0, $0xb8;
	[tilespmem:$0x19800] =	vst v63  }
0x281: {  	s3 =	simm.s32 $0xF800  }
0x282: {  	[tilespmem:s3], [sflag:$0x2] =	stream.indirect_vreg.gather [hbm4b:s9+s4], $0x80, v3, vm0, $0xb8;
	[tilespmem:$0x19800] =	vst v63  }
0x283: {  	s5 =	simm.s32 $0x10000  }
0x284: {  	[tilespmem:s5], [sflag:$0x2] =	stream.indirect_vreg.gather [hbm4b:s10+s4], $0x80, v3, vm0, $0xb8;
	[tilespmem:$0x19800] =	vst v63  }
0x285: {  	s29 =	simm.s32 $0x10800  }
0x286: {  	[tilespmem:s29], [sflag:$0x2] =	stream.indirect_vreg.gather [hbm4b:s11+s4], $0x80, v3, vm0, $0xb8;
	[tilespmem:$0x19800] =	vst v63  }
0x287: {  	s2 =	simm.s32 $0x11000;
	s31 =	simm.s32 $0x2  }
0x288: {  	[tilespmem:s2], [sflag:$0x2] =	stream.indirect_vreg.gather [hbm4b:s12+s4], $0x80, v3, vm0, $0xb8;
	[tilespmem:$0x19800] =	vst v63  }
0x289: {  	_ =	swait.ge [sflag:s31], $0x8000  }
0x28a: {  	[sflag:s31] =	ssyncset.done $0x0  }
0x28b: {  	[sflag:s31] =	ssyncadd.s32 $0xFFFF8000  }
0x28c: {  	v3 =	vld [tilespmem:$0xB80];
	_ =	sdelay $0x4  }
0x28d: {  	v38 =	vshll.u32 v3, $0x4  }
0x28e: {  	v3 =	vand.u32 $0x7, v3;
	v4 =	vand.u32 $0xFFFFFF80, v38  }
0x28f: {  	v3 =	vor.u32 v3, v4  }
0x290: {  	v4 =	vperm.xlane v3, v0;
	_ =	sdelay $0x1  }
0x291: {  	v4 =	vadd.s32 v1, v4;
	_ =	sdelay $0x3  }
0x292: {  	s31 =	rddreg [dreg:$0x3]  }
0x293: {  	[hbm4b:s31+s4] =	stream.indirect_vreg.scatter [tilespmem:s30], [sflag:$0x5], $0x80, v4, vm0, $0xb8;
	[tilespmem:$0x19800] =	vst v63  }
0x294: {  	_ = 	snop  }
0x295: {  	[hbm4b:s21+s4] =	stream.indirect_vreg.scatter [tilespmem:s23], [sflag:$0x5], $0x80, v4, vm0, $0xb8;
	[tilespmem:$0x19800] =	vst v63  }
0x296: {  	_ = 	snop  }
0x297: {  	[hbm4b:s13+s4] =	stream.indirect_vreg.scatter [tilespmem:s28], [sflag:$0x5], $0x80, v4, vm0, $0xb8;
	[tilespmem:$0x19800] =	vst v63  }
0x298: {  	_ = 	snop  }
0x299: {  	[hbm4b:s14+s4] =	stream.indirect_vreg.scatter [tilespmem:s24], [sflag:$0x5], $0x80, v4, vm0, $0xb8;
	[tilespmem:$0x19800] =	vst v63  }
0x29a: {  	s28 =	simm.s32 $0xB800  }
0x29b: {  	[hbm4b:s15+s4] =	stream.indirect_vreg.scatter [tilespmem:s28], [sflag:$0x5], $0x80, v4, vm0, $0xb8;
	[tilespmem:$0x19800] =	vst v63  }
0x29c: {  	v3 =	vperm.xlane v3, v2;
	s30 =	simm.s32 $0xC000  }
0x29d: {  	[hbm4b:s16+s4] =	stream.indirect_vreg.scatter [tilespmem:s30], [sflag:$0x5], $0x80, v4, vm0, $0xb8;
	[tilespmem:$0x19800] =	vst v63  }
0x29e: {  	v3 =	vadd.s32 v1, v3  }
0x29f: {  	[hbm4b:s17+s4] =	stream.indirect_vreg.scatter [tilespmem:s25], [sflag:$0x5], $0x80, v4, vm0, $0xb8;
	[tilespmem:$0x19800] =	vst v63  }
0x2a0: {  	_ = 	snop  }
0x2a1: {  	[hbm4b:s18+s4] =	stream.indirect_vreg.scatter [tilespmem:s20], [sflag:$0x5], $0x80, v4, vm0, $0xb8;
	[tilespmem:$0x19800] =	vst v63  }
0x2a2: {  	_ = 	snop  }
0x2a3: {  	[hbm4b:s31+s4] =	stream.indirect_vreg.scatter [tilespmem:s22], [sflag:$0x5], $0x80, v3, vm0, $0xb8;
	[tilespmem:$0x19800] =	vst v63  }
0x2a4: {  	_ = 	snop  }
0x2a5: {  	[hbm4b:s21+s4] =	stream.indirect_vreg.scatter [tilespmem:s26], [sflag:$0x5], $0x80, v3, vm0, $0xb8;
	[tilespmem:$0x19800] =	vst v63  }
0x2a6: {  	_ = 	snop  }
0x2a7: {  	[hbm4b:s13+s4] =	stream.indirect_vreg.scatter [tilespmem:s0], [sflag:$0x5], $0x80, v3, vm0, $0xb8;
	[tilespmem:$0x19800] =	vst v63  }
0x2a8: {  	_ = 	snop  }
0x2a9: {  	[hbm4b:s14+s4] =	stream.indirect_vreg.scatter [tilespmem:s1], [sflag:$0x5], $0x80, v3, vm0, $0xb8;
	[tilespmem:$0x19800] =	vst v63  }
0x2aa: {  	_ = 	snop  }
0x2ab: {  	[hbm4b:s15+s4] =	stream.indirect_vreg.scatter [tilespmem:s3], [sflag:$0x5], $0x80, v3, vm0, $0xb8;
	[tilespmem:$0x19800] =	vst v63  }
0x2ac: {  	_ = 	snop  }
0x2ad: {  	[hbm4b:s16+s4] =	stream.indirect_vreg.scatter [tilespmem:s5], [sflag:$0x5], $0x80, v3, vm0, $0xb8;
	[tilespmem:$0x19800] =	vst v63  }
0x2ae: {  	_ = 	snop  }
0x2af: {  	[hbm4b:s17+s4] =	stream.indirect_vreg.scatter [tilespmem:s29], [sflag:$0x5], $0x80, v3, vm0, $0xb8;
	[tilespmem:$0x19800] =	vst v63  }
0x2b0: {  	s5 =	simm.s32 $0x6  }
0x2b1: {  	[hbm4b:s18+s4] =	stream.indirect_vreg.scatter [tilespmem:s2], [sflag:$0x5], $0x80, v3, vm0, $0xb8;
	[tilespmem:$0x19800] =	vst v63  }
0x2b2: {  	_ =	swait.ge [sflag:s5], $0x8000  }
0x2b3: {  	[sflag:s5] =	ssyncset.done $0x0  }
0x2b4: {  	[sflag:s5] =	ssyncadd.s32 $0xFFFF8000  }
0x2b5: {  	v3 =	vld [tilespmem:$0x400];
	_ =	sdelay $0x4  }
0x2b6: {  	v39 =	vshll.u32 v3, $0x4  }
0x2b7: {  	v3 =	vand.u32 $0x7, v3;
	v4 =	vand.u32 $0xFFFFFF80, v39  }
0x2b8: {  	v3 =	vor.u32 v3, v4  }
0x2b9: {  	v4 =	vperm.xlane v3, v0;
	_ =	sdelay $0x1  }
0x2ba: {  	v4 =	vadd.s32 v1, v4;
	_ =	sdelay $0x3  }
0x2bb: {  	s30 =	simm.s32 $0x11800;
	s19 =	rddreg [dreg:$0x1]  }
0x2bc: {  	[tilespmem:s30], [sflag:$0x3] =	stream.indirect_vreg.gather [hbm4b:s19+s4], $0x80, v4, vm0, $0xb8;
	[tilespmem:$0x19800] =	vst v63  }
0x2bd: {  	s23 =	simm.s32 $0x12000  }
0x2be: {  	[tilespmem:s23], [sflag:$0x3] =	stream.indirect_vreg.gather [hbm4b:s6+s4], $0x80, v4, vm0, $0xb8;
	[tilespmem:$0x19800] =	vst v63  }
0x2bf: {  	s28 =	simm.s32 $0x12800  }
0x2c0: {  	[tilespmem:s28], [sflag:$0x3] =	stream.indirect_vreg.gather [hbm4b:s7+s4], $0x80, v4, vm0, $0xb8;
	[tilespmem:$0x19800] =	vst v63  }
0x2c1: {  	s26 =	simm.s32 $0x13000  }
0x2c2: {  	[tilespmem:s26], [sflag:$0x3] =	stream.indirect_vreg.gather [hbm4b:s8+s4], $0x80, v4, vm0, $0xb8;
	[tilespmem:$0x19800] =	vst v63  }
0x2c3: {  	s25 =	simm.s32 $0x13800  }
0x2c4: {  	[tilespmem:s25], [sflag:$0x3] =	stream.indirect_vreg.gather [hbm4b:s9+s4], $0x80, v4, vm0, $0xb8;
	[tilespmem:$0x19800] =	vst v63  }
0x2c5: {  	s29 =	simm.s32 $0x14000;
	v3 =	vperm.xlane v3, v2  }
0x2c6: {  	[tilespmem:s29], [sflag:$0x3] =	stream.indirect_vreg.gather [hbm4b:s10+s4], $0x80, v4, vm0, $0xb8;
	[tilespmem:$0x19800] =	vst v63  }
0x2c7: {  	s20 =	simm.s32 $0x14800;
	v3 =	vadd.s32 v1, v3  }
0x2c8: {  	[tilespmem:s20], [sflag:$0x3] =	stream.indirect_vreg.gather [hbm4b:s11+s4], $0x80, v4, vm0, $0xb8;
	[tilespmem:$0x19800] =	vst v63  }
0x2c9: {  	s22 =	simm.s32 $0x15000  }
0x2ca: {  	[tilespmem:s22], [sflag:$0x3] =	stream.indirect_vreg.gather [hbm4b:s12+s4], $0x80, v4, vm0, $0xb8;
	[tilespmem:$0x19800] =	vst v63  }
0x2cb: {  	s24 =	simm.s32 $0x15800  }
0x2cc: {  	[tilespmem:s24], [sflag:$0x3] =	stream.indirect_vreg.gather [hbm4b:s19+s4], $0x80, v3, vm0, $0xb8;
	[tilespmem:$0x19800] =	vst v63  }
0x2cd: {  	s0 =	simm.s32 $0x16000  }
0x2ce: {  	[tilespmem:s0], [sflag:$0x3] =	stream.indirect_vreg.gather [hbm4b:s6+s4], $0x80, v3, vm0, $0xb8;
	[tilespmem:$0x19800] =	vst v63  }
0x2cf: {  	s1 =	simm.s32 $0x16800  }
0x2d0: {  	[tilespmem:s1], [sflag:$0x3] =	stream.indirect_vreg.gather [hbm4b:s7+s4], $0x80, v3, vm0, $0xb8;
	[tilespmem:$0x19800] =	vst v63  }
0x2d1: {  	s2 =	simm.s32 $0x17000  }
0x2d2: {  	[tilespmem:s2], [sflag:$0x3] =	stream.indirect_vreg.gather [hbm4b:s8+s4], $0x80, v3, vm0, $0xb8;
	[tilespmem:$0x19800] =	vst v63  }
0x2d3: {  	s3 =	simm.s32 $0x17800  }
0x2d4: {  	[tilespmem:s3], [sflag:$0x3] =	stream.indirect_vreg.gather [hbm4b:s9+s4], $0x80, v3, vm0, $0xb8;
	[tilespmem:$0x19800] =	vst v63  }
0x2d5: {  	s5 =	simm.s32 $0x18000  }
0x2d6: {  	[tilespmem:s5], [sflag:$0x3] =	stream.indirect_vreg.gather [hbm4b:s10+s4], $0x80, v3, vm0, $0xb8;
	[tilespmem:$0x19800] =	vst v63  }
0x2d7: {  	s29 =	simm.s32 $0x18800  }
0x2d8: {  	[tilespmem:s29], [sflag:$0x3] =	stream.indirect_vreg.gather [hbm4b:s11+s4], $0x80, v3, vm0, $0xb8;
	[tilespmem:$0x19800] =	vst v63  }
0x2d9: {  	s25 =	simm.s32 $0x19000;
	s19 =	simm.s32 $0x3  }
0x2da: {  	[tilespmem:s25], [sflag:$0x3] =	stream.indirect_vreg.gather [hbm4b:s12+s4], $0x80, v3, vm0, $0xb8;
	[tilespmem:$0x19800] =	vst v63  }
0x2db: {  	_ =	swait.ge [sflag:s19], $0x8000  }
0x2dc: {  	[sflag:s19] =	ssyncset.done $0x0  }
0x2dd: {  	[sflag:s19] =	ssyncadd.s32 $0xFFFF8000  }
0x2de: {  	v3 =	vld [tilespmem:$0xC00];
	_ =	sdelay $0x4  }
0x2df: {  	v40 =	vshll.u32 v3, $0x4  }
0x2e0: {  	v3 =	vand.u32 $0x7, v3;
	v4 =	vand.u32 $0xFFFFFF80, v40  }
0x2e1: {  	v3 =	vor.u32 v3, v4  }
0x2e2: {  	v4 =	vperm.xlane v3, v0;
	_ =	sdelay $0x1  }
0x2e3: {  	v4 =	vadd.s32 v1, v4;
	_ =	sdelay $0x4  }
0x2e4: {  	[hbm4b:s31+s4] =	stream.indirect_vreg.scatter [tilespmem:s30], [sflag:$0x6], $0x80, v4, vm0, $0xb8;
	[tilespmem:$0x19800] =	vst v63  }
0x2e5: {  	_ = 	snop  }
0x2e6: {  	[hbm4b:s21+s4] =	stream.indirect_vreg.scatter [tilespmem:s23], [sflag:$0x6], $0x80, v4, vm0, $0xb8;
	[tilespmem:$0x19800] =	vst v63  }
0x2e7: {  	_ = 	snop  }
0x2e8: {  	[hbm4b:s13+s4] =	stream.indirect_vreg.scatter [tilespmem:s28], [sflag:$0x6], $0x80, v4, vm0, $0xb8;
	[tilespmem:$0x19800] =	vst v63  }
0x2e9: {  	_ = 	snop  }
0x2ea: {  	[hbm4b:s14+s4] =	stream.indirect_vreg.scatter [tilespmem:s26], [sflag:$0x6], $0x80, v4, vm0, $0xb8;
	[tilespmem:$0x19800] =	vst v63  }
0x2eb: {  	s30 =	simm.s32 $0x13800  }
0x2ec: {  	[hbm4b:s15+s4] =	stream.indirect_vreg.scatter [tilespmem:s30], [sflag:$0x6], $0x80, v4, vm0, $0xb8;
	[tilespmem:$0x19800] =	vst v63  }
0x2ed: {  	v3 =	vperm.xlane v3, v2;
	s23 =	simm.s32 $0x14000  }
0x2ee: {  	[hbm4b:s16+s4] =	stream.indirect_vreg.scatter [tilespmem:s23], [sflag:$0x6], $0x80, v4, vm0, $0xb8;
	[tilespmem:$0x19800] =	vst v63  }
0x2ef: {  	v3 =	vadd.s32 v1, v3  }
0x2f0: {  	[hbm4b:s17+s4] =	stream.indirect_vreg.scatter [tilespmem:s20], [sflag:$0x6], $0x80, v4, vm0, $0xb8;
	[tilespmem:$0x19800] =	vst v63  }
0x2f1: {  	_ = 	snop  }
0x2f2: {  	[hbm4b:s18+s4] =	stream.indirect_vreg.scatter [tilespmem:s22], [sflag:$0x6], $0x80, v4, vm0, $0xb8;
	[tilespmem:$0x19800] =	vst v63  }
0x2f3: {  	_ = 	snop  }
0x2f4: {  	[hbm4b:s31+s4] =	stream.indirect_vreg.scatter [tilespmem:s24], [sflag:$0x6], $0x80, v3, vm0, $0xb8;
	[tilespmem:$0x19800] =	vst v63  }
0x2f5: {  	_ = 	snop  }
0x2f6: {  	[hbm4b:s21+s4] =	stream.indirect_vreg.scatter [tilespmem:s0], [sflag:$0x6], $0x80, v3, vm0, $0xb8;
	[tilespmem:$0x19800] =	vst v63  }
0x2f7: {  	_ = 	snop  }
0x2f8: {  	[hbm4b:s13+s4] =	stream.indirect_vreg.scatter [tilespmem:s1], [sflag:$0x6], $0x80, v3, vm0, $0xb8;
	[tilespmem:$0x19800] =	vst v63  }
0x2f9: {  	_ = 	snop  }
0x2fa: {  	[hbm4b:s14+s4] =	stream.indirect_vreg.scatter [tilespmem:s2], [sflag:$0x6], $0x80, v3, vm0, $0xb8;
	[tilespmem:$0x19800] =	vst v63  }
0x2fb: {  	_ = 	snop  }
0x2fc: {  	[hbm4b:s15+s4] =	stream.indirect_vreg.scatter [tilespmem:s3], [sflag:$0x6], $0x80, v3, vm0, $0xb8;
	[tilespmem:$0x19800] =	vst v63  }
0x2fd: {  	_ = 	snop  }
0x2fe: {  	[hbm4b:s16+s4] =	stream.indirect_vreg.scatter [tilespmem:s5], [sflag:$0x6], $0x80, v3, vm0, $0xb8;
	[tilespmem:$0x19800] =	vst v63  }
0x2ff: {  	_ = 	snop  }
0x300: {  	[hbm4b:s17+s4] =	stream.indirect_vreg.scatter [tilespmem:s29], [sflag:$0x6], $0x80, v3, vm0, $0xb8;
	[tilespmem:$0x19800] =	vst v63  }
0x301: {  	s24 =	simm.s32 $0x4  }
0x302: {  	[hbm4b:s18+s4] =	stream.indirect_vreg.scatter [tilespmem:s25], [sflag:$0x6], $0x80, v3, vm0, $0xb8;
	[tilespmem:$0x19800] =	vst v63  }
0x303: {  	_ =	swait.ge [sflag:s24], $0x8000  }
0x304: {  	[sflag:s24] =	ssyncset.done $0x0  }
0x305: {  	[sflag:s24] =	ssyncadd.s32 $0xFFFF8000  }
0x306: {  	v3 =	vld [tilespmem:$0x480];
	_ =	sdelay $0x4  }
0x307: {  	v41 =	vshll.u32 v3, $0x4  }
0x308: {  	v3 =	vand.u32 $0x7, v3;
	v4 =	vand.u32 $0xFFFFFF80, v41  }
0x309: {  	v3 =	vor.u32 v3, v4  }
0x30a: {  	v4 =	vperm.xlane v3, v0;
	_ =	sdelay $0x1  }
0x30b: {  	v4 =	vadd.s32 v1, v4;
	_ =	sdelay $0x3  }
0x30c: {  	s23 =	simm.s32 $0x1800;
	s25 =	rddreg [dreg:$0x1]  }
0x30d: {  	[tilespmem:s23], [sflag:$0x1] =	stream.indirect_vreg.gather [hbm4b:s25+s4], $0x80, v4, vm0, $0xb8;
	[tilespmem:$0x19800] =	vst v63  }
0x30e: {  	s1 =	simm.s32 $0x2000  }
0x30f: {  	[tilespmem:s1], [sflag:$0x1] =	stream.indirect_vreg.gather [hbm4b:s6+s4], $0x80, v4, vm0, $0xb8;
	[tilespmem:$0x19800] =	vst v63  }
0x310: {  	s28 =	simm.s32 $0x2800  }
0x311: {  	[tilespmem:s28], [sflag:$0x1] =	stream.indirect_vreg.gather [hbm4b:s7+s4], $0x80, v4, vm0, $0xb8;
	[tilespmem:$0x19800] =	vst v63  }
0x312: {  	s2 =	simm.s32 $0x3000  }
0x313: {  	[tilespmem:s2], [sflag:$0x1] =	stream.indirect_vreg.gather [hbm4b:s8+s4], $0x80, v4, vm0, $0xb8;
	[tilespmem:$0x19800] =	vst v63  }
0x314: {  	s24 =	simm.s32 $0x3800  }
0x315: {  	[tilespmem:s24], [sflag:$0x1] =	stream.indirect_vreg.gather [hbm4b:s9+s4], $0x80, v4, vm0, $0xb8;
	[tilespmem:$0x19800] =	vst v63  }
0x316: {  	s0 =	simm.s32 $0x4000;
	v3 =	vperm.xlane v3, v2  }
0x317: {  	[tilespmem:s0], [sflag:$0x1] =	stream.indirect_vreg.gather [hbm4b:s10+s4], $0x80, v4, vm0, $0xb8;
	[tilespmem:$0x19800] =	vst v63  }
0x318: {  	s3 =	simm.s32 $0x4800;
	v3 =	vadd.s32 v1, v3  }
0x319: {  	[tilespmem:s3], [sflag:$0x1] =	stream.indirect_vreg.gather [hbm4b:s11+s4], $0x80, v4, vm0, $0xb8;
	[tilespmem:$0x19800] =	vst v63  }
0x31a: {  	s29 =	simm.s32 $0x5000  }
0x31b: {  	[tilespmem:s29], [sflag:$0x1] =	stream.indirect_vreg.gather [hbm4b:s12+s4], $0x80, v4, vm0, $0xb8;
	[tilespmem:$0x19800] =	vst v63  }
0x31c: {  	s22 =	simm.s32 $0x5800  }
0x31d: {  	[tilespmem:s22], [sflag:$0x1] =	stream.indirect_vreg.gather [hbm4b:s25+s4], $0x80, v3, vm0, $0xb8;
	[tilespmem:$0x19800] =	vst v63  }
0x31e: {  	s19 =	simm.s32 $0x6000  }
0x31f: {  	[tilespmem:s19], [sflag:$0x1] =	stream.indirect_vreg.gather [hbm4b:s6+s4], $0x80, v3, vm0, $0xb8;
	[tilespmem:$0x19800] =	vst v63  }
0x320: {  	s20 =	simm.s32 $0x6800  }
0x321: {  	[tilespmem:s20], [sflag:$0x1] =	stream.indirect_vreg.gather [hbm4b:s7+s4], $0x80, v3, vm0, $0xb8;
	[tilespmem:$0x19800] =	vst v63  }
0x322: {  	s5 =	simm.s32 $0x7000  }
0x323: {  	[tilespmem:s5], [sflag:$0x1] =	stream.indirect_vreg.gather [hbm4b:s8+s4], $0x80, v3, vm0, $0xb8;
	[tilespmem:$0x19800] =	vst v63  }
0x324: {  	s30 =	simm.s32 $0x7800  }
0x325: {  	[tilespmem:s30], [sflag:$0x1] =	stream.indirect_vreg.gather [hbm4b:s9+s4], $0x80, v3, vm0, $0xb8;
	[tilespmem:$0x19800] =	vst v63  }
0x326: {  	s26 =	simm.s32 $0x8000  }
0x327: {  	[tilespmem:s26], [sflag:$0x1] =	stream.indirect_vreg.gather [hbm4b:s10+s4], $0x80, v3, vm0, $0xb8;
	[tilespmem:$0x19800] =	vst v63  }
0x328: {  	s26 =	simm.s32 $0x8800  }
0x329: {  	[tilespmem:s26], [sflag:$0x1] =	stream.indirect_vreg.gather [hbm4b:s11+s4], $0x80, v3, vm0, $0xb8;
	[tilespmem:$0x19800] =	vst v63  }
0x32a: {  	s25 =	simm.s32 $0x1;
	s26 =	simm.s32 $0x9000  }
0x32b: {  	[tilespmem:s26], [sflag:$0x1] =	stream.indirect_vreg.gather [hbm4b:s12+s4], $0x80, v3, vm0, $0xb8;
	[tilespmem:$0x19800] =	vst v63  }
0x32c: {  	_ =	swait.ge [sflag:s25], $0x8000  }
0x32d: {  	[sflag:s25] =	ssyncset.done $0x0  }
0x32e: {  	[sflag:s25] =	ssyncadd.s32 $0xFFFF8000  }
0x32f: {  	v3 =	vld [tilespmem:$0xC80];
	_ =	sdelay $0x4  }
0x330: {  	v42 =	vshll.u32 v3, $0x4  }
0x331: {  	v3 =	vand.u32 $0x7, v3;
	v4 =	vand.u32 $0xFFFFFF80, v42  }
0x332: {  	v3 =	vor.u32 v3, v4  }
0x333: {  	v4 =	vperm.xlane v3, v0;
	_ =	sdelay $0x1  }
0x334: {  	v4 =	vadd.s32 v1, v4;
	_ =	sdelay $0x4  }
0x335: {  	[hbm4b:s31+s4] =	stream.indirect_vreg.scatter [tilespmem:s23], [sflag:$0x4], $0x80, v4, vm0, $0xb8;
	[tilespmem:$0x19800] =	vst v63  }
0x336: {  	_ = 	snop  }
0x337: {  	[hbm4b:s21+s4] =	stream.indirect_vreg.scatter [tilespmem:s1], [sflag:$0x4], $0x80, v4, vm0, $0xb8;
	[tilespmem:$0x19800] =	vst v63  }
0x338: {  	_ = 	snop  }
0x339: {  	[hbm4b:s13+s4] =	stream.indirect_vreg.scatter [tilespmem:s28], [sflag:$0x4], $0x80, v4, vm0, $0xb8;
	[tilespmem:$0x19800] =	vst v63  }
0x33a: {  	_ = 	snop  }
0x33b: {  	[hbm4b:s14+s4] =	stream.indirect_vreg.scatter [tilespmem:s2], [sflag:$0x4], $0x80, v4, vm0, $0xb8;
	[tilespmem:$0x19800] =	vst v63  }
0x33c: {  	_ = 	snop  }
0x33d: {  	[hbm4b:s15+s4] =	stream.indirect_vreg.scatter [tilespmem:s24], [sflag:$0x4], $0x80, v4, vm0, $0xb8;
	[tilespmem:$0x19800] =	vst v63  }
0x33e: {  	v3 =	vperm.xlane v3, v2  }
0x33f: {  	[hbm4b:s16+s4] =	stream.indirect_vreg.scatter [tilespmem:s0], [sflag:$0x4], $0x80, v4, vm0, $0xb8;
	[tilespmem:$0x19800] =	vst v63  }
0x340: {  	v3 =	vadd.s32 v1, v3  }
0x341: {  	[hbm4b:s17+s4] =	stream.indirect_vreg.scatter [tilespmem:s3], [sflag:$0x4], $0x80, v4, vm0, $0xb8;
	[tilespmem:$0x19800] =	vst v63  }
0x342: {  	_ = 	snop  }
0x343: {  	[hbm4b:s18+s4] =	stream.indirect_vreg.scatter [tilespmem:s29], [sflag:$0x4], $0x80, v4, vm0, $0xb8;
	[tilespmem:$0x19800] =	vst v63  }
0x344: {  	_ = 	snop  }
0x345: {  	[hbm4b:s31+s4] =	stream.indirect_vreg.scatter [tilespmem:s22], [sflag:$0x4], $0x80, v3, vm0, $0xb8;
	[tilespmem:$0x19800] =	vst v63  }
0x346: {  	_ = 	snop  }
0x347: {  	[hbm4b:s21+s4] =	stream.indirect_vreg.scatter [tilespmem:s19], [sflag:$0x4], $0x80, v3, vm0, $0xb8;
	[tilespmem:$0x19800] =	vst v63  }
0x348: {  	_ = 	snop  }
0x349: {  	[hbm4b:s13+s4] =	stream.indirect_vreg.scatter [tilespmem:s20], [sflag:$0x4], $0x80, v3, vm0, $0xb8;
	[tilespmem:$0x19800] =	vst v63  }
0x34a: {  	_ = 	snop  }
0x34b: {  	[hbm4b:s14+s4] =	stream.indirect_vreg.scatter [tilespmem:s5], [sflag:$0x4], $0x80, v3, vm0, $0xb8;
	[tilespmem:$0x19800] =	vst v63  }
0x34c: {  	_ = 	snop  }
0x34d: {  	[hbm4b:s15+s4] =	stream.indirect_vreg.scatter [tilespmem:s30], [sflag:$0x4], $0x80, v3, vm0, $0xb8;
	[tilespmem:$0x19800] =	vst v63  }
0x34e: {  	s23 =	simm.s32 $0x8000  }
0x34f: {  	[hbm4b:s16+s4] =	stream.indirect_vreg.scatter [tilespmem:s23], [sflag:$0x4], $0x80, v3, vm0, $0xb8;
	[tilespmem:$0x19800] =	vst v63  }
0x350: {  	s24 =	simm.s32 $0x8800  }
0x351: {  	[hbm4b:s17+s4] =	stream.indirect_vreg.scatter [tilespmem:s24], [sflag:$0x4], $0x80, v3, vm0, $0xb8;
	[tilespmem:$0x19800] =	vst v63  }
0x352: {  	s25 =	simm.s32 $0x5  }
0x353: {  	[hbm4b:s18+s4] =	stream.indirect_vreg.scatter [tilespmem:s26], [sflag:$0x4], $0x80, v3, vm0, $0xb8;
	[tilespmem:$0x19800] =	vst v63  }
0x354: {  	_ =	swait.ge [sflag:s25], $0x8000  }
0x355: {  	[sflag:s25] =	ssyncset.done $0x0  }
0x356: {  	[sflag:s25] =	ssyncadd.s32 $0xFFFF8000  }
0x357: {  	v3 =	vld [tilespmem:$0x500];
	_ =	sdelay $0x4  }
0x358: {  	v43 =	vshll.u32 v3, $0x4  }
0x359: {  	v3 =	vand.u32 $0x7, v3;
	v4 =	vand.u32 $0xFFFFFF80, v43  }
0x35a: {  	v3 =	vor.u32 v3, v4  }
0x35b: {  	v4 =	vperm.xlane v3, v0;
	_ =	sdelay $0x1  }
0x35c: {  	v4 =	vadd.s32 v1, v4;
	_ =	sdelay $0x3  }
0x35d: {  	s28 =	simm.s32 $0x9800;
	s26 =	rddreg [dreg:$0x1]  }
0x35e: {  	[tilespmem:s28], [sflag:$0x2] =	stream.indirect_vreg.gather [hbm4b:s26+s4], $0x80, v4, vm0, $0xb8;
	[tilespmem:$0x19800] =	vst v63  }
0x35f: {  	s29 =	simm.s32 $0xA000  }
0x360: {  	[tilespmem:s29], [sflag:$0x2] =	stream.indirect_vreg.gather [hbm4b:s6+s4], $0x80, v4, vm0, $0xb8;
	[tilespmem:$0x19800] =	vst v63  }
0x361: {  	s24 =	simm.s32 $0xA800  }
0x362: {  	[tilespmem:s24], [sflag:$0x2] =	stream.indirect_vreg.gather [hbm4b:s7+s4], $0x80, v4, vm0, $0xb8;
	[tilespmem:$0x19800] =	vst v63  }
0x363: {  	s2 =	simm.s32 $0xB000  }
0x364: {  	[tilespmem:s2], [sflag:$0x2] =	stream.indirect_vreg.gather [hbm4b:s8+s4], $0x80, v4, vm0, $0xb8;
	[tilespmem:$0x19800] =	vst v63  }
0x365: {  	s1 =	simm.s32 $0xB800  }
0x366: {  	[tilespmem:s1], [sflag:$0x2] =	stream.indirect_vreg.gather [hbm4b:s9+s4], $0x80, v4, vm0, $0xb8;
	[tilespmem:$0x19800] =	vst v63  }
0x367: {  	s3 =	simm.s32 $0xC000;
	v3 =	vperm.xlane v3, v2  }
0x368: {  	[tilespmem:s3], [sflag:$0x2] =	stream.indirect_vreg.gather [hbm4b:s10+s4], $0x80, v4, vm0, $0xb8;
	[tilespmem:$0x19800] =	vst v63  }
0x369: {  	s5 =	simm.s32 $0xC800;
	v3 =	vadd.s32 v1, v3  }
0x36a: {  	[tilespmem:s5], [sflag:$0x2] =	stream.indirect_vreg.gather [hbm4b:s11+s4], $0x80, v4, vm0, $0xb8;
	[tilespmem:$0x19800] =	vst v63  }
0x36b: {  	s31 =	simm.s32 $0xD000  }
0x36c: {  	[tilespmem:s31], [sflag:$0x2] =	stream.indirect_vreg.gather [hbm4b:s12+s4], $0x80, v4, vm0, $0xb8;
	[tilespmem:$0x19800] =	vst v63  }
0x36d: {  	s30 =	simm.s32 $0xD800  }
0x36e: {  	[tilespmem:s30], [sflag:$0x2] =	stream.indirect_vreg.gather [hbm4b:s26+s4], $0x80, v3, vm0, $0xb8;
	[tilespmem:$0x19800] =	vst v63  }
0x36f: {  	s0 =	simm.s32 $0xE000  }
0x370: {  	[tilespmem:s0], [sflag:$0x2] =	stream.indirect_vreg.gather [hbm4b:s6+s4], $0x80, v3, vm0, $0xb8;
	[tilespmem:$0x19800] =	vst v63  }
0x371: {  	s19 =	simm.s32 $0xE800  }
0x372: {  	[tilespmem:s19], [sflag:$0x2] =	stream.indirect_vreg.gather [hbm4b:s7+s4], $0x80, v3, vm0, $0xb8;
	[tilespmem:$0x19800] =	vst v63  }
0x373: {  	s20 =	simm.s32 $0xF000  }
0x374: {  	[tilespmem:s20], [sflag:$0x2] =	stream.indirect_vreg.gather [hbm4b:s8+s4], $0x80, v3, vm0, $0xb8;
	[tilespmem:$0x19800] =	vst v63  }
0x375: {  	s23 =	simm.s32 $0xF800  }
0x376: {  	[tilespmem:s23], [sflag:$0x2] =	stream.indirect_vreg.gather [hbm4b:s9+s4], $0x80, v3, vm0, $0xb8;
	[tilespmem:$0x19800] =	vst v63  }
0x377: {  	s25 =	simm.s32 $0x10000  }
0x378: {  	[tilespmem:s25], [sflag:$0x2] =	stream.indirect_vreg.gather [hbm4b:s10+s4], $0x80, v3, vm0, $0xb8;
	[tilespmem:$0x19800] =	vst v63  }
0x379: {  	s30 =	simm.s32 $0x10800  }
0x37a: {  	[tilespmem:s30], [sflag:$0x2] =	stream.indirect_vreg.gather [hbm4b:s11+s4], $0x80, v3, vm0, $0xb8;
	[tilespmem:$0x19800] =	vst v63  }
0x37b: {  	s22 =	simm.s32 $0x2;
	s26 =	simm.s32 $0x11000  }
0x37c: {  	[tilespmem:s26], [sflag:$0x2] =	stream.indirect_vreg.gather [hbm4b:s12+s4], $0x80, v3, vm0, $0xb8;
	[tilespmem:$0x19800] =	vst v63  }
0x37d: {  	_ =	swait.ge [sflag:s22], $0x8000  }
0x37e: {  	[sflag:s22] =	ssyncset.done $0x0  }
0x37f: {  	[sflag:s22] =	ssyncadd.s32 $0xFFFF8000  }
0x380: {  	v3 =	vld [tilespmem:$0xD00];
	_ =	sdelay $0x4  }
0x381: {  	v44 =	vshll.u32 v3, $0x4  }
0x382: {  	v3 =	vand.u32 $0x7, v3;
	v4 =	vand.u32 $0xFFFFFF80, v44  }
0x383: {  	v3 =	vor.u32 v3, v4  }
0x384: {  	v4 =	vperm.xlane v3, v0;
	_ =	sdelay $0x1  }
0x385: {  	v4 =	vadd.s32 v1, v4;
	_ =	sdelay $0x3  }
0x386: {  	s22 =	rddreg [dreg:$0x3]  }
0x387: {  	[hbm4b:s22+s4] =	stream.indirect_vreg.scatter [tilespmem:s28], [sflag:$0x5], $0x80, v4, vm0, $0xb8;
	[tilespmem:$0x19800] =	vst v63  }
0x388: {  	_ = 	snop  }
0x389: {  	[hbm4b:s21+s4] =	stream.indirect_vreg.scatter [tilespmem:s29], [sflag:$0x5], $0x80, v4, vm0, $0xb8;
	[tilespmem:$0x19800] =	vst v63  }
0x38a: {  	_ = 	snop  }
0x38b: {  	[hbm4b:s13+s4] =	stream.indirect_vreg.scatter [tilespmem:s24], [sflag:$0x5], $0x80, v4, vm0, $0xb8;
	[tilespmem:$0x19800] =	vst v63  }
0x38c: {  	_ = 	snop  }
0x38d: {  	[hbm4b:s14+s4] =	stream.indirect_vreg.scatter [tilespmem:s2], [sflag:$0x5], $0x80, v4, vm0, $0xb8;
	[tilespmem:$0x19800] =	vst v63  }
0x38e: {  	_ = 	snop  }
0x38f: {  	[hbm4b:s15+s4] =	stream.indirect_vreg.scatter [tilespmem:s1], [sflag:$0x5], $0x80, v4, vm0, $0xb8;
	[tilespmem:$0x19800] =	vst v63  }
0x390: {  	v3 =	vperm.xlane v3, v2  }
0x391: {  	[hbm4b:s16+s4] =	stream.indirect_vreg.scatter [tilespmem:s3], [sflag:$0x5], $0x80, v4, vm0, $0xb8;
	[tilespmem:$0x19800] =	vst v63  }
0x392: {  	v3 =	vadd.s32 v1, v3  }
0x393: {  	[hbm4b:s17+s4] =	stream.indirect_vreg.scatter [tilespmem:s5], [sflag:$0x5], $0x80, v4, vm0, $0xb8;
	[tilespmem:$0x19800] =	vst v63  }
0x394: {  	_ = 	snop  }
0x395: {  	[hbm4b:s18+s4] =	stream.indirect_vreg.scatter [tilespmem:s31], [sflag:$0x5], $0x80, v4, vm0, $0xb8;
	[tilespmem:$0x19800] =	vst v63  }
0x396: {  	s5 =	simm.s32 $0xD800  }
0x397: {  	[hbm4b:s22+s4] =	stream.indirect_vreg.scatter [tilespmem:s5], [sflag:$0x5], $0x80, v3, vm0, $0xb8;
	[tilespmem:$0x19800] =	vst v63  }
0x398: {  	_ = 	snop  }
0x399: {  	[hbm4b:s21+s4] =	stream.indirect_vreg.scatter [tilespmem:s0], [sflag:$0x5], $0x80, v3, vm0, $0xb8;
	[tilespmem:$0x19800] =	vst v63  }
0x39a: {  	_ = 	snop  }
0x39b: {  	[hbm4b:s13+s4] =	stream.indirect_vreg.scatter [tilespmem:s19], [sflag:$0x5], $0x80, v3, vm0, $0xb8;
	[tilespmem:$0x19800] =	vst v63  }
0x39c: {  	_ = 	snop  }
0x39d: {  	[hbm4b:s14+s4] =	stream.indirect_vreg.scatter [tilespmem:s20], [sflag:$0x5], $0x80, v3, vm0, $0xb8;
	[tilespmem:$0x19800] =	vst v63  }
0x39e: {  	_ = 	snop  }
0x39f: {  	[hbm4b:s15+s4] =	stream.indirect_vreg.scatter [tilespmem:s23], [sflag:$0x5], $0x80, v3, vm0, $0xb8;
	[tilespmem:$0x19800] =	vst v63  }
0x3a0: {  	_ = 	snop  }
0x3a1: {  	[hbm4b:s16+s4] =	stream.indirect_vreg.scatter [tilespmem:s25], [sflag:$0x5], $0x80, v3, vm0, $0xb8;
	[tilespmem:$0x19800] =	vst v63  }
0x3a2: {  	_ = 	snop  }
0x3a3: {  	[hbm4b:s17+s4] =	stream.indirect_vreg.scatter [tilespmem:s30], [sflag:$0x5], $0x80, v3, vm0, $0xb8;
	[tilespmem:$0x19800] =	vst v63  }
0x3a4: {  	s31 =	smov.u32 s22;
	s22 =	simm.s32 $0x6  }
0x3a5: {  	[hbm4b:s18+s4] =	stream.indirect_vreg.scatter [tilespmem:s26], [sflag:$0x5], $0x80, v3, vm0, $0xb8;
	[tilespmem:$0x19800] =	vst v63  }
0x3a6: {  	_ =	swait.ge [sflag:s22], $0x8000  }
0x3a7: {  	[sflag:s22] =	ssyncset.done $0x0  }
0x3a8: {  	[sflag:s22] =	ssyncadd.s32 $0xFFFF8000  }
0x3a9: {  	v3 =	vld [tilespmem:$0x580];
	_ =	sdelay $0x4  }
0x3aa: {  	v45 =	vshll.u32 v3, $0x4  }
0x3ab: {  	v3 =	vand.u32 $0x7, v3;
	v4 =	vand.u32 $0xFFFFFF80, v45  }
0x3ac: {  	v3 =	vor.u32 v3, v4  }
0x3ad: {  	v4 =	vperm.xlane v3, v0;
	_ =	sdelay $0x1  }
0x3ae: {  	v4 =	vadd.s32 v1, v4;
	_ =	sdelay $0x3  }
0x3af: {  	s28 =	simm.s32 $0x11800;
	s30 =	rddreg [dreg:$0x1]  }
0x3b0: {  	[tilespmem:s28], [sflag:$0x3] =	stream.indirect_vreg.gather [hbm4b:s30+s4], $0x80, v4, vm0, $0xb8;
	[tilespmem:$0x19800] =	vst v63  }
0x3b1: {  	s26 =	simm.s32 $0x12000  }
0x3b2: {  	[tilespmem:s26], [sflag:$0x3] =	stream.indirect_vreg.gather [hbm4b:s6+s4], $0x80, v4, vm0, $0xb8;
	[tilespmem:$0x19800] =	vst v63  }
0x3b3: {  	s29 =	simm.s32 $0x12800  }
0x3b4: {  	[tilespmem:s29], [sflag:$0x3] =	stream.indirect_vreg.gather [hbm4b:s7+s4], $0x80, v4, vm0, $0xb8;
	[tilespmem:$0x19800] =	vst v63  }
0x3b5: {  	s5 =	simm.s32 $0x13000  }
0x3b6: {  	[tilespmem:s5], [sflag:$0x3] =	stream.indirect_vreg.gather [hbm4b:s8+s4], $0x80, v4, vm0, $0xb8;
	[tilespmem:$0x19800] =	vst v63  }
0x3b7: {  	s2 =	simm.s32 $0x13800  }
0x3b8: {  	[tilespmem:s2], [sflag:$0x3] =	stream.indirect_vreg.gather [hbm4b:s9+s4], $0x80, v4, vm0, $0xb8;
	[tilespmem:$0x19800] =	vst v63  }
0x3b9: {  	s3 =	simm.s32 $0x14000;
	v3 =	vperm.xlane v3, v2  }
0x3ba: {  	[tilespmem:s3], [sflag:$0x3] =	stream.indirect_vreg.gather [hbm4b:s10+s4], $0x80, v4, vm0, $0xb8;
	[tilespmem:$0x19800] =	vst v63  }
0x3bb: {  	s23 =	simm.s32 $0x14800;
	v3 =	vadd.s32 v1, v3  }
0x3bc: {  	[tilespmem:s23], [sflag:$0x3] =	stream.indirect_vreg.gather [hbm4b:s11+s4], $0x80, v4, vm0, $0xb8;
	[tilespmem:$0x19800] =	vst v63  }
0x3bd: {  	s24 =	simm.s32 $0x15000  }
0x3be: {  	[tilespmem:s24], [sflag:$0x3] =	stream.indirect_vreg.gather [hbm4b:s12+s4], $0x80, v4, vm0, $0xb8;
	[tilespmem:$0x19800] =	vst v63  }
0x3bf: {  	s25 =	simm.s32 $0x15800  }
0x3c0: {  	[tilespmem:s25], [sflag:$0x3] =	stream.indirect_vreg.gather [hbm4b:s30+s4], $0x80, v3, vm0, $0xb8;
	[tilespmem:$0x19800] =	vst v63  }
0x3c1: {  	s19 =	simm.s32 $0x16000  }
0x3c2: {  	[tilespmem:s19], [sflag:$0x3] =	stream.indirect_vreg.gather [hbm4b:s6+s4], $0x80, v3, vm0, $0xb8;
	[tilespmem:$0x19800] =	vst v63  }
0x3c3: {  	s20 =	simm.s32 $0x16800  }
0x3c4: {  	[tilespmem:s20], [sflag:$0x3] =	stream.indirect_vreg.gather [hbm4b:s7+s4], $0x80, v3, vm0, $0xb8;
	[tilespmem:$0x19800] =	vst v63  }
0x3c5: {  	s24 =	simm.s32 $0x17000  }
0x3c6: {  	[tilespmem:s24], [sflag:$0x3] =	stream.indirect_vreg.gather [hbm4b:s8+s4], $0x80, v3, vm0, $0xb8;
	[tilespmem:$0x19800] =	vst v63  }
0x3c7: {  	s25 =	simm.s32 $0x17800  }
0x3c8: {  	[tilespmem:s25], [sflag:$0x3] =	stream.indirect_vreg.gather [hbm4b:s9+s4], $0x80, v3, vm0, $0xb8;
	[tilespmem:$0x19800] =	vst v63  }
0x3c9: {  	s23 =	simm.s32 $0x18000  }
0x3ca: {  	[tilespmem:s23], [sflag:$0x3] =	stream.indirect_vreg.gather [hbm4b:s10+s4], $0x80, v3, vm0, $0xb8;
	[tilespmem:$0x19800] =	vst v63  }
0x3cb: {  	s0 =	simm.s32 $0x18800  }
0x3cc: {  	[tilespmem:s0], [sflag:$0x3] =	stream.indirect_vreg.gather [hbm4b:s11+s4], $0x80, v3, vm0, $0xb8;
	[tilespmem:$0x19800] =	vst v63  }
0x3cd: {  	s1 =	simm.s32 $0x19000;
	s22 =	simm.s32 $0x3  }
0x3ce: {  	[tilespmem:s1], [sflag:$0x3] =	stream.indirect_vreg.gather [hbm4b:s12+s4], $0x80, v3, vm0, $0xb8;
	[tilespmem:$0x19800] =	vst v63  }
0x3cf: {  	_ =	swait.ge [sflag:s22], $0x8000  }
0x3d0: {  	[sflag:s22] =	ssyncset.done $0x0  }
0x3d1: {  	[sflag:s22] =	ssyncadd.s32 $0xFFFF8000  }
0x3d2: {  	v3 =	vld [tilespmem:$0xD80];
	_ =	sdelay $0x4  }
0x3d3: {  	v46 =	vshll.u32 v3, $0x4  }
0x3d4: {  	v3 =	vand.u32 $0x7, v3;
	v4 =	vand.u32 $0xFFFFFF80, v46  }
0x3d5: {  	v3 =	vor.u32 v3, v4  }
0x3d6: {  	v4 =	vperm.xlane v3, v0;
	_ =	sdelay $0x1  }
0x3d7: {  	v4 =	vadd.s32 v1, v4;
	_ =	sdelay $0x4  }
0x3d8: {  	[hbm4b:s31+s4] =	stream.indirect_vreg.scatter [tilespmem:s28], [sflag:$0x6], $0x80, v4, vm0, $0xb8;
	[tilespmem:$0x19800] =	vst v63  }
0x3d9: {  	_ = 	snop  }
0x3da: {  	[hbm4b:s21+s4] =	stream.indirect_vreg.scatter [tilespmem:s26], [sflag:$0x6], $0x80, v4, vm0, $0xb8;
	[tilespmem:$0x19800] =	vst v63  }
0x3db: {  	_ = 	snop  }
0x3dc: {  	[hbm4b:s13+s4] =	stream.indirect_vreg.scatter [tilespmem:s29], [sflag:$0x6], $0x80, v4, vm0, $0xb8;
	[tilespmem:$0x19800] =	vst v63  }
0x3dd: {  	_ = 	snop  }
0x3de: {  	[hbm4b:s14+s4] =	stream.indirect_vreg.scatter [tilespmem:s5], [sflag:$0x6], $0x80, v4, vm0, $0xb8;
	[tilespmem:$0x19800] =	vst v63  }
0x3df: {  	_ = 	snop  }
0x3e0: {  	[hbm4b:s15+s4] =	stream.indirect_vreg.scatter [tilespmem:s2], [sflag:$0x6], $0x80, v4, vm0, $0xb8;
	[tilespmem:$0x19800] =	vst v63  }
0x3e1: {  	v3 =	vperm.xlane v3, v2  }
0x3e2: {  	[hbm4b:s16+s4] =	stream.indirect_vreg.scatter [tilespmem:s3], [sflag:$0x6], $0x80, v4, vm0, $0xb8;
	[tilespmem:$0x19800] =	vst v63  }
0x3e3: {  	v3 =	vadd.s32 v1, v3;
	s29 =	simm.s32 $0x14800  }
0x3e4: {  	[hbm4b:s17+s4] =	stream.indirect_vreg.scatter [tilespmem:s29], [sflag:$0x6], $0x80, v4, vm0, $0xb8;
	[tilespmem:$0x19800] =	vst v63  }
0x3e5: {  	s3 =	simm.s32 $0x15000  }
0x3e6: {  	[hbm4b:s18+s4] =	stream.indirect_vreg.scatter [tilespmem:s3], [sflag:$0x6], $0x80, v4, vm0, $0xb8;
	[tilespmem:$0x19800] =	vst v63  }
0x3e7: {  	s5 =	simm.s32 $0x15800  }
0x3e8: {  	[hbm4b:s31+s4] =	stream.indirect_vreg.scatter [tilespmem:s5], [sflag:$0x6], $0x80, v3, vm0, $0xb8;
	[tilespmem:$0x19800] =	vst v63  }
0x3e9: {  	_ = 	snop  }
0x3ea: {  	[hbm4b:s21+s4] =	stream.indirect_vreg.scatter [tilespmem:s19], [sflag:$0x6], $0x80, v3, vm0, $0xb8;
	[tilespmem:$0x19800] =	vst v63  }
0x3eb: {  	_ = 	snop  }
0x3ec: {  	[hbm4b:s13+s4] =	stream.indirect_vreg.scatter [tilespmem:s20], [sflag:$0x6], $0x80, v3, vm0, $0xb8;
	[tilespmem:$0x19800] =	vst v63  }
0x3ed: {  	_ = 	snop  }
0x3ee: {  	[hbm4b:s14+s4] =	stream.indirect_vreg.scatter [tilespmem:s24], [sflag:$0x6], $0x80, v3, vm0, $0xb8;
	[tilespmem:$0x19800] =	vst v63  }
0x3ef: {  	_ = 	snop  }
0x3f0: {  	[hbm4b:s15+s4] =	stream.indirect_vreg.scatter [tilespmem:s25], [sflag:$0x6], $0x80, v3, vm0, $0xb8;
	[tilespmem:$0x19800] =	vst v63  }
0x3f1: {  	_ = 	snop  }
0x3f2: {  	[hbm4b:s16+s4] =	stream.indirect_vreg.scatter [tilespmem:s23], [sflag:$0x6], $0x80, v3, vm0, $0xb8;
	[tilespmem:$0x19800] =	vst v63  }
0x3f3: {  	_ = 	snop  }
0x3f4: {  	[hbm4b:s17+s4] =	stream.indirect_vreg.scatter [tilespmem:s0], [sflag:$0x6], $0x80, v3, vm0, $0xb8;
	[tilespmem:$0x19800] =	vst v63  }
0x3f5: {  	s19 =	simm.s32 $0x4  }
0x3f6: {  	[hbm4b:s18+s4] =	stream.indirect_vreg.scatter [tilespmem:s1], [sflag:$0x6], $0x80, v3, vm0, $0xb8;
	[tilespmem:$0x19800] =	vst v63  }
0x3f7: {  	_ =	swait.ge [sflag:s19], $0x8000  }
0x3f8: {  	[sflag:s19] =	ssyncset.done $0x0  }
0x3f9: {  	[sflag:s19] =	ssyncadd.s32 $0xFFFF8000  }
0x3fa: {  	v3 =	vld [tilespmem:$0x600];
	_ =	sdelay $0x4  }
0x3fb: {  	v47 =	vshll.u32 v3, $0x4  }
0x3fc: {  	v3 =	vand.u32 $0x7, v3;
	v4 =	vand.u32 $0xFFFFFF80, v47  }
0x3fd: {  	v3 =	vor.u32 v3, v4  }
0x3fe: {  	v4 =	vperm.xlane v3, v0;
	_ =	sdelay $0x1  }
0x3ff: {  	v4 =	vadd.s32 v1, v4;
	_ =	sdelay $0x3  }
0x400: {  	s19 =	simm.s32 $0x1800  }
0x401: {  	[tilespmem:s19], [sflag:$0x1] =	stream.indirect_vreg.gather [hbm4b:s30+s4], $0x80, v4, vm0, $0xb8;
	[tilespmem:$0x19800] =	vst v63  }
0x402: {  	s22 =	simm.s32 $0x2000  }
0x403: {  	[tilespmem:s22], [sflag:$0x1] =	stream.indirect_vreg.gather [hbm4b:s6+s4], $0x80, v4, vm0, $0xb8;
	[tilespmem:$0x19800] =	vst v63  }
0x404: {  	s26 =	simm.s32 $0x2800  }
0x405: {  	[tilespmem:s26], [sflag:$0x1] =	stream.indirect_vreg.gather [hbm4b:s7+s4], $0x80, v4, vm0, $0xb8;
	[tilespmem:$0x19800] =	vst v63  }
0x406: {  	s23 =	simm.s32 $0x3000  }
0x407: {  	[tilespmem:s23], [sflag:$0x1] =	stream.indirect_vreg.gather [hbm4b:s8+s4], $0x80, v4, vm0, $0xb8;
	[tilespmem:$0x19800] =	vst v63  }
0x408: {  	s20 =	simm.s32 $0x3800  }
0x409: {  	[tilespmem:s20], [sflag:$0x1] =	stream.indirect_vreg.gather [hbm4b:s9+s4], $0x80, v4, vm0, $0xb8;
	[tilespmem:$0x19800] =	vst v63  }
0x40a: {  	v3 =	vperm.xlane v3, v2;
	s20 =	simm.s32 $0x4000  }
0x40b: {  	[tilespmem:s20], [sflag:$0x1] =	stream.indirect_vreg.gather [hbm4b:s10+s4], $0x80, v4, vm0, $0xb8;
	[tilespmem:$0x19800] =	vst v63  }
0x40c: {  	s24 =	simm.s32 $0x4800;
	v3 =	vadd.s32 v1, v3  }
0x40d: {  	[tilespmem:s24], [sflag:$0x1] =	stream.indirect_vreg.gather [hbm4b:s11+s4], $0x80, v4, vm0, $0xb8;
	[tilespmem:$0x19800] =	vst v63  }
0x40e: {  	s5 =	simm.s32 $0x5000  }
0x40f: {  	[tilespmem:s5], [sflag:$0x1] =	stream.indirect_vreg.gather [hbm4b:s12+s4], $0x80, v4, vm0, $0xb8;
	[tilespmem:$0x19800] =	vst v63  }
0x410: {  	s29 =	simm.s32 $0x5800  }
0x411: {  	[tilespmem:s29], [sflag:$0x1] =	stream.indirect_vreg.gather [hbm4b:s30+s4], $0x80, v3, vm0, $0xb8;
	[tilespmem:$0x19800] =	vst v63  }
0x412: {  	s30 =	simm.s32 $0x6000  }
0x413: {  	[tilespmem:s30], [sflag:$0x1] =	stream.indirect_vreg.gather [hbm4b:s6+s4], $0x80, v3, vm0, $0xb8;
	[tilespmem:$0x19800] =	vst v63  }
0x414: {  	s28 =	simm.s32 $0x6800  }
0x415: {  	[tilespmem:s28], [sflag:$0x1] =	stream.indirect_vreg.gather [hbm4b:s7+s4], $0x80, v3, vm0, $0xb8;
	[tilespmem:$0x19800] =	vst v63  }
0x416: {  	s25 =	simm.s32 $0x7000  }
0x417: {  	[tilespmem:s25], [sflag:$0x1] =	stream.indirect_vreg.gather [hbm4b:s8+s4], $0x80, v3, vm0, $0xb8;
	[tilespmem:$0x19800] =	vst v63  }
0x418: {  	s1 =	simm.s32 $0x7800  }
0x419: {  	[tilespmem:s1], [sflag:$0x1] =	stream.indirect_vreg.gather [hbm4b:s9+s4], $0x80, v3, vm0, $0xb8;
	[tilespmem:$0x19800] =	vst v63  }
0x41a: {  	s2 =	simm.s32 $0x8000  }
0x41b: {  	[tilespmem:s2], [sflag:$0x1] =	stream.indirect_vreg.gather [hbm4b:s10+s4], $0x80, v3, vm0, $0xb8;
	[tilespmem:$0x19800] =	vst v63  }
0x41c: {  	s3 =	simm.s32 $0x8800  }
0x41d: {  	[tilespmem:s3], [sflag:$0x1] =	stream.indirect_vreg.gather [hbm4b:s11+s4], $0x80, v3, vm0, $0xb8;
	[tilespmem:$0x19800] =	vst v63  }
0x41e: {  	s0 =	simm.s32 $0x9000  }
0x41f: {  	[tilespmem:s0], [sflag:$0x1] =	stream.indirect_vreg.gather [hbm4b:s12+s4], $0x80, v3, vm0, $0xb8;
	[tilespmem:$0x19800] =	vst v63  }
0x420: {  	s0 =	simm.s32 $0x1  }
0x421: {  	_ =	swait.ge [sflag:s0], $0x8000  }
0x422: {  	[sflag:s0] =	ssyncset.done $0x0  }
0x423: {  	[sflag:s0] =	ssyncadd.s32 $0xFFFF8000  }
0x424: {  	v3 =	vld [tilespmem:$0xE00];
	_ =	sdelay $0x4  }
0x425: {  	v48 =	vshll.u32 v3, $0x4  }
0x426: {  	v3 =	vand.u32 $0x7, v3;
	v4 =	vand.u32 $0xFFFFFF80, v48  }
0x427: {  	v3 =	vor.u32 v3, v4  }
0x428: {  	v4 =	vperm.xlane v3, v0;
	_ =	sdelay $0x1  }
0x429: {  	v4 =	vadd.s32 v1, v4;
	_ =	sdelay $0x4  }
0x42a: {  	[hbm4b:s31+s4] =	stream.indirect_vreg.scatter [tilespmem:s19], [sflag:$0x4], $0x80, v4, vm0, $0xb8;
	[tilespmem:$0x19800] =	vst v63  }
0x42b: {  	_ = 	snop  }
0x42c: {  	[hbm4b:s21+s4] =	stream.indirect_vreg.scatter [tilespmem:s22], [sflag:$0x4], $0x80, v4, vm0, $0xb8;
	[tilespmem:$0x19800] =	vst v63  }
0x42d: {  	_ = 	snop  }
0x42e: {  	[hbm4b:s13+s4] =	stream.indirect_vreg.scatter [tilespmem:s26], [sflag:$0x4], $0x80, v4, vm0, $0xb8;
	[tilespmem:$0x19800] =	vst v63  }
0x42f: {  	_ = 	snop  }
0x430: {  	[hbm4b:s14+s4] =	stream.indirect_vreg.scatter [tilespmem:s23], [sflag:$0x4], $0x80, v4, vm0, $0xb8;
	[tilespmem:$0x19800] =	vst v63  }
0x431: {  	s22 =	simm.s32 $0x3800  }
0x432: {  	[hbm4b:s15+s4] =	stream.indirect_vreg.scatter [tilespmem:s22], [sflag:$0x4], $0x80, v4, vm0, $0xb8;
	[tilespmem:$0x19800] =	vst v63  }
0x433: {  	v3 =	vperm.xlane v3, v2  }
0x434: {  	[hbm4b:s16+s4] =	stream.indirect_vreg.scatter [tilespmem:s20], [sflag:$0x4], $0x80, v4, vm0, $0xb8;
	[tilespmem:$0x19800] =	vst v63  }
0x435: {  	v3 =	vadd.s32 v1, v3  }
0x436: {  	[hbm4b:s17+s4] =	stream.indirect_vreg.scatter [tilespmem:s24], [sflag:$0x4], $0x80, v4, vm0, $0xb8;
	[tilespmem:$0x19800] =	vst v63  }
0x437: {  	_ = 	snop  }
0x438: {  	[hbm4b:s18+s4] =	stream.indirect_vreg.scatter [tilespmem:s5], [sflag:$0x4], $0x80, v4, vm0, $0xb8;
	[tilespmem:$0x19800] =	vst v63  }
0x439: {  	_ = 	snop  }
0x43a: {  	[hbm4b:s31+s4] =	stream.indirect_vreg.scatter [tilespmem:s29], [sflag:$0x4], $0x80, v3, vm0, $0xb8;
	[tilespmem:$0x19800] =	vst v63  }
0x43b: {  	_ = 	snop  }
0x43c: {  	[hbm4b:s21+s4] =	stream.indirect_vreg.scatter [tilespmem:s30], [sflag:$0x4], $0x80, v3, vm0, $0xb8;
	[tilespmem:$0x19800] =	vst v63  }
0x43d: {  	_ = 	snop  }
0x43e: {  	[hbm4b:s13+s4] =	stream.indirect_vreg.scatter [tilespmem:s28], [sflag:$0x4], $0x80, v3, vm0, $0xb8;
	[tilespmem:$0x19800] =	vst v63  }
0x43f: {  	_ = 	snop  }
0x440: {  	[hbm4b:s14+s4] =	stream.indirect_vreg.scatter [tilespmem:s25], [sflag:$0x4], $0x80, v3, vm0, $0xb8;
	[tilespmem:$0x19800] =	vst v63  }
0x441: {  	_ = 	snop  }
0x442: {  	[hbm4b:s15+s4] =	stream.indirect_vreg.scatter [tilespmem:s1], [sflag:$0x4], $0x80, v3, vm0, $0xb8;
	[tilespmem:$0x19800] =	vst v63  }
0x443: {  	_ = 	snop  }
0x444: {  	[hbm4b:s16+s4] =	stream.indirect_vreg.scatter [tilespmem:s2], [sflag:$0x4], $0x80, v3, vm0, $0xb8;
	[tilespmem:$0x19800] =	vst v63  }
0x445: {  	_ = 	snop  }
0x446: {  	[hbm4b:s17+s4] =	stream.indirect_vreg.scatter [tilespmem:s3], [sflag:$0x4], $0x80, v3, vm0, $0xb8;
	[tilespmem:$0x19800] =	vst v63  }
0x447: {  	s23 =	simm.s32 $0x9000;
	s24 =	simm.s32 $0x5  }
0x448: {  	[hbm4b:s18+s4] =	stream.indirect_vreg.scatter [tilespmem:s23], [sflag:$0x4], $0x80, v3, vm0, $0xb8;
	[tilespmem:$0x19800] =	vst v63  }
0x449: {  	_ =	swait.ge [sflag:s24], $0x8000  }
0x44a: {  	[sflag:s24] =	ssyncset.done $0x0  }
0x44b: {  	[sflag:s24] =	ssyncadd.s32 $0xFFFF8000  }
0x44c: {  	v3 =	vld [tilespmem:$0x680];
	_ =	sdelay $0x4  }
0x44d: {  	v49 =	vshll.u32 v3, $0x4  }
0x44e: {  	v3 =	vand.u32 $0x7, v3;
	v4 =	vand.u32 $0xFFFFFF80, v49  }
0x44f: {  	v3 =	vor.u32 v3, v4  }
0x450: {  	v4 =	vperm.xlane v3, v0;
	_ =	sdelay $0x1  }
0x451: {  	v4 =	vadd.s32 v1, v4;
	_ =	sdelay $0x3  }
0x452: {  	s25 =	simm.s32 $0x9800;
	s26 =	rddreg [dreg:$0x1]  }
0x453: {  	[tilespmem:s25], [sflag:$0x2] =	stream.indirect_vreg.gather [hbm4b:s26+s4], $0x80, v4, vm0, $0xb8;
	[tilespmem:$0x19800] =	vst v63  }
0x454: {  	s30 =	simm.s32 $0xA000  }
0x455: {  	[tilespmem:s30], [sflag:$0x2] =	stream.indirect_vreg.gather [hbm4b:s6+s4], $0x80, v4, vm0, $0xb8;
	[tilespmem:$0x19800] =	vst v63  }
0x456: {  	s19 =	simm.s32 $0xA800  }
0x457: {  	[tilespmem:s19], [sflag:$0x2] =	stream.indirect_vreg.gather [hbm4b:s7+s4], $0x80, v4, vm0, $0xb8;
	[tilespmem:$0x19800] =	vst v63  }
0x458: {  	s25 =	simm.s32 $0xB000  }
0x459: {  	[tilespmem:s25], [sflag:$0x2] =	stream.indirect_vreg.gather [hbm4b:s8+s4], $0x80, v4, vm0, $0xb8;
	[tilespmem:$0x19800] =	vst v63  }
0x45a: {  	s20 =	simm.s32 $0xB800  }
0x45b: {  	[tilespmem:s20], [sflag:$0x2] =	stream.indirect_vreg.gather [hbm4b:s9+s4], $0x80, v4, vm0, $0xb8;
	[tilespmem:$0x19800] =	vst v63  }
0x45c: {  	s22 =	simm.s32 $0xC000;
	v3 =	vperm.xlane v3, v2  }
0x45d: {  	[tilespmem:s22], [sflag:$0x2] =	stream.indirect_vreg.gather [hbm4b:s10+s4], $0x80, v4, vm0, $0xb8;
	[tilespmem:$0x19800] =	vst v63  }
0x45e: {  	s28 =	simm.s32 $0xC800;
	v3 =	vadd.s32 v1, v3  }
0x45f: {  	[tilespmem:s28], [sflag:$0x2] =	stream.indirect_vreg.gather [hbm4b:s11+s4], $0x80, v4, vm0, $0xb8;
	[tilespmem:$0x19800] =	vst v63  }
0x460: {  	s31 =	simm.s32 $0xD000  }
0x461: {  	[tilespmem:s31], [sflag:$0x2] =	stream.indirect_vreg.gather [hbm4b:s12+s4], $0x80, v4, vm0, $0xb8;
	[tilespmem:$0x19800] =	vst v63  }
0x462: {  	s29 =	simm.s32 $0xD800  }
0x463: {  	[tilespmem:s29], [sflag:$0x2] =	stream.indirect_vreg.gather [hbm4b:s26+s4], $0x80, v3, vm0, $0xb8;
	[tilespmem:$0x19800] =	vst v63  }
0x464: {  	s2 =	simm.s32 $0xE000  }
0x465: {  	[tilespmem:s2], [sflag:$0x2] =	stream.indirect_vreg.gather [hbm4b:s6+s4], $0x80, v3, vm0, $0xb8;
	[tilespmem:$0x19800] =	vst v63  }
0x466: {  	s3 =	simm.s32 $0xE800  }
0x467: {  	[tilespmem:s3], [sflag:$0x2] =	stream.indirect_vreg.gather [hbm4b:s7+s4], $0x80, v3, vm0, $0xb8;
	[tilespmem:$0x19800] =	vst v63  }
0x468: {  	s5 =	simm.s32 $0xF000  }
0x469: {  	[tilespmem:s5], [sflag:$0x2] =	stream.indirect_vreg.gather [hbm4b:s8+s4], $0x80, v3, vm0, $0xb8;
	[tilespmem:$0x19800] =	vst v63  }
0x46a: {  	s24 =	simm.s32 $0xF800  }
0x46b: {  	[tilespmem:s24], [sflag:$0x2] =	stream.indirect_vreg.gather [hbm4b:s9+s4], $0x80, v3, vm0, $0xb8;
	[tilespmem:$0x19800] =	vst v63  }
0x46c: {  	s26 =	simm.s32 $0x10000  }
0x46d: {  	[tilespmem:s26], [sflag:$0x2] =	stream.indirect_vreg.gather [hbm4b:s10+s4], $0x80, v3, vm0, $0xb8;
	[tilespmem:$0x19800] =	vst v63  }
0x46e: {  	s23 =	simm.s32 $0x10800  }
0x46f: {  	[tilespmem:s23], [sflag:$0x2] =	stream.indirect_vreg.gather [hbm4b:s11+s4], $0x80, v3, vm0, $0xb8;
	[tilespmem:$0x19800] =	vst v63  }
0x470: {  	s1 =	simm.s32 $0x2;
	s29 =	simm.s32 $0x11000  }
0x471: {  	[tilespmem:s29], [sflag:$0x2] =	stream.indirect_vreg.gather [hbm4b:s12+s4], $0x80, v3, vm0, $0xb8;
	[tilespmem:$0x19800] =	vst v63  }
0x472: {  	_ =	swait.ge [sflag:s1], $0x8000  }
0x473: {  	[sflag:s1] =	ssyncset.done $0x0  }
0x474: {  	[sflag:s1] =	ssyncadd.s32 $0xFFFF8000  }
0x475: {  	v3 =	vld [tilespmem:$0xE80];
	_ =	sdelay $0x4  }
0x476: {  	v50 =	vshll.u32 v3, $0x4  }
0x477: {  	v3 =	vand.u32 $0x7, v3;
	v4 =	vand.u32 $0xFFFFFF80, v50  }
0x478: {  	v3 =	vor.u32 v3, v4  }
0x479: {  	v4 =	vperm.xlane v3, v0;
	_ =	sdelay $0x1  }
0x47a: {  	v4 =	vadd.s32 v1, v4;
	_ =	sdelay $0x3  }
0x47b: {  	s1 =	simm.s32 $0x9800;
	s0 =	rddreg [dreg:$0x3]  }
0x47c: {  	[hbm4b:s0+s4] =	stream.indirect_vreg.scatter [tilespmem:s1], [sflag:$0x5], $0x80, v4, vm0, $0xb8;
	[tilespmem:$0x19800] =	vst v63  }
0x47d: {  	_ = 	snop  }
0x47e: {  	[hbm4b:s21+s4] =	stream.indirect_vreg.scatter [tilespmem:s30], [sflag:$0x5], $0x80, v4, vm0, $0xb8;
	[tilespmem:$0x19800] =	vst v63  }
0x47f: {  	_ = 	snop  }
0x480: {  	[hbm4b:s13+s4] =	stream.indirect_vreg.scatter [tilespmem:s19], [sflag:$0x5], $0x80, v4, vm0, $0xb8;
	[tilespmem:$0x19800] =	vst v63  }
0x481: {  	_ = 	snop  }
0x482: {  	[hbm4b:s14+s4] =	stream.indirect_vreg.scatter [tilespmem:s25], [sflag:$0x5], $0x80, v4, vm0, $0xb8;
	[tilespmem:$0x19800] =	vst v63  }
0x483: {  	_ = 	snop  }
0x484: {  	[hbm4b:s15+s4] =	stream.indirect_vreg.scatter [tilespmem:s20], [sflag:$0x5], $0x80, v4, vm0, $0xb8;
	[tilespmem:$0x19800] =	vst v63  }
0x485: {  	v3 =	vperm.xlane v3, v2  }
0x486: {  	[hbm4b:s16+s4] =	stream.indirect_vreg.scatter [tilespmem:s22], [sflag:$0x5], $0x80, v4, vm0, $0xb8;
	[tilespmem:$0x19800] =	vst v63  }
0x487: {  	v3 =	vadd.s32 v1, v3  }
0x488: {  	[hbm4b:s17+s4] =	stream.indirect_vreg.scatter [tilespmem:s28], [sflag:$0x5], $0x80, v4, vm0, $0xb8;
	[tilespmem:$0x19800] =	vst v63  }
0x489: {  	_ = 	snop  }
0x48a: {  	[hbm4b:s18+s4] =	stream.indirect_vreg.scatter [tilespmem:s31], [sflag:$0x5], $0x80, v4, vm0, $0xb8;
	[tilespmem:$0x19800] =	vst v63  }
0x48b: {  	s25 =	simm.s32 $0xD800  }
0x48c: {  	[hbm4b:s0+s4] =	stream.indirect_vreg.scatter [tilespmem:s25], [sflag:$0x5], $0x80, v3, vm0, $0xb8;
	[tilespmem:$0x19800] =	vst v63  }
0x48d: {  	_ = 	snop  }
0x48e: {  	[hbm4b:s21+s4] =	stream.indirect_vreg.scatter [tilespmem:s2], [sflag:$0x5], $0x80, v3, vm0, $0xb8;
	[tilespmem:$0x19800] =	vst v63  }
0x48f: {  	_ = 	snop  }
0x490: {  	[hbm4b:s13+s4] =	stream.indirect_vreg.scatter [tilespmem:s3], [sflag:$0x5], $0x80, v3, vm0, $0xb8;
	[tilespmem:$0x19800] =	vst v63  }
0x491: {  	_ = 	snop  }
0x492: {  	[hbm4b:s14+s4] =	stream.indirect_vreg.scatter [tilespmem:s5], [sflag:$0x5], $0x80, v3, vm0, $0xb8;
	[tilespmem:$0x19800] =	vst v63  }
0x493: {  	_ = 	snop  }
0x494: {  	[hbm4b:s15+s4] =	stream.indirect_vreg.scatter [tilespmem:s24], [sflag:$0x5], $0x80, v3, vm0, $0xb8;
	[tilespmem:$0x19800] =	vst v63  }
0x495: {  	_ = 	snop  }
0x496: {  	[hbm4b:s16+s4] =	stream.indirect_vreg.scatter [tilespmem:s26], [sflag:$0x5], $0x80, v3, vm0, $0xb8;
	[tilespmem:$0x19800] =	vst v63  }
0x497: {  	_ = 	snop  }
0x498: {  	[hbm4b:s17+s4] =	stream.indirect_vreg.scatter [tilespmem:s23], [sflag:$0x5], $0x80, v3, vm0, $0xb8;
	[tilespmem:$0x19800] =	vst v63  }
0x499: {  	s26 =	simm.s32 $0x6  }
0x49a: {  	[hbm4b:s18+s4] =	stream.indirect_vreg.scatter [tilespmem:s29], [sflag:$0x5], $0x80, v3, vm0, $0xb8;
	[tilespmem:$0x19800] =	vst v63  }
0x49b: {  	_ =	swait.ge [sflag:s26], $0x8000  }
0x49c: {  	[sflag:s26] =	ssyncset.done $0x0  }
0x49d: {  	[sflag:s26] =	ssyncadd.s32 $0xFFFF8000  }
0x49e: {  	v3 =	vld [tilespmem:$0x700];
	_ =	sdelay $0x4  }
0x49f: {  	v51 =	vshll.u32 v3, $0x4  }
0x4a0: {  	v3 =	vand.u32 $0x7, v3;
	v4 =	vand.u32 $0xFFFFFF80, v51  }
0x4a1: {  	v3 =	vor.u32 v3, v4  }
0x4a2: {  	v4 =	vperm.xlane v3, v0;
	_ =	sdelay $0x1  }
0x4a3: {  	v4 =	vadd.s32 v1, v4;
	_ =	sdelay $0x3  }
0x4a4: {  	s28 =	simm.s32 $0x11800;
	s29 =	rddreg [dreg:$0x1]  }
0x4a5: {  	[tilespmem:s28], [sflag:$0x3] =	stream.indirect_vreg.gather [hbm4b:s29+s4], $0x80, v4, vm0, $0xb8;
	[tilespmem:$0x19800] =	vst v63  }
0x4a6: {  	s19 =	simm.s32 $0x12000  }
0x4a7: {  	[tilespmem:s19], [sflag:$0x3] =	stream.indirect_vreg.gather [hbm4b:s6+s4], $0x80, v4, vm0, $0xb8;
	[tilespmem:$0x19800] =	vst v63  }
0x4a8: {  	s26 =	simm.s32 $0x12800  }
0x4a9: {  	[tilespmem:s26], [sflag:$0x3] =	stream.indirect_vreg.gather [hbm4b:s7+s4], $0x80, v4, vm0, $0xb8;
	[tilespmem:$0x19800] =	vst v63  }
0x4aa: {  	s30 =	simm.s32 $0x13000  }
0x4ab: {  	[tilespmem:s30], [sflag:$0x3] =	stream.indirect_vreg.gather [hbm4b:s8+s4], $0x80, v4, vm0, $0xb8;
	[tilespmem:$0x19800] =	vst v63  }
0x4ac: {  	s25 =	simm.s32 $0x13800  }
0x4ad: {  	[tilespmem:s25], [sflag:$0x3] =	stream.indirect_vreg.gather [hbm4b:s9+s4], $0x80, v4, vm0, $0xb8;
	[tilespmem:$0x19800] =	vst v63  }
0x4ae: {  	v3 =	vperm.xlane v3, v2;
	s28 =	simm.s32 $0x14000  }
0x4af: {  	[tilespmem:s28], [sflag:$0x3] =	stream.indirect_vreg.gather [hbm4b:s10+s4], $0x80, v4, vm0, $0xb8;
	[tilespmem:$0x19800] =	vst v63  }
0x4b0: {  	s31 =	simm.s32 $0x14800;
	v3 =	vadd.s32 v1, v3  }
0x4b1: {  	[tilespmem:s31], [sflag:$0x3] =	stream.indirect_vreg.gather [hbm4b:s11+s4], $0x80, v4, vm0, $0xb8;
	[tilespmem:$0x19800] =	vst v63  }
0x4b2: {  	s1 =	simm.s32 $0x15000  }
0x4b3: {  	[tilespmem:s1], [sflag:$0x3] =	stream.indirect_vreg.gather [hbm4b:s12+s4], $0x80, v4, vm0, $0xb8;
	[tilespmem:$0x19800] =	vst v63  }
0x4b4: {  	s2 =	simm.s32 $0x15800  }
0x4b5: {  	[tilespmem:s2], [sflag:$0x3] =	stream.indirect_vreg.gather [hbm4b:s29+s4], $0x80, v3, vm0, $0xb8;
	[tilespmem:$0x19800] =	vst v63  }
0x4b6: {  	s3 =	simm.s32 $0x16000  }
0x4b7: {  	[tilespmem:s3], [sflag:$0x3] =	stream.indirect_vreg.gather [hbm4b:s6+s4], $0x80, v3, vm0, $0xb8;
	[tilespmem:$0x19800] =	vst v63  }
0x4b8: {  	s5 =	simm.s32 $0x16800  }
0x4b9: {  	[tilespmem:s5], [sflag:$0x3] =	stream.indirect_vreg.gather [hbm4b:s7+s4], $0x80, v3, vm0, $0xb8;
	[tilespmem:$0x19800] =	vst v63  }
0x4ba: {  	s24 =	simm.s32 $0x17000  }
0x4bb: {  	[tilespmem:s24], [sflag:$0x3] =	stream.indirect_vreg.gather [hbm4b:s8+s4], $0x80, v3, vm0, $0xb8;
	[tilespmem:$0x19800] =	vst v63  }
0x4bc: {  	s29 =	simm.s32 $0x17800  }
0x4bd: {  	[tilespmem:s29], [sflag:$0x3] =	stream.indirect_vreg.gather [hbm4b:s9+s4], $0x80, v3, vm0, $0xb8;
	[tilespmem:$0x19800] =	vst v63  }
0x4be: {  	s23 =	simm.s32 $0x18000  }
0x4bf: {  	[tilespmem:s23], [sflag:$0x3] =	stream.indirect_vreg.gather [hbm4b:s10+s4], $0x80, v3, vm0, $0xb8;
	[tilespmem:$0x19800] =	vst v63  }
0x4c0: {  	s20 =	simm.s32 $0x18800  }
0x4c1: {  	[tilespmem:s20], [sflag:$0x3] =	stream.indirect_vreg.gather [hbm4b:s11+s4], $0x80, v3, vm0, $0xb8;
	[tilespmem:$0x19800] =	vst v63  }
0x4c2: {  	s22 =	simm.s32 $0x19000;
	s0 =	simm.s32 $0x3  }
0x4c3: {  	[tilespmem:s22], [sflag:$0x3] =	stream.indirect_vreg.gather [hbm4b:s12+s4], $0x80, v3, vm0, $0xb8;
	[tilespmem:$0x19800] =	vst v63  }
0x4c4: {  	_ =	swait.ge [sflag:s0], $0x8000  }
0x4c5: {  	[sflag:s0] =	ssyncset.done $0x0  }
0x4c6: {  	[sflag:s0] =	ssyncadd.s32 $0xFFFF8000  }
0x4c7: {  	v3 =	vld [tilespmem:$0xF00];
	_ =	sdelay $0x4  }
0x4c8: {  	v52 =	vshll.u32 v3, $0x4  }
0x4c9: {  	v3 =	vand.u32 $0x7, v3;
	v4 =	vand.u32 $0xFFFFFF80, v52  }
0x4ca: {  	v3 =	vor.u32 v3, v4  }
0x4cb: {  	v4 =	vperm.xlane v3, v0;
	_ =	sdelay $0x1  }
0x4cc: {  	v4 =	vadd.s32 v1, v4;
	_ =	sdelay $0x3  }
0x4cd: {  	s0 =	simm.s32 $0x11800;
	s31 =	rddreg [dreg:$0x3]  }
0x4ce: {  	[hbm4b:s31+s4] =	stream.indirect_vreg.scatter [tilespmem:s0], [sflag:$0x6], $0x80, v4, vm0, $0xb8;
	[tilespmem:$0x19800] =	vst v63  }
0x4cf: {  	_ = 	snop  }
0x4d0: {  	[hbm4b:s21+s4] =	stream.indirect_vreg.scatter [tilespmem:s19], [sflag:$0x6], $0x80, v4, vm0, $0xb8;
	[tilespmem:$0x19800] =	vst v63  }
0x4d1: {  	_ = 	snop  }
0x4d2: {  	[hbm4b:s13+s4] =	stream.indirect_vreg.scatter [tilespmem:s26], [sflag:$0x6], $0x80, v4, vm0, $0xb8;
	[tilespmem:$0x19800] =	vst v63  }
0x4d3: {  	_ = 	snop  }
0x4d4: {  	[hbm4b:s14+s4] =	stream.indirect_vreg.scatter [tilespmem:s30], [sflag:$0x6], $0x80, v4, vm0, $0xb8;
	[tilespmem:$0x19800] =	vst v63  }
0x4d5: {  	_ = 	snop  }
0x4d6: {  	[hbm4b:s15+s4] =	stream.indirect_vreg.scatter [tilespmem:s25], [sflag:$0x6], $0x80, v4, vm0, $0xb8;
	[tilespmem:$0x19800] =	vst v63  }
0x4d7: {  	v3 =	vperm.xlane v3, v2  }
0x4d8: {  	[hbm4b:s16+s4] =	stream.indirect_vreg.scatter [tilespmem:s28], [sflag:$0x6], $0x80, v4, vm0, $0xb8;
	[tilespmem:$0x19800] =	vst v63  }
0x4d9: {  	v3 =	vadd.s32 v1, v3;
	s28 =	simm.s32 $0x14800  }
0x4da: {  	[hbm4b:s17+s4] =	stream.indirect_vreg.scatter [tilespmem:s28], [sflag:$0x6], $0x80, v4, vm0, $0xb8;
	[tilespmem:$0x19800] =	vst v63  }
0x4db: {  	_ = 	snop  }
0x4dc: {  	[hbm4b:s18+s4] =	stream.indirect_vreg.scatter [tilespmem:s1], [sflag:$0x6], $0x80, v4, vm0, $0xb8;
	[tilespmem:$0x19800] =	vst v63  }
0x4dd: {  	_ = 	snop  }
0x4de: {  	[hbm4b:s31+s4] =	stream.indirect_vreg.scatter [tilespmem:s2], [sflag:$0x6], $0x80, v3, vm0, $0xb8;
	[tilespmem:$0x19800] =	vst v63  }
0x4df: {  	_ = 	snop  }
0x4e0: {  	[hbm4b:s21+s4] =	stream.indirect_vreg.scatter [tilespmem:s3], [sflag:$0x6], $0x80, v3, vm0, $0xb8;
	[tilespmem:$0x19800] =	vst v63  }
0x4e1: {  	_ = 	snop  }
0x4e2: {  	[hbm4b:s13+s4] =	stream.indirect_vreg.scatter [tilespmem:s5], [sflag:$0x6], $0x80, v3, vm0, $0xb8;
	[tilespmem:$0x19800] =	vst v63  }
0x4e3: {  	_ = 	snop  }
0x4e4: {  	[hbm4b:s14+s4] =	stream.indirect_vreg.scatter [tilespmem:s24], [sflag:$0x6], $0x80, v3, vm0, $0xb8;
	[tilespmem:$0x19800] =	vst v63  }
0x4e5: {  	_ = 	snop  }
0x4e6: {  	[hbm4b:s15+s4] =	stream.indirect_vreg.scatter [tilespmem:s29], [sflag:$0x6], $0x80, v3, vm0, $0xb8;
	[tilespmem:$0x19800] =	vst v63  }
0x4e7: {  	_ = 	snop  }
0x4e8: {  	[hbm4b:s16+s4] =	stream.indirect_vreg.scatter [tilespmem:s23], [sflag:$0x6], $0x80, v3, vm0, $0xb8;
	[tilespmem:$0x19800] =	vst v63  }
0x4e9: {  	_ = 	snop  }
0x4ea: {  	[hbm4b:s17+s4] =	stream.indirect_vreg.scatter [tilespmem:s20], [sflag:$0x6], $0x80, v3, vm0, $0xb8;
	[tilespmem:$0x19800] =	vst v63  }
0x4eb: {  	s29 =	simm.s32 $0x4  }
0x4ec: {  	[hbm4b:s18+s4] =	stream.indirect_vreg.scatter [tilespmem:s22], [sflag:$0x6], $0x80, v3, vm0, $0xb8;
	[tilespmem:$0x19800] =	vst v63  }
0x4ed: {  	_ =	swait.ge [sflag:s29], $0x8000  }
0x4ee: {  	[sflag:s29] =	ssyncset.done $0x0  }
0x4ef: {  	[sflag:s29] =	ssyncadd.s32 $0xFFFF8000  }
0x4f0: {  	v3 =	vld [tilespmem:$0x780];
	_ =	sdelay $0x4  }
0x4f1: {  	v53 =	vshll.u32 v3, $0x4  }
0x4f2: {  	v3 =	vand.u32 $0x7, v3;
	v4 =	vand.u32 $0xFFFFFF80, v53  }
0x4f3: {  	v3 =	vor.u32 v3, v4  }
0x4f4: {  	v4 =	vperm.xlane v3, v0;
	_ =	sdelay $0x1  }
0x4f5: {  	v4 =	vadd.s32 v1, v4;
	_ =	sdelay $0x3  }
0x4f6: {  	s22 =	simm.s32 $0x1800;
	s30 =	rddreg [dreg:$0x1]  }
0x4f7: {  	[tilespmem:s22], [sflag:$0x1] =	stream.indirect_vreg.gather [hbm4b:s30+s4], $0x80, v4, vm0, $0xb8;
	[tilespmem:$0x19800] =	vst v63  }
0x4f8: {  	s24 =	simm.s32 $0x2000  }
0x4f9: {  	[tilespmem:s24], [sflag:$0x1] =	stream.indirect_vreg.gather [hbm4b:s6+s4], $0x80, v4, vm0, $0xb8;
	[tilespmem:$0x19800] =	vst v63  }
0x4fa: {  	s19 =	simm.s32 $0x2800  }
0x4fb: {  	[tilespmem:s19], [sflag:$0x1] =	stream.indirect_vreg.gather [hbm4b:s7+s4], $0x80, v4, vm0, $0xb8;
	[tilespmem:$0x19800] =	vst v63  }
0x4fc: {  	s28 =	simm.s32 $0x3000  }
0x4fd: {  	[tilespmem:s28], [sflag:$0x1] =	stream.indirect_vreg.gather [hbm4b:s8+s4], $0x80, v4, vm0, $0xb8;
	[tilespmem:$0x19800] =	vst v63  }
0x4fe: {  	s3 =	simm.s32 $0x3800  }
0x4ff: {  	[tilespmem:s3], [sflag:$0x1] =	stream.indirect_vreg.gather [hbm4b:s9+s4], $0x80, v4, vm0, $0xb8;
	[tilespmem:$0x19800] =	vst v63  }
0x500: {  	s5 =	simm.s32 $0x4000;
	v3 =	vperm.xlane v3, v2  }
0x501: {  	[tilespmem:s5], [sflag:$0x1] =	stream.indirect_vreg.gather [hbm4b:s10+s4], $0x80, v4, vm0, $0xb8;
	[tilespmem:$0x19800] =	vst v63  }
0x502: {  	s20 =	simm.s32 $0x4800;
	v3 =	vadd.s32 v1, v3  }
0x503: {  	[tilespmem:s20], [sflag:$0x1] =	stream.indirect_vreg.gather [hbm4b:s11+s4], $0x80, v4, vm0, $0xb8;
	[tilespmem:$0x19800] =	vst v63  }
0x504: {  	s0 =	simm.s32 $0x5000  }
0x505: {  	[tilespmem:s0], [sflag:$0x1] =	stream.indirect_vreg.gather [hbm4b:s12+s4], $0x80, v4, vm0, $0xb8;
	[tilespmem:$0x19800] =	vst v63  }
0x506: {  	s2 =	simm.s32 $0x5800  }
0x507: {  	[tilespmem:s2], [sflag:$0x1] =	stream.indirect_vreg.gather [hbm4b:s30+s4], $0x80, v3, vm0, $0xb8;
	[tilespmem:$0x19800] =	vst v63  }
0x508: {  	s23 =	simm.s32 $0x6000  }
0x509: {  	[tilespmem:s23], [sflag:$0x1] =	stream.indirect_vreg.gather [hbm4b:s6+s4], $0x80, v3, vm0, $0xb8;
	[tilespmem:$0x19800] =	vst v63  }
0x50a: {  	s25 =	simm.s32 $0x6800  }
0x50b: {  	[tilespmem:s25], [sflag:$0x1] =	stream.indirect_vreg.gather [hbm4b:s7+s4], $0x80, v3, vm0, $0xb8;
	[tilespmem:$0x19800] =	vst v63  }
0x50c: {  	s26 =	simm.s32 $0x7000  }
0x50d: {  	[tilespmem:s26], [sflag:$0x1] =	stream.indirect_vreg.gather [hbm4b:s8+s4], $0x80, v3, vm0, $0xb8;
	[tilespmem:$0x19800] =	vst v63  }
0x50e: {  	s8 =	simm.s32 $0x7800  }
0x50f: {  	[tilespmem:s8], [sflag:$0x1] =	stream.indirect_vreg.gather [hbm4b:s9+s4], $0x80, v3, vm0, $0xb8;
	[tilespmem:$0x19800] =	vst v63  }
0x510: {  	s9 =	simm.s32 $0x8000  }
0x511: {  	[tilespmem:s9], [sflag:$0x1] =	stream.indirect_vreg.gather [hbm4b:s10+s4], $0x80, v3, vm0, $0xb8;
	[tilespmem:$0x19800] =	vst v63  }
0x512: {  	s10 =	simm.s32 $0x8800  }
0x513: {  	[tilespmem:s10], [sflag:$0x1] =	stream.indirect_vreg.gather [hbm4b:s11+s4], $0x80, v3, vm0, $0xb8;
	[tilespmem:$0x19800] =	vst v63  }
0x514: {  	s11 =	simm.s32 $0x9000  }
0x515: {  	[tilespmem:s11], [sflag:$0x1] =	stream.indirect_vreg.gather [hbm4b:s12+s4], $0x80, v3, vm0, $0xb8;
	[tilespmem:$0x19800] =	vst v63  }
0x516: {  	s12 =	simm.s32 $0x1  }
0x517: {  	_ =	swait.ge [sflag:s12], $0x8000  }
0x518: {  	[sflag:s12] =	ssyncset.done $0x0  }
0x519: {  	[sflag:s12] =	ssyncadd.s32 $0xFFFF8000  }
0x51a: {  	v3 =	vld [tilespmem:$0xF80];
	_ =	sdelay $0x4  }
0x51b: {  	v54 =	vshll.u32 v3, $0x4  }
0x51c: {  	v3 =	vand.u32 $0x7, v3;
	v4 =	vand.u32 $0xFFFFFF80, v54  }
0x51d: {  	v3 =	vor.u32 v3, v4  }
0x51e: {  	v4 =	vperm.xlane v3, v0;
	_ =	sdelay $0x1  }
0x51f: {  	v4 =	vadd.s32 v1, v4;
	_ =	sdelay $0x4  }
0x520: {  	[hbm4b:s31+s4] =	stream.indirect_vreg.scatter [tilespmem:s22], [sflag:$0x4], $0x80, v4, vm0, $0xb8;
	[tilespmem:$0x19800] =	vst v63  }
0x521: {  	_ = 	snop  }
0x522: {  	[hbm4b:s21+s4] =	stream.indirect_vreg.scatter [tilespmem:s24], [sflag:$0x4], $0x80, v4, vm0, $0xb8;
	[tilespmem:$0x19800] =	vst v63  }
0x523: {  	_ = 	snop  }
0x524: {  	[hbm4b:s13+s4] =	stream.indirect_vreg.scatter [tilespmem:s19], [sflag:$0x4], $0x80, v4, vm0, $0xb8;
	[tilespmem:$0x19800] =	vst v63  }
0x525: {  	_ = 	snop  }
0x526: {  	[hbm4b:s14+s4] =	stream.indirect_vreg.scatter [tilespmem:s28], [sflag:$0x4], $0x80, v4, vm0, $0xb8;
	[tilespmem:$0x19800] =	vst v63  }
0x527: {  	_ = 	snop  }
0x528: {  	[hbm4b:s15+s4] =	stream.indirect_vreg.scatter [tilespmem:s3], [sflag:$0x4], $0x80, v4, vm0, $0xb8;
	[tilespmem:$0x19800] =	vst v63  }
0x529: {  	v3 =	vperm.xlane v3, v2  }
0x52a: {  	[hbm4b:s16+s4] =	stream.indirect_vreg.scatter [tilespmem:s5], [sflag:$0x4], $0x80, v4, vm0, $0xb8;
	[tilespmem:$0x19800] =	vst v63  }
0x52b: {  	v3 =	vadd.s32 v1, v3  }
0x52c: {  	[hbm4b:s17+s4] =	stream.indirect_vreg.scatter [tilespmem:s20], [sflag:$0x4], $0x80, v4, vm0, $0xb8;
	[tilespmem:$0x19800] =	vst v63  }
0x52d: {  	_ = 	snop  }
0x52e: {  	[hbm4b:s18+s4] =	stream.indirect_vreg.scatter [tilespmem:s0], [sflag:$0x4], $0x80, v4, vm0, $0xb8;
	[tilespmem:$0x19800] =	vst v63  }
0x52f: {  	_ = 	snop  }
0x530: {  	[hbm4b:s31+s4] =	stream.indirect_vreg.scatter [tilespmem:s2], [sflag:$0x4], $0x80, v3, vm0, $0xb8;
	[tilespmem:$0x19800] =	vst v63  }
0x531: {  	_ = 	snop  }
0x532: {  	[hbm4b:s21+s4] =	stream.indirect_vreg.scatter [tilespmem:s23], [sflag:$0x4], $0x80, v3, vm0, $0xb8;
	[tilespmem:$0x19800] =	vst v63  }
0x533: {  	_ = 	snop  }
0x534: {  	[hbm4b:s13+s4] =	stream.indirect_vreg.scatter [tilespmem:s25], [sflag:$0x4], $0x80, v3, vm0, $0xb8;
	[tilespmem:$0x19800] =	vst v63  }
0x535: {  	_ = 	snop  }
0x536: {  	[hbm4b:s14+s4] =	stream.indirect_vreg.scatter [tilespmem:s26], [sflag:$0x4], $0x80, v3, vm0, $0xb8;
	[tilespmem:$0x19800] =	vst v63  }
0x537: {  	_ = 	snop  }
0x538: {  	[hbm4b:s15+s4] =	stream.indirect_vreg.scatter [tilespmem:s8], [sflag:$0x4], $0x80, v3, vm0, $0xb8;
	[tilespmem:$0x19800] =	vst v63  }
0x539: {  	_ = 	snop  }
0x53a: {  	[hbm4b:s16+s4] =	stream.indirect_vreg.scatter [tilespmem:s9], [sflag:$0x4], $0x80, v3, vm0, $0xb8;
	[tilespmem:$0x19800] =	vst v63  }
0x53b: {  	_ = 	snop  }
0x53c: {  	[hbm4b:s17+s4] =	stream.indirect_vreg.scatter [tilespmem:s10], [sflag:$0x4], $0x80, v3, vm0, $0xb8;
	[tilespmem:$0x19800] =	vst v63  }
0x53d: {  	s28 =	simm.s32 $0x5  }
0x53e: {  	[hbm4b:s18+s4] =	stream.indirect_vreg.scatter [tilespmem:s11], [sflag:$0x4], $0x80, v3, vm0, $0xb8;
	[tilespmem:$0x19800] =	vst v63  }
0x53f: {  	_ =	swait.ge [sflag:s28], $0x8000  }
0x540: {  	s30 =	simm.s32 $0x9800;
	[sflag:s28] =	ssyncset.done $0x0  }
0x541: {  	s2 =	simm.s32 $0x2;
	s29 =	rddreg [dreg:$0x8];
	[sflag:s28] =	ssyncadd.s32 $0xFFFF8000  }
0x542: {  	[tilespmem:s30], [sflag:$0x2] =	stream.linear.gather [hbm4b:s29+s4], $0x8000, $0x38;
	[tilespmem:$0x19800] =	vst v63  }
0x543: {  	_ =	swait.ge [sflag:s2], $0x8000  }
0x544: {  	[sflag:s2] =	ssyncset.done $0x0  }
0x545: {  	[sflag:s2] =	ssyncadd.s32 $0xFFFF8000  }
0x546: {  	v3 =	vld [tilespmem:$0x1000];
	_ =	sdelay $0x4  }
0x547: {  	v55 =	vshll.u32 v3, $0x4  }
0x548: {  	v3 =	vand.u32 $0x7, v3;
	v4 =	vand.u32 $0xFFFFFF80, v55  }
0x549: {  	v3 =	vor.u32 v3, v4  }
0x54a: {  	v4 =	vperm.xlane v3, v0;
	_ =	sdelay $0x1  }
0x54b: {  	v4 =	vadd.s32 v1, v4;
	_ =	sdelay $0x4  }
0x54c: {  	[hbm4b:s31+s4] =	stream.indirect_vreg.scatter [tilespmem:s30], [sflag:$0x5], $0x80, v4, vm0, $0xb8;
	[tilespmem:$0x19800] =	vst v63  }
0x54d: {  	s19 =	simm.s32 $0xA000  }
0x54e: {  	[hbm4b:s21+s4] =	stream.indirect_vreg.scatter [tilespmem:s19], [sflag:$0x5], $0x80, v4, vm0, $0xb8;
	[tilespmem:$0x19800] =	vst v63  }
0x54f: {  	s23 =	simm.s32 $0xA800  }
0x550: {  	[hbm4b:s13+s4] =	stream.indirect_vreg.scatter [tilespmem:s23], [sflag:$0x5], $0x80, v4, vm0, $0xb8;
	[tilespmem:$0x19800] =	vst v63  }
0x551: {  	s30 =	simm.s32 $0xB000  }
0x552: {  	[hbm4b:s14+s4] =	stream.indirect_vreg.scatter [tilespmem:s30], [sflag:$0x5], $0x80, v4, vm0, $0xb8;
	[tilespmem:$0x19800] =	vst v63  }
0x553: {  	s28 =	simm.s32 $0xB800  }
0x554: {  	[hbm4b:s15+s4] =	stream.indirect_vreg.scatter [tilespmem:s28], [sflag:$0x5], $0x80, v4, vm0, $0xb8;
	[tilespmem:$0x19800] =	vst v63  }
0x555: {  	s25 =	simm.s32 $0xC000;
	v3 =	vperm.xlane v3, v2  }
0x556: {  	[hbm4b:s16+s4] =	stream.indirect_vreg.scatter [tilespmem:s25], [sflag:$0x5], $0x80, v4, vm0, $0xb8;
	[tilespmem:$0x19800] =	vst v63  }
0x557: {  	s26 =	simm.s32 $0xC800;
	v3 =	vadd.s32 v1, v3  }
0x558: {  	[hbm4b:s17+s4] =	stream.indirect_vreg.scatter [tilespmem:s26], [sflag:$0x5], $0x80, v4, vm0, $0xb8;
	[tilespmem:$0x19800] =	vst v63  }
0x559: {  	s2 =	simm.s32 $0xD000  }
0x55a: {  	[hbm4b:s18+s4] =	stream.indirect_vreg.scatter [tilespmem:s2], [sflag:$0x5], $0x80, v4, vm0, $0xb8;
	[tilespmem:$0x19800] =	vst v63  }
0x55b: {  	s7 =	simm.s32 $0xD800  }
0x55c: {  	[hbm4b:s31+s4] =	stream.indirect_vreg.scatter [tilespmem:s7], [sflag:$0x5], $0x80, v3, vm0, $0xb8;
	[tilespmem:$0x19800] =	vst v63  }
0x55d: {  	s29 =	simm.s32 $0xE000  }
0x55e: {  	[hbm4b:s21+s4] =	stream.indirect_vreg.scatter [tilespmem:s29], [sflag:$0x5], $0x80, v3, vm0, $0xb8;
	[tilespmem:$0x19800] =	vst v63  }
0x55f: {  	s3 =	simm.s32 $0xE800  }
0x560: {  	[hbm4b:s13+s4] =	stream.indirect_vreg.scatter [tilespmem:s3], [sflag:$0x5], $0x80, v3, vm0, $0xb8;
	[tilespmem:$0x19800] =	vst v63  }
0x561: {  	s5 =	simm.s32 $0xF000  }
0x562: {  	[hbm4b:s14+s4] =	stream.indirect_vreg.scatter [tilespmem:s5], [sflag:$0x5], $0x80, v3, vm0, $0xb8;
	[tilespmem:$0x19800] =	vst v63  }
0x563: {  	s10 =	simm.s32 $0xF800  }
0x564: {  	[hbm4b:s15+s4] =	stream.indirect_vreg.scatter [tilespmem:s10], [sflag:$0x5], $0x80, v3, vm0, $0xb8;
	[tilespmem:$0x19800] =	vst v63  }
0x565: {  	s11 =	simm.s32 $0x10000  }
0x566: {  	[hbm4b:s16+s4] =	stream.indirect_vreg.scatter [tilespmem:s11], [sflag:$0x5], $0x80, v3, vm0, $0xb8;
	[tilespmem:$0x19800] =	vst v63  }
0x567: {  	s24 =	simm.s32 $0x10800  }
0x568: {  	[hbm4b:s17+s4] =	stream.indirect_vreg.scatter [tilespmem:s24], [sflag:$0x5], $0x80, v3, vm0, $0xb8;
	[tilespmem:$0x19800] =	vst v63  }
0x569: {  	s12 =	simm.s32 $0x11000;
	s8 =	simm.s32 $0x6  }
0x56a: {  	[hbm4b:s18+s4] =	stream.indirect_vreg.scatter [tilespmem:s12], [sflag:$0x5], $0x80, v3, vm0, $0xb8;
	[tilespmem:$0x19800] =	vst v63  }
0x56b: {  	_ =	swait.ge [sflag:s8], $0x8000  }
0x56c: {  	s22 =	simm.s32 $0x11800;
	[sflag:s8] =	ssyncset.done $0x0  }
0x56d: {  	s3 =	simm.s32 $0x3;
	s9 =	rddreg [dreg:$0x9];
	[sflag:s8] =	ssyncadd.s32 $0xFFFF8000  }
0x56e: {  	[tilespmem:s22], [sflag:$0x3] =	stream.linear.gather [hbm4b:s9+s4], $0x8000, $0x38;
	[tilespmem:$0x19800] =	vst v63  }
0x56f: {  	_ =	swait.ge [sflag:s3], $0x8000  }
0x570: {  	[sflag:s3] =	ssyncset.done $0x0  }
0x571: {  	[sflag:s3] =	ssyncadd.s32 $0xFFFF8000  }
0x572: {  	v3 =	vld [tilespmem:$0x1080];
	_ =	sdelay $0x4  }
0x573: {  	v56 =	vshll.u32 v3, $0x4  }
0x574: {  	v3 =	vand.u32 $0x7, v3;
	v4 =	vand.u32 $0xFFFFFF80, v56  }
0x575: {  	v3 =	vor.u32 v3, v4  }
0x576: {  	v4 =	vperm.xlane v3, v0;
	_ =	sdelay $0x1  }
0x577: {  	v4 =	vadd.s32 v1, v4;
	_ =	sdelay $0x4  }
0x578: {  	[hbm4b:s31+s4] =	stream.indirect_vreg.scatter [tilespmem:s22], [sflag:$0x6], $0x80, v4, vm0, $0xb8;
	[tilespmem:$0x19800] =	vst v63  }
0x579: {  	s8 =	simm.s32 $0x12000  }
0x57a: {  	[hbm4b:s21+s4] =	stream.indirect_vreg.scatter [tilespmem:s8], [sflag:$0x6], $0x80, v4, vm0, $0xb8;
	[tilespmem:$0x19800] =	vst v63  }
0x57b: {  	s9 =	simm.s32 $0x12800  }
0x57c: {  	[hbm4b:s13+s4] =	stream.indirect_vreg.scatter [tilespmem:s9], [sflag:$0x6], $0x80, v4, vm0, $0xb8;
	[tilespmem:$0x19800] =	vst v63  }
0x57d: {  	s22 =	simm.s32 $0x13000  }
0x57e: {  	[hbm4b:s14+s4] =	stream.indirect_vreg.scatter [tilespmem:s22], [sflag:$0x6], $0x80, v4, vm0, $0xb8;
	[tilespmem:$0x19800] =	vst v63  }
0x57f: {  	s1 =	simm.s32 $0x13800  }
0x580: {  	[hbm4b:s15+s4] =	stream.indirect_vreg.scatter [tilespmem:s1], [sflag:$0x6], $0x80, v4, vm0, $0xb8;
	[tilespmem:$0x19800] =	vst v63  }
0x581: {  	s3 =	simm.s32 $0x14000;
	v3 =	vperm.xlane v3, v2  }
0x582: {  	[hbm4b:s16+s4] =	stream.indirect_vreg.scatter [tilespmem:s3], [sflag:$0x6], $0x80, v4, vm0, $0xb8;
	[tilespmem:$0x19800] =	vst v63  }
0x583: {  	v3 =	vadd.s32 v1, v3;
	s8 =	simm.s32 $0x14800  }
0x584: {  	[hbm4b:s17+s4] =	stream.indirect_vreg.scatter [tilespmem:s8], [sflag:$0x6], $0x80, v4, vm0, $0xb8;
	[tilespmem:$0x19800] =	vst v63  }
0x585: {  	s9 =	simm.s32 $0x15000  }
0x586: {  	[hbm4b:s18+s4] =	stream.indirect_vreg.scatter [tilespmem:s9], [sflag:$0x6], $0x80, v4, vm0, $0xb8;
	[tilespmem:$0x19800] =	vst v63  }
0x587: {  	s22 =	simm.s32 $0x15800  }
0x588: {  	[hbm4b:s31+s4] =	stream.indirect_vreg.scatter [tilespmem:s22], [sflag:$0x6], $0x80, v3, vm0, $0xb8;
	[tilespmem:$0x19800] =	vst v63  }
0x589: {  	s1 =	simm.s32 $0x16000  }
0x58a: {  	[hbm4b:s21+s4] =	stream.indirect_vreg.scatter [tilespmem:s1], [sflag:$0x6], $0x80, v3, vm0, $0xb8;
	[tilespmem:$0x19800] =	vst v63  }
0x58b: {  	s3 =	simm.s32 $0x16800  }
0x58c: {  	[hbm4b:s13+s4] =	stream.indirect_vreg.scatter [tilespmem:s3], [sflag:$0x6], $0x80, v3, vm0, $0xb8;
	[tilespmem:$0x19800] =	vst v63  }
0x58d: {  	s8 =	simm.s32 $0x17000  }
0x58e: {  	[hbm4b:s14+s4] =	stream.indirect_vreg.scatter [tilespmem:s8], [sflag:$0x6], $0x80, v3, vm0, $0xb8;
	[tilespmem:$0x19800] =	vst v63  }
0x58f: {  	s9 =	simm.s32 $0x17800  }
0x590: {  	[hbm4b:s15+s4] =	stream.indirect_vreg.scatter [tilespmem:s9], [sflag:$0x6], $0x80, v3, vm0, $0xb8;
	[tilespmem:$0x19800] =	vst v63  }
0x591: {  	s22 =	simm.s32 $0x18000  }
0x592: {  	[hbm4b:s16+s4] =	stream.indirect_vreg.scatter [tilespmem:s22], [sflag:$0x6], $0x80, v3, vm0, $0xb8;
	[tilespmem:$0x19800] =	vst v63  }
0x593: {  	s1 =	simm.s32 $0x18800  }
0x594: {  	[hbm4b:s17+s4] =	stream.indirect_vreg.scatter [tilespmem:s1], [sflag:$0x6], $0x80, v3, vm0, $0xb8;
	[tilespmem:$0x19800] =	vst v63  }
0x595: {  	s3 =	simm.s32 $0x19000;
	s8 =	simm.s32 $0x4  }
0x596: {  	[hbm4b:s18+s4] =	stream.indirect_vreg.scatter [tilespmem:s3], [sflag:$0x6], $0x80, v3, vm0, $0xb8;
	[tilespmem:$0x19800] =	vst v63  }
0x597: {  	_ =	swait.ge [sflag:s8], $0x8000  }
0x598: {  	s6 =	simm.s32 $0x1;
	[sflag:s8] =	ssyncset.done $0x0  }
0x599: {  	s1 =	simm.s32 $0x1800;
	s9 =	rddreg [dreg:$0xa];
	[sflag:s8] =	ssyncadd.s32 $0xFFFF8000  }
0x59a: {  	[tilespmem:s1], [sflag:$0x1] =	stream.linear.gather [hbm4b:s9+s4], $0x8000, $0x38;
	[tilespmem:$0x19800] =	vst v63  }
0x59b: {  	_ =	swait.ge [sflag:s6], $0x8000  }
0x59c: {  	[sflag:s6] =	ssyncset.done $0x0  }
0x59d: {  	[sflag:s6] =	ssyncadd.s32 $0xFFFF8000  }
0x59e: {  	v3 =	vld [tilespmem:$0x1100];
	_ =	sdelay $0x4  }
0x59f: {  	v57 =	vshll.u32 v3, $0x4  }
0x5a0: {  	v3 =	vand.u32 $0x7, v3;
	v4 =	vand.u32 $0xFFFFFF80, v57  }
0x5a1: {  	v3 =	vor.u32 v3, v4  }
0x5a2: {  	v4 =	vperm.xlane v3, v0;
	_ =	sdelay $0x1  }
0x5a3: {  	v4 =	vadd.s32 v1, v4;
	_ =	sdelay $0x4  }
0x5a4: {  	[hbm4b:s31+s4] =	stream.indirect_vreg.scatter [tilespmem:s1], [sflag:$0x4], $0x80, v4, vm0, $0xb8;
	[tilespmem:$0x19800] =	vst v63  }
0x5a5: {  	s8 =	simm.s32 $0x2000  }
0x5a6: {  	[hbm4b:s21+s4] =	stream.indirect_vreg.scatter [tilespmem:s8], [sflag:$0x4], $0x80, v4, vm0, $0xb8;
	[tilespmem:$0x19800] =	vst v63  }
0x5a7: {  	s3 =	simm.s32 $0x2800  }
0x5a8: {  	[hbm4b:s13+s4] =	stream.indirect_vreg.scatter [tilespmem:s3], [sflag:$0x4], $0x80, v4, vm0, $0xb8;
	[tilespmem:$0x19800] =	vst v63  }
0x5a9: {  	s6 =	simm.s32 $0x3000  }
0x5aa: {  	[hbm4b:s14+s4] =	stream.indirect_vreg.scatter [tilespmem:s6], [sflag:$0x4], $0x80, v4, vm0, $0xb8;
	[tilespmem:$0x19800] =	vst v63  }
0x5ab: {  	s9 =	simm.s32 $0x3800  }
0x5ac: {  	[hbm4b:s15+s4] =	stream.indirect_vreg.scatter [tilespmem:s9], [sflag:$0x4], $0x80, v4, vm0, $0xb8;
	[tilespmem:$0x19800] =	vst v63  }
0x5ad: {  	v3 =	vperm.xlane v3, v2;
	s1 =	simm.s32 $0x4000  }
0x5ae: {  	[hbm4b:s16+s4] =	stream.indirect_vreg.scatter [tilespmem:s1], [sflag:$0x4], $0x80, v4, vm0, $0xb8;
	[tilespmem:$0x19800] =	vst v63  }
0x5af: {  	v3 =	vadd.s32 v1, v3;
	s3 =	simm.s32 $0x4800  }
0x5b0: {  	[hbm4b:s17+s4] =	stream.indirect_vreg.scatter [tilespmem:s3], [sflag:$0x4], $0x80, v4, vm0, $0xb8;
	[tilespmem:$0x19800] =	vst v63  }
0x5b1: {  	s6 =	simm.s32 $0x5000  }
0x5b2: {  	[hbm4b:s18+s4] =	stream.indirect_vreg.scatter [tilespmem:s6], [sflag:$0x4], $0x80, v4, vm0, $0xb8;
	[tilespmem:$0x19800] =	vst v63  }
0x5b3: {  	s9 =	simm.s32 $0x5800  }
0x5b4: {  	[hbm4b:s31+s4] =	stream.indirect_vreg.scatter [tilespmem:s9], [sflag:$0x4], $0x80, v3, vm0, $0xb8;
	[tilespmem:$0x19800] =	vst v63  }
0x5b5: {  	s9 =	simm.s32 $0x6000  }
0x5b6: {  	[hbm4b:s21+s4] =	stream.indirect_vreg.scatter [tilespmem:s9], [sflag:$0x4], $0x80, v3, vm0, $0xb8;
	[tilespmem:$0x19800] =	vst v63  }
0x5b7: {  	s1 =	simm.s32 $0x6800  }
0x5b8: {  	[hbm4b:s13+s4] =	stream.indirect_vreg.scatter [tilespmem:s1], [sflag:$0x4], $0x80, v3, vm0, $0xb8;
	[tilespmem:$0x19800] =	vst v63  }
0x5b9: {  	s3 =	simm.s32 $0x7000  }
0x5ba: {  	[hbm4b:s14+s4] =	stream.indirect_vreg.scatter [tilespmem:s3], [sflag:$0x4], $0x80, v3, vm0, $0xb8;
	[tilespmem:$0x19800] =	vst v63  }
0x5bb: {  	s6 =	simm.s32 $0x7800  }
0x5bc: {  	[hbm4b:s15+s4] =	stream.indirect_vreg.scatter [tilespmem:s6], [sflag:$0x4], $0x80, v3, vm0, $0xb8;
	[tilespmem:$0x19800] =	vst v63  }
0x5bd: {  	s1 =	simm.s32 $0x8000  }
0x5be: {  	[hbm4b:s16+s4] =	stream.indirect_vreg.scatter [tilespmem:s1], [sflag:$0x4], $0x80, v3, vm0, $0xb8;
	[tilespmem:$0x19800] =	vst v63  }
0x5bf: {  	s3 =	simm.s32 $0x8800  }
0x5c0: {  	[hbm4b:s17+s4] =	stream.indirect_vreg.scatter [tilespmem:s3], [sflag:$0x4], $0x80, v3, vm0, $0xb8;
	[tilespmem:$0x19800] =	vst v63  }
0x5c1: {  	s20 =	simm.s32 $0x5;
	s6 =	simm.s32 $0x9000  }
0x5c2: {  	[hbm4b:s18+s4] =	stream.indirect_vreg.scatter [tilespmem:s6], [sflag:$0x4], $0x80, v3, vm0, $0xb8;
	[tilespmem:$0x19800] =	vst v63  }
0x5c3: {  	_ =	swait.ge [sflag:s20], $0x8000  }
0x5c4: {  	s3 =	simm.s32 $0x9800;
	[sflag:s20] =	ssyncset.done $0x0  }
0x5c5: {  	s6 =	simm.s32 $0x2;
	s1 =	rddreg [dreg:$0xb];
	[sflag:s20] =	ssyncadd.s32 $0xFFFF8000  }
0x5c6: {  	[tilespmem:s3], [sflag:$0x2] =	stream.linear.gather [hbm4b:s1+s4], $0x8000, $0x38;
	[tilespmem:$0x19800] =	vst v63  }
0x5c7: {  	_ =	swait.ge [sflag:s6], $0x8000  }
0x5c8: {  	[sflag:s6] =	ssyncset.done $0x0  }
0x5c9: {  	[sflag:s6] =	ssyncadd.s32 $0xFFFF8000  }
0x5ca: {  	v3 =	vld [tilespmem:$0x1180];
	_ =	sdelay $0x4  }
0x5cb: {  	v58 =	vshll.u32 v3, $0x4  }
0x5cc: {  	v3 =	vand.u32 $0x7, v3;
	v4 =	vand.u32 $0xFFFFFF80, v58  }
0x5cd: {  	v3 =	vor.u32 v3, v4  }
0x5ce: {  	v4 =	vperm.xlane v3, v0;
	_ =	sdelay $0x1  }
0x5cf: {  	v4 =	vadd.s32 v1, v4;
	_ =	sdelay $0x4  }
0x5d0: {  	[hbm4b:s31+s4] =	stream.indirect_vreg.scatter [tilespmem:s3], [sflag:$0x5], $0x80, v4, vm0, $0xb8;
	[tilespmem:$0x19800] =	vst v63  }
0x5d1: {  	_ = 	snop  }
0x5d2: {  	[hbm4b:s21+s4] =	stream.indirect_vreg.scatter [tilespmem:s19], [sflag:$0x5], $0x80, v4, vm0, $0xb8;
	[tilespmem:$0x19800] =	vst v63  }
0x5d3: {  	_ = 	snop  }
0x5d4: {  	[hbm4b:s13+s4] =	stream.indirect_vreg.scatter [tilespmem:s23], [sflag:$0x5], $0x80, v4, vm0, $0xb8;
	[tilespmem:$0x19800] =	vst v63  }
0x5d5: {  	_ = 	snop  }
0x5d6: {  	[hbm4b:s14+s4] =	stream.indirect_vreg.scatter [tilespmem:s30], [sflag:$0x5], $0x80, v4, vm0, $0xb8;
	[tilespmem:$0x19800] =	vst v63  }
0x5d7: {  	_ = 	snop  }
0x5d8: {  	[hbm4b:s15+s4] =	stream.indirect_vreg.scatter [tilespmem:s28], [sflag:$0x5], $0x80, v4, vm0, $0xb8;
	[tilespmem:$0x19800] =	vst v63  }
0x5d9: {  	v3 =	vperm.xlane v3, v2  }
0x5da: {  	[hbm4b:s16+s4] =	stream.indirect_vreg.scatter [tilespmem:s25], [sflag:$0x5], $0x80, v4, vm0, $0xb8;
	[tilespmem:$0x19800] =	vst v63  }
0x5db: {  	v3 =	vadd.s32 v1, v3  }
0x5dc: {  	[hbm4b:s17+s4] =	stream.indirect_vreg.scatter [tilespmem:s26], [sflag:$0x5], $0x80, v4, vm0, $0xb8;
	[tilespmem:$0x19800] =	vst v63  }
0x5dd: {  	_ = 	snop  }
0x5de: {  	[hbm4b:s18+s4] =	stream.indirect_vreg.scatter [tilespmem:s2], [sflag:$0x5], $0x80, v4, vm0, $0xb8;
	[tilespmem:$0x19800] =	vst v63  }
0x5df: {  	_ = 	snop  }
0x5e0: {  	[hbm4b:s31+s4] =	stream.indirect_vreg.scatter [tilespmem:s7], [sflag:$0x5], $0x80, v3, vm0, $0xb8;
	[tilespmem:$0x19800] =	vst v63  }
0x5e1: {  	_ = 	snop  }
0x5e2: {  	[hbm4b:s21+s4] =	stream.indirect_vreg.scatter [tilespmem:s29], [sflag:$0x5], $0x80, v3, vm0, $0xb8;
	[tilespmem:$0x19800] =	vst v63  }
0x5e3: {  	s29 =	simm.s32 $0xE800  }
0x5e4: {  	[hbm4b:s13+s4] =	stream.indirect_vreg.scatter [tilespmem:s29], [sflag:$0x5], $0x80, v3, vm0, $0xb8;
	[tilespmem:$0x19800] =	vst v63  }
0x5e5: {  	s2 =	simm.s32 $0xF000  }
0x5e6: {  	[hbm4b:s14+s4] =	stream.indirect_vreg.scatter [tilespmem:s2], [sflag:$0x5], $0x80, v3, vm0, $0xb8;
	[tilespmem:$0x19800] =	vst v63  }
0x5e7: {  	_ = 	snop  }
0x5e8: {  	[hbm4b:s15+s4] =	stream.indirect_vreg.scatter [tilespmem:s10], [sflag:$0x5], $0x80, v3, vm0, $0xb8;
	[tilespmem:$0x19800] =	vst v63  }
0x5e9: {  	_ = 	snop  }
0x5ea: {  	[hbm4b:s16+s4] =	stream.indirect_vreg.scatter [tilespmem:s11], [sflag:$0x5], $0x80, v3, vm0, $0xb8;
	[tilespmem:$0x19800] =	vst v63  }
0x5eb: {  	_ = 	snop  }
0x5ec: {  	[hbm4b:s17+s4] =	stream.indirect_vreg.scatter [tilespmem:s24], [sflag:$0x5], $0x80, v3, vm0, $0xb8;
	[tilespmem:$0x19800] =	vst v63  }
0x5ed: {  	s5 =	simm.s32 $0x6  }
0x5ee: {  	[hbm4b:s18+s4] =	stream.indirect_vreg.scatter [tilespmem:s12], [sflag:$0x5], $0x80, v3, vm0, $0xb8;
	[tilespmem:$0x19800] =	vst v63  }
0x5ef: {  	_ =	swait.ge [sflag:s5], $0x8000  }
0x5f0: {  	s7 =	simm.s32 $0x11800;
	[sflag:s5] =	ssyncset.done $0x0  }
0x5f1: {  	s29 =	simm.s32 $0x3;
	s3 =	rddreg [dreg:$0xc];
	[sflag:s5] =	ssyncadd.s32 $0xFFFF8000  }
0x5f2: {  	[tilespmem:s7], [sflag:$0x3] =	stream.linear.gather [hbm4b:s3+s4], $0x8000, $0x38;
	[tilespmem:$0x19800] =	vst v63  }
0x5f3: {  	_ =	swait.ge [sflag:s29], $0x8000  }
0x5f4: {  	[sflag:s29] =	ssyncset.done $0x0  }
0x5f5: {  	[sflag:s29] =	ssyncadd.s32 $0xFFFF8000  }
0x5f6: {  	v3 =	vld [tilespmem:$0x1200];
	_ =	sdelay $0x4  }
0x5f7: {  	v59 =	vshll.u32 v3, $0x4  }
0x5f8: {  	v3 =	vand.u32 $0x7, v3;
	v4 =	vand.u32 $0xFFFFFF80, v59  }
0x5f9: {  	v3 =	vor.u32 v3, v4  }
0x5fa: {  	v4 =	vperm.xlane v3, v0;
	_ =	sdelay $0x1  }
0x5fb: {  	v4 =	vadd.s32 v1, v4;
	_ =	sdelay $0x4  }
0x5fc: {  	[hbm4b:s31+s4] =	stream.indirect_vreg.scatter [tilespmem:s7], [sflag:$0x6], $0x80, v4, vm0, $0xb8;
	[tilespmem:$0x19800] =	vst v63  }
0x5fd: {  	s3 =	simm.s32 $0x12000  }
0x5fe: {  	[hbm4b:s21+s4] =	stream.indirect_vreg.scatter [tilespmem:s3], [sflag:$0x6], $0x80, v4, vm0, $0xb8;
	[tilespmem:$0x19800] =	vst v63  }
0x5ff: {  	s7 =	simm.s32 $0x12800  }
0x600: {  	[hbm4b:s13+s4] =	stream.indirect_vreg.scatter [tilespmem:s7], [sflag:$0x6], $0x80, v4, vm0, $0xb8;
	[tilespmem:$0x19800] =	vst v63  }
0x601: {  	s3 =	simm.s32 $0x13000  }
0x602: {  	[hbm4b:s14+s4] =	stream.indirect_vreg.scatter [tilespmem:s3], [sflag:$0x6], $0x80, v4, vm0, $0xb8;
	[tilespmem:$0x19800] =	vst v63  }
0x603: {  	s7 =	simm.s32 $0x13800  }
0x604: {  	[hbm4b:s15+s4] =	stream.indirect_vreg.scatter [tilespmem:s7], [sflag:$0x6], $0x80, v4, vm0, $0xb8;
	[tilespmem:$0x19800] =	vst v63  }
0x605: {  	v3 =	vperm.xlane v3, v2;
	s3 =	simm.s32 $0x14000  }
0x606: {  	[hbm4b:s16+s4] =	stream.indirect_vreg.scatter [tilespmem:s3], [sflag:$0x6], $0x80, v4, vm0, $0xb8;
	[tilespmem:$0x19800] =	vst v63  }
0x607: {  	v3 =	vadd.s32 v1, v3;
	s7 =	simm.s32 $0x14800  }
0x608: {  	[hbm4b:s17+s4] =	stream.indirect_vreg.scatter [tilespmem:s7], [sflag:$0x6], $0x80, v4, vm0, $0xb8;
	[tilespmem:$0x19800] =	vst v63  }
0x609: {  	s3 =	simm.s32 $0x15000  }
0x60a: {  	[hbm4b:s18+s4] =	stream.indirect_vreg.scatter [tilespmem:s3], [sflag:$0x6], $0x80, v4, vm0, $0xb8;
	[tilespmem:$0x19800] =	vst v63  }
0x60b: {  	s7 =	simm.s32 $0x15800  }
0x60c: {  	[hbm4b:s31+s4] =	stream.indirect_vreg.scatter [tilespmem:s7], [sflag:$0x6], $0x80, v3, vm0, $0xb8;
	[tilespmem:$0x19800] =	vst v63  }
0x60d: {  	s3 =	simm.s32 $0x16000  }
0x60e: {  	[hbm4b:s21+s4] =	stream.indirect_vreg.scatter [tilespmem:s3], [sflag:$0x6], $0x80, v3, vm0, $0xb8;
	[tilespmem:$0x19800] =	vst v63  }
0x60f: {  	s7 =	simm.s32 $0x16800  }
0x610: {  	[hbm4b:s13+s4] =	stream.indirect_vreg.scatter [tilespmem:s7], [sflag:$0x6], $0x80, v3, vm0, $0xb8;
	[tilespmem:$0x19800] =	vst v63  }
0x611: {  	s3 =	simm.s32 $0x17000  }
0x612: {  	[hbm4b:s14+s4] =	stream.indirect_vreg.scatter [tilespmem:s3], [sflag:$0x6], $0x80, v3, vm0, $0xb8;
	[tilespmem:$0x19800] =	vst v63  }
0x613: {  	s7 =	simm.s32 $0x17800  }
0x614: {  	[hbm4b:s15+s4] =	stream.indirect_vreg.scatter [tilespmem:s7], [sflag:$0x6], $0x80, v3, vm0, $0xb8;
	[tilespmem:$0x19800] =	vst v63  }
0x615: {  	s3 =	simm.s32 $0x18000  }
0x616: {  	[hbm4b:s16+s4] =	stream.indirect_vreg.scatter [tilespmem:s3], [sflag:$0x6], $0x80, v3, vm0, $0xb8;
	[tilespmem:$0x19800] =	vst v63  }
0x617: {  	s7 =	simm.s32 $0x18800  }
0x618: {  	[hbm4b:s17+s4] =	stream.indirect_vreg.scatter [tilespmem:s7], [sflag:$0x6], $0x80, v3, vm0, $0xb8;
	[tilespmem:$0x19800] =	vst v63  }
0x619: {  	s22 =	simm.s32 $0x4;
	s3 =	simm.s32 $0x19000  }
0x61a: {  	[hbm4b:s18+s4] =	stream.indirect_vreg.scatter [tilespmem:s3], [sflag:$0x6], $0x80, v3, vm0, $0xb8;
	[tilespmem:$0x19800] =	vst v63  }
0x61b: {  	_ =	swait.ge [sflag:s22], $0x8000  }
0x61c: {  	[sflag:s22] =	ssyncset.done $0x0  }
0x61d: {  	s3 =	simm.s32 $0x1800;
	s7 =	rddreg [dreg:$0xd];
	[sflag:s22] =	ssyncadd.s32 $0xFFFF8000  }
0x61e: {  	[tilespmem:s3], [sflag:$0x1] =	stream.linear.gather [hbm4b:s7+s4], $0x8000, $0x38;
	[tilespmem:$0x19800] =	vst v63  }
0x61f: {  	s7 =	simm.s32 $0x1  }
0x620: {  	_ =	swait.ge [sflag:s7], $0x8000  }
0x621: {  	[sflag:s7] =	ssyncset.done $0x0  }
0x622: {  	[sflag:s7] =	ssyncadd.s32 $0xFFFF8000  }
0x623: {  	v3 =	vld [tilespmem:$0x1280];
	_ =	sdelay $0x4  }
0x624: {  	v60 =	vshll.u32 v3, $0x4  }
0x625: {  	v3 =	vand.u32 $0x7, v3;
	v4 =	vand.u32 $0xFFFFFF80, v60  }
0x626: {  	v3 =	vor.u32 v3, v4  }
0x627: {  	v4 =	vperm.xlane v3, v0;
	_ =	sdelay $0x1  }
0x628: {  	v4 =	vadd.s32 v1, v4;
	_ =	sdelay $0x4  }
0x629: {  	[hbm4b:s31+s4] =	stream.indirect_vreg.scatter [tilespmem:s3], [sflag:$0x4], $0x80, v4, vm0, $0xb8;
	[tilespmem:$0x19800] =	vst v63  }
0x62a: {  	_ = 	snop  }
0x62b: {  	[hbm4b:s21+s4] =	stream.indirect_vreg.scatter [tilespmem:s8], [sflag:$0x4], $0x80, v4, vm0, $0xb8;
	[tilespmem:$0x19800] =	vst v63  }
0x62c: {  	s0 =	simm.s32 $0x2800  }
0x62d: {  	[hbm4b:s13+s4] =	stream.indirect_vreg.scatter [tilespmem:s0], [sflag:$0x4], $0x80, v4, vm0, $0xb8;
	[tilespmem:$0x19800] =	vst v63  }
0x62e: {  	s0 =	simm.s32 $0x3000  }
0x62f: {  	[hbm4b:s14+s4] =	stream.indirect_vreg.scatter [tilespmem:s0], [sflag:$0x4], $0x80, v4, vm0, $0xb8;
	[tilespmem:$0x19800] =	vst v63  }
0x630: {  	s0 =	simm.s32 $0x3800  }
0x631: {  	[hbm4b:s15+s4] =	stream.indirect_vreg.scatter [tilespmem:s0], [sflag:$0x4], $0x80, v4, vm0, $0xb8;
	[tilespmem:$0x19800] =	vst v63  }
0x632: {  	v3 =	vperm.xlane v3, v2;
	s0 =	simm.s32 $0x4000  }
0x633: {  	[hbm4b:s16+s4] =	stream.indirect_vreg.scatter [tilespmem:s0], [sflag:$0x4], $0x80, v4, vm0, $0xb8;
	[tilespmem:$0x19800] =	vst v63  }
0x634: {  	v3 =	vadd.s32 v1, v3;
	s0 =	simm.s32 $0x4800  }
0x635: {  	[hbm4b:s17+s4] =	stream.indirect_vreg.scatter [tilespmem:s0], [sflag:$0x4], $0x80, v4, vm0, $0xb8;
	[tilespmem:$0x19800] =	vst v63  }
0x636: {  	s0 =	simm.s32 $0x5000  }
0x637: {  	[hbm4b:s18+s4] =	stream.indirect_vreg.scatter [tilespmem:s0], [sflag:$0x4], $0x80, v4, vm0, $0xb8;
	[tilespmem:$0x19800] =	vst v63  }
0x638: {  	s0 =	simm.s32 $0x5800  }
0x639: {  	[hbm4b:s31+s4] =	stream.indirect_vreg.scatter [tilespmem:s0], [sflag:$0x4], $0x80, v3, vm0, $0xb8;
	[tilespmem:$0x19800] =	vst v63  }
0x63a: {  	_ = 	snop  }
0x63b: {  	[hbm4b:s21+s4] =	stream.indirect_vreg.scatter [tilespmem:s9], [sflag:$0x4], $0x80, v3, vm0, $0xb8;
	[tilespmem:$0x19800] =	vst v63  }
0x63c: {  	s0 =	simm.s32 $0x6800  }
0x63d: {  	[hbm4b:s13+s4] =	stream.indirect_vreg.scatter [tilespmem:s0], [sflag:$0x4], $0x80, v3, vm0, $0xb8;
	[tilespmem:$0x19800] =	vst v63  }
0x63e: {  	s0 =	simm.s32 $0x7000  }
0x63f: {  	[hbm4b:s14+s4] =	stream.indirect_vreg.scatter [tilespmem:s0], [sflag:$0x4], $0x80, v3, vm0, $0xb8;
	[tilespmem:$0x19800] =	vst v63  }
0x640: {  	s0 =	simm.s32 $0x7800  }
0x641: {  	[hbm4b:s15+s4] =	stream.indirect_vreg.scatter [tilespmem:s0], [sflag:$0x4], $0x80, v3, vm0, $0xb8;
	[tilespmem:$0x19800] =	vst v63  }
0x642: {  	s0 =	simm.s32 $0x8000  }
0x643: {  	[hbm4b:s16+s4] =	stream.indirect_vreg.scatter [tilespmem:s0], [sflag:$0x4], $0x80, v3, vm0, $0xb8;
	[tilespmem:$0x19800] =	vst v63  }
0x644: {  	s0 =	simm.s32 $0x8800  }
0x645: {  	[hbm4b:s17+s4] =	stream.indirect_vreg.scatter [tilespmem:s0], [sflag:$0x4], $0x80, v3, vm0, $0xb8;
	[tilespmem:$0x19800] =	vst v63  }
0x646: {  	s0 =	simm.s32 $0x9000  }
0x647: {  	[hbm4b:s18+s4] =	stream.indirect_vreg.scatter [tilespmem:s0], [sflag:$0x4], $0x80, v3, vm0, $0xb8;
	[tilespmem:$0x19800] =	vst v63  }
0x648: {  	_ =	swait.ge [sflag:s20], $0x8000  }
0x649: {  	s1 =	simm.s32 $0x9800;
	[sflag:s20] =	ssyncset.done $0x0  }
0x64a: {  	s6 =	simm.s32 $0x2;
	s0 =	rddreg [dreg:$0xe];
	[sflag:s20] =	ssyncadd.s32 $0xFFFF8000  }
0x64b: {  	[tilespmem:s1], [sflag:$0x2] =	stream.linear.gather [hbm4b:s0+s4], $0x8000, $0x38;
	[tilespmem:$0x19800] =	vst v63  }
0x64c: {  	_ =	swait.ge [sflag:s6], $0x8000  }
0x64d: {  	[sflag:s6] =	ssyncset.done $0x0  }
0x64e: {  	[sflag:s6] =	ssyncadd.s32 $0xFFFF8000  }
0x64f: {  	v3 =	vld [tilespmem:$0x1300];
	_ =	sdelay $0x4  }
0x650: {  	v61 =	vshll.u32 v3, $0x4  }
0x651: {  	v3 =	vand.u32 $0x7, v3;
	v4 =	vand.u32 $0xFFFFFF80, v61  }
0x652: {  	v3 =	vor.u32 v3, v4  }
0x653: {  	v4 =	vperm.xlane v3, v0;
	_ =	sdelay $0x1  }
0x654: {  	v4 =	vadd.s32 v1, v4;
	_ =	sdelay $0x4  }
0x655: {  	[hbm4b:s31+s4] =	stream.indirect_vreg.scatter [tilespmem:s1], [sflag:$0x5], $0x80, v4, vm0, $0xb8;
	[tilespmem:$0x19800] =	vst v63  }
0x656: {  	s6 =	simm.s32 $0xA000  }
0x657: {  	[hbm4b:s21+s4] =	stream.indirect_vreg.scatter [tilespmem:s6], [sflag:$0x5], $0x80, v4, vm0, $0xb8;
	[tilespmem:$0x19800] =	vst v63  }
0x658: {  	s1 =	simm.s32 $0xA800  }
0x659: {  	[hbm4b:s13+s4] =	stream.indirect_vreg.scatter [tilespmem:s1], [sflag:$0x5], $0x80, v4, vm0, $0xb8;
	[tilespmem:$0x19800] =	vst v63  }
0x65a: {  	s6 =	simm.s32 $0xB000  }
0x65b: {  	[hbm4b:s14+s4] =	stream.indirect_vreg.scatter [tilespmem:s6], [sflag:$0x5], $0x80, v4, vm0, $0xb8;
	[tilespmem:$0x19800] =	vst v63  }
0x65c: {  	s30 =	simm.s32 $0xB800  }
0x65d: {  	[hbm4b:s15+s4] =	stream.indirect_vreg.scatter [tilespmem:s30], [sflag:$0x5], $0x80, v4, vm0, $0xb8;
	[tilespmem:$0x19800] =	vst v63  }
0x65e: {  	s25 =	simm.s32 $0xC000;
	v3 =	vperm.xlane v3, v2  }
0x65f: {  	[hbm4b:s16+s4] =	stream.indirect_vreg.scatter [tilespmem:s25], [sflag:$0x5], $0x80, v4, vm0, $0xb8;
	[tilespmem:$0x19800] =	vst v63  }
0x660: {  	s26 =	simm.s32 $0xC800;
	v3 =	vadd.s32 v1, v3  }
0x661: {  	[hbm4b:s17+s4] =	stream.indirect_vreg.scatter [tilespmem:s26], [sflag:$0x5], $0x80, v4, vm0, $0xb8;
	[tilespmem:$0x19800] =	vst v63  }
0x662: {  	s23 =	simm.s32 $0xD000  }
0x663: {  	[hbm4b:s18+s4] =	stream.indirect_vreg.scatter [tilespmem:s23], [sflag:$0x5], $0x80, v4, vm0, $0xb8;
	[tilespmem:$0x19800] =	vst v63  }
0x664: {  	s28 =	simm.s32 $0xD800  }
0x665: {  	[hbm4b:s31+s4] =	stream.indirect_vreg.scatter [tilespmem:s28], [sflag:$0x5], $0x80, v3, vm0, $0xb8;
	[tilespmem:$0x19800] =	vst v63  }
0x666: {  	s19 =	simm.s32 $0xE000  }
0x667: {  	[hbm4b:s21+s4] =	stream.indirect_vreg.scatter [tilespmem:s19], [sflag:$0x5], $0x80, v3, vm0, $0xb8;
	[tilespmem:$0x19800] =	vst v63  }
0x668: {  	s28 =	simm.s32 $0xE800  }
0x669: {  	[hbm4b:s13+s4] =	stream.indirect_vreg.scatter [tilespmem:s28], [sflag:$0x5], $0x80, v3, vm0, $0xb8;
	[tilespmem:$0x19800] =	vst v63  }
0x66a: {  	s30 =	simm.s32 $0xF000  }
0x66b: {  	[hbm4b:s14+s4] =	stream.indirect_vreg.scatter [tilespmem:s30], [sflag:$0x5], $0x80, v3, vm0, $0xb8;
	[tilespmem:$0x19800] =	vst v63  }
0x66c: {  	s10 =	simm.s32 $0xF800  }
0x66d: {  	[hbm4b:s15+s4] =	stream.indirect_vreg.scatter [tilespmem:s10], [sflag:$0x5], $0x80, v3, vm0, $0xb8;
	[tilespmem:$0x19800] =	vst v63  }
0x66e: {  	s11 =	simm.s32 $0x10000  }
0x66f: {  	[hbm4b:s16+s4] =	stream.indirect_vreg.scatter [tilespmem:s11], [sflag:$0x5], $0x80, v3, vm0, $0xb8;
	[tilespmem:$0x19800] =	vst v63  }
0x670: {  	s24 =	simm.s32 $0x10800  }
0x671: {  	[hbm4b:s17+s4] =	stream.indirect_vreg.scatter [tilespmem:s24], [sflag:$0x5], $0x80, v3, vm0, $0xb8;
	[tilespmem:$0x19800] =	vst v63  }
0x672: {  	s12 =	simm.s32 $0x11000  }
0x673: {  	[hbm4b:s18+s4] =	stream.indirect_vreg.scatter [tilespmem:s12], [sflag:$0x5], $0x80, v3, vm0, $0xb8;
	[tilespmem:$0x19800] =	vst v63  }
0x674: {  	_ =	swait.ge [sflag:s5], $0x8000  }
0x675: {  	s2 =	simm.s32 $0x11800;
	[sflag:s5] =	ssyncset.done $0x0  }
0x676: {  	s29 =	simm.s32 $0x3;
	s1 =	rddreg [dreg:$0xf];
	[sflag:s5] =	ssyncadd.s32 $0xFFFF8000  }
0x677: {  	[tilespmem:s2], [sflag:$0x3] =	stream.linear.gather [hbm4b:s1+s4], $0x8000, $0x38;
	[tilespmem:$0x19800] =	vst v63  }
0x678: {  	_ =	swait.ge [sflag:s29], $0x8000  }
0x679: {  	[sflag:s29] =	ssyncset.done $0x0  }
0x67a: {  	[sflag:s29] =	ssyncadd.s32 $0xFFFF8000  }
0x67b: {  	v3 =	vld [tilespmem:$0x1380];
	_ =	sdelay $0x4  }
0x67c: {  	v62 =	vshll.u32 v3, $0x4  }
0x67d: {  	v3 =	vand.u32 $0x7, v3;
	v4 =	vand.u32 $0xFFFFFF80, v62  }
0x67e: {  	v3 =	vor.u32 v3, v4  }
0x67f: {  	v4 =	vperm.xlane v3, v0;
	_ =	sdelay $0x1  }
0x680: {  	v4 =	vadd.s32 v1, v4;
	_ =	sdelay $0x4  }
0x681: {  	[hbm4b:s31+s4] =	stream.indirect_vreg.scatter [tilespmem:s2], [sflag:$0x6], $0x80, v4, vm0, $0xb8;
	[tilespmem:$0x19800] =	vst v63  }
0x682: {  	s2 =	simm.s32 $0x12000  }
0x683: {  	[hbm4b:s21+s4] =	stream.indirect_vreg.scatter [tilespmem:s2], [sflag:$0x6], $0x80, v4, vm0, $0xb8;
	[tilespmem:$0x19800] =	vst v63  }
0x684: {  	s6 =	simm.s32 $0x12800  }
0x685: {  	[hbm4b:s13+s4] =	stream.indirect_vreg.scatter [tilespmem:s6], [sflag:$0x6], $0x80, v4, vm0, $0xb8;
	[tilespmem:$0x19800] =	vst v63  }
0x686: {  	s10 =	simm.s32 $0x13000  }
0x687: {  	[hbm4b:s14+s4] =	stream.indirect_vreg.scatter [tilespmem:s10], [sflag:$0x6], $0x80, v4, vm0, $0xb8;
	[tilespmem:$0x19800] =	vst v63  }
0x688: {  	s11 =	simm.s32 $0x13800  }
0x689: {  	[hbm4b:s15+s4] =	stream.indirect_vreg.scatter [tilespmem:s11], [sflag:$0x6], $0x80, v4, vm0, $0xb8;
	[tilespmem:$0x19800] =	vst v63  }
0x68a: {  	s12 =	simm.s32 $0x14000;
	v3 =	vperm.xlane v3, v2  }
0x68b: {  	[hbm4b:s16+s4] =	stream.indirect_vreg.scatter [tilespmem:s12], [sflag:$0x6], $0x80, v4, vm0, $0xb8;
	[tilespmem:$0x19800] =	vst v63  }
0x68c: {  	s19 =	simm.s32 $0x14800;
	v3 =	vadd.s32 v1, v3  }
0x68d: {  	[hbm4b:s17+s4] =	stream.indirect_vreg.scatter [tilespmem:s19], [sflag:$0x6], $0x80, v4, vm0, $0xb8;
	[tilespmem:$0x19800] =	vst v63  }
0x68e: {  	s23 =	simm.s32 $0x15000  }
0x68f: {  	[hbm4b:s18+s4] =	stream.indirect_vreg.scatter [tilespmem:s23], [sflag:$0x6], $0x80, v4, vm0, $0xb8;
	[tilespmem:$0x19800] =	vst v63  }
0x690: {  	s24 =	simm.s32 $0x15800  }
0x691: {  	[hbm4b:s31+s4] =	stream.indirect_vreg.scatter [tilespmem:s24], [sflag:$0x6], $0x80, v3, vm0, $0xb8;
	[tilespmem:$0x19800] =	vst v63  }
0x692: {  	s25 =	simm.s32 $0x16000  }
0x693: {  	[hbm4b:s21+s4] =	stream.indirect_vreg.scatter [tilespmem:s25], [sflag:$0x6], $0x80, v3, vm0, $0xb8;
	[tilespmem:$0x19800] =	vst v63  }
0x694: {  	s26 =	simm.s32 $0x16800  }
0x695: {  	[hbm4b:s13+s4] =	stream.indirect_vreg.scatter [tilespmem:s26], [sflag:$0x6], $0x80, v3, vm0, $0xb8;
	[tilespmem:$0x19800] =	vst v63  }
0x696: {  	s28 =	simm.s32 $0x17000  }
0x697: {  	[hbm4b:s14+s4] =	stream.indirect_vreg.scatter [tilespmem:s28], [sflag:$0x6], $0x80, v3, vm0, $0xb8;
	[tilespmem:$0x19800] =	vst v63  }
0x698: {  	s29 =	simm.s32 $0x17800  }
0x699: {  	[hbm4b:s15+s4] =	stream.indirect_vreg.scatter [tilespmem:s29], [sflag:$0x6], $0x80, v3, vm0, $0xb8;
	[tilespmem:$0x19800] =	vst v63  }
0x69a: {  	s30 =	simm.s32 $0x18000  }
0x69b: {  	[hbm4b:s16+s4] =	stream.indirect_vreg.scatter [tilespmem:s30], [sflag:$0x6], $0x80, v3, vm0, $0xb8;
	[tilespmem:$0x19800] =	vst v63  }
0x69c: {  	s1 =	simm.s32 $0x18800  }
0x69d: {  	[hbm4b:s17+s4] =	stream.indirect_vreg.scatter [tilespmem:s1], [sflag:$0x6], $0x80, v3, vm0, $0xb8;
	[tilespmem:$0x19800] =	vst v63  }
0x69e: {  	s2 =	simm.s32 $0x19000  }
0x69f: {  	[hbm4b:s18+s4] =	stream.indirect_vreg.scatter [tilespmem:s2], [sflag:$0x6], $0x80, v3, vm0, $0xb8;
	[tilespmem:$0x19800] =	vst v63  }
0x6a0: {  	_ =	swait.ge [sflag:s22], $0x8000  }
0x6a1: {  	s7 =	simm.s32 $0x1;
	[sflag:s22] =	ssyncset.done $0x0  }
0x6a2: {  	s3 =	simm.s32 $0x1800;
	s6 =	rddreg [dreg:$0x10];
	[sflag:s22] =	ssyncadd.s32 $0xFFFF8000  }
0x6a3: {  	[tilespmem:s3], [sflag:$0x1] =	stream.linear.gather [hbm4b:s6+s4], $0x8000, $0x38;
	[tilespmem:$0x19800] =	vst v63  }
0x6a4: {  	_ =	swait.ge [sflag:s7], $0x8000  }
0x6a5: {  	[sflag:s7] =	ssyncset.done $0x0  }
0x6a6: {  	[sflag:s7] =	ssyncadd.s32 $0xFFFF8000  }
0x6a7: {  	v3 =	vld [tilespmem:$0x1400];
	_ =	sdelay $0x4  }
0x6a8: {  	v63 =	vshll.u32 v3, $0x4  }
0x6a9: {  	v3 =	vand.u32 $0x7, v3;
	v4 =	vand.u32 $0xFFFFFF80, v63  }
0x6aa: {  	v3 =	vor.u32 v3, v4  }
0x6ab: {  	v4 =	vperm.xlane v3, v0;
	_ =	sdelay $0x1  }
0x6ac: {  	v4 =	vadd.s32 v1, v4;
	_ =	sdelay $0x4  }
0x6ad: {  	[hbm4b:s31+s4] =	stream.indirect_vreg.scatter [tilespmem:s3], [sflag:$0x4], $0x80, v4, vm0, $0xb8;
	[tilespmem:$0x19800] =	vst v63  }
0x6ae: {  	s8 =	simm.s32 $0x2000  }
0x6af: {  	[hbm4b:s21+s4] =	stream.indirect_vreg.scatter [tilespmem:s8], [sflag:$0x4], $0x80, v4, vm0, $0xb8;
	[tilespmem:$0x19800] =	vst v63  }
0x6b0: {  	s7 =	simm.s32 $0x2800  }
0x6b1: {  	[hbm4b:s13+s4] =	stream.indirect_vreg.scatter [tilespmem:s7], [sflag:$0x4], $0x80, v4, vm0, $0xb8;
	[tilespmem:$0x19800] =	vst v63  }
0x6b2: {  	s8 =	simm.s32 $0x3000  }
0x6b3: {  	[hbm4b:s14+s4] =	stream.indirect_vreg.scatter [tilespmem:s8], [sflag:$0x4], $0x80, v4, vm0, $0xb8;
	[tilespmem:$0x19800] =	vst v63  }
0x6b4: {  	s10 =	simm.s32 $0x3800  }
0x6b5: {  	[hbm4b:s15+s4] =	stream.indirect_vreg.scatter [tilespmem:s10], [sflag:$0x4], $0x80, v4, vm0, $0xb8;
	[tilespmem:$0x19800] =	vst v63  }
0x6b6: {  	s11 =	simm.s32 $0x4000;
	v3 =	vperm.xlane v3, v2  }
0x6b7: {  	[hbm4b:s16+s4] =	stream.indirect_vreg.scatter [tilespmem:s11], [sflag:$0x4], $0x80, v4, vm0, $0xb8;
	[tilespmem:$0x19800] =	vst v63  }
0x6b8: {  	s12 =	simm.s32 $0x4800;
	v3 =	vadd.s32 v1, v3  }
0x6b9: {  	[hbm4b:s17+s4] =	stream.indirect_vreg.scatter [tilespmem:s12], [sflag:$0x4], $0x80, v4, vm0, $0xb8;
	[tilespmem:$0x19800] =	vst v63  }
0x6ba: {  	s19 =	simm.s32 $0x5000  }
0x6bb: {  	[hbm4b:s18+s4] =	stream.indirect_vreg.scatter [tilespmem:s19], [sflag:$0x4], $0x80, v4, vm0, $0xb8;
	[tilespmem:$0x19800] =	vst v63  }
0x6bc: {  	s23 =	simm.s32 $0x5800  }
0x6bd: {  	[hbm4b:s31+s4] =	stream.indirect_vreg.scatter [tilespmem:s23], [sflag:$0x4], $0x80, v3, vm0, $0xb8;
	[tilespmem:$0x19800] =	vst v63  }
0x6be: {  	s9 =	simm.s32 $0x6000  }
0x6bf: {  	[hbm4b:s21+s4] =	stream.indirect_vreg.scatter [tilespmem:s9], [sflag:$0x4], $0x80, v3, vm0, $0xb8;
	[tilespmem:$0x19800] =	vst v63  }
0x6c0: {  	s24 =	simm.s32 $0x6800  }
0x6c1: {  	[hbm4b:s13+s4] =	stream.indirect_vreg.scatter [tilespmem:s24], [sflag:$0x4], $0x80, v3, vm0, $0xb8;
	[tilespmem:$0x19800] =	vst v63  }
0x6c2: {  	s25 =	simm.s32 $0x7000  }
0x6c3: {  	[hbm4b:s14+s4] =	stream.indirect_vreg.scatter [tilespmem:s25], [sflag:$0x4], $0x80, v3, vm0, $0xb8;
	[tilespmem:$0x19800] =	vst v63  }
0x6c4: {  	s26 =	simm.s32 $0x7800  }
0x6c5: {  	[hbm4b:s15+s4] =	stream.indirect_vreg.scatter [tilespmem:s26], [sflag:$0x4], $0x80, v3, vm0, $0xb8;
	[tilespmem:$0x19800] =	vst v63  }
0x6c6: {  	s28 =	simm.s32 $0x8000  }
0x6c7: {  	[hbm4b:s16+s4] =	stream.indirect_vreg.scatter [tilespmem:s28], [sflag:$0x4], $0x80, v3, vm0, $0xb8;
	[tilespmem:$0x19800] =	vst v63  }
0x6c8: {  	s29 =	simm.s32 $0x8800  }
0x6c9: {  	[hbm4b:s17+s4] =	stream.indirect_vreg.scatter [tilespmem:s29], [sflag:$0x4], $0x80, v3, vm0, $0xb8;
	[tilespmem:$0x19800] =	vst v63  }
0x6ca: {  	s30 =	simm.s32 $0x9000  }
0x6cb: {  	[hbm4b:s18+s4] =	stream.indirect_vreg.scatter [tilespmem:s30], [sflag:$0x4], $0x80, v3, vm0, $0xb8;
	[tilespmem:$0x19800] =	vst v63  }
0x6cc: {  	_ =	swait.ge [sflag:s20], $0x8000  }
0x6cd: {  	[sflag:s20] =	ssyncset.done $0x0  }
0x6ce: {  	[sflag:s20] =	ssyncadd.s32 $0xFFFF8000  }
0x6cf: {  	_ =	swait.ge [sflag:s5], $0x8000  }
0x6d0: {  	[sflag:s5] =	ssyncset.done $0x0  }
0x6d1: {  	[sflag:s5] =	ssyncadd.s32 $0xFFFF8000  }
0x6d2: {  	_ =	swait.ge [sflag:s22], $0x8000  }
0x6d3: {  	s31 =	rddreg [dreg:$0x13]  }
0x6d4: {  	p0 =	sne.s32 s31, $0x1  }
.Ltmp0:
0x6d5: {  	_ = 	snop;
	(pc) =	sbr.rel @p0 .LBB2_1-.Ltmp0, $3  }
0x6d6: {  	_ =	sdelay $0x1  }
0x6d7: {  	[sflag:s22] =	ssyncset.done $0x0  }
0x6d8: {  	[sflag:s22] =	ssyncadd.s32 $0xFFFF8000;
	s19 =	sadd.s32 $0xFFFFFFFF, s31  }
0x6d9: {  	_ =	sfence.sel $0x180000  }
0x6da: {  	[bflag:$0x0] =	sbarrier.arrive $0xFFFF  }
0x6db: {  	_ =	strace $0x90000047  }
0x6dc: {  	s0 =	stileid.u32;
	[bflag:$0x2] =	sbarrier.arrive $0xFFFF  }
0x6dd: {  	p0 =	sne.s32 s0, $0x0;
	s0 =	rddreg [dreg:$0x4]  }
0x6de: {  	s0 =	sadd.s32 @!p0 $0x100000, s0  }
0x6df: {  	[sflag:s0] =	ssyncadd.tile.s32 @!p0 $0x1;
	_ =	shalt  }
.Lfunc_end2:
_tile_overlayer_lowered:
.L_overlay_start_2:
0x6e0: {  	(tag) =	ssettag $0x2  }
0x6e1: {  	s0 =	rddreg [dreg:$0x0];
	s2 =	stileid.u32  }
0x6e2: {  	s1 =	rddreg [dreg:$0x1];
	p0 =	sne.s32 s2, $0x0  }
0x6e3: {  	s3 =	rddreg [dreg:$0x2];
	[bflag:$0x3] =	sbarrier.arrive $0xFFFF;
	s2 =	simm.s32 @!p0 $0x1C07  }
0x6e4: {  	[timem:s3], [sflag:s2] =	dma.local @!p0 [hbm:s0], s1  }
0x6e5: {  	s0 =	simm.s32 @!p0 $0x7  }
0x6e6: {  	_ =	swait.ge @!p0 [sflag:s0], s1  }
0x6e7: {  	s1 =	ssub.s32 @!p0 $0x0, s1;
	[sflag:s0] =	ssyncset.done @!p0 $0x0  }
0x6e8: {  	[sflag:s0] =	ssyncadd.s32 @!p0 s1  }
0x6e9: {  	[bflag:$0x3] =	sbarrier.arrive $0xFFFF  }
0x6ea: {  	_ =	shalt  }

// kernel: sparse-core-data-format-call.cloned.1.call-start
scs
called_computation_lowered:
.L_overlay_start_0:
0x0: {  	s2 =	sld [smem:$0x3FD9]  }
0x1: {  	s3 =	sld [smem:$0x3FFE];
	_ =	sdelay $0x1  }
0x2: {  	s1 =	srdreg.scid  }
0x3: {  	s0 =	sand.u32 $0x1, s1  }
0x4: {  	s15 =	sshll.u32 s0, $0xA;
	s2 =	sadd.s32 s3, s2  }
0x5: {  	s2 =	sadd.s32 s2, s15  }
0x6: {  	[smem:$0x3FC2] =	sst s2  }
0x7: {  	_ = 	snop  }
0x8: {  	s2 =	sld [smem:$0x3FD0];
	_ =	sdelay $0x2  }
0x9: {  	s16 =	simm.s32 $0xA;
	s4 =	simm.s32 $0x10  }
0xa: {  	[smem:s4], [sflag:s16] =	dma.local [hbm:s2], $0x1  }
0xb: {  	_ =	swait.eq [sflag:s16], $0x1  }
0xc: {  	[sflag:s16] =	ssyncset.done $0x0  }
0xd: {  	[sflag:s16] =	ssyncadd.s32 $0xFFFFFFFF  }
0xe: {  	s17 =	sld [smem:$0x13];
	(tm) =	ssettm $0x1  }
0xf: {  	s18 =	sld [smem:$0x3FFB];
	_ =	sdelay $0x3  }
0x10: {  	_ =	strace s18  }
0x11: {  	s3 =	sld [smem:$0x3FFC];
	_ =	sdelay $0x3  }
0x12: {  	_ =	strace s3  }
0x13: {  	s3 =	sld [smem:$0x3FFD];
	_ =	sdelay $0x3  }
0x14: {  	_ =	strace s3  }
0x15: {  	_ =	strace $0x8FFFFFFF  }
0x16: {  	s19 =	sld [smem:$0x3FDB];
	_ =	sdelay $0x1  }
0x17: {  	s20 =	simm.s32 $_scs_section_size  }
0x18: {  	s5 =	simm.s32 $_size__tile_overlayer_lowered;
	s6 =	simm.s32 $_tile_overlayer_lowered  }
0x19: {  	s23 =	simm.s32 $0x1BFF;
	s22 =	sshll.u32 s6, $0x1;
	s3 =	sadd.s32 s20, s19  }
0x1a: {  	s7 =	simm.s32 $0x0;
	s21 =	sshll.u32 s5, $0x1;
	s5 =	sadd.s32 s22, s3  }
0x1b: {  	[timem:s7], [sflag:s23] =	dma.local [hbm:s5], s21  }
0x1c: {  	_ =	swait.ge [sflag:s23], s21  }
0x1d: {  	s4 =	ssub.s32 $0x0, s21;
	[sflag:s23] =	ssyncset.done $0x0  }
0x1e: {  	[sflag:s23] =	ssyncadd.s32 s4;
	_ =	sdelay $0x1  }
0x1f: {  	s24 =	simm.s32 $0x1B8B  }
0x20: {  	_ =	swait.ge [sflag:s24], $0x1  }
0x21: {  	[sflag:s24] =	ssyncset.done $0x0  }
0x22: {  	s26 =	simm.s32 $0x1B8E;
	s25 =	sld [smem:$0x3FFE];
	[sflag:s24] =	ssyncadd.s32 $0xFFFFFFFF  }
0x23: {  	s27 =	simm.s32 $execute0_lowered;
	[smem:$0x3FD2] =	sst s26  }
0x24: {  	s5 =	sshll.u32 s27, $0x1;
	_ =	strace $0x80000049;
	[dreg:$0x1] =	wrdreg $0xFFFFFFFF  }
0x25: {  	s28 =	simm.s32 $_size_execute0_lowered;
	s3 =	sadd.s32 s3, s5;
	[dreg:$0x0] =	wrdreg $0x0  }
0x26: {  	s5 =	sshll.u32 s28, $0x1;
	[dreg:$0x2] =	wrdreg s3  }
0x27: {  	[dreg:$0x3] =	wrdreg s5  }
0x28: {  	[dreg:$0x4] =	wrdreg $0xC0  }
0x29: {  	_ =	task [dreg:s7], $0x5FFFF  }
0x2a: {  	[dreg:$0x1] =	wrdreg $0xFFFFFFFF  }
0x2b: {  	[dreg:$0x0] =	wrdreg $0x60  }
0x2c: {  	[dreg:$0x2] =	wrdreg s25  }
0x2d: {  	[dreg:$0x3] =	wrdreg s17  }
0x2e: {  	[dreg:$0x4] =	wrdreg $0x9  }
0x2f: {  	_ =	task.clear_ibuf [dreg:s7], $0x5FFFF;
	_ =	strace $0x90000049  }
0x30: {  	s29 =	simm.s32 $0x9;
	_ =	strace $0x8000004B  }
0x31: {  	_ =	swait.ge [sflag:s29], $0x1  }
0x32: {  	[sflag:s29] =	ssyncadd.s32 $0xFFFFFFFF  }
0x33: {  	_ =	strace $0x9000004B  }
0x34: {  	_ =	sfence  }
0x35: {  	s30 =	sld [smem:$0x0];
	_ =	sdelay $0x2  }
0x36: {  	s31 =	sshll.u32 s1, $0xD;
	s1 =	sshrl.u32 s1, $0x2  }
0x37: {  	s3 =	sand.u32 $0x4000, s31;
	s1 =	sadd.s32 s1, s30  }
0x38: {  	s0 =	sor.u32 s3, s0;
	s1 =	sshll.u32 s1, $0x11  }
0x39: {  	s0 =	sor.u32 s1, s0  }
0x3a: {  	s0 =	sadd.s32 $0x8F2B, s0  }
0x3b: {  	[sflag:s0] =	ssyncadd.remote.s32 $0x1  }
0x3c: {  	_ =	sfence.sel $0xFFFF  }
0x3d: {  	[dreg:$0x0] =	wrdreg $0xFFFFFFFF;
	(pc) =	sbr.abs _section_cstart, $3  }
0x3e: {  	[dreg:$0x1] =	wrdreg $0xFFFFFFFF  }
0x3f: {  	_ =	task.clear_ibuf [dreg:s7], $0x2FFFF;
	_ =	strace $0x9FFFFFFF  }
0x40: {  	(tm) =	ssettm $0x7FFFFFFF  }
0x41: {  	_ =	shalt  }
tec
execute0_lowered:
.L_overlay_start_1:
0x0: {  	(tag) =	ssettag $0x1  }
0x1: {  	s4 =	stileid.u32;
	s0 =	srdreg.scid  }
0x2: {  	s29 =	rddreg [dreg:$0x0];
	_ =	strace $0x8000004A;
	s31 =	simm.s32 $0x2  }
0x3: {  	s18 =	simm.s32 $0x0;
	s1 =	sshll.u32 s4, $0x6;
	s0 =	sshll.u32 s0, $0xA  }
0x4: {  	s10 =	simm.s32 $0x800;
	s11 =	simm.s32 $0x4000;
	s0 =	sor.u32 s1, s0  }
0x5: {  	s12 =	simm.s32 $0x0;
	s19 =	simm.s32 $0x0;
	s2 =	sand.u32 $0x700, s0  }
0x6: {  	s20 =	simm.s32 $0x0;
	s13 =	simm.s32 $0x0;
	s30 =	ssub.s32 $0x800, s2  }
0x7: {  	s14 =	simm.s32 $0x0;
	s16 =	simm.s32 $0x0;
	s3 =	sand.u32 $0x700, s30  }
0x8: {  	s17 =	simm.s32 $0x0;
	p0 =	sne.s32 s3, $0x0;
	s3 =	simm.s32 $0x1  }
.Ltmp0:
0x9: {  	s1 =	sshrl.u32 s30, $0xB;
	s3 =	simm.s32 @!p0 $0x0;
	(pc) =	sbr.rel .LBB1_1-.Ltmp0, $4  }
0xa: {  	s7 =	sshll.u32 s4, $0x3;
	s4 =	simm.s32 $0x1;
	s1 =	sadd.s32 s3, s1  }
0xb: {  	s26 =	simm.s32 $0x0;
	[sflag:s4] =	ssyncpa.u1 $0x0;
	s5 =	smul.u32 $0x32, s1  }
0xc: {  	s6 =	sadd.s32 $0x1600, s29;
	s7 =	sand.u32 $0x18, s7;
	[sflag:s31] =	ssyncpa.u1 $0x0  }
0xd: {  	s15 =	smov.u32 s7;
	s8 =	sshll.u32 s2, $0x3;
	s9 =	sor.u32 $0x1, s5  }
.LBB1_7:
0xe: {  	p0 =	slt.u32 s17, $0x2  }
0xf: {  	p1 =	sgt.s32 @!p0 s18, $0x637  }
0x10: {  	s0 =	smov.u32 s18;
	s1 =	sshra.s32 @!p0 s18, $0x1F;
	p1 =	por !p1, p0  }
0x11: {  	s1 =	sand.u32 @!p0 s1, s18;
	s0 =	simm.s32 @p1 $0x637  }
0x12: {  	s0 =	ssub.s32 @!p0 s0, s1  }
0x13: {  	s3 =	ssub.s32 @!p0 $0x0, s19;
	s1 =	sadd.s32 @!p0 $0xFFFFF9C9, s0  }
0x14: {  	p1 =	sgt.s32 @!p0 s1, $0x7;
	s1 =	smin.u32 @!p0 s19, s3  }
0x15: {  	s0 =	ssub.s32 @!p0 $0x63F, s0;
	p2 =	sgt.s32 @!p0 s1, $0x7;
	s1 =	sshll.u32 @!p0 s1, $0x8  }
0x16: {  	p1 =	por !p1, p0;
	s1 =	ssub.s32 @!p0 $0x800, s1;
	p2 =	por !p2, p0  }
0x17: {  	s0 =	simm.s32 @!p1 $0x0;
	s1 =	simm.s32 @!p2 $0x0  }
0x18: {  	s0 =	smul.u32 @!p0 s0, s1;
	s1 =	sadd.s32 $0x20, s15  }
0x19: {  	s21 =	smov.u32 s16;
	s18 =	sadd.s32 $0x8, s16;
	p1 =	sgt.s32 s1, $0x63E  }
0x1a: {  	s21 =	smov.u32 @p1 s18  }
0x1b: {  	s1 =	smov.u32 @p1 s7;
	p1 =	sgt.s32 s21, $0x7  }
0x1c: {  	s12 =	sadd.s32 $0x4000, s12;
	s21 =	simm.s32 @p1 $0x0;
	p1 =	sne.s32 s17, s9  }
.Ltmp1:
0x1d: {  	s20 =	smov.u32 s2;
	s3 =	simm.s32 @!p0 $0x2;
	(pc) =	sbr.rel @!p1 .LBB1_8-.Ltmp1, $4  }
0x1e: {  	s19 =	smov.u32 s14;
	s14 =	smov.u32 s16;
	s0 =	sand.u32 @!p0 $0x3FFFFF00, s0  }
0x1f: {  	s18 =	smov.u32 s13;
	s13 =	smov.u32 s15;
	_ =	swait.ge @!p0 [sflag:s3], s0  }
0x20: {  	s0 =	ssub.s32 @!p0 $0x0, s0;
	s15 =	smov.u32 s1;
	[sflag:s3] =	ssyncset.done @!p0 $0x0  }
0x21: {  	s17 =	sadd.s32 $0x1, s17;
	[sflag:s3] =	ssyncadd.s32 @!p0 s0;
	s16 =	smov.u32 s21  }
.LBB1_1:
0x22: {  	p0 =	sge.u32 s17, s5  }
0x23: {  	s0 =	sshll.u32 @!p0 s15, $0xB  }
0x24: {  	s0 =	sand.u32 @!p0 $0xFFFFC000, s0  }
0x25: {  	s0 =	sor.u32 @!p0 s8, s0  }
0x26: {  	s0 =	sshrl.u32 @!p0 s0, $0xB  }
0x27: {  	s1 =	smulhi.u32 @!p0 $0x28F5C3, s0;
	_ =	sdelay $0x1  }
0x28: {  	s1 =	smul.u32 @!p0 $0x640, s1  }
0x29: {  	s31 =	sadd.s32 $0xFFFFFFFF, s17;
	s3 =	smul.u32 @!p0 $0x64000, s16  }
0x2a: {  	s21 =	sxor.u32 @!p0 $0xFFFFFFFF, s17;
	s0 =	ssub.s32 @!p0 s0, s1;
	s1 =	sshll.u32 @!p0 s15, $0x4  }
0x2b: {  	s21 =	sshll.u32 @!p0 s21, $0xE;
	s3 =	sadd.s32 @!p0 s6, s3;
	s1 =	sand.u32 @!p0 $0x70, s1  }
0x2c: {  	s21 =	sand.u32 @!p0 $0x4000, s21;
	s0 =	sshll.u32 @!p0 s0, $0x8;
	s1 =	sadd.s32 @!p0 s1, s3  }
0x2d: {  	s3 =	simm.s32 @!p0 $0x320000;
	s0 =	sadd.s32 @!p0 s0, s1;
	s1 =	simm.s32 @!p0 $0x800  }
0x2e: {  	[tilespmem:s21], [sflag:$0x1] =	stream.strided.gather @!p0 [hbm4b:s0+s1], $0x4000, s3, s1, $0x38;
	[tilespmem:$0x10000] =	vst v63  }
0x2f: {  	p0 =	sge.u32 s31, s5  }
.Ltmp2:
0x30: {  	_ = 	snop;
	(pc) =	sbr.rel @p0 .LBB1_7-.Ltmp2, $1  }
0x31: {  	_ =	sdelay $0x3  }
0x32: {  	s0 =	sshll.u32 s12, $0x2;
	_ =	swait.ge [sflag:s4], $0x4000;
	s1 =	sshll.u32 s17, $0xE  }
0x33: {  	p0 =	por $0x0, $0x0;
	s27 =	simm.s32 $0x0;
	s28 =	simm.s32 $0x0  }
0x34: {  	s0 =	sand.u32 $0x10000, s0;
	[sflag:s4] =	ssyncset.done $0x0;
	s24 =	sand.u32 $0x4000, s1  }
0x35: {  	s0 =	sshrl.u32 s0, $0x2;
	[sflag:s4] =	ssyncadd.s32 $0xFFFFC000;
	s21 =	sor.u32 $0x8000, s24  }
0x36: {  	s22 =	sor.u32 $0x40, s0;
	s23 =	sor.u32 $0x8410, s0;
	s25 =	sadd.s32 $0x8400, s0  }
.LBB1_3:
0x37: {  	v1 =	vld [tilespmem:s22+$0xFFFFFFD0]  }
0x38: {  	v2 =	vld [tilespmem:s22+$0x430]  }
0x39: {  	s0 =	sshll.u32 s28, $0xB;
	v4 =	vld [tilespmem:s22+$0xFFFFFFE0]  }
0x3a: {  	v7 =	vld [tilespmem:s22+$0xFFFFFFF0];
	v0 =	vmov s0  }
0x3b: {  	v8 =	vld [tilespmem:s22+$0x0]  }
0x3c: {  	s3 =	sand.u32 $0x300, s26;
	v9 =	vld [tilespmem:s22+$0x10]  }
0x3d: {  	s1 =	sand.u32 $0x80, s26;
	v10 =	vld [tilespmem:s22+$0x20];
	s0 =	sadd.s32 s3, s24  }
0x3e: {  	v11 =	vld [tilespmem:s22+$0x30];
	s0 =	sadd.s32 s1, s0;
	s1 =	simm.s32 $0x1;
	[tilespmem:s23+$0x60] =	vst v2  }
0x3f: {  	s3 =	sshll.u32 s27, $0x2;
	s1 =	simm.s32 @!p0 $0x0;
	[tilespmem:s23+$0xFFFFFC00] =	vst v1;
	v3 =	vld.idx.msk [tilespmem:v0+s0+$0x400 ss:$0x1], $0xffff  }
0x40: {  	v6 =	vld [tilespmem:s22+$0x3D0];
	s1 =	sshll.u32 s1, $0x9;
	[tilespmem:s23+$0xFFFFFC10] =	vst v4;
	s0 =	sand.u32 $0xFFFFFC00, s3  }
0x41: {  	v5 =	vld [tilespmem:s22+$0x3E0];
	[tilespmem:s23+$0xFFFFFC20] =	vst v7;
	s0 =	sor.u32 s1, s0  }
0x42: {  	[tilespmem:s23+$0xFFFFFC30] =	vst v8;
	v4 =	vld [tilespmem:s22+$0x400];
	s0 =	sshrl.u32 s0, $0x2  }
0x43: {  	[tilespmem:s23+$0xFFFFFC40] =	vst v9;
	v1 =	vld [tilespmem:s22+$0x410];
	s29 =	sadd.s32 s0, s25  }
0x44: {  	[tilespmem:s29+$0x0] =	vst v3;
	v3 =	vld [tilespmem:s22+$0x3F0]  }
0x45: {  	s30 =	sadd.s32 $0x80, s22;
	[tilespmem:s23+$0xFFFFFC50] =	vst v10;
	v2 =	vld [tilespmem:s22+$0x420];
	s0 =	simm.s32 $0x80  }
0x46: {  	s31 =	smov.u32 s23;
	v7 =	vld [tilespmem:s22+$0xFFFFFFC0];
	[tilespmem:s23+$0xFFFFFC60] =	vst v11;
	s1 =	simm.s32 $0x100;
	s3 =	sand.u32 $0x300, s0  }
.LBB1_4:
0x47: {  	p1 =	sne.s32 s1, $0x380;
	v8 =	vld [tilespmem:s30+$0xFFFFFFD0];
	s0 =	sand.u32 $0x80, s0;
	s3 =	sadd.s32 s3, s24;
	[tilespmem:s31+$0x0] =	vst v6  }
0x48: {  	s3 =	sadd.s32 s0, s3;
	v6 =	vld [tilespmem:s30+$0x430];
	[tilespmem:s31+$0x10] =	vst v5;
	s0 =	smov.u32 s1  }
0x49: {  	v5 =	vld.idx.msk [tilespmem:v0+s3+$0x400 ss:$0x1], $0xffff;
	[tilespmem:s31+$0x20] =	vst v3  }
0x4a: {  	v3 =	vld [tilespmem:s30+$0xFFFFFFE0];
	[tilespmem:s31+$0x30] =	vst v4  }
0x4b: {  	v4 =	vld [tilespmem:s30+$0xFFFFFFF0];
	[tilespmem:s31+$0xFFFFFBF0] =	vst v7  }
0x4c: {  	v7 =	vld [tilespmem:s30+$0x0];
	[tilespmem:s31+$0x40] =	vst v1  }
0x4d: {  	v1 =	vld [tilespmem:s30+$0x10];
	[tilespmem:s31+$0x50] =	vst v2;
	s31 =	sadd.s32 $0x800, s31  }
0x4e: {  	s29 =	sadd.s32 $0x800, s29;
	v2 =	vld [tilespmem:s30+$0x20];
	[tilespmem:s31+$0x60] =	vst v6  }
0x4f: {  	v9 =	vld [tilespmem:s30+$0x30];
	[tilespmem:s29+$0x0] =	vst v5  }
0x50: {  	[tilespmem:s31+$0xFFFFFC00] =	vst v8;
	v6 =	vld [tilespmem:s30+$0x3D0]  }
0x51: {  	[tilespmem:s31+$0xFFFFFC10] =	vst v3;
	v5 =	vld [tilespmem:s30+$0x3E0]  }
.Ltmp3:
0x52: {  	[tilespmem:s31+$0xFFFFFC20] =	vst v4;
	v3 =	vld [tilespmem:s30+$0x3F0];
	(pc) =	sbr.rel @p1 .LBB1_4-.Ltmp3, $4  }
0x53: {  	[tilespmem:s31+$0xFFFFFC30] =	vst v7;
	v4 =	vld [tilespmem:s30+$0x400]  }
0x54: {  	[tilespmem:s31+$0xFFFFFC40] =	vst v1;
	v1 =	vld [tilespmem:s30+$0x410]  }
0x55: {  	[tilespmem:s31+$0xFFFFFC50] =	vst v2;
	v2 =	vld [tilespmem:s30+$0x420]  }
0x56: {  	s1 =	sadd.s32 $0x80, s1;
	s3 =	sand.u32 $0x300, s0;
	v7 =	vld [tilespmem:s30+$0xFFFFFFC0];
	[tilespmem:s31+$0xFFFFFC60] =	vst v9;
	s30 =	sadd.s32 $0x80, s30  }
0x57: {  	[tilespmem:s31+$0x0] =	vst v6  }
0x58: {  	[tilespmem:s31+$0x10] =	vst v5  }
0x59: {  	v49 =	vld [tilespmem:s30+$0x430];
	[tilespmem:s31+$0x20] =	vst v3  }
0x5a: {  	v50 =	vld [tilespmem:s30+$0xFFFFFFD0];
	[tilespmem:s31+$0x30] =	vst v4  }
0x5b: {  	v51 =	vld [tilespmem:s30+$0xFFFFFFE0];
	[tilespmem:s31+$0x40] =	vst v1  }
0x5c: {  	v52 =	vld [tilespmem:s30+$0xFFFFFFF0];
	[tilespmem:s31+$0x50] =	vst v2  }
0x5d: {  	s1 =	sadd.s32 s3, s24;
	s3 =	sadd.s32 $0x800, s31;
	v53 =	vld [tilespmem:s30+$0x0];
	[tilespmem:s31+$0xFFFFFBF0] =	vst v7  }
0x5e: {  	v54 =	vld [tilespmem:s30+$0x10];
	[tilespmem:s3+$0x60] =	vst v49  }
0x5f: {  	v55 =	vld [tilespmem:s30+$0x20];
	[tilespmem:s3+$0xFFFFFC00] =	vst v50  }
0x60: {  	v56 =	vld [tilespmem:s30+$0x30];
	[tilespmem:s3+$0xFFFFFC10] =	vst v51  }
0x61: {  	v57 =	vld [tilespmem:s30+$0x3D0];
	[tilespmem:s3+$0xFFFFFC20] =	vst v52  }
0x62: {  	v58 =	vld [tilespmem:s30+$0x3E0];
	[tilespmem:s3+$0xFFFFFC30] =	vst v53  }
0x63: {  	v59 =	vld [tilespmem:s30+$0x3F0];
	[tilespmem:s3+$0xFFFFFC40] =	vst v54  }
0x64: {  	v60 =	vld [tilespmem:s30+$0x400];
	[tilespmem:s3+$0xFFFFFC50] =	vst v55  }
0x65: {  	v61 =	vld [tilespmem:s30+$0xFFFFFFC0];
	[tilespmem:s3+$0xFFFFFC60] =	vst v56  }
0x66: {  	s0 =	sand.u32 $0x80, s0;
	v62 =	vld [tilespmem:s30+$0x410];
	[tilespmem:s3+$0x0] =	vst v57  }
0x67: {  	v63 =	vld [tilespmem:s30+$0x420];
	s28 =	sadd.s32 $0x1, s28;
	s0 =	sadd.s32 s0, s1;
	[tilespmem:s3+$0x10] =	vst v58  }
0x68: {  	p1 =	sne.s32 s28, $0x8;
	v0 =	vld.idx.msk [tilespmem:v0+s0+$0x400 ss:$0x1], $0xffff;
	[tilespmem:s3+$0x20] =	vst v59  }
.Ltmp4:
0x69: {  	[tilespmem:s3+$0x30] =	vst v60;
	(pc) =	sbr.rel @p1 .LBB1_3-.Ltmp4, $4  }
0x6a: {  	[tilespmem:s3+$0xFFFFFBF0] =	vst v61  }
0x6b: {  	[tilespmem:s3+$0x40] =	vst v62  }
0x6c: {  	s22 =	sadd.s32 $0x800, s22;
	s31 =	sadd.s32 $0x800, s29;
	[tilespmem:s3+$0x50] =	vst v63  }
0x6d: {  	s27 =	sadd.s32 $0x80, s27;
	p0 =	por !p0, !p0;
	s23 =	sadd.s32 $0x80, s23;
	[tilespmem:s31+$0x0] =	vst v0  }
0x6e: {  	p0 =	sgt.s32 s13, $0x637  }
0x6f: {  	s0 =	smov.u32 s13;
	s1 =	sshra.s32 s13, $0x1F;
	s28 =	ssub.s32 $0x0, s14  }
0x70: {  	s30 =	sshll.u32 s13, $0xB;
	s0 =	simm.s32 @!p0 $0x637;
	s1 =	sand.u32 s1, s13  }
0x71: {  	s22 =	rddreg [dreg:$0x1];
	s0 =	ssub.s32 s0, s1;
	s1 =	smin.u32 s14, s28  }
0x72: {  	s3 =	sadd.s32 $0xFFFFF9C9, s0;
	s29 =	sshll.u32 s1, $0x8;
	s0 =	ssub.s32 $0x63F, s0  }
0x73: {  	p1 =	sgt.s32 s1, $0x7;
	p0 =	sgt.s32 s3, $0x7;
	s1 =	ssub.s32 $0x800, s29  }
.Ltmp5:
0x74: {  	s0 =	simm.s32 @p0 $0x0;
	s1 =	simm.s32 @p1 $0x0;
	(pc) =	sbr.rel .LBB1_7-.Ltmp5, $4  }
0x75: {  	s31 =	sshll.u32 s14, $0x4;
	s20 =	sadd.s32 s22, s20;
	s0 =	smul.u32 s0, s1  }
0x76: {  	s3 =	sand.u32 $0x70, s31;
	s1 =	sadd.s32 s30, s20  }
0x77: {  	s1 =	sadd.s32 s3, s1;
	s0 =	sand.u32 $0x3FFFFF00, s0  }
0x78: {  	[hbm4b:s1+s10] =	stream.strided.scatter [tilespmem:s21], [sflag:$0x2], s0, s11, s10, $0x38;
	[tilespmem:$0x10000] =	vst v63  }
.LBB1_8:
0x79: {  	_ =	sfence.sel $0x180000  }
0x7a: {  	s0 =	simm.s32 $0x1;
	[bflag:$0x0] =	sbarrier.arrive $0xFFFF  }
0x7b: {  	s30 =	simm.s32 $0x2;
	[sflag:s0] =	ssyncpa.u1 $0x1  }
0x7c: {  	[sflag:s30] =	ssyncpa.u1 $0x1  }
0x7d: {  	_ =	strace $0x9000004A  }
0x7e: {  	s31 =	stileid.u32;
	[bflag:$0x2] =	sbarrier.arrive $0xFFFF  }
0x7f: {  	p0 =	sne.s32 s31, $0x0;
	s0 =	rddreg [dreg:$0x2]  }
0x80: {  	s0 =	sadd.s32 @!p0 $0x100000, s0  }
0x81: {  	[sflag:s0] =	ssyncadd.tile.s32 @!p0 $0x1;
	_ =	shalt  }
.Lfunc_end1:
_tile_overlayer_lowered:
.L_overlay_start_2:
0x82: {  	(tag) =	ssettag $0x2  }
0x83: {  	s0 =	rddreg [dreg:$0x0];
	s2 =	stileid.u32  }
0x84: {  	s1 =	rddreg [dreg:$0x1];
	p0 =	sne.s32 s2, $0x0  }
0x85: {  	s3 =	rddreg [dreg:$0x2];
	[bflag:$0x3] =	sbarrier.arrive $0xFFFF;
	s2 =	simm.s32 @!p0 $0x1C01  }
0x86: {  	[timem:s3], [sflag:s2] =	dma.local @!p0 [hbm:s0], s1  }
0x87: {  	s0 =	simm.s32 @!p0 $0x1  }
0x88: {  	_ =	swait.ge @!p0 [sflag:s0], s1  }
0x89: {  	s1 =	ssub.s32 @!p0 $0x0, s1;
	[sflag:s0] =	ssyncset.done @!p0 $0x0  }
0x8a: {  	[sflag:s0] =	ssyncadd.s32 @!p0 s1  }
0x8b: {  	[bflag:$0x3] =	sbarrier.arrive $0xFFFF  }
0x8c: {  	_ =	shalt  }

</sc_bundles>
